<compile_context>
chip_gen: v7x
topology: tpu7x:2x2x1
jax: 0.10.2.dev20260603
libtpu: 0.0.44.dev20260713+nightly
codegen_flags: <defaults>
</compile_context>

<pallas_src>
import functools

import jax
import jax.numpy as jnp
from jax import lax
from jax.experimental import pallas as pl
from jax.experimental.pallas import tpu as pltpu
from jax.experimental.pallas import tpu_sc as plsc

_N = 50
_NP = 64
_F = 5
_E = 800
_L = 16
_CH = _E // _L
_NCH = _NP // _L
_TBL = 1024

_W1_OFF = 0
_W2_OFF = 25
_WL_OFF = 50
_B1_OFF = 55
_B2_OFF = 60
_BL_OFF = 65
_NPAR = 66

_X_OFF = 0
_PAR_OFF = _F * _NP
_TBL_OFF = _PAR_OFF + _NPAR * _L
_STG = _TBL_OFF + _TBL


def _round_bits(i):
    return (i + jnp.int32(0x7FFF) + ((i >> 16) & 1)) & jnp.int32(-65536)


def _bf16_round_sc(v):
    return plsc.bitcast(_round_bits(plsc.bitcast(v, jnp.int32)), jnp.float32)


def _bf16_round_tc(v):
    return lax.bitcast_convert_type(
        _round_bits(lax.bitcast_convert_type(v, jnp.int32)), jnp.float32)


def _sc_body(ei_hbm, stg_hbm, out_hbm,
             src_v, dst_v, stg_v, h_v, xw_v, agg_v, norm_v,
             deg_v, dinv_v, o_v, sem):
    is_t0 = (lax.axis_index("c") == 0) & (lax.axis_index("s") == 0)

    @pl.when(is_t0)
    def _():
        c1 = pltpu.async_copy(ei_hbm.at[0], src_v, sem)
        c2 = pltpu.async_copy(ei_hbm.at[1], dst_v, sem)
        c3 = pltpu.async_copy(stg_hbm, stg_v, sem)
        c1.wait()
        c2.wait()
        c3.wait()
        x_v = stg_v.at[pl.ds(_X_OFF, _F * _NP)]
        par_v = stg_v.at[pl.ds(_PAR_OFF, _NPAR * _L)]
        tbl_v = stg_v.at[pl.ds(_TBL_OFF, _TBL)]

        zeros = jnp.zeros((_L,), jnp.float32)
        ones = jnp.ones((_L,), jnp.float32)

        for i in range(_NCH):
            deg_v[pl.ds(i * _L, _L)] = ones

        @plsc.parallel_loop(0, _E, step=_L)
        def _deg(base):
            d_idx = dst_v[pl.ds(base, _L)]
            plsc.addupdate_scatter(deg_v, [d_idx], ones)

        for i in range(_NCH):
            sl = pl.ds(i * _L, _L)
            di = deg_v[sl].astype(jnp.int32)
            dinv_v[sl] = plsc.load_gather(tbl_v, [di])

        @plsc.parallel_loop(0, _E, step=_L)
        def _norm(base):
            s_idx = src_v[pl.ds(base, _L)]
            d_idx = dst_v[pl.ds(base, _L)]
            norm_v[pl.ds(base, _L)] = (plsc.load_gather(dinv_v, [s_idx])
                                       * plsc.load_gather(dinv_v, [d_idx]))

        def par(r):
            return par_v[pl.ds(r * _L, _L)]

        for layer in range(2):
            w_off = _W1_OFF if layer == 0 else _W2_OFF
            b_off = _B1_OFF if layer == 0 else _B2_OFF
            feat = x_v if layer == 0 else h_v

            for i in range(_NCH):
                if layer == 0:
                    cols = [feat[pl.ds(k * _NP + i * _L, _L)]
                            for k in range(_F)]
                else:
                    cols = [_bf16_round_sc(feat[pl.ds(k * _NP + i * _L, _L)])
                            for k in range(_F)]
                for j in range(_F):
                    acc = zeros
                    for k in range(_F):
                        acc = acc + par(w_off + k * _F + j) * cols[k]
                    xw_v[pl.ds(j * _NP + i * _L, _L)] = acc

            for i in range(_F * _NCH):
                agg_v[pl.ds(i * _L, _L)] = zeros

            @plsc.parallel_loop(0, _E, step=_L)
            def _edges(base):
                s_idx = src_v[pl.ds(base, _L)]
                d_idx = dst_v[pl.ds(base, _L)]
                norm = norm_v[pl.ds(base, _L)]
                for j in range(_F):
                    off = j * _NP
                    vals = plsc.load_gather(xw_v, [s_idx + off]) * norm
                    plsc.addupdate_scatter(agg_v, [d_idx + off], vals)

            for i in range(_NCH):
                dv = dinv_v[pl.ds(i * _L, _L)]
                d2 = dv * dv
                for j in range(_F):
                    sl = pl.ds(j * _NP + i * _L, _L)
                    h_v[sl] = jnp.maximum(
                        agg_v[sl] + d2 * xw_v[sl] + par(b_off + j), 0.0)

        wl = [par(_WL_OFF + k) for k in range(_F)]
        bl = par(_BL_OFF)
        for i in range(_NCH):
            acc = bl
            for k in range(_F):
                hb = _bf16_round_sc(h_v[pl.ds(k * _NP + i * _L, _L)])
                acc = acc + wl[k] * hb
            o_v[pl.ds(i * _L, _L)] = acc

        pltpu.sync_copy(o_v.at[pl.ds(0, _N)], out_hbm)


@jax.jit
def _run(ei, stg):
    mesh = plsc.VectorSubcoreMesh(core_axis_name="c", subcore_axis_name="s",
                                  num_cores=1)
    f = pl.kernel(
        _sc_body,
        out_type=jax.ShapeDtypeStruct((_N,), jnp.float32),
        mesh=mesh,
        compiler_params=pltpu.CompilerParams(needs_layout_passes=False),
        scratch_types=[
            pltpu.VMEM((_E,), jnp.int32),
            pltpu.VMEM((_E,), jnp.int32),
            pltpu.VMEM((_STG,), jnp.float32),
            pltpu.VMEM((_F * _NP,), jnp.float32),
            pltpu.VMEM((_F * _NP,), jnp.float32),
            pltpu.VMEM((_F * _NP,), jnp.float32),
            pltpu.VMEM((_E,), jnp.float32),
            pltpu.VMEM((_NP,), jnp.float32),
            pltpu.VMEM((_NP,), jnp.float32),
            pltpu.VMEM((_NP,), jnp.float32),
            pltpu.SemaphoreType.DMA,
        ],
    )
    return f(ei, stg)


def kernel(x, edge_index, W1, b1, W2, b2, Wlin, blin):
    xcm = (jnp.zeros((_F, _NP), jnp.float32)
           .at[:, :_N].set(_bf16_round_tc(x).T).reshape(_F * _NP))

    def splat(v):
        return jnp.broadcast_to(v.reshape(-1, 1), (v.size, _L))

    params = jnp.concatenate(
        [splat(_bf16_round_tc(W1).reshape(-1)),
         splat(_bf16_round_tc(W2).reshape(-1)),
         splat(_bf16_round_tc(Wlin).reshape(-1)),
         splat(b1), splat(b2), splat(blin)], axis=0).reshape(_NPAR * _L)

    ar = jnp.arange(_TBL, dtype=jnp.float32)
    tbl = jnp.where(ar > 0, ar ** -0.5, 0.0)

    stg = jnp.concatenate([xcm, params, tbl])
    out = _run(edge_index.astype(jnp.int32), stg)
    return out.reshape(_N, 1)

# --- scband reference (transcript-rebuilt; emitter-appended) ---
"""Pipeline reference for scband-uncertainty-estimator-21114059227766 (READ-ONLY COPY).

The authoritative reference and input builder live on the scoring server;
editing this copy changes nothing except your own understanding.
"""

import jax, jax.numpy as jnp
import numpy as np

N = 50

def gcn_conv(x, edge_index, W, b):
    # GCNConv with added self-loops and symmetric normalization:
    # out = D^{-1/2} (A + I) D^{-1/2} X W + b
    loop = jnp.arange(N, dtype=edge_index.dtype)
    src = jnp.concatenate([edge_index[0], loop])
    dst = jnp.concatenate([edge_index[1], loop])
    deg = jnp.zeros((N,), x.dtype).at[dst].add(1.0)
    dinv = jnp.where(deg > 0, deg ** -0.5, 0.0)
    norm = dinv[src] * dinv[dst]
    xw = x @ W
    msg = norm[:, None] * jnp.take(xw, src, axis=0)
    out = jnp.zeros((N, W.shape[1]), x.dtype).at[dst].add(msg)
    return out + b


def setup_inputs(seed: int = 0) -> dict:
    key = jax.random.key(seed)
    ks = jax.random.split(key, 8)
    x = jax.random.normal(ks[0], (50, 5), dtype=jnp.float32)
    edge_index = jax.random.randint(ks[1], (2, 800), 0, 50, dtype=jnp.int32)
    s = 1.0 / np.sqrt(5.0)
    W1 = jax.random.normal(ks[2], (5, 5), dtype=jnp.float32) * s
    b1 = jnp.zeros((5,), dtype=jnp.float32)
    W2 = jax.random.normal(ks[3], (5, 5), dtype=jnp.float32) * s
    b2 = jnp.zeros((5,), dtype=jnp.float32)
    Wlin = jax.random.normal(ks[4], (5, 1), dtype=jnp.float32) * s
    blin = jnp.zeros((1,), dtype=jnp.float32)
    return {"x": x, "edge_index": edge_index, "W1": W1, "b1": b1, "W2": W2, "b2": b2, "Wlin": Wlin, "blin": blin}


def reference(x, edge_index, W1, b1, W2, b2, Wlin, blin):
    h = jax.nn.relu(gcn_conv(x, edge_index, W1, b1))
    h = jax.nn.relu(gcn_conv(h, edge_index, W2, b2))
    return h @ Wlin + blin

if __name__ == "__main__":
    import jax
    _d = setup_inputs()
    print(jax.jit(kernel)(*tuple(_d.values())))

</pallas_src>

<mosaic_0001>
#map = affine_map<(d0, d1) -> (0, 0)>
#map1 = affine_map<(d0, d1) -> (0)>
module attributes {stable_mosaic.version = 14 : i64} {
  func.func @_sc_body(%arg0: i32, %arg1: i32, %arg2: memref<2x800xi32, #tpu.memory_space<hbm>>, %arg3: memref<2400xf32, #tpu.memory_space<hbm>>, %arg4: memref<50xf32, #tpu.memory_space<hbm>>, %arg5: memref<800xi32, #tpu.memory_space<vmem>>, %arg6: memref<800xi32, #tpu.memory_space<vmem>>, %arg7: memref<2400xf32, #tpu.memory_space<vmem>>, %arg8: memref<320xf32, #tpu.memory_space<vmem>>, %arg9: memref<320xf32, #tpu.memory_space<vmem>>, %arg10: memref<320xf32, #tpu.memory_space<vmem>>, %arg11: memref<800xf32, #tpu.memory_space<vmem>>, %arg12: memref<64xf32, #tpu.memory_space<vmem>>, %arg13: memref<64xf32, #tpu.memory_space<vmem>>, %arg14: memref<64xf32, #tpu.memory_space<vmem>>, %arg15: memref<!tpu.dma_semaphore, #tpu.memory_space<semaphore_mem>>) attributes {dimension_semantics = [#tpu.dimension_semantics<core_parallel>, #tpu.dimension_semantics<subcore_parallel>], iteration_bounds = array<i64: 1, 16>, scalar_prefetch = 0 : i64, scratch_operands = 11 : i64, tpu.core_type = #tpu.core_type<sc_vector_subcore>, window_params = [{transform_indices = #map}, {transform_indices = #map1}, {transform_indices = #map1}]} {
    %eq3A = arith.constant 0 : i32
    %eq3A_0 = arith.cmpi eq, %arg0, %eq3A : i32
    %eq3A_1 = arith.constant 0 : i32
    %eq3A_2 = arith.cmpi eq, %arg1, %eq3A_1 : i32
    %and3A = arith.andi %eq3A_0, %eq3A_2 : i1
    %convert_element_type3A = arith.extui %and3A : i1 to i32
    %cond3A = arith.constant 0 : i32
    %cond3A_3 = arith.cmpi ne, %convert_element_type3A, %cond3A : i32
    scf.if %cond3A_3 {
      %dma_start3A = arith.constant 0 : i32
      %dma_start3A_4 = arith.constant 0 : i32
      %dma_start3A_5 = tpu.memref_slice %arg2[%dma_start3A, %dma_start3A_4] : memref<2x800xi32, #tpu.memory_space<hbm>> -> memref<1x800xi32, #tpu.memory_space<hbm>>
      %dma_start3A_6 = tpu.memref_squeeze %dma_start3A_5 : memref<1x800xi32, #tpu.memory_space<hbm>> -> memref<800xi32, #tpu.memory_space<hbm>>
      %dma_start3A_7 = arith.constant 0 : i32
      %dma_start3A_8 = tpu.memref_slice %arg2[%dma_start3A, %dma_start3A_7] : memref<2x800xi32, #tpu.memory_space<hbm>> -> memref<1x800xi32, #tpu.memory_space<hbm>>
      %dma_start3A_9 = tpu.memref_squeeze %dma_start3A_8 : memref<1x800xi32, #tpu.memory_space<hbm>> -> memref<800xi32, #tpu.memory_space<hbm>>
      tpu.enqueue_dma source(%dma_start3A_9 : memref<800xi32, #tpu.memory_space<hbm>>) target(%arg5 : memref<800xi32, #tpu.memory_space<vmem>>) target_semaphore(%arg15 : memref<!tpu.dma_semaphore, #tpu.memory_space<semaphore_mem>>)
      %dma_start3A_10 = arith.constant 1 : i32
      %dma_start3A_11 = arith.constant 0 : i32
      %dma_start3A_12 = tpu.memref_slice %arg2[%dma_start3A_10, %dma_start3A_11] : memref<2x800xi32, #tpu.memory_space<hbm>> -> memref<1x800xi32, #tpu.memory_space<hbm>>
      %dma_start3A_13 = tpu.memref_squeeze %dma_start3A_12 : memref<1x800xi32, #tpu.memory_space<hbm>> -> memref<800xi32, #tpu.memory_space<hbm>>
      %dma_start3A_14 = arith.constant 0 : i32
      %dma_start3A_15 = tpu.memref_slice %arg2[%dma_start3A_10, %dma_start3A_14] : memref<2x800xi32, #tpu.memory_space<hbm>> -> memref<1x800xi32, #tpu.memory_space<hbm>>
      %dma_start3A_16 = tpu.memref_squeeze %dma_start3A_15 : memref<1x800xi32, #tpu.memory_space<hbm>> -> memref<800xi32, #tpu.memory_space<hbm>>
      tpu.enqueue_dma source(%dma_start3A_16 : memref<800xi32, #tpu.memory_space<hbm>>) target(%arg6 : memref<800xi32, #tpu.memory_space<vmem>>) target_semaphore(%arg15 : memref<!tpu.dma_semaphore, #tpu.memory_space<semaphore_mem>>)
      tpu.enqueue_dma source(%arg3 : memref<2400xf32, #tpu.memory_space<hbm>>) target(%arg7 : memref<2400xf32, #tpu.memory_space<vmem>>) target_semaphore(%arg15 : memref<!tpu.dma_semaphore, #tpu.memory_space<semaphore_mem>>)
      %dma_wait3A = arith.constant 0 : i32
      %dma_wait3A_17 = arith.constant 0 : i32
      %dma_wait3A_18 = tpu.memref_slice %arg2[%dma_wait3A, %dma_wait3A_17] : memref<2x800xi32, #tpu.memory_space<hbm>> -> memref<1x800xi32, #tpu.memory_space<hbm>>
      %dma_wait3A_19 = tpu.memref_squeeze %dma_wait3A_18 : memref<1x800xi32, #tpu.memory_space<hbm>> -> memref<800xi32, #tpu.memory_space<hbm>>
      %dma_wait3A_20 = arith.constant 0 : i32
      %dma_wait3A_21 = tpu.memref_slice %arg2[%dma_wait3A, %dma_wait3A_20] : memref<2x800xi32, #tpu.memory_space<hbm>> -> memref<1x800xi32, #tpu.memory_space<hbm>>
      %dma_wait3A_22 = tpu.memref_squeeze %dma_wait3A_21 : memref<1x800xi32, #tpu.memory_space<hbm>> -> memref<800xi32, #tpu.memory_space<hbm>>
      tpu.wait_dma2 semaphore(%arg15 : memref<!tpu.dma_semaphore, #tpu.memory_space<semaphore_mem>>) src(%dma_wait3A_22 : memref<800xi32, #tpu.memory_space<hbm>>) dst(%arg5 : memref<800xi32, #tpu.memory_space<vmem>>)
      %dma_wait3A_23 = arith.constant 1 : i32
      %dma_wait3A_24 = arith.constant 0 : i32
      %dma_wait3A_25 = tpu.memref_slice %arg2[%dma_wait3A_23, %dma_wait3A_24] : memref<2x800xi32, #tpu.memory_space<hbm>> -> memref<1x800xi32, #tpu.memory_space<hbm>>
      %dma_wait3A_26 = tpu.memref_squeeze %dma_wait3A_25 : memref<1x800xi32, #tpu.memory_space<hbm>> -> memref<800xi32, #tpu.memory_space<hbm>>
      %dma_wait3A_27 = arith.constant 0 : i32
      %dma_wait3A_28 = tpu.memref_slice %arg2[%dma_wait3A_23, %dma_wait3A_27] : memref<2x800xi32, #tpu.memory_space<hbm>> -> memref<1x800xi32, #tpu.memory_space<hbm>>
      %dma_wait3A_29 = tpu.memref_squeeze %dma_wait3A_28 : memref<1x800xi32, #tpu.memory_space<hbm>> -> memref<800xi32, #tpu.memory_space<hbm>>
      tpu.wait_dma2 semaphore(%arg15 : memref<!tpu.dma_semaphore, #tpu.memory_space<semaphore_mem>>) src(%dma_wait3A_29 : memref<800xi32, #tpu.memory_space<hbm>>) dst(%arg6 : memref<800xi32, #tpu.memory_space<vmem>>)
      tpu.wait_dma2 semaphore(%arg15 : memref<!tpu.dma_semaphore, #tpu.memory_space<semaphore_mem>>) src(%arg3 : memref<2400xf32, #tpu.memory_space<hbm>>) dst(%arg7 : memref<2400xf32, #tpu.memory_space<vmem>>)
      %broadcast_in_dim3A = arith.constant 0.000000e+00 : f32
      %broadcast_in_dim3A_30 = vector.broadcast %broadcast_in_dim3A : f32 to vector<16xf32>
      %broadcast_in_dim3A_31 = arith.constant 1.000000e+00 : f32
      %broadcast_in_dim3A_32 = vector.broadcast %broadcast_in_dim3A_31 : f32 to vector<16xf32>
      %swap3A = arith.constant 0 : index
      %swap3A_33 = tpu.vector_load %arg12[%swap3A] {strides = array<i32>} : memref<64xf32, #tpu.memory_space<vmem>>, vector<16xf32>,
      tpu.vector_store %arg12[%swap3A], %broadcast_in_dim3A_32 {strides = array<i32>} : memref<64xf32, #tpu.memory_space<vmem>>, vector<16xf32>,
      %swap3A_34 = arith.constant 16 : index
      %swap3A_35 = tpu.vector_load %arg12[%swap3A_34] {strides = array<i32>} : memref<64xf32, #tpu.memory_space<vmem>>, vector<16xf32>,
      tpu.vector_store %arg12[%swap3A_34], %broadcast_in_dim3A_32 {strides = array<i32>} : memref<64xf32, #tpu.memory_space<vmem>>, vector<16xf32>,
      %swap3A_36 = arith.constant 32 : index
      %swap3A_37 = tpu.vector_load %arg12[%swap3A_36] {strides = array<i32>} : memref<64xf32, #tpu.memory_space<vmem>>, vector<16xf32>,
      tpu.vector_store %arg12[%swap3A_36], %broadcast_in_dim3A_32 {strides = array<i32>} : memref<64xf32, #tpu.memory_space<vmem>>, vector<16xf32>,
      %swap3A_38 = arith.constant 48 : index
      %swap3A_39 = tpu.vector_load %arg12[%swap3A_38] {strides = array<i32>} : memref<64xf32, #tpu.memory_space<vmem>>, vector<16xf32>,
      tpu.vector_store %arg12[%swap3A_38], %broadcast_in_dim3A_32 {strides = array<i32>} : memref<64xf32, #tpu.memory_space<vmem>>, vector<16xf32>,
      %parallel_loop3A = arith.constant 0 : i32
      %parallel_loop3A_40 = arith.constant 800 : i32
      %parallel_loop3A_41 = arith.constant 16 : i32
      scf.for %parallel_loop3A_2932 = %parallel_loop3A to %parallel_loop3A_40 step %parallel_loop3A_41  : i32 {
        %parallel_loop3A_2933 = arith.index_cast %parallel_loop3A_2932 : i32 to index
        %parallel_loop3A_2934 = tpu.vector_load %arg6[%parallel_loop3A_2933] {strides = array<i32>} : memref<800xi32, #tpu.memory_space<vmem>>, vector<16xi32>,
        tpu.vector_store_idx %arg12[%parallel_loop3A_2934], %broadcast_in_dim3A_32 {add = true} : memref<64xf32, #tpu.memory_space<vmem>>[vector<16xi32>], vector<16xf32>,
      } {sc.loop_unroll_factor = 1 : i64, sc.parallel_access}
      %get3A = arith.constant 0 : index
      %get3A_42 = tpu.vector_load %arg12[%get3A] {strides = array<i32>} : memref<64xf32, #tpu.memory_space<vmem>>, vector<16xf32>,
      %convert_element_type3A_43 = arith.fptosi %get3A_42 : vector<16xf32> to vector<16xi32>
      %gather3A = arith.constant 1376 : i32
      %gather3A_44 = tpu.memref_slice %arg7[%gather3A] : memref<2400xf32, #tpu.memory_space<vmem>> -> memref<1024xf32, #tpu.memory_space<vmem>>
      %gather3A_45 = tpu.vector_load_idx %gather3A_44[%convert_element_type3A_43] : memref<1024xf32, #tpu.memory_space<vmem>>[vector<16xi32>], vector<16xf32>,
      %swap3A_46 = arith.constant 0 : index
      %swap3A_47 = tpu.vector_load %arg13[%swap3A_46] {strides = array<i32>} : memref<64xf32, #tpu.memory_space<vmem>>, vector<16xf32>,
      tpu.vector_store %arg13[%swap3A_46], %gather3A_45 {strides = array<i32>} : memref<64xf32, #tpu.memory_space<vmem>>, vector<16xf32>,
      %get3A_48 = arith.constant 16 : index
      %get3A_49 = tpu.vector_load %arg12[%get3A_48] {strides = array<i32>} : memref<64xf32, #tpu.memory_space<vmem>>, vector<16xf32>,
      %convert_element_type3A_50 = arith.fptosi %get3A_49 : vector<16xf32> to vector<16xi32>
      %gather3A_51 = arith.constant 1376 : i32
      %gather3A_52 = tpu.memref_slice %arg7[%gather3A_51] : memref<2400xf32, #tpu.memory_space<vmem>> -> memref<1024xf32, #tpu.memory_space<vmem>>
      %gather3A_53 = tpu.vector_load_idx %gather3A_52[%convert_element_type3A_50] : memref<1024xf32, #tpu.memory_space<vmem>>[vector<16xi32>], vector<16xf32>,
      %swap3A_54 = arith.constant 16 : index
      %swap3A_55 = tpu.vector_load %arg13[%swap3A_54] {strides = array<i32>} : memref<64xf32, #tpu.memory_space<vmem>>, vector<16xf32>,
      tpu.vector_store %arg13[%swap3A_54], %gather3A_53 {strides = array<i32>} : memref<64xf32, #tpu.memory_space<vmem>>, vector<16xf32>,
      %get3A_56 = arith.constant 32 : index
      %get3A_57 = tpu.vector_load %arg12[%get3A_56] {strides = array<i32>} : memref<64xf32, #tpu.memory_space<vmem>>, vector<16xf32>,
      %convert_element_type3A_58 = arith.fptosi %get3A_57 : vector<16xf32> to vector<16xi32>
      %gather3A_59 = arith.constant 1376 : i32
      %gather3A_60 = tpu.memref_slice %arg7[%gather3A_59] : memref<2400xf32, #tpu.memory_space<vmem>> -> memref<1024xf32, #tpu.memory_space<vmem>>
      %gather3A_61 = tpu.vector_load_idx %gather3A_60[%convert_element_type3A_58] : memref<1024xf32, #tpu.memory_space<vmem>>[vector<16xi32>], vector<16xf32>,
      %swap3A_62 = arith.constant 32 : index
      %swap3A_63 = tpu.vector_load %arg13[%swap3A_62] {strides = array<i32>} : memref<64xf32, #tpu.memory_space<vmem>>, vector<16xf32>,
      tpu.vector_store %arg13[%swap3A_62], %gather3A_61 {strides = array<i32>} : memref<64xf32, #tpu.memory_space<vmem>>, vector<16xf32>,
      %get3A_64 = arith.constant 48 : index
      %get3A_65 = tpu.vector_load %arg12[%get3A_64] {strides = array<i32>} : memref<64xf32, #tpu.memory_space<vmem>>, vector<16xf32>,
      %convert_element_type3A_66 = arith.fptosi %get3A_65 : vector<16xf32> to vector<16xi32>
      %gather3A_67 = arith.constant 1376 : i32
      %gather3A_68 = tpu.memref_slice %arg7[%gather3A_67] : memref<2400xf32, #tpu.memory_space<vmem>> -> memref<1024xf32, #tpu.memory_space<vmem>>
      %gather3A_69 = tpu.vector_load_idx %gather3A_68[%convert_element_type3A_66] : memref<1024xf32, #tpu.memory_space<vmem>>[vector<16xi32>], vector<16xf32>,
      %swap3A_70 = arith.constant 48 : index
      %swap3A_71 = tpu.vector_load %arg13[%swap3A_70] {strides = array<i32>} : memref<64xf32, #tpu.memory_space<vmem>>, vector<16xf32>,
      tpu.vector_store %arg13[%swap3A_70], %gather3A_69 {strides = array<i32>} : memref<64xf32, #tpu.memory_space<vmem>>, vector<16xf32>,
      %parallel_loop3A_72 = arith.constant 0 : i32
      %parallel_loop3A_73 = arith.constant 800 : i32
      %parallel_loop3A_74 = arith.constant 16 : i32
      scf.for %parallel_loop3A_2932 = %parallel_loop3A_72 to %parallel_loop3A_73 step %parallel_loop3A_74  : i32 {
        %parallel_loop3A_2933 = arith.index_cast %parallel_loop3A_2932 : i32 to index
        %parallel_loop3A_2934 = tpu.vector_load %arg5[%parallel_loop3A_2933] {strides = array<i32>} : memref<800xi32, #tpu.memory_space<vmem>>, vector<16xi32>,
        %parallel_loop3A_2935 = arith.index_cast %parallel_loop3A_2932 : i32 to index
        %parallel_loop3A_2936 = tpu.vector_load %arg6[%parallel_loop3A_2935] {strides = array<i32>} : memref<800xi32, #tpu.memory_space<vmem>>, vector<16xi32>,
        %parallel_loop3A_2937 = tpu.vector_load_idx %arg13[%parallel_loop3A_2934] : memref<64xf32, #tpu.memory_space<vmem>>[vector<16xi32>], vector<16xf32>,
        %parallel_loop3A_2938 = tpu.vector_load_idx %arg13[%parallel_loop3A_2936] : memref<64xf32, #tpu.memory_space<vmem>>[vector<16xi32>], vector<16xf32>,
        %parallel_loop3A_2939 = arith.mulf %parallel_loop3A_2937, %parallel_loop3A_2938 : vector<16xf32>
        %parallel_loop3A_2940 = arith.index_cast %parallel_loop3A_2932 : i32 to index
        %parallel_loop3A_2941 = tpu.vector_load %arg11[%parallel_loop3A_2940] {strides = array<i32>} : memref<800xf32, #tpu.memory_space<vmem>>, vector<16xf32>,
        tpu.vector_store %arg11[%parallel_loop3A_2940], %parallel_loop3A_2939 {strides = array<i32>} : memref<800xf32, #tpu.memory_space<vmem>>, vector<16xf32>,
      } {sc.loop_unroll_factor = 1 : i64, sc.parallel_access}
      %get3A_75 = arith.constant 0 : i32
      %get3A_76 = tpu.memref_slice %arg7[%get3A_75] : memref<2400xf32, #tpu.memory_space<vmem>> -> memref<320xf32, #tpu.memory_space<vmem>>
      %get3A_77 = arith.constant 0 : index
      %get3A_78 = tpu.vector_load %get3A_76[%get3A_77] {strides = array<i32>} : memref<320xf32, #tpu.memory_space<vmem>>, vector<16xf32>,
      %get3A_79 = arith.constant 0 : i32
      %get3A_80 = tpu.memref_slice %arg7[%get3A_79] : memref<2400xf32, #tpu.memory_space<vmem>> -> memref<320xf32, #tpu.memory_space<vmem>>
      %get3A_81 = arith.constant 64 : index
      %get3A_82 = tpu.vector_load %get3A_80[%get3A_81] {strides = array<i32>} : memref<320xf32, #tpu.memory_space<vmem>>, vector<16xf32>,
      %get3A_83 = arith.constant 0 : i32
      %get3A_84 = tpu.memref_slice %arg7[%get3A_83] : memref<2400xf32, #tpu.memory_space<vmem>> -> memref<320xf32, #tpu.memory_space<vmem>>
      %get3A_85 = arith.constant 128 : index
      %get3A_86 = tpu.vector_load %get3A_84[%get3A_85] {strides = array<i32>} : memref<320xf32, #tpu.memory_space<vmem>>, vector<16xf32>,
      %get3A_87 = arith.constant 0 : i32
      %get3A_88 = tpu.memref_slice %arg7[%get3A_87] : memref<2400xf32, #tpu.memory_space<vmem>> -> memref<320xf32, #tpu.memory_space<vmem>>
      %get3A_89 = arith.constant 192 : index
      %get3A_90 = tpu.vector_load %get3A_88[%get3A_89] {strides = array<i32>} : memref<320xf32, #tpu.memory_space<vmem>>, vector<16xf32>,
      %get3A_91 = arith.constant 0 : i32
      %get3A_92 = tpu.memref_slice %arg7[%get3A_91] : memref<2400xf32, #tpu.memory_space<vmem>> -> memref<320xf32, #tpu.memory_space<vmem>>
      %get3A_93 = arith.constant 256 : index
      %get3A_94 = tpu.vector_load %get3A_92[%get3A_93] {strides = array<i32>} : memref<320xf32, #tpu.memory_space<vmem>>, vector<16xf32>,
      %get3A_95 = arith.constant 320 : i32
      %get3A_96 = tpu.memref_slice %arg7[%get3A_95] : memref<2400xf32, #tpu.memory_space<vmem>> -> memref<1056xf32, #tpu.memory_space<vmem>>
      %get3A_97 = arith.constant 0 : index
      %get3A_98 = tpu.vector_load %get3A_96[%get3A_97] {strides = array<i32>} : memref<1056xf32, #tpu.memory_space<vmem>>, vector<16xf32>,
      %mul3A = arith.mulf %get3A_98, %get3A_78 : vector<16xf32>
      %add3A = arith.addf %broadcast_in_dim3A_30, %mul3A : vector<16xf32>
      %get3A_99 = arith.constant 320 : i32
      %get3A_100 = tpu.memref_slice %arg7[%get3A_99] : memref<2400xf32, #tpu.memory_space<vmem>> -> memref<1056xf32, #tpu.memory_space<vmem>>
      %get3A_101 = arith.constant 80 : index
      %get3A_102 = tpu.vector_load %get3A_100[%get3A_101] {strides = array<i32>} : memref<1056xf32, #tpu.memory_space<vmem>>, vector<16xf32>,
      %mul3A_103 = arith.mulf %get3A_102, %get3A_82 : vector<16xf32>
      %add3A_104 = arith.addf %add3A, %mul3A_103 : vector<16xf32>
      %get3A_105 = arith.constant 320 : i32
      %get3A_106 = tpu.memref_slice %arg7[%get3A_105] : memref<2400xf32, #tpu.memory_space<vmem>> -> memref<1056xf32, #tpu.memory_space<vmem>>
      %get3A_107 = arith.constant 160 : index
      %get3A_108 = tpu.vector_load %get3A_106[%get3A_107] {strides = array<i32>} : memref<1056xf32, #tpu.memory_space<vmem>>, vector<16xf32>,
      %mul3A_109 = arith.mulf %get3A_108, %get3A_86 : vector<16xf32>
      %add3A_110 = arith.addf %add3A_104, %mul3A_109 : vector<16xf32>
      %get3A_111 = arith.constant 320 : i32
      %get3A_112 = tpu.memref_slice %arg7[%get3A_111] : memref<2400xf32, #tpu.memory_space<vmem>> -> memref<1056xf32, #tpu.memory_space<vmem>>
      %get3A_113 = arith.constant 240 : index
      %get3A_114 = tpu.vector_load %get3A_112[%get3A_113] {strides = array<i32>} : memref<1056xf32, #tpu.memory_space<vmem>>, vector<16xf32>,
      %mul3A_115 = arith.mulf %get3A_114, %get3A_90 : vector<16xf32>
      %add3A_116 = arith.addf %add3A_110, %mul3A_115 : vector<16xf32>
      %get3A_117 = arith.constant 320 : i32
      %get3A_118 = tpu.memref_slice %arg7[%get3A_117] : memref<2400xf32, #tpu.memory_space<vmem>> -> memref<1056xf32, #tpu.memory_space<vmem>>
      %get3A_119 = arith.constant 320 : index
      %get3A_120 = tpu.vector_load %get3A_118[%get3A_119] {strides = array<i32>} : memref<1056xf32, #tpu.memory_space<vmem>>, vector<16xf32>,
      %mul3A_121 = arith.mulf %get3A_120, %get3A_94 : vector<16xf32>
      %add3A_122 = arith.addf %add3A_116, %mul3A_121 : vector<16xf32>
      %swap3A_123 = arith.constant 0 : index
      %swap3A_124 = tpu.vector_load %arg9[%swap3A_123] {strides = array<i32>} : memref<320xf32, #tpu.memory_space<vmem>>, vector<16xf32>,
      tpu.vector_store %arg9[%swap3A_123], %add3A_122 {strides = array<i32>} : memref<320xf32, #tpu.memory_space<vmem>>, vector<16xf32>,
      %get3A_125 = arith.constant 320 : i32
      %get3A_126 = tpu.memref_slice %arg7[%get3A_125] : memref<2400xf32, #tpu.memory_space<vmem>> -> memref<1056xf32, #tpu.memory_space<vmem>>
      %get3A_127 = arith.constant 16 : index
      %get3A_128 = tpu.vector_load %get3A_126[%get3A_127] {strides = array<i32>} : memref<1056xf32, #tpu.memory_space<vmem>>, vector<16xf32>,
      %mul3A_129 = arith.mulf %get3A_128, %get3A_78 : vector<16xf32>
      %add3A_130 = arith.addf %broadcast_in_dim3A_30, %mul3A_129 : vector<16xf32>
      %get3A_131 = arith.constant 320 : i32
      %get3A_132 = tpu.memref_slice %arg7[%get3A_131] : memref<2400xf32, #tpu.memory_space<vmem>> -> memref<1056xf32, #tpu.memory_space<vmem>>
      %get3A_133 = arith.constant 96 : index
      %get3A_134 = tpu.vector_load %get3A_132[%get3A_133] {strides = array<i32>} : memref<1056xf32, #tpu.memory_space<vmem>>, vector<16xf32>,
      %mul3A_135 = arith.mulf %get3A_134, %get3A_82 : vector<16xf32>
      %add3A_136 = arith.addf %add3A_130, %mul3A_135 : vector<16xf32>
      %get3A_137 = arith.constant 320 : i32
      %get3A_138 = tpu.memref_slice %arg7[%get3A_137] : memref<2400xf32, #tpu.memory_space<vmem>> -> memref<1056xf32, #tpu.memory_space<vmem>>
      %get3A_139 = arith.constant 176 : index
      %get3A_140 = tpu.vector_load %get3A_138[%get3A_139] {strides = array<i32>} : memref<1056xf32, #tpu.memory_space<vmem>>, vector<16xf32>,
      %mul3A_141 = arith.mulf %get3A_140, %get3A_86 : vector<16xf32>
      %add3A_142 = arith.addf %add3A_136, %mul3A_141 : vector<16xf32>
      %get3A_143 = arith.constant 320 : i32
      %get3A_144 = tpu.memref_slice %arg7[%get3A_143] : memref<2400xf32, #tpu.memory_space<vmem>> -> memref<1056xf32, #tpu.memory_space<vmem>>
      %get3A_145 = arith.constant 256 : index
      %get3A_146 = tpu.vector_load %get3A_144[%get3A_145] {strides = array<i32>} : memref<1056xf32, #tpu.memory_space<vmem>>, vector<16xf32>,
      %mul3A_147 = arith.mulf %get3A_146, %get3A_90 : vector<16xf32>
      %add3A_148 = arith.addf %add3A_142, %mul3A_147 : vector<16xf32>
      %get3A_149 = arith.constant 320 : i32
      %get3A_150 = tpu.memref_slice %arg7[%get3A_149] : memref<2400xf32, #tpu.memory_space<vmem>> -> memref<1056xf32, #tpu.memory_space<vmem>>
      %get3A_151 = arith.constant 336 : index
      %get3A_152 = tpu.vector_load %get3A_150[%get3A_151] {strides = array<i32>} : memref<1056xf32, #tpu.memory_space<vmem>>, vector<16xf32>,
      %mul3A_153 = arith.mulf %get3A_152, %get3A_94 : vector<16xf32>
      %add3A_154 = arith.addf %add3A_148, %mul3A_153 : vector<16xf32>
      %swap3A_155 = arith.constant 64 : index
      %swap3A_156 = tpu.vector_load %arg9[%swap3A_155] {strides = array<i32>} : memref<320xf32, #tpu.memory_space<vmem>>, vector<16xf32>,
      tpu.vector_store %arg9[%swap3A_155], %add3A_154 {strides = array<i32>} : memref<320xf32, #tpu.memory_space<vmem>>, vector<16xf32>,
      %get3A_157 = arith.constant 320 : i32
      %get3A_158 = tpu.memref_slice %arg7[%get3A_157] : memref<2400xf32, #tpu.memory_space<vmem>> -> memref<1056xf32, #tpu.memory_space<vmem>>
      %get3A_159 = arith.constant 32 : index
      %get3A_160 = tpu.vector_load %get3A_158[%get3A_159] {strides = array<i32>} : memref<1056xf32, #tpu.memory_space<vmem>>, vector<16xf32>,
      %mul3A_161 = arith.mulf %get3A_160, %get3A_78 : vector<16xf32>
      %add3A_162 = arith.addf %broadcast_in_dim3A_30, %mul3A_161 : vector<16xf32>
      %get3A_163 = arith.constant 320 : i32
      %get3A_164 = tpu.memref_slice %arg7[%get3A_163] : memref<2400xf32, #tpu.memory_space<vmem>> -> memref<1056xf32, #tpu.memory_space<vmem>>
      %get3A_165 = arith.constant 112 : index
      %get3A_166 = tpu.vector_load %get3A_164[%get3A_165] {strides = array<i32>} : memref<1056xf32, #tpu.memory_space<vmem>>, vector<16xf32>,
      %mul3A_167 = arith.mulf %get3A_166, %get3A_82 : vector<16xf32>
      %add3A_168 = arith.addf %add3A_162, %mul3A_167 : vector<16xf32>
      %get3A_169 = arith.constant 320 : i32
      %get3A_170 = tpu.memref_slice %arg7[%get3A_169] : memref<2400xf32, #tpu.memory_space<vmem>> -> memref<1056xf32, #tpu.memory_space<vmem>>
      %get3A_171 = arith.constant 192 : index
      %get3A_172 = tpu.vector_load %get3A_170[%get3A_171] {strides = array<i32>} : memref<1056xf32, #tpu.memory_space<vmem>>, vector<16xf32>,
      %mul3A_173 = arith.mulf %get3A_172, %get3A_86 : vector<16xf32>
      %add3A_174 = arith.addf %add3A_168, %mul3A_173 : vector<16xf32>
      %get3A_175 = arith.constant 320 : i32
      %get3A_176 = tpu.memref_slice %arg7[%get3A_175] : memref<2400xf32, #tpu.memory_space<vmem>> -> memref<1056xf32, #tpu.memory_space<vmem>>
      %get3A_177 = arith.constant 272 : index
      %get3A_178 = tpu.vector_load %get3A_176[%get3A_177] {strides = array<i32>} : memref<1056xf32, #tpu.memory_space<vmem>>, vector<16xf32>,
      %mul3A_179 = arith.mulf %get3A_178, %get3A_90 : vector<16xf32>
      %add3A_180 = arith.addf %add3A_174, %mul3A_179 : vector<16xf32>
      %get3A_181 = arith.constant 320 : i32
      %get3A_182 = tpu.memref_slice %arg7[%get3A_181] : memref<2400xf32, #tpu.memory_space<vmem>> -> memref<1056xf32, #tpu.memory_space<vmem>>
      %get3A_183 = arith.constant 352 : index
      %get3A_184 = tpu.vector_load %get3A_182[%get3A_183] {strides = array<i32>} : memref<1056xf32, #tpu.memory_space<vmem>>, vector<16xf32>,
      %mul3A_185 = arith.mulf %get3A_184, %get3A_94 : vector<16xf32>
      %add3A_186 = arith.addf %add3A_180, %mul3A_185 : vector<16xf32>
      %swap3A_187 = arith.constant 128 : index
      %swap3A_188 = tpu.vector_load %arg9[%swap3A_187] {strides = array<i32>} : memref<320xf32, #tpu.memory_space<vmem>>, vector<16xf32>,
      tpu.vector_store %arg9[%swap3A_187], %add3A_186 {strides = array<i32>} : memref<320xf32, #tpu.memory_space<vmem>>, vector<16xf32>,
      %get3A_189 = arith.constant 320 : i32
      %get3A_190 = tpu.memref_slice %arg7[%get3A_189] : memref<2400xf32, #tpu.memory_space<vmem>> -> memref<1056xf32, #tpu.memory_space<vmem>>
      %get3A_191 = arith.constant 48 : index
      %get3A_192 = tpu.vector_load %get3A_190[%get3A_191] {strides = array<i32>} : memref<1056xf32, #tpu.memory_space<vmem>>, vector<16xf32>,
      %mul3A_193 = arith.mulf %get3A_192, %get3A_78 : vector<16xf32>
      %add3A_194 = arith.addf %broadcast_in_dim3A_30, %mul3A_193 : vector<16xf32>
      %get3A_195 = arith.constant 320 : i32
      %get3A_196 = tpu.memref_slice %arg7[%get3A_195] : memref<2400xf32, #tpu.memory_space<vmem>> -> memref<1056xf32, #tpu.memory_space<vmem>>
      %get3A_197 = arith.constant 128 : index
      %get3A_198 = tpu.vector_load %get3A_196[%get3A_197] {strides = array<i32>} : memref<1056xf32, #tpu.memory_space<vmem>>, vector<16xf32>,
      %mul3A_199 = arith.mulf %get3A_198, %get3A_82 : vector<16xf32>
      %add3A_200 = arith.addf %add3A_194, %mul3A_199 : vector<16xf32>
      %get3A_201 = arith.constant 320 : i32
      %get3A_202 = tpu.memref_slice %arg7[%get3A_201] : memref<2400xf32, #tpu.memory_space<vmem>> -> memref<1056xf32, #tpu.memory_space<vmem>>
      %get3A_203 = arith.constant 208 : index
      %get3A_204 = tpu.vector_load %get3A_202[%get3A_203] {strides = array<i32>} : memref<1056xf32, #tpu.memory_space<vmem>>, vector<16xf32>,
      %mul3A_205 = arith.mulf %get3A_204, %get3A_86 : vector<16xf32>
      %add3A_206 = arith.addf %add3A_200, %mul3A_205 : vector<16xf32>
      %get3A_207 = arith.constant 320 : i32
      %get3A_208 = tpu.memref_slice %arg7[%get3A_207] : memref<2400xf32, #tpu.memory_space<vmem>> -> memref<1056xf32, #tpu.memory_space<vmem>>
      %get3A_209 = arith.constant 288 : index
      %get3A_210 = tpu.vector_load %get3A_208[%get3A_209] {strides = array<i32>} : memref<1056xf32, #tpu.memory_space<vmem>>, vector<16xf32>,
      %mul3A_211 = arith.mulf %get3A_210, %get3A_90 : vector<16xf32>
      %add3A_212 = arith.addf %add3A_206, %mul3A_211 : vector<16xf32>
      %get3A_213 = arith.constant 320 : i32
      %get3A_214 = tpu.memref_slice %arg7[%get3A_213] : memref<2400xf32, #tpu.memory_space<vmem>> -> memref<1056xf32, #tpu.memory_space<vmem>>
      %get3A_215 = arith.constant 368 : index
      %get3A_216 = tpu.vector_load %get3A_214[%get3A_215] {strides = array<i32>} : memref<1056xf32, #tpu.memory_space<vmem>>, vector<16xf32>,
      %mul3A_217 = arith.mulf %get3A_216, %get3A_94 : vector<16xf32>
      %add3A_218 = arith.addf %add3A_212, %mul3A_217 : vector<16xf32>
      %swap3A_219 = arith.constant 192 : index
      %swap3A_220 = tpu.vector_load %arg9[%swap3A_219] {strides = array<i32>} : memref<320xf32, #tpu.memory_space<vmem>>, vector<16xf32>,
      tpu.vector_store %arg9[%swap3A_219], %add3A_218 {strides = array<i32>} : memref<320xf32, #tpu.memory_space<vmem>>, vector<16xf32>,
      %get3A_221 = arith.constant 320 : i32
      %get3A_222 = tpu.memref_slice %arg7[%get3A_221] : memref<2400xf32, #tpu.memory_space<vmem>> -> memref<1056xf32, #tpu.memory_space<vmem>>
      %get3A_223 = arith.constant 64 : index
      %get3A_224 = tpu.vector_load %get3A_222[%get3A_223] {strides = array<i32>} : memref<1056xf32, #tpu.memory_space<vmem>>, vector<16xf32>,
      %mul3A_225 = arith.mulf %get3A_224, %get3A_78 : vector<16xf32>
      %add3A_226 = arith.addf %broadcast_in_dim3A_30, %mul3A_225 : vector<16xf32>
      %get3A_227 = arith.constant 320 : i32
      %get3A_228 = tpu.memref_slice %arg7[%get3A_227] : memref<2400xf32, #tpu.memory_space<vmem>> -> memref<1056xf32, #tpu.memory_space<vmem>>
      %get3A_229 = arith.constant 144 : index
      %get3A_230 = tpu.vector_load %get3A_228[%get3A_229] {strides = array<i32>} : memref<1056xf32, #tpu.memory_space<vmem>>, vector<16xf32>,
      %mul3A_231 = arith.mulf %get3A_230, %get3A_82 : vector<16xf32>
      %add3A_232 = arith.addf %add3A_226, %mul3A_231 : vector<16xf32>
      %get3A_233 = arith.constant 320 : i32
      %get3A_234 = tpu.memref_slice %arg7[%get3A_233] : memref<2400xf32, #tpu.memory_space<vmem>> -> memref<1056xf32, #tpu.memory_space<vmem>>
      %get3A_235 = arith.constant 224 : index
      %get3A_236 = tpu.vector_load %get3A_234[%get3A_235] {strides = array<i32>} : memref<1056xf32, #tpu.memory_space<vmem>>, vector<16xf32>,
      %mul3A_237 = arith.mulf %get3A_236, %get3A_86 : vector<16xf32>
      %add3A_238 = arith.addf %add3A_232, %mul3A_237 : vector<16xf32>
      %get3A_239 = arith.constant 320 : i32
      %get3A_240 = tpu.memref_slice %arg7[%get3A_239] : memref<2400xf32, #tpu.memory_space<vmem>> -> memref<1056xf32, #tpu.memory_space<vmem>>
      %get3A_241 = arith.constant 304 : index
      %get3A_242 = tpu.vector_load %get3A_240[%get3A_241] {strides = array<i32>} : memref<1056xf32, #tpu.memory_space<vmem>>, vector<16xf32>,
      %mul3A_243 = arith.mulf %get3A_242, %get3A_90 : vector<16xf32>
      %add3A_244 = arith.addf %add3A_238, %mul3A_243 : vector<16xf32>
      %get3A_245 = arith.constant 320 : i32
      %get3A_246 = tpu.memref_slice %arg7[%get3A_245] : memref<2400xf32, #tpu.memory_space<vmem>> -> memref<1056xf32, #tpu.memory_space<vmem>>
      %get3A_247 = arith.constant 384 : index
      %get3A_248 = tpu.vector_load %get3A_246[%get3A_247] {strides = array<i32>} : memref<1056xf32, #tpu.memory_space<vmem>>, vector<16xf32>,
      %mul3A_249 = arith.mulf %get3A_248, %get3A_94 : vector<16xf32>
      %add3A_250 = arith.addf %add3A_244, %mul3A_249 : vector<16xf32>
      %swap3A_251 = arith.constant 256 : index
      %swap3A_252 = tpu.vector_load %arg9[%swap3A_251] {strides = array<i32>} : memref<320xf32, #tpu.memory_space<vmem>>, vector<16xf32>,
      tpu.vector_store %arg9[%swap3A_251], %add3A_250 {strides = array<i32>} : memref<320xf32, #tpu.memory_space<vmem>>, vector<16xf32>,
      %get3A_253 = arith.constant 0 : i32
      %get3A_254 = tpu.memref_slice %arg7[%get3A_253] : memref<2400xf32, #tpu.memory_space<vmem>> -> memref<320xf32, #tpu.memory_space<vmem>>
      %get3A_255 = arith.constant 16 : index
      %get3A_256 = tpu.vector_load %get3A_254[%get3A_255] {strides = array<i32>} : memref<320xf32, #tpu.memory_space<vmem>>, vector<16xf32>,
      %get3A_257 = arith.constant 0 : i32
      %get3A_258 = tpu.memref_slice %arg7[%get3A_257] : memref<2400xf32, #tpu.memory_space<vmem>> -> memref<320xf32, #tpu.memory_space<vmem>>
      %get3A_259 = arith.constant 80 : index
      %get3A_260 = tpu.vector_load %get3A_258[%get3A_259] {strides = array<i32>} : memref<320xf32, #tpu.memory_space<vmem>>, vector<16xf32>,
      %get3A_261 = arith.constant 0 : i32
      %get3A_262 = tpu.memref_slice %arg7[%get3A_261] : memref<2400xf32, #tpu.memory_space<vmem>> -> memref<320xf32, #tpu.memory_space<vmem>>
      %get3A_263 = arith.constant 144 : index
      %get3A_264 = tpu.vector_load %get3A_262[%get3A_263] {strides = array<i32>} : memref<320xf32, #tpu.memory_space<vmem>>, vector<16xf32>,
      %get3A_265 = arith.constant 0 : i32
      %get3A_266 = tpu.memref_slice %arg7[%get3A_265] : memref<2400xf32, #tpu.memory_space<vmem>> -> memref<320xf32, #tpu.memory_space<vmem>>
      %get3A_267 = arith.constant 208 : index
      %get3A_268 = tpu.vector_load %get3A_266[%get3A_267] {strides = array<i32>} : memref<320xf32, #tpu.memory_space<vmem>>, vector<16xf32>,
      %get3A_269 = arith.constant 0 : i32
      %get3A_270 = tpu.memref_slice %arg7[%get3A_269] : memref<2400xf32, #tpu.memory_space<vmem>> -> memref<320xf32, #tpu.memory_space<vmem>>
      %get3A_271 = arith.constant 272 : index
      %get3A_272 = tpu.vector_load %get3A_270[%get3A_271] {strides = array<i32>} : memref<320xf32, #tpu.memory_space<vmem>>, vector<16xf32>,
      %get3A_273 = arith.constant 320 : i32
      %get3A_274 = tpu.memref_slice %arg7[%get3A_273] : memref<2400xf32, #tpu.memory_space<vmem>> -> memref<1056xf32, #tpu.memory_space<vmem>>
      %get3A_275 = arith.constant 0 : index
      %get3A_276 = tpu.vector_load %get3A_274[%get3A_275] {strides = array<i32>} : memref<1056xf32, #tpu.memory_space<vmem>>, vector<16xf32>,
      %mul3A_277 = arith.mulf %get3A_276, %get3A_256 : vector<16xf32>
      %add3A_278 = arith.addf %broadcast_in_dim3A_30, %mul3A_277 : vector<16xf32>
      %get3A_279 = arith.constant 320 : i32
      %get3A_280 = tpu.memref_slice %arg7[%get3A_279] : memref<2400xf32, #tpu.memory_space<vmem>> -> memref<1056xf32, #tpu.memory_space<vmem>>
      %get3A_281 = arith.constant 80 : index
      %get3A_282 = tpu.vector_load %get3A_280[%get3A_281] {strides = array<i32>} : memref<1056xf32, #tpu.memory_space<vmem>>, vector<16xf32>,
      %mul3A_283 = arith.mulf %get3A_282, %get3A_260 : vector<16xf32>
      %add3A_284 = arith.addf %add3A_278, %mul3A_283 : vector<16xf32>
      %get3A_285 = arith.constant 320 : i32
      %get3A_286 = tpu.memref_slice %arg7[%get3A_285] : memref<2400xf32, #tpu.memory_space<vmem>> -> memref<1056xf32, #tpu.memory_space<vmem>>
      %get3A_287 = arith.constant 160 : index
      %get3A_288 = tpu.vector_load %get3A_286[%get3A_287] {strides = array<i32>} : memref<1056xf32, #tpu.memory_space<vmem>>, vector<16xf32>,
      %mul3A_289 = arith.mulf %get3A_288, %get3A_264 : vector<16xf32>
      %add3A_290 = arith.addf %add3A_284, %mul3A_289 : vector<16xf32>
      %get3A_291 = arith.constant 320 : i32
      %get3A_292 = tpu.memref_slice %arg7[%get3A_291] : memref<2400xf32, #tpu.memory_space<vmem>> -> memref<1056xf32, #tpu.memory_space<vmem>>
      %get3A_293 = arith.constant 240 : index
      %get3A_294 = tpu.vector_load %get3A_292[%get3A_293] {strides = array<i32>} : memref<1056xf32, #tpu.memory_space<vmem>>, vector<16xf32>,
      %mul3A_295 = arith.mulf %get3A_294, %get3A_268 : vector<16xf32>
      %add3A_296 = arith.addf %add3A_290, %mul3A_295 : vector<16xf32>
      %get3A_297 = arith.constant 320 : i32
      %get3A_298 = tpu.memref_slice %arg7[%get3A_297] : memref<2400xf32, #tpu.memory_space<vmem>> -> memref<1056xf32, #tpu.memory_space<vmem>>
      %get3A_299 = arith.constant 320 : index
      %get3A_300 = tpu.vector_load %get3A_298[%get3A_299] {strides = array<i32>} : memref<1056xf32, #tpu.memory_space<vmem>>, vector<16xf32>,
      %mul3A_301 = arith.mulf %get3A_300, %get3A_272 : vector<16xf32>
      %add3A_302 = arith.addf %add3A_296, %mul3A_301 : vector<16xf32>
      %swap3A_303 = arith.constant 16 : index
      %swap3A_304 = tpu.vector_load %arg9[%swap3A_303] {strides = array<i32>} : memref<320xf32, #tpu.memory_space<vmem>>, vector<16xf32>,
      tpu.vector_store %arg9[%swap3A_303], %add3A_302 {strides = array<i32>} : memref<320xf32, #tpu.memory_space<vmem>>, vector<16xf32>,
      %get3A_305 = arith.constant 320 : i32
      %get3A_306 = tpu.memref_slice %arg7[%get3A_305] : memref<2400xf32, #tpu.memory_space<vmem>> -> memref<1056xf32, #tpu.memory_space<vmem>>
      %get3A_307 = arith.constant 16 : index
      %get3A_308 = tpu.vector_load %get3A_306[%get3A_307] {strides = array<i32>} : memref<1056xf32, #tpu.memory_space<vmem>>, vector<16xf32>,
      %mul3A_309 = arith.mulf %get3A_308, %get3A_256 : vector<16xf32>
      %add3A_310 = arith.addf %broadcast_in_dim3A_30, %mul3A_309 : vector<16xf32>
      %get3A_311 = arith.constant 320 : i32
      %get3A_312 = tpu.memref_slice %arg7[%get3A_311] : memref<2400xf32, #tpu.memory_space<vmem>> -> memref<1056xf32, #tpu.memory_space<vmem>>
      %get3A_313 = arith.constant 96 : index
      %get3A_314 = tpu.vector_load %get3A_312[%get3A_313] {strides = array<i32>} : memref<1056xf32, #tpu.memory_space<vmem>>, vector<16xf32>,
      %mul3A_315 = arith.mulf %get3A_314, %get3A_260 : vector<16xf32>
      %add3A_316 = arith.addf %add3A_310, %mul3A_315 : vector<16xf32>
      %get3A_317 = arith.constant 320 : i32
      %get3A_318 = tpu.memref_slice %arg7[%get3A_317] : memref<2400xf32, #tpu.memory_space<vmem>> -> memref<1056xf32, #tpu.memory_space<vmem>>
      %get3A_319 = arith.constant 176 : index
      %get3A_320 = tpu.vector_load %get3A_318[%get3A_319] {strides = array<i32>} : memref<1056xf32, #tpu.memory_space<vmem>>, vector<16xf32>,
      %mul3A_321 = arith.mulf %get3A_320, %get3A_264 : vector<16xf32>
      %add3A_322 = arith.addf %add3A_316, %mul3A_321 : vector<16xf32>
      %get3A_323 = arith.constant 320 : i32
      %get3A_324 = tpu.memref_slice %arg7[%get3A_323] : memref<2400xf32, #tpu.memory_space<vmem>> -> memref<1056xf32, #tpu.memory_space<vmem>>
      %get3A_325 = arith.constant 256 : index
      %get3A_326 = tpu.vector_load %get3A_324[%get3A_325] {strides = array<i32>} : memref<1056xf32, #tpu.memory_space<vmem>>, vector<16xf32>,
      %mul3A_327 = arith.mulf %get3A_326, %get3A_268 : vector<16xf32>
      %add3A_328 = arith.addf %add3A_322, %mul3A_327 : vector<16xf32>
      %get3A_329 = arith.constant 320 : i32
      %get3A_330 = tpu.memref_slice %arg7[%get3A_329] : memref<2400xf32, #tpu.memory_space<vmem>> -> memref<1056xf32, #tpu.memory_space<vmem>>
      %get3A_331 = arith.constant 336 : index
      %get3A_332 = tpu.vector_load %get3A_330[%get3A_331] {strides = array<i32>} : memref<1056xf32, #tpu.memory_space<vmem>>, vector<16xf32>,
      %mul3A_333 = arith.mulf %get3A_332, %get3A_272 : vector<16xf32>
      %add3A_334 = arith.addf %add3A_328, %mul3A_333 : vector<16xf32>
      %swap3A_335 = arith.constant 80 : index
      %swap3A_336 = tpu.vector_load %arg9[%swap3A_335] {strides = array<i32>} : memref<320xf32, #tpu.memory_space<vmem>>, vector<16xf32>,
      tpu.vector_store %arg9[%swap3A_335], %add3A_334 {strides = array<i32>} : memref<320xf32, #tpu.memory_space<vmem>>, vector<16xf32>,
      %get3A_337 = arith.constant 320 : i32
      %get3A_338 = tpu.memref_slice %arg7[%get3A_337] : memref<2400xf32, #tpu.memory_space<vmem>> -> memref<1056xf32, #tpu.memory_space<vmem>>
      %get3A_339 = arith.constant 32 : index
      %get3A_340 = tpu.vector_load %get3A_338[%get3A_339] {strides = array<i32>} : memref<1056xf32, #tpu.memory_space<vmem>>, vector<16xf32>,
      %mul3A_341 = arith.mulf %get3A_340, %get3A_256 : vector<16xf32>
      %add3A_342 = arith.addf %broadcast_in_dim3A_30, %mul3A_341 : vector<16xf32>
      %get3A_343 = arith.constant 320 : i32
      %get3A_344 = tpu.memref_slice %arg7[%get3A_343] : memref<2400xf32, #tpu.memory_space<vmem>> -> memref<1056xf32, #tpu.memory_space<vmem>>
      %get3A_345 = arith.constant 112 : index
      %get3A_346 = tpu.vector_load %get3A_344[%get3A_345] {strides = array<i32>} : memref<1056xf32, #tpu.memory_space<vmem>>, vector<16xf32>,
      %mul3A_347 = arith.mulf %get3A_346, %get3A_260 : vector<16xf32>
      %add3A_348 = arith.addf %add3A_342, %mul3A_347 : vector<16xf32>
      %get3A_349 = arith.constant 320 : i32
      %get3A_350 = tpu.memref_slice %arg7[%get3A_349] : memref<2400xf32, #tpu.memory_space<vmem>> -> memref<1056xf32, #tpu.memory_space<vmem>>
      %get3A_351 = arith.constant 192 : index
      %get3A_352 = tpu.vector_load %get3A_350[%get3A_351] {strides = array<i32>} : memref<1056xf32, #tpu.memory_space<vmem>>, vector<16xf32>,
      %mul3A_353 = arith.mulf %get3A_352, %get3A_264 : vector<16xf32>
      %add3A_354 = arith.addf %add3A_348, %mul3A_353 : vector<16xf32>
      %get3A_355 = arith.constant 320 : i32
      %get3A_356 = tpu.memref_slice %arg7[%get3A_355] : memref<2400xf32, #tpu.memory_space<vmem>> -> memref<1056xf32, #tpu.memory_space<vmem>>
      %get3A_357 = arith.constant 272 : index
      %get3A_358 = tpu.vector_load %get3A_356[%get3A_357] {strides = array<i32>} : memref<1056xf32, #tpu.memory_space<vmem>>, vector<16xf32>,
      %mul3A_359 = arith.mulf %get3A_358, %get3A_268 : vector<16xf32>
      %add3A_360 = arith.addf %add3A_354, %mul3A_359 : vector<16xf32>
      %get3A_361 = arith.constant 320 : i32
      %get3A_362 = tpu.memref_slice %arg7[%get3A_361] : memref<2400xf32, #tpu.memory_space<vmem>> -> memref<1056xf32, #tpu.memory_space<vmem>>
      %get3A_363 = arith.constant 352 : index
      %get3A_364 = tpu.vector_load %get3A_362[%get3A_363] {strides = array<i32>} : memref<1056xf32, #tpu.memory_space<vmem>>, vector<16xf32>,
      %mul3A_365 = arith.mulf %get3A_364, %get3A_272 : vector<16xf32>
      %add3A_366 = arith.addf %add3A_360, %mul3A_365 : vector<16xf32>
      %swap3A_367 = arith.constant 144 : index
      %swap3A_368 = tpu.vector_load %arg9[%swap3A_367] {strides = array<i32>} : memref<320xf32, #tpu.memory_space<vmem>>, vector<16xf32>,
      tpu.vector_store %arg9[%swap3A_367], %add3A_366 {strides = array<i32>} : memref<320xf32, #tpu.memory_space<vmem>>, vector<16xf32>,
      %get3A_369 = arith.constant 320 : i32
      %get3A_370 = tpu.memref_slice %arg7[%get3A_369] : memref<2400xf32, #tpu.memory_space<vmem>> -> memref<1056xf32, #tpu.memory_space<vmem>>
      %get3A_371 = arith.constant 48 : index
      %get3A_372 = tpu.vector_load %get3A_370[%get3A_371] {strides = array<i32>} : memref<1056xf32, #tpu.memory_space<vmem>>, vector<16xf32>,
      %mul3A_373 = arith.mulf %get3A_372, %get3A_256 : vector<16xf32>
      %add3A_374 = arith.addf %broadcast_in_dim3A_30, %mul3A_373 : vector<16xf32>
      %get3A_375 = arith.constant 320 : i32
      %get3A_376 = tpu.memref_slice %arg7[%get3A_375] : memref<2400xf32, #tpu.memory_space<vmem>> -> memref<1056xf32, #tpu.memory_space<vmem>>
      %get3A_377 = arith.constant 128 : index
      %get3A_378 = tpu.vector_load %get3A_376[%get3A_377] {strides = array<i32>} : memref<1056xf32, #tpu.memory_space<vmem>>, vector<16xf32>,
      %mul3A_379 = arith.mulf %get3A_378, %get3A_260 : vector<16xf32>
      %add3A_380 = arith.addf %add3A_374, %mul3A_379 : vector<16xf32>
      %get3A_381 = arith.constant 320 : i32
      %get3A_382 = tpu.memref_slice %arg7[%get3A_381] : memref<2400xf32, #tpu.memory_space<vmem>> -> memref<1056xf32, #tpu.memory_space<vmem>>
      %get3A_383 = arith.constant 208 : index
      %get3A_384 = tpu.vector_load %get3A_382[%get3A_383] {strides = array<i32>} : memref<1056xf32, #tpu.memory_space<vmem>>, vector<16xf32>,
      %mul3A_385 = arith.mulf %get3A_384, %get3A_264 : vector<16xf32>
      %add3A_386 = arith.addf %add3A_380, %mul3A_385 : vector<16xf32>
      %get3A_387 = arith.constant 320 : i32
      %get3A_388 = tpu.memref_slice %arg7[%get3A_387] : memref<2400xf32, #tpu.memory_space<vmem>> -> memref<1056xf32, #tpu.memory_space<vmem>>
      %get3A_389 = arith.constant 288 : index
      %get3A_390 = tpu.vector_load %get3A_388[%get3A_389] {strides = array<i32>} : memref<1056xf32, #tpu.memory_space<vmem>>, vector<16xf32>,
      %mul3A_391 = arith.mulf %get3A_390, %get3A_268 : vector<16xf32>
      %add3A_392 = arith.addf %add3A_386, %mul3A_391 : vector<16xf32>
      %get3A_393 = arith.constant 320 : i32
      %get3A_394 = tpu.memref_slice %arg7[%get3A_393] : memref<2400xf32, #tpu.memory_space<vmem>> -> memref<1056xf32, #tpu.memory_space<vmem>>
      %get3A_395 = arith.constant 368 : index
      %get3A_396 = tpu.vector_load %get3A_394[%get3A_395] {strides = array<i32>} : memref<1056xf32, #tpu.memory_space<vmem>>, vector<16xf32>,
      %mul3A_397 = arith.mulf %get3A_396, %get3A_272 : vector<16xf32>
      %add3A_398 = arith.addf %add3A_392, %mul3A_397 : vector<16xf32>
      %swap3A_399 = arith.constant 208 : index
      %swap3A_400 = tpu.vector_load %arg9[%swap3A_399] {strides = array<i32>} : memref<320xf32, #tpu.memory_space<vmem>>, vector<16xf32>,
      tpu.vector_store %arg9[%swap3A_399], %add3A_398 {strides = array<i32>} : memref<320xf32, #tpu.memory_space<vmem>>, vector<16xf32>,
      %get3A_401 = arith.constant 320 : i32
      %get3A_402 = tpu.memref_slice %arg7[%get3A_401] : memref<2400xf32, #tpu.memory_space<vmem>> -> memref<1056xf32, #tpu.memory_space<vmem>>
      %get3A_403 = arith.constant 64 : index
      %get3A_404 = tpu.vector_load %get3A_402[%get3A_403] {strides = array<i32>} : memref<1056xf32, #tpu.memory_space<vmem>>, vector<16xf32>,
      %mul3A_405 = arith.mulf %get3A_404, %get3A_256 : vector<16xf32>
      %add3A_406 = arith.addf %broadcast_in_dim3A_30, %mul3A_405 : vector<16xf32>
      %get3A_407 = arith.constant 320 : i32
      %get3A_408 = tpu.memref_slice %arg7[%get3A_407] : memref<2400xf32, #tpu.memory_space<vmem>> -> memref<1056xf32, #tpu.memory_space<vmem>>
      %get3A_409 = arith.constant 144 : index
      %get3A_410 = tpu.vector_load %get3A_408[%get3A_409] {strides = array<i32>} : memref<1056xf32, #tpu.memory_space<vmem>>, vector<16xf32>,
      %mul3A_411 = arith.mulf %get3A_410, %get3A_260 : vector<16xf32>
      %add3A_412 = arith.addf %add3A_406, %mul3A_411 : vector<16xf32>
      %get3A_413 = arith.constant 320 : i32
      %get3A_414 = tpu.memref_slice %arg7[%get3A_413] : memref<2400xf32, #tpu.memory_space<vmem>> -> memref<1056xf32, #tpu.memory_space<vmem>>
      %get3A_415 = arith.constant 224 : index
      %get3A_416 = tpu.vector_load %get3A_414[%get3A_415] {strides = array<i32>} : memref<1056xf32, #tpu.memory_space<vmem>>, vector<16xf32>,
      %mul3A_417 = arith.mulf %get3A_416, %get3A_264 : vector<16xf32>
      %add3A_418 = arith.addf %add3A_412, %mul3A_417 : vector<16xf32>
      %get3A_419 = arith.constant 320 : i32
      %get3A_420 = tpu.memref_slice %arg7[%get3A_419] : memref<2400xf32, #tpu.memory_space<vmem>> -> memref<1056xf32, #tpu.memory_space<vmem>>
      %get3A_421 = arith.constant 304 : index
      %get3A_422 = tpu.vector_load %get3A_420[%get3A_421] {strides = array<i32>} : memref<1056xf32, #tpu.memory_space<vmem>>, vector<16xf32>,
      %mul3A_423 = arith.mulf %get3A_422, %get3A_268 : vector<16xf32>
      %add3A_424 = arith.addf %add3A_418, %mul3A_423 : vector<16xf32>
      %get3A_425 = arith.constant 320 : i32
      %get3A_426 = tpu.memref_slice %arg7[%get3A_425] : memref<2400xf32, #tpu.memory_space<vmem>> -> memref<1056xf32, #tpu.memory_space<vmem>>
      %get3A_427 = arith.constant 384 : index
      %get3A_428 = tpu.vector_load %get3A_426[%get3A_427] {strides = array<i32>} : memref<1056xf32, #tpu.memory_space<vmem>>, vector<16xf32>,
      %mul3A_429 = arith.mulf %get3A_428, %get3A_272 : vector<16xf32>
      %add3A_430 = arith.addf %add3A_424, %mul3A_429 : vector<16xf32>
      %swap3A_431 = arith.constant 272 : index
      %swap3A_432 = tpu.vector_load %arg9[%swap3A_431] {strides = array<i32>} : memref<320xf32, #tpu.memory_space<vmem>>, vector<16xf32>,
      tpu.vector_store %arg9[%swap3A_431], %add3A_430 {strides = array<i32>} : memref<320xf32, #tpu.memory_space<vmem>>, vector<16xf32>,
      %get3A_433 = arith.constant 0 : i32
      %get3A_434 = tpu.memref_slice %arg7[%get3A_433] : memref<2400xf32, #tpu.memory_space<vmem>> -> memref<320xf32, #tpu.memory_space<vmem>>
      %get3A_435 = arith.constant 32 : index
      %get3A_436 = tpu.vector_load %get3A_434[%get3A_435] {strides = array<i32>} : memref<320xf32, #tpu.memory_space<vmem>>, vector<16xf32>,
      %get3A_437 = arith.constant 0 : i32
      %get3A_438 = tpu.memref_slice %arg7[%get3A_437] : memref<2400xf32, #tpu.memory_space<vmem>> -> memref<320xf32, #tpu.memory_space<vmem>>
      %get3A_439 = arith.constant 96 : index
      %get3A_440 = tpu.vector_load %get3A_438[%get3A_439] {strides = array<i32>} : memref<320xf32, #tpu.memory_space<vmem>>, vector<16xf32>,
      %get3A_441 = arith.constant 0 : i32
      %get3A_442 = tpu.memref_slice %arg7[%get3A_441] : memref<2400xf32, #tpu.memory_space<vmem>> -> memref<320xf32, #tpu.memory_space<vmem>>
      %get3A_443 = arith.constant 160 : index
      %get3A_444 = tpu.vector_load %get3A_442[%get3A_443] {strides = array<i32>} : memref<320xf32, #tpu.memory_space<vmem>>, vector<16xf32>,
      %get3A_445 = arith.constant 0 : i32
      %get3A_446 = tpu.memref_slice %arg7[%get3A_445] : memref<2400xf32, #tpu.memory_space<vmem>> -> memref<320xf32, #tpu.memory_space<vmem>>
      %get3A_447 = arith.constant 224 : index
      %get3A_448 = tpu.vector_load %get3A_446[%get3A_447] {strides = array<i32>} : memref<320xf32, #tpu.memory_space<vmem>>, vector<16xf32>,
      %get3A_449 = arith.constant 0 : i32
      %get3A_450 = tpu.memref_slice %arg7[%get3A_449] : memref<2400xf32, #tpu.memory_space<vmem>> -> memref<320xf32, #tpu.memory_space<vmem>>
      %get3A_451 = arith.constant 288 : index
      %get3A_452 = tpu.vector_load %get3A_450[%get3A_451] {strides = array<i32>} : memref<320xf32, #tpu.memory_space<vmem>>, vector<16xf32>,
      %get3A_453 = arith.constant 320 : i32
      %get3A_454 = tpu.memref_slice %arg7[%get3A_453] : memref<2400xf32, #tpu.memory_space<vmem>> -> memref<1056xf32, #tpu.memory_space<vmem>>
      %get3A_455 = arith.constant 0 : index
      %get3A_456 = tpu.vector_load %get3A_454[%get3A_455] {strides = array<i32>} : memref<1056xf32, #tpu.memory_space<vmem>>, vector<16xf32>,
      %mul3A_457 = arith.mulf %get3A_456, %get3A_436 : vector<16xf32>
      %add3A_458 = arith.addf %broadcast_in_dim3A_30, %mul3A_457 : vector<16xf32>
      %get3A_459 = arith.constant 320 : i32
      %get3A_460 = tpu.memref_slice %arg7[%get3A_459] : memref<2400xf32, #tpu.memory_space<vmem>> -> memref<1056xf32, #tpu.memory_space<vmem>>
      %get3A_461 = arith.constant 80 : index
      %get3A_462 = tpu.vector_load %get3A_460[%get3A_461] {strides = array<i32>} : memref<1056xf32, #tpu.memory_space<vmem>>, vector<16xf32>,
      %mul3A_463 = arith.mulf %get3A_462, %get3A_440 : vector<16xf32>
      %add3A_464 = arith.addf %add3A_458, %mul3A_463 : vector<16xf32>
      %get3A_465 = arith.constant 320 : i32
      %get3A_466 = tpu.memref_slice %arg7[%get3A_465] : memref<2400xf32, #tpu.memory_space<vmem>> -> memref<1056xf32, #tpu.memory_space<vmem>>
      %get3A_467 = arith.constant 160 : index
      %get3A_468 = tpu.vector_load %get3A_466[%get3A_467] {strides = array<i32>} : memref<1056xf32, #tpu.memory_space<vmem>>, vector<16xf32>,
      %mul3A_469 = arith.mulf %get3A_468, %get3A_444 : vector<16xf32>
      %add3A_470 = arith.addf %add3A_464, %mul3A_469 : vector<16xf32>
      %get3A_471 = arith.constant 320 : i32
      %get3A_472 = tpu.memref_slice %arg7[%get3A_471] : memref<2400xf32, #tpu.memory_space<vmem>> -> memref<1056xf32, #tpu.memory_space<vmem>>
      %get3A_473 = arith.constant 240 : index
      %get3A_474 = tpu.vector_load %get3A_472[%get3A_473] {strides = array<i32>} : memref<1056xf32, #tpu.memory_space<vmem>>, vector<16xf32>,
      %mul3A_475 = arith.mulf %get3A_474, %get3A_448 : vector<16xf32>
      %add3A_476 = arith.addf %add3A_470, %mul3A_475 : vector<16xf32>
      %get3A_477 = arith.constant 320 : i32
      %get3A_478 = tpu.memref_slice %arg7[%get3A_477] : memref<2400xf32, #tpu.memory_space<vmem>> -> memref<1056xf32, #tpu.memory_space<vmem>>
      %get3A_479 = arith.constant 320 : index
      %get3A_480 = tpu.vector_load %get3A_478[%get3A_479] {strides = array<i32>} : memref<1056xf32, #tpu.memory_space<vmem>>, vector<16xf32>,
      %mul3A_481 = arith.mulf %get3A_480, %get3A_452 : vector<16xf32>
      %add3A_482 = arith.addf %add3A_476, %mul3A_481 : vector<16xf32>
      %swap3A_483 = arith.constant 32 : index
      %swap3A_484 = tpu.vector_load %arg9[%swap3A_483] {strides = array<i32>} : memref<320xf32, #tpu.memory_space<vmem>>, vector<16xf32>,
      tpu.vector_store %arg9[%swap3A_483], %add3A_482 {strides = array<i32>} : memref<320xf32, #tpu.memory_space<vmem>>, vector<16xf32>,
      %get3A_485 = arith.constant 320 : i32
      %get3A_486 = tpu.memref_slice %arg7[%get3A_485] : memref<2400xf32, #tpu.memory_space<vmem>> -> memref<1056xf32, #tpu.memory_space<vmem>>
      %get3A_487 = arith.constant 16 : index
      %get3A_488 = tpu.vector_load %get3A_486[%get3A_487] {strides = array<i32>} : memref<1056xf32, #tpu.memory_space<vmem>>, vector<16xf32>,
      %mul3A_489 = arith.mulf %get3A_488, %get3A_436 : vector<16xf32>
      %add3A_490 = arith.addf %broadcast_in_dim3A_30, %mul3A_489 : vector<16xf32>
      %get3A_491 = arith.constant 320 : i32
      %get3A_492 = tpu.memref_slice %arg7[%get3A_491] : memref<2400xf32, #tpu.memory_space<vmem>> -> memref<1056xf32, #tpu.memory_space<vmem>>
      %get3A_493 = arith.constant 96 : index
      %get3A_494 = tpu.vector_load %get3A_492[%get3A_493] {strides = array<i32>} : memref<1056xf32, #tpu.memory_space<vmem>>, vector<16xf32>,
      %mul3A_495 = arith.mulf %get3A_494, %get3A_440 : vector<16xf32>
      %add3A_496 = arith.addf %add3A_490, %mul3A_495 : vector<16xf32>
      %get3A_497 = arith.constant 320 : i32
      %get3A_498 = tpu.memref_slice %arg7[%get3A_497] : memref<2400xf32, #tpu.memory_space<vmem>> -> memref<1056xf32, #tpu.memory_space<vmem>>
      %get3A_499 = arith.constant 176 : index
      %get3A_500 = tpu.vector_load %get3A_498[%get3A_499] {strides = array<i32>} : memref<1056xf32, #tpu.memory_space<vmem>>, vector<16xf32>,
      %mul3A_501 = arith.mulf %get3A_500, %get3A_444 : vector<16xf32>
      %add3A_502 = arith.addf %add3A_496, %mul3A_501 : vector<16xf32>
      %get3A_503 = arith.constant 320 : i32
      %get3A_504 = tpu.memref_slice %arg7[%get3A_503] : memref<2400xf32, #tpu.memory_space<vmem>> -> memref<1056xf32, #tpu.memory_space<vmem>>
      %get3A_505 = arith.constant 256 : index
      %get3A_506 = tpu.vector_load %get3A_504[%get3A_505] {strides = array<i32>} : memref<1056xf32, #tpu.memory_space<vmem>>, vector<16xf32>,
      %mul3A_507 = arith.mulf %get3A_506, %get3A_448 : vector<16xf32>
      %add3A_508 = arith.addf %add3A_502, %mul3A_507 : vector<16xf32>
      %get3A_509 = arith.constant 320 : i32
      %get3A_510 = tpu.memref_slice %arg7[%get3A_509] : memref<2400xf32, #tpu.memory_space<vmem>> -> memref<1056xf32, #tpu.memory_space<vmem>>
      %get3A_511 = arith.constant 336 : index
      %get3A_512 = tpu.vector_load %get3A_510[%get3A_511] {strides = array<i32>} : memref<1056xf32, #tpu.memory_space<vmem>>, vector<16xf32>,
      %mul3A_513 = arith.mulf %get3A_512, %get3A_452 : vector<16xf32>
      %add3A_514 = arith.addf %add3A_508, %mul3A_513 : vector<16xf32>
      %swap3A_515 = arith.constant 96 : index
      %swap3A_516 = tpu.vector_load %arg9[%swap3A_515] {strides = array<i32>} : memref<320xf32, #tpu.memory_space<vmem>>, vector<16xf32>,
      tpu.vector_store %arg9[%swap3A_515], %add3A_514 {strides = array<i32>} : memref<320xf32, #tpu.memory_space<vmem>>, vector<16xf32>,
      %get3A_517 = arith.constant 320 : i32
      %get3A_518 = tpu.memref_slice %arg7[%get3A_517] : memref<2400xf32, #tpu.memory_space<vmem>> -> memref<1056xf32, #tpu.memory_space<vmem>>
      %get3A_519 = arith.constant 32 : index
      %get3A_520 = tpu.vector_load %get3A_518[%get3A_519] {strides = array<i32>} : memref<1056xf32, #tpu.memory_space<vmem>>, vector<16xf32>,
      %mul3A_521 = arith.mulf %get3A_520, %get3A_436 : vector<16xf32>
      %add3A_522 = arith.addf %broadcast_in_dim3A_30, %mul3A_521 : vector<16xf32>
      %get3A_523 = arith.constant 320 : i32
      %get3A_524 = tpu.memref_slice %arg7[%get3A_523] : memref<2400xf32, #tpu.memory_space<vmem>> -> memref<1056xf32, #tpu.memory_space<vmem>>
      %get3A_525 = arith.constant 112 : index
      %get3A_526 = tpu.vector_load %get3A_524[%get3A_525] {strides = array<i32>} : memref<1056xf32, #tpu.memory_space<vmem>>, vector<16xf32>,
      %mul3A_527 = arith.mulf %get3A_526, %get3A_440 : vector<16xf32>
      %add3A_528 = arith.addf %add3A_522, %mul3A_527 : vector<16xf32>
      %get3A_529 = arith.constant 320 : i32
      %get3A_530 = tpu.memref_slice %arg7[%get3A_529] : memref<2400xf32, #tpu.memory_space<vmem>> -> memref<1056xf32, #tpu.memory_space<vmem>>
      %get3A_531 = arith.constant 192 : index
      %get3A_532 = tpu.vector_load %get3A_530[%get3A_531] {strides = array<i32>} : memref<1056xf32, #tpu.memory_space<vmem>>, vector<16xf32>,
      %mul3A_533 = arith.mulf %get3A_532, %get3A_444 : vector<16xf32>
      %add3A_534 = arith.addf %add3A_528, %mul3A_533 : vector<16xf32>
      %get3A_535 = arith.constant 320 : i32
      %get3A_536 = tpu.memref_slice %arg7[%get3A_535] : memref<2400xf32, #tpu.memory_space<vmem>> -> memref<1056xf32, #tpu.memory_space<vmem>>
      %get3A_537 = arith.constant 272 : index
      %get3A_538 = tpu.vector_load %get3A_536[%get3A_537] {strides = array<i32>} : memref<1056xf32, #tpu.memory_space<vmem>>, vector<16xf32>,
      %mul3A_539 = arith.mulf %get3A_538, %get3A_448 : vector<16xf32>
      %add3A_540 = arith.addf %add3A_534, %mul3A_539 : vector<16xf32>
      %get3A_541 = arith.constant 320 : i32
      %get3A_542 = tpu.memref_slice %arg7[%get3A_541] : memref<2400xf32, #tpu.memory_space<vmem>> -> memref<1056xf32, #tpu.memory_space<vmem>>
      %get3A_543 = arith.constant 352 : index
      %get3A_544 = tpu.vector_load %get3A_542[%get3A_543] {strides = array<i32>} : memref<1056xf32, #tpu.memory_space<vmem>>, vector<16xf32>,
      %mul3A_545 = arith.mulf %get3A_544, %get3A_452 : vector<16xf32>
      %add3A_546 = arith.addf %add3A_540, %mul3A_545 : vector<16xf32>
      %swap3A_547 = arith.constant 160 : index
      %swap3A_548 = tpu.vector_load %arg9[%swap3A_547] {strides = array<i32>} : memref<320xf32, #tpu.memory_space<vmem>>, vector<16xf32>,
      tpu.vector_store %arg9[%swap3A_547], %add3A_546 {strides = array<i32>} : memref<320xf32, #tpu.memory_space<vmem>>, vector<16xf32>,
      %get3A_549 = arith.constant 320 : i32
      %get3A_550 = tpu.memref_slice %arg7[%get3A_549] : memref<2400xf32, #tpu.memory_space<vmem>> -> memref<1056xf32, #tpu.memory_space<vmem>>
      %get3A_551 = arith.constant 48 : index
      %get3A_552 = tpu.vector_load %get3A_550[%get3A_551] {strides = array<i32>} : memref<1056xf32, #tpu.memory_space<vmem>>, vector<16xf32>,
      %mul3A_553 = arith.mulf %get3A_552, %get3A_436 : vector<16xf32>
      %add3A_554 = arith.addf %broadcast_in_dim3A_30, %mul3A_553 : vector<16xf32>
      %get3A_555 = arith.constant 320 : i32
      %get3A_556 = tpu.memref_slice %arg7[%get3A_555] : memref<2400xf32, #tpu.memory_space<vmem>> -> memref<1056xf32, #tpu.memory_space<vmem>>
      %get3A_557 = arith.constant 128 : index
      %get3A_558 = tpu.vector_load %get3A_556[%get3A_557] {strides = array<i32>} : memref<1056xf32, #tpu.memory_space<vmem>>, vector<16xf32>,
      %mul3A_559 = arith.mulf %get3A_558, %get3A_440 : vector<16xf32>
      %add3A_560 = arith.addf %add3A_554, %mul3A_559 : vector<16xf32>
      %get3A_561 = arith.constant 320 : i32
      %get3A_562 = tpu.memref_slice %arg7[%get3A_561] : memref<2400xf32, #tpu.memory_space<vmem>> -> memref<1056xf32, #tpu.memory_space<vmem>>
      %get3A_563 = arith.constant 208 : index
      %get3A_564 = tpu.vector_load %get3A_562[%get3A_563] {strides = array<i32>} : memref<1056xf32, #tpu.memory_space<vmem>>, vector<16xf32>,
      %mul3A_565 = arith.mulf %get3A_564, %get3A_444 : vector<16xf32>
      %add3A_566 = arith.addf %add3A_560, %mul3A_565 : vector<16xf32>
      %get3A_567 = arith.constant 320 : i32
      %get3A_568 = tpu.memref_slice %arg7[%get3A_567] : memref<2400xf32, #tpu.memory_space<vmem>> -> memref<1056xf32, #tpu.memory_space<vmem>>
      %get3A_569 = arith.constant 288 : index
      %get3A_570 = tpu.vector_load %get3A_568[%get3A_569] {strides = array<i32>} : memref<1056xf32, #tpu.memory_space<vmem>>, vector<16xf32>,
      %mul3A_571 = arith.mulf %get3A_570, %get3A_448 : vector<16xf32>
      %add3A_572 = arith.addf %add3A_566, %mul3A_571 : vector<16xf32>
      %get3A_573 = arith.constant 320 : i32
      %get3A_574 = tpu.memref_slice %arg7[%get3A_573] : memref<2400xf32, #tpu.memory_space<vmem>> -> memref<1056xf32, #tpu.memory_space<vmem>>
      %get3A_575 = arith.constant 368 : index
      %get3A_576 = tpu.vector_load %get3A_574[%get3A_575] {strides = array<i32>} : memref<1056xf32, #tpu.memory_space<vmem>>, vector<16xf32>,
      %mul3A_577 = arith.mulf %get3A_576, %get3A_452 : vector<16xf32>
      %add3A_578 = arith.addf %add3A_572, %mul3A_577 : vector<16xf32>
      %swap3A_579 = arith.constant 224 : index
      %swap3A_580 = tpu.vector_load %arg9[%swap3A_579] {strides = array<i32>} : memref<320xf32, #tpu.memory_space<vmem>>, vector<16xf32>,
      tpu.vector_store %arg9[%swap3A_579], %add3A_578 {strides = array<i32>} : memref<320xf32, #tpu.memory_space<vmem>>, vector<16xf32>,
      %get3A_581 = arith.constant 320 : i32
      %get3A_582 = tpu.memref_slice %arg7[%get3A_581] : memref<2400xf32, #tpu.memory_space<vmem>> -> memref<1056xf32, #tpu.memory_space<vmem>>
      %get3A_583 = arith.constant 64 : index
      %get3A_584 = tpu.vector_load %get3A_582[%get3A_583] {strides = array<i32>} : memref<1056xf32, #tpu.memory_space<vmem>>, vector<16xf32>,
      %mul3A_585 = arith.mulf %get3A_584, %get3A_436 : vector<16xf32>
      %add3A_586 = arith.addf %broadcast_in_dim3A_30, %mul3A_585 : vector<16xf32>
      %get3A_587 = arith.constant 320 : i32
      %get3A_588 = tpu.memref_slice %arg7[%get3A_587] : memref<2400xf32, #tpu.memory_space<vmem>> -> memref<1056xf32, #tpu.memory_space<vmem>>
      %get3A_589 = arith.constant 144 : index
      %get3A_590 = tpu.vector_load %get3A_588[%get3A_589] {strides = array<i32>} : memref<1056xf32, #tpu.memory_space<vmem>>, vector<16xf32>,
      %mul3A_591 = arith.mulf %get3A_590, %get3A_440 : vector<16xf32>
      %add3A_592 = arith.addf %add3A_586, %mul3A_591 : vector<16xf32>
      %get3A_593 = arith.constant 320 : i32
      %get3A_594 = tpu.memref_slice %arg7[%get3A_593] : memref<2400xf32, #tpu.memory_space<vmem>> -> memref<1056xf32, #tpu.memory_space<vmem>>
      %get3A_595 = arith.constant 224 : index
      %get3A_596 = tpu.vector_load %get3A_594[%get3A_595] {strides = array<i32>} : memref<1056xf32, #tpu.memory_space<vmem>>, vector<16xf32>,
      %mul3A_597 = arith.mulf %get3A_596, %get3A_444 : vector<16xf32>
      %add3A_598 = arith.addf %add3A_592, %mul3A_597 : vector<16xf32>
      %get3A_599 = arith.constant 320 : i32
      %get3A_600 = tpu.memref_slice %arg7[%get3A_599] : memref<2400xf32, #tpu.memory_space<vmem>> -> memref<1056xf32, #tpu.memory_space<vmem>>
      %get3A_601 = arith.constant 304 : index
      %get3A_602 = tpu.vector_load %get3A_600[%get3A_601] {strides = array<i32>} : memref<1056xf32, #tpu.memory_space<vmem>>, vector<16xf32>,
      %mul3A_603 = arith.mulf %get3A_602, %get3A_448 : vector<16xf32>
      %add3A_604 = arith.addf %add3A_598, %mul3A_603 : vector<16xf32>
      %get3A_605 = arith.constant 320 : i32
      %get3A_606 = tpu.memref_slice %arg7[%get3A_605] : memref<2400xf32, #tpu.memory_space<vmem>> -> memref<1056xf32, #tpu.memory_space<vmem>>
      %get3A_607 = arith.constant 384 : index
      %get3A_608 = tpu.vector_load %get3A_606[%get3A_607] {strides = array<i32>} : memref<1056xf32, #tpu.memory_space<vmem>>, vector<16xf32>,
      %mul3A_609 = arith.mulf %get3A_608, %get3A_452 : vector<16xf32>
      %add3A_610 = arith.addf %add3A_604, %mul3A_609 : vector<16xf32>
      %swap3A_611 = arith.constant 288 : index
      %swap3A_612 = tpu.vector_load %arg9[%swap3A_611] {strides = array<i32>} : memref<320xf32, #tpu.memory_space<vmem>>, vector<16xf32>,
      tpu.vector_store %arg9[%swap3A_611], %add3A_610 {strides = array<i32>} : memref<320xf32, #tpu.memory_space<vmem>>, vector<16xf32>,
      %get3A_613 = arith.constant 0 : i32
      %get3A_614 = tpu.memref_slice %arg7[%get3A_613] : memref<2400xf32, #tpu.memory_space<vmem>> -> memref<320xf32, #tpu.memory_space<vmem>>
      %get3A_615 = arith.constant 48 : index
      %get3A_616 = tpu.vector_load %get3A_614[%get3A_615] {strides = array<i32>} : memref<320xf32, #tpu.memory_space<vmem>>, vector<16xf32>,
      %get3A_617 = arith.constant 0 : i32
      %get3A_618 = tpu.memref_slice %arg7[%get3A_617] : memref<2400xf32, #tpu.memory_space<vmem>> -> memref<320xf32, #tpu.memory_space<vmem>>
      %get3A_619 = arith.constant 112 : index
      %get3A_620 = tpu.vector_load %get3A_618[%get3A_619] {strides = array<i32>} : memref<320xf32, #tpu.memory_space<vmem>>, vector<16xf32>,
      %get3A_621 = arith.constant 0 : i32
      %get3A_622 = tpu.memref_slice %arg7[%get3A_621] : memref<2400xf32, #tpu.memory_space<vmem>> -> memref<320xf32, #tpu.memory_space<vmem>>
      %get3A_623 = arith.constant 176 : index
      %get3A_624 = tpu.vector_load %get3A_622[%get3A_623] {strides = array<i32>} : memref<320xf32, #tpu.memory_space<vmem>>, vector<16xf32>,
      %get3A_625 = arith.constant 0 : i32
      %get3A_626 = tpu.memref_slice %arg7[%get3A_625] : memref<2400xf32, #tpu.memory_space<vmem>> -> memref<320xf32, #tpu.memory_space<vmem>>
      %get3A_627 = arith.constant 240 : index
      %get3A_628 = tpu.vector_load %get3A_626[%get3A_627] {strides = array<i32>} : memref<320xf32, #tpu.memory_space<vmem>>, vector<16xf32>,
      %get3A_629 = arith.constant 0 : i32
      %get3A_630 = tpu.memref_slice %arg7[%get3A_629] : memref<2400xf32, #tpu.memory_space<vmem>> -> memref<320xf32, #tpu.memory_space<vmem>>
      %get3A_631 = arith.constant 304 : index
      %get3A_632 = tpu.vector_load %get3A_630[%get3A_631] {strides = array<i32>} : memref<320xf32, #tpu.memory_space<vmem>>, vector<16xf32>,
      %get3A_633 = arith.constant 320 : i32
      %get3A_634 = tpu.memref_slice %arg7[%get3A_633] : memref<2400xf32, #tpu.memory_space<vmem>> -> memref<1056xf32, #tpu.memory_space<vmem>>
      %get3A_635 = arith.constant 0 : index
      %get3A_636 = tpu.vector_load %get3A_634[%get3A_635] {strides = array<i32>} : memref<1056xf32, #tpu.memory_space<vmem>>, vector<16xf32>,
      %mul3A_637 = arith.mulf %get3A_636, %get3A_616 : vector<16xf32>
      %add3A_638 = arith.addf %broadcast_in_dim3A_30, %mul3A_637 : vector<16xf32>
      %get3A_639 = arith.constant 320 : i32
      %get3A_640 = tpu.memref_slice %arg7[%get3A_639] : memref<2400xf32, #tpu.memory_space<vmem>> -> memref<1056xf32, #tpu.memory_space<vmem>>
      %get3A_641 = arith.constant 80 : index
      %get3A_642 = tpu.vector_load %get3A_640[%get3A_641] {strides = array<i32>} : memref<1056xf32, #tpu.memory_space<vmem>>, vector<16xf32>,
      %mul3A_643 = arith.mulf %get3A_642, %get3A_620 : vector<16xf32>
      %add3A_644 = arith.addf %add3A_638, %mul3A_643 : vector<16xf32>
      %get3A_645 = arith.constant 320 : i32
      %get3A_646 = tpu.memref_slice %arg7[%get3A_645] : memref<2400xf32, #tpu.memory_space<vmem>> -> memref<1056xf32, #tpu.memory_space<vmem>>
      %get3A_647 = arith.constant 160 : index
      %get3A_648 = tpu.vector_load %get3A_646[%get3A_647] {strides = array<i32>} : memref<1056xf32, #tpu.memory_space<vmem>>, vector<16xf32>,
      %mul3A_649 = arith.mulf %get3A_648, %get3A_624 : vector<16xf32>
      %add3A_650 = arith.addf %add3A_644, %mul3A_649 : vector<16xf32>
      %get3A_651 = arith.constant 320 : i32
      %get3A_652 = tpu.memref_slice %arg7[%get3A_651] : memref<2400xf32, #tpu.memory_space<vmem>> -> memref<1056xf32, #tpu.memory_space<vmem>>
      %get3A_653 = arith.constant 240 : index
      %get3A_654 = tpu.vector_load %get3A_652[%get3A_653] {strides = array<i32>} : memref<1056xf32, #tpu.memory_space<vmem>>, vector<16xf32>,
      %mul3A_655 = arith.mulf %get3A_654, %get3A_628 : vector<16xf32>
      %add3A_656 = arith.addf %add3A_650, %mul3A_655 : vector<16xf32>
      %get3A_657 = arith.constant 320 : i32
      %get3A_658 = tpu.memref_slice %arg7[%get3A_657] : memref<2400xf32, #tpu.memory_space<vmem>> -> memref<1056xf32, #tpu.memory_space<vmem>>
      %get3A_659 = arith.constant 320 : index
      %get3A_660 = tpu.vector_load %get3A_658[%get3A_659] {strides = array<i32>} : memref<1056xf32, #tpu.memory_space<vmem>>, vector<16xf32>,
      %mul3A_661 = arith.mulf %get3A_660, %get3A_632 : vector<16xf32>
      %add3A_662 = arith.addf %add3A_656, %mul3A_661 : vector<16xf32>
      %swap3A_663 = arith.constant 48 : index
      %swap3A_664 = tpu.vector_load %arg9[%swap3A_663] {strides = array<i32>} : memref<320xf32, #tpu.memory_space<vmem>>, vector<16xf32>,
      tpu.vector_store %arg9[%swap3A_663], %add3A_662 {strides = array<i32>} : memref<320xf32, #tpu.memory_space<vmem>>, vector<16xf32>,
      %get3A_665 = arith.constant 320 : i32
      %get3A_666 = tpu.memref_slice %arg7[%get3A_665] : memref<2400xf32, #tpu.memory_space<vmem>> -> memref<1056xf32, #tpu.memory_space<vmem>>
      %get3A_667 = arith.constant 16 : index
      %get3A_668 = tpu.vector_load %get3A_666[%get3A_667] {strides = array<i32>} : memref<1056xf32, #tpu.memory_space<vmem>>, vector<16xf32>,
      %mul3A_669 = arith.mulf %get3A_668, %get3A_616 : vector<16xf32>
      %add3A_670 = arith.addf %broadcast_in_dim3A_30, %mul3A_669 : vector<16xf32>
      %get3A_671 = arith.constant 320 : i32
      %get3A_672 = tpu.memref_slice %arg7[%get3A_671] : memref<2400xf32, #tpu.memory_space<vmem>> -> memref<1056xf32, #tpu.memory_space<vmem>>
      %get3A_673 = arith.constant 96 : index
      %get3A_674 = tpu.vector_load %get3A_672[%get3A_673] {strides = array<i32>} : memref<1056xf32, #tpu.memory_space<vmem>>, vector<16xf32>,
      %mul3A_675 = arith.mulf %get3A_674, %get3A_620 : vector<16xf32>
      %add3A_676 = arith.addf %add3A_670, %mul3A_675 : vector<16xf32>
      %get3A_677 = arith.constant 320 : i32
      %get3A_678 = tpu.memref_slice %arg7[%get3A_677] : memref<2400xf32, #tpu.memory_space<vmem>> -> memref<1056xf32, #tpu.memory_space<vmem>>
      %get3A_679 = arith.constant 176 : index
      %get3A_680 = tpu.vector_load %get3A_678[%get3A_679] {strides = array<i32>} : memref<1056xf32, #tpu.memory_space<vmem>>, vector<16xf32>,
      %mul3A_681 = arith.mulf %get3A_680, %get3A_624 : vector<16xf32>
      %add3A_682 = arith.addf %add3A_676, %mul3A_681 : vector<16xf32>
      %get3A_683 = arith.constant 320 : i32
      %get3A_684 = tpu.memref_slice %arg7[%get3A_683] : memref<2400xf32, #tpu.memory_space<vmem>> -> memref<1056xf32, #tpu.memory_space<vmem>>
      %get3A_685 = arith.constant 256 : index
      %get3A_686 = tpu.vector_load %get3A_684[%get3A_685] {strides = array<i32>} : memref<1056xf32, #tpu.memory_space<vmem>>, vector<16xf32>,
      %mul3A_687 = arith.mulf %get3A_686, %get3A_628 : vector<16xf32>
      %add3A_688 = arith.addf %add3A_682, %mul3A_687 : vector<16xf32>
      %get3A_689 = arith.constant 320 : i32
      %get3A_690 = tpu.memref_slice %arg7[%get3A_689] : memref<2400xf32, #tpu.memory_space<vmem>> -> memref<1056xf32, #tpu.memory_space<vmem>>
      %get3A_691 = arith.constant 336 : index
      %get3A_692 = tpu.vector_load %get3A_690[%get3A_691] {strides = array<i32>} : memref<1056xf32, #tpu.memory_space<vmem>>, vector<16xf32>,
      %mul3A_693 = arith.mulf %get3A_692, %get3A_632 : vector<16xf32>
      %add3A_694 = arith.addf %add3A_688, %mul3A_693 : vector<16xf32>
      %swap3A_695 = arith.constant 112 : index
      %swap3A_696 = tpu.vector_load %arg9[%swap3A_695] {strides = array<i32>} : memref<320xf32, #tpu.memory_space<vmem>>, vector<16xf32>,
      tpu.vector_store %arg9[%swap3A_695], %add3A_694 {strides = array<i32>} : memref<320xf32, #tpu.memory_space<vmem>>, vector<16xf32>,
      %get3A_697 = arith.constant 320 : i32
      %get3A_698 = tpu.memref_slice %arg7[%get3A_697] : memref<2400xf32, #tpu.memory_space<vmem>> -> memref<1056xf32, #tpu.memory_space<vmem>>
      %get3A_699 = arith.constant 32 : index
      %get3A_700 = tpu.vector_load %get3A_698[%get3A_699] {strides = array<i32>} : memref<1056xf32, #tpu.memory_space<vmem>>, vector<16xf32>,
      %mul3A_701 = arith.mulf %get3A_700, %get3A_616 : vector<16xf32>
      %add3A_702 = arith.addf %broadcast_in_dim3A_30, %mul3A_701 : vector<16xf32>
      %get3A_703 = arith.constant 320 : i32
      %get3A_704 = tpu.memref_slice %arg7[%get3A_703] : memref<2400xf32, #tpu.memory_space<vmem>> -> memref<1056xf32, #tpu.memory_space<vmem>>
      %get3A_705 = arith.constant 112 : index
      %get3A_706 = tpu.vector_load %get3A_704[%get3A_705] {strides = array<i32>} : memref<1056xf32, #tpu.memory_space<vmem>>, vector<16xf32>,
      %mul3A_707 = arith.mulf %get3A_706, %get3A_620 : vector<16xf32>
      %add3A_708 = arith.addf %add3A_702, %mul3A_707 : vector<16xf32>
      %get3A_709 = arith.constant 320 : i32
      %get3A_710 = tpu.memref_slice %arg7[%get3A_709] : memref<2400xf32, #tpu.memory_space<vmem>> -> memref<1056xf32, #tpu.memory_space<vmem>>
      %get3A_711 = arith.constant 192 : index
      %get3A_712 = tpu.vector_load %get3A_710[%get3A_711] {strides = array<i32>} : memref<1056xf32, #tpu.memory_space<vmem>>, vector<16xf32>,
      %mul3A_713 = arith.mulf %get3A_712, %get3A_624 : vector<16xf32>
      %add3A_714 = arith.addf %add3A_708, %mul3A_713 : vector<16xf32>
      %get3A_715 = arith.constant 320 : i32
      %get3A_716 = tpu.memref_slice %arg7[%get3A_715] : memref<2400xf32, #tpu.memory_space<vmem>> -> memref<1056xf32, #tpu.memory_space<vmem>>
      %get3A_717 = arith.constant 272 : index
      %get3A_718 = tpu.vector_load %get3A_716[%get3A_717] {strides = array<i32>} : memref<1056xf32, #tpu.memory_space<vmem>>, vector<16xf32>,
      %mul3A_719 = arith.mulf %get3A_718, %get3A_628 : vector<16xf32>
      %add3A_720 = arith.addf %add3A_714, %mul3A_719 : vector<16xf32>
      %get3A_721 = arith.constant 320 : i32
      %get3A_722 = tpu.memref_slice %arg7[%get3A_721] : memref<2400xf32, #tpu.memory_space<vmem>> -> memref<1056xf32, #tpu.memory_space<vmem>>
      %get3A_723 = arith.constant 352 : index
      %get3A_724 = tpu.vector_load %get3A_722[%get3A_723] {strides = array<i32>} : memref<1056xf32, #tpu.memory_space<vmem>>, vector<16xf32>,
      %mul3A_725 = arith.mulf %get3A_724, %get3A_632 : vector<16xf32>
      %add3A_726 = arith.addf %add3A_720, %mul3A_725 : vector<16xf32>
      %swap3A_727 = arith.constant 176 : index
      %swap3A_728 = tpu.vector_load %arg9[%swap3A_727] {strides = array<i32>} : memref<320xf32, #tpu.memory_space<vmem>>, vector<16xf32>,
      tpu.vector_store %arg9[%swap3A_727], %add3A_726 {strides = array<i32>} : memref<320xf32, #tpu.memory_space<vmem>>, vector<16xf32>,
      %get3A_729 = arith.constant 320 : i32
      %get3A_730 = tpu.memref_slice %arg7[%get3A_729] : memref<2400xf32, #tpu.memory_space<vmem>> -> memref<1056xf32, #tpu.memory_space<vmem>>
      %get3A_731 = arith.constant 48 : index
      %get3A_732 = tpu.vector_load %get3A_730[%get3A_731] {strides = array<i32>} : memref<1056xf32, #tpu.memory_space<vmem>>, vector<16xf32>,
      %mul3A_733 = arith.mulf %get3A_732, %get3A_616 : vector<16xf32>
      %add3A_734 = arith.addf %broadcast_in_dim3A_30, %mul3A_733 : vector<16xf32>
      %get3A_735 = arith.constant 320 : i32
      %get3A_736 = tpu.memref_slice %arg7[%get3A_735] : memref<2400xf32, #tpu.memory_space<vmem>> -> memref<1056xf32, #tpu.memory_space<vmem>>
      %get3A_737 = arith.constant 128 : index
      %get3A_738 = tpu.vector_load %get3A_736[%get3A_737] {strides = array<i32>} : memref<1056xf32, #tpu.memory_space<vmem>>, vector<16xf32>,
      %mul3A_739 = arith.mulf %get3A_738, %get3A_620 : vector<16xf32>
      %add3A_740 = arith.addf %add3A_734, %mul3A_739 : vector<16xf32>
      %get3A_741 = arith.constant 320 : i32
      %get3A_742 = tpu.memref_slice %arg7[%get3A_741] : memref<2400xf32, #tpu.memory_space<vmem>> -> memref<1056xf32, #tpu.memory_space<vmem>>
      %get3A_743 = arith.constant 208 : index
      %get3A_744 = tpu.vector_load %get3A_742[%get3A_743] {strides = array<i32>} : memref<1056xf32, #tpu.memory_space<vmem>>, vector<16xf32>,
      %mul3A_745 = arith.mulf %get3A_744, %get3A_624 : vector<16xf32>
      %add3A_746 = arith.addf %add3A_740, %mul3A_745 : vector<16xf32>
      %get3A_747 = arith.constant 320 : i32
      %get3A_748 = tpu.memref_slice %arg7[%get3A_747] : memref<2400xf32, #tpu.memory_space<vmem>> -> memref<1056xf32, #tpu.memory_space<vmem>>
      %get3A_749 = arith.constant 288 : index
      %get3A_750 = tpu.vector_load %get3A_748[%get3A_749] {strides = array<i32>} : memref<1056xf32, #tpu.memory_space<vmem>>, vector<16xf32>,
      %mul3A_751 = arith.mulf %get3A_750, %get3A_628 : vector<16xf32>
      %add3A_752 = arith.addf %add3A_746, %mul3A_751 : vector<16xf32>
      %get3A_753 = arith.constant 320 : i32
      %get3A_754 = tpu.memref_slice %arg7[%get3A_753] : memref<2400xf32, #tpu.memory_space<vmem>> -> memref<1056xf32, #tpu.memory_space<vmem>>
      %get3A_755 = arith.constant 368 : index
      %get3A_756 = tpu.vector_load %get3A_754[%get3A_755] {strides = array<i32>} : memref<1056xf32, #tpu.memory_space<vmem>>, vector<16xf32>,
      %mul3A_757 = arith.mulf %get3A_756, %get3A_632 : vector<16xf32>
      %add3A_758 = arith.addf %add3A_752, %mul3A_757 : vector<16xf32>
      %swap3A_759 = arith.constant 240 : index
      %swap3A_760 = tpu.vector_load %arg9[%swap3A_759] {strides = array<i32>} : memref<320xf32, #tpu.memory_space<vmem>>, vector<16xf32>,
      tpu.vector_store %arg9[%swap3A_759], %add3A_758 {strides = array<i32>} : memref<320xf32, #tpu.memory_space<vmem>>, vector<16xf32>,
      %get3A_761 = arith.constant 320 : i32
      %get3A_762 = tpu.memref_slice %arg7[%get3A_761] : memref<2400xf32, #tpu.memory_space<vmem>> -> memref<1056xf32, #tpu.memory_space<vmem>>
      %get3A_763 = arith.constant 64 : index
      %get3A_764 = tpu.vector_load %get3A_762[%get3A_763] {strides = array<i32>} : memref<1056xf32, #tpu.memory_space<vmem>>, vector<16xf32>,
      %mul3A_765 = arith.mulf %get3A_764, %get3A_616 : vector<16xf32>
      %add3A_766 = arith.addf %broadcast_in_dim3A_30, %mul3A_765 : vector<16xf32>
      %get3A_767 = arith.constant 320 : i32
      %get3A_768 = tpu.memref_slice %arg7[%get3A_767] : memref<2400xf32, #tpu.memory_space<vmem>> -> memref<1056xf32, #tpu.memory_space<vmem>>
      %get3A_769 = arith.constant 144 : index
      %get3A_770 = tpu.vector_load %get3A_768[%get3A_769] {strides = array<i32>} : memref<1056xf32, #tpu.memory_space<vmem>>, vector<16xf32>,
      %mul3A_771 = arith.mulf %get3A_770, %get3A_620 : vector<16xf32>
      %add3A_772 = arith.addf %add3A_766, %mul3A_771 : vector<16xf32>
      %get3A_773 = arith.constant 320 : i32
      %get3A_774 = tpu.memref_slice %arg7[%get3A_773] : memref<2400xf32, #tpu.memory_space<vmem>> -> memref<1056xf32, #tpu.memory_space<vmem>>
      %get3A_775 = arith.constant 224 : index
      %get3A_776 = tpu.vector_load %get3A_774[%get3A_775] {strides = array<i32>} : memref<1056xf32, #tpu.memory_space<vmem>>, vector<16xf32>,
      %mul3A_777 = arith.mulf %get3A_776, %get3A_624 : vector<16xf32>
      %add3A_778 = arith.addf %add3A_772, %mul3A_777 : vector<16xf32>
      %get3A_779 = arith.constant 320 : i32
      %get3A_780 = tpu.memref_slice %arg7[%get3A_779] : memref<2400xf32, #tpu.memory_space<vmem>> -> memref<1056xf32, #tpu.memory_space<vmem>>
      %get3A_781 = arith.constant 304 : index
      %get3A_782 = tpu.vector_load %get3A_780[%get3A_781] {strides = array<i32>} : memref<1056xf32, #tpu.memory_space<vmem>>, vector<16xf32>,
      %mul3A_783 = arith.mulf %get3A_782, %get3A_628 : vector<16xf32>
      %add3A_784 = arith.addf %add3A_778, %mul3A_783 : vector<16xf32>
      %get3A_785 = arith.constant 320 : i32
      %get3A_786 = tpu.memref_slice %arg7[%get3A_785] : memref<2400xf32, #tpu.memory_space<vmem>> -> memref<1056xf32, #tpu.memory_space<vmem>>
      %get3A_787 = arith.constant 384 : index
      %get3A_788 = tpu.vector_load %get3A_786[%get3A_787] {strides = array<i32>} : memref<1056xf32, #tpu.memory_space<vmem>>, vector<16xf32>,
      %mul3A_789 = arith.mulf %get3A_788, %get3A_632 : vector<16xf32>
      %add3A_790 = arith.addf %add3A_784, %mul3A_789 : vector<16xf32>
      %swap3A_791 = arith.constant 304 : index
      %swap3A_792 = tpu.vector_load %arg9[%swap3A_791] {strides = array<i32>} : memref<320xf32, #tpu.memory_space<vmem>>, vector<16xf32>,
      tpu.vector_store %arg9[%swap3A_791], %add3A_790 {strides = array<i32>} : memref<320xf32, #tpu.memory_space<vmem>>, vector<16xf32>,
      %swap3A_793 = arith.constant 0 : index
      %swap3A_794 = tpu.vector_load %arg10[%swap3A_793] {strides = array<i32>} : memref<320xf32, #tpu.memory_space<vmem>>, vector<16xf32>,
      tpu.vector_store %arg10[%swap3A_793], %broadcast_in_dim3A_30 {strides = array<i32>} : memref<320xf32, #tpu.memory_space<vmem>>, vector<16xf32>,
      %swap3A_795 = arith.constant 16 : index
      %swap3A_796 = tpu.vector_load %arg10[%swap3A_795] {strides = array<i32>} : memref<320xf32, #tpu.memory_space<vmem>>, vector<16xf32>,
      tpu.vector_store %arg10[%swap3A_795], %broadcast_in_dim3A_30 {strides = array<i32>} : memref<320xf32, #tpu.memory_space<vmem>>, vector<16xf32>,
      %swap3A_797 = arith.constant 32 : index
      %swap3A_798 = tpu.vector_load %arg10[%swap3A_797] {strides = array<i32>} : memref<320xf32, #tpu.memory_space<vmem>>, vector<16xf32>,
      tpu.vector_store %arg10[%swap3A_797], %broadcast_in_dim3A_30 {strides = array<i32>} : memref<320xf32, #tpu.memory_space<vmem>>, vector<16xf32>,
      %swap3A_799 = arith.constant 48 : index
      %swap3A_800 = tpu.vector_load %arg10[%swap3A_799] {strides = array<i32>} : memref<320xf32, #tpu.memory_space<vmem>>, vector<16xf32>,
      tpu.vector_store %arg10[%swap3A_799], %broadcast_in_dim3A_30 {strides = array<i32>} : memref<320xf32, #tpu.memory_space<vmem>>, vector<16xf32>,
      %swap3A_801 = arith.constant 64 : index
      %swap3A_802 = tpu.vector_load %arg10[%swap3A_801] {strides = array<i32>} : memref<320xf32, #tpu.memory_space<vmem>>, vector<16xf32>,
      tpu.vector_store %arg10[%swap3A_801], %broadcast_in_dim3A_30 {strides = array<i32>} : memref<320xf32, #tpu.memory_space<vmem>>, vector<16xf32>,
      %swap3A_803 = arith.constant 80 : index
      %swap3A_804 = tpu.vector_load %arg10[%swap3A_803] {strides = array<i32>} : memref<320xf32, #tpu.memory_space<vmem>>, vector<16xf32>,
      tpu.vector_store %arg10[%swap3A_803], %broadcast_in_dim3A_30 {strides = array<i32>} : memref<320xf32, #tpu.memory_space<vmem>>, vector<16xf32>,
      %swap3A_805 = arith.constant 96 : index
      %swap3A_806 = tpu.vector_load %arg10[%swap3A_805] {strides = array<i32>} : memref<320xf32, #tpu.memory_space<vmem>>, vector<16xf32>,
      tpu.vector_store %arg10[%swap3A_805], %broadcast_in_dim3A_30 {strides = array<i32>} : memref<320xf32, #tpu.memory_space<vmem>>, vector<16xf32>,
      %swap3A_807 = arith.constant 112 : index
      %swap3A_808 = tpu.vector_load %arg10[%swap3A_807] {strides = array<i32>} : memref<320xf32, #tpu.memory_space<vmem>>, vector<16xf32>,
      tpu.vector_store %arg10[%swap3A_807], %broadcast_in_dim3A_30 {strides = array<i32>} : memref<320xf32, #tpu.memory_space<vmem>>, vector<16xf32>,
      %swap3A_809 = arith.constant 128 : index
      %swap3A_810 = tpu.vector_load %arg10[%swap3A_809] {strides = array<i32>} : memref<320xf32, #tpu.memory_space<vmem>>, vector<16xf32>,
      tpu.vector_store %arg10[%swap3A_809], %broadcast_in_dim3A_30 {strides = array<i32>} : memref<320xf32, #tpu.memory_space<vmem>>, vector<16xf32>,
      %swap3A_811 = arith.constant 144 : index
      %swap3A_812 = tpu.vector_load %arg10[%swap3A_811] {strides = array<i32>} : memref<320xf32, #tpu.memory_space<vmem>>, vector<16xf32>,
      tpu.vector_store %arg10[%swap3A_811], %broadcast_in_dim3A_30 {strides = array<i32>} : memref<320xf32, #tpu.memory_space<vmem>>, vector<16xf32>,
      %swap3A_813 = arith.constant 160 : index
      %swap3A_814 = tpu.vector_load %arg10[%swap3A_813] {strides = array<i32>} : memref<320xf32, #tpu.memory_space<vmem>>, vector<16xf32>,
      tpu.vector_store %arg10[%swap3A_813], %broadcast_in_dim3A_30 {strides = array<i32>} : memref<320xf32, #tpu.memory_space<vmem>>, vector<16xf32>,
      %swap3A_815 = arith.constant 176 : index
      %swap3A_816 = tpu.vector_load %arg10[%swap3A_815] {strides = array<i32>} : memref<320xf32, #tpu.memory_space<vmem>>, vector<16xf32>,
      tpu.vector_store %arg10[%swap3A_815], %broadcast_in_dim3A_30 {strides = array<i32>} : memref<320xf32, #tpu.memory_space<vmem>>, vector<16xf32>,
      %swap3A_817 = arith.constant 192 : index
      %swap3A_818 = tpu.vector_load %arg10[%swap3A_817] {strides = array<i32>} : memref<320xf32, #tpu.memory_space<vmem>>, vector<16xf32>,
      tpu.vector_store %arg10[%swap3A_817], %broadcast_in_dim3A_30 {strides = array<i32>} : memref<320xf32, #tpu.memory_space<vmem>>, vector<16xf32>,
      %swap3A_819 = arith.constant 208 : index
      %swap3A_820 = tpu.vector_load %arg10[%swap3A_819] {strides = array<i32>} : memref<320xf32, #tpu.memory_space<vmem>>, vector<16xf32>,
      tpu.vector_store %arg10[%swap3A_819], %broadcast_in_dim3A_30 {strides = array<i32>} : memref<320xf32, #tpu.memory_space<vmem>>, vector<16xf32>,
      %swap3A_821 = arith.constant 224 : index
      %swap3A_822 = tpu.vector_load %arg10[%swap3A_821] {strides = array<i32>} : memref<320xf32, #tpu.memory_space<vmem>>, vector<16xf32>,
      tpu.vector_store %arg10[%swap3A_821], %broadcast_in_dim3A_30 {strides = array<i32>} : memref<320xf32, #tpu.memory_space<vmem>>, vector<16xf32>,
      %swap3A_823 = arith.constant 240 : index
      %swap3A_824 = tpu.vector_load %arg10[%swap3A_823] {strides = array<i32>} : memref<320xf32, #tpu.memory_space<vmem>>, vector<16xf32>,
      tpu.vector_store %arg10[%swap3A_823], %broadcast_in_dim3A_30 {strides = array<i32>} : memref<320xf32, #tpu.memory_space<vmem>>, vector<16xf32>,
      %swap3A_825 = arith.constant 256 : index
      %swap3A_826 = tpu.vector_load %arg10[%swap3A_825] {strides = array<i32>} : memref<320xf32, #tpu.memory_space<vmem>>, vector<16xf32>,
      tpu.vector_store %arg10[%swap3A_825], %broadcast_in_dim3A_30 {strides = array<i32>} : memref<320xf32, #tpu.memory_space<vmem>>, vector<16xf32>,
      %swap3A_827 = arith.constant 272 : index
      %swap3A_828 = tpu.vector_load %arg10[%swap3A_827] {strides = array<i32>} : memref<320xf32, #tpu.memory_space<vmem>>, vector<16xf32>,
      tpu.vector_store %arg10[%swap3A_827], %broadcast_in_dim3A_30 {strides = array<i32>} : memref<320xf32, #tpu.memory_space<vmem>>, vector<16xf32>,
      %swap3A_829 = arith.constant 288 : index
      %swap3A_830 = tpu.vector_load %arg10[%swap3A_829] {strides = array<i32>} : memref<320xf32, #tpu.memory_space<vmem>>, vector<16xf32>,
      tpu.vector_store %arg10[%swap3A_829], %broadcast_in_dim3A_30 {strides = array<i32>} : memref<320xf32, #tpu.memory_space<vmem>>, vector<16xf32>,
      %swap3A_831 = arith.constant 304 : index
      %swap3A_832 = tpu.vector_load %arg10[%swap3A_831] {strides = array<i32>} : memref<320xf32, #tpu.memory_space<vmem>>, vector<16xf32>,
      tpu.vector_store %arg10[%swap3A_831], %broadcast_in_dim3A_30 {strides = array<i32>} : memref<320xf32, #tpu.memory_space<vmem>>, vector<16xf32>,
      %parallel_loop3A_833 = arith.constant 0 : i32
      %parallel_loop3A_834 = arith.constant 800 : i32
      %parallel_loop3A_835 = arith.constant 16 : i32
      scf.for %parallel_loop3A_2932 = %parallel_loop3A_833 to %parallel_loop3A_834 step %parallel_loop3A_835  : i32 {
        %parallel_loop3A_2933 = arith.index_cast %parallel_loop3A_2932 : i32 to index
        %parallel_loop3A_2934 = tpu.vector_load %arg5[%parallel_loop3A_2933] {strides = array<i32>} : memref<800xi32, #tpu.memory_space<vmem>>, vector<16xi32>,
        %parallel_loop3A_2935 = arith.index_cast %parallel_loop3A_2932 : i32 to index
        %parallel_loop3A_2936 = tpu.vector_load %arg6[%parallel_loop3A_2935] {strides = array<i32>} : memref<800xi32, #tpu.memory_space<vmem>>, vector<16xi32>,
        %parallel_loop3A_2937 = arith.index_cast %parallel_loop3A_2932 : i32 to index
        %parallel_loop3A_2938 = tpu.vector_load %arg11[%parallel_loop3A_2937] {strides = array<i32>} : memref<800xf32, #tpu.memory_space<vmem>>, vector<16xf32>,
        %parallel_loop3A_2939 = arith.constant 0 : i32
        %parallel_loop3A_2940 = vector.broadcast %parallel_loop3A_2939 : i32 to vector<16xi32>
        %parallel_loop3A_2941 = arith.addi %parallel_loop3A_2934, %parallel_loop3A_2940 : vector<16xi32>
        %parallel_loop3A_2942 = tpu.vector_load_idx %arg9[%parallel_loop3A_2941] : memref<320xf32, #tpu.memory_space<vmem>>[vector<16xi32>], vector<16xf32>,
        %parallel_loop3A_2943 = arith.mulf %parallel_loop3A_2942, %parallel_loop3A_2938 : vector<16xf32>
        %parallel_loop3A_2944 = arith.constant 0 : i32
        %parallel_loop3A_2945 = vector.broadcast %parallel_loop3A_2944 : i32 to vector<16xi32>
        %parallel_loop3A_2946 = arith.addi %parallel_loop3A_2936, %parallel_loop3A_2945 : vector<16xi32>
        tpu.vector_store_idx %arg10[%parallel_loop3A_2946], %parallel_loop3A_2943 {add = true} : memref<320xf32, #tpu.memory_space<vmem>>[vector<16xi32>], vector<16xf32>,
        %parallel_loop3A_2947 = arith.constant 64 : i32
        %parallel_loop3A_2948 = vector.broadcast %parallel_loop3A_2947 : i32 to vector<16xi32>
        %parallel_loop3A_2949 = arith.addi %parallel_loop3A_2934, %parallel_loop3A_2948 : vector<16xi32>
        %parallel_loop3A_2950 = tpu.vector_load_idx %arg9[%parallel_loop3A_2949] : memref<320xf32, #tpu.memory_space<vmem>>[vector<16xi32>], vector<16xf32>,
        %parallel_loop3A_2951 = arith.mulf %parallel_loop3A_2950, %parallel_loop3A_2938 : vector<16xf32>
        %parallel_loop3A_2952 = arith.constant 64 : i32
        %parallel_loop3A_2953 = vector.broadcast %parallel_loop3A_2952 : i32 to vector<16xi32>
        %parallel_loop3A_2954 = arith.addi %parallel_loop3A_2936, %parallel_loop3A_2953 : vector<16xi32>
        tpu.vector_store_idx %arg10[%parallel_loop3A_2954], %parallel_loop3A_2951 {add = true} : memref<320xf32, #tpu.memory_space<vmem>>[vector<16xi32>], vector<16xf32>,
        %parallel_loop3A_2955 = arith.constant 128 : i32
        %parallel_loop3A_2956 = vector.broadcast %parallel_loop3A_2955 : i32 to vector<16xi32>
        %parallel_loop3A_2957 = arith.addi %parallel_loop3A_2934, %parallel_loop3A_2956 : vector<16xi32>
        %parallel_loop3A_2958 = tpu.vector_load_idx %arg9[%parallel_loop3A_2957] : memref<320xf32, #tpu.memory_space<vmem>>[vector<16xi32>], vector<16xf32>,
        %parallel_loop3A_2959 = arith.mulf %parallel_loop3A_2958, %parallel_loop3A_2938 : vector<16xf32>
        %parallel_loop3A_2960 = arith.constant 128 : i32
        %parallel_loop3A_2961 = vector.broadcast %parallel_loop3A_2960 : i32 to vector<16xi32>
        %parallel_loop3A_2962 = arith.addi %parallel_loop3A_2936, %parallel_loop3A_2961 : vector<16xi32>
        tpu.vector_store_idx %arg10[%parallel_loop3A_2962], %parallel_loop3A_2959 {add = true} : memref<320xf32, #tpu.memory_space<vmem>>[vector<16xi32>], vector<16xf32>,
        %parallel_loop3A_2963 = arith.constant 192 : i32
        %parallel_loop3A_2964 = vector.broadcast %parallel_loop3A_2963 : i32 to vector<16xi32>
        %parallel_loop3A_2965 = arith.addi %parallel_loop3A_2934, %parallel_loop3A_2964 : vector<16xi32>
        %parallel_loop3A_2966 = tpu.vector_load_idx %arg9[%parallel_loop3A_2965] : memref<320xf32, #tpu.memory_space<vmem>>[vector<16xi32>], vector<16xf32>,
        %parallel_loop3A_2967 = arith.mulf %parallel_loop3A_2966, %parallel_loop3A_2938 : vector<16xf32>
        %parallel_loop3A_2968 = arith.constant 192 : i32
        %parallel_loop3A_2969 = vector.broadcast %parallel_loop3A_2968 : i32 to vector<16xi32>
        %parallel_loop3A_2970 = arith.addi %parallel_loop3A_2936, %parallel_loop3A_2969 : vector<16xi32>
        tpu.vector_store_idx %arg10[%parallel_loop3A_2970], %parallel_loop3A_2967 {add = true} : memref<320xf32, #tpu.memory_space<vmem>>[vector<16xi32>], vector<16xf32>,
        %parallel_loop3A_2971 = arith.constant 256 : i32
        %parallel_loop3A_2972 = vector.broadcast %parallel_loop3A_2971 : i32 to vector<16xi32>
        %parallel_loop3A_2973 = arith.addi %parallel_loop3A_2934, %parallel_loop3A_2972 : vector<16xi32>
        %parallel_loop3A_2974 = tpu.vector_load_idx %arg9[%parallel_loop3A_2973] : memref<320xf32, #tpu.memory_space<vmem>>[vector<16xi32>], vector<16xf32>,
        %parallel_loop3A_2975 = arith.mulf %parallel_loop3A_2974, %parallel_loop3A_2938 : vector<16xf32>
        %parallel_loop3A_2976 = arith.constant 256 : i32
        %parallel_loop3A_2977 = vector.broadcast %parallel_loop3A_2976 : i32 to vector<16xi32>
        %parallel_loop3A_2978 = arith.addi %parallel_loop3A_2936, %parallel_loop3A_2977 : vector<16xi32>
        tpu.vector_store_idx %arg10[%parallel_loop3A_2978], %parallel_loop3A_2975 {add = true} : memref<320xf32, #tpu.memory_space<vmem>>[vector<16xi32>], vector<16xf32>,
      } {sc.loop_unroll_factor = 1 : i64, sc.parallel_access}
      %get3A_836 = arith.constant 0 : index
      %get3A_837 = tpu.vector_load %arg13[%get3A_836] {strides = array<i32>} : memref<64xf32, #tpu.memory_space<vmem>>, vector<16xf32>,
      %mul3A_838 = arith.mulf %get3A_837, %get3A_837 : vector<16xf32>
      %get3A_839 = arith.constant 0 : index
      %get3A_840 = tpu.vector_load %arg10[%get3A_839] {strides = array<i32>} : memref<320xf32, #tpu.memory_space<vmem>>, vector<16xf32>,
      %get3A_841 = arith.constant 0 : index
      %get3A_842 = tpu.vector_load %arg9[%get3A_841] {strides = array<i32>} : memref<320xf32, #tpu.memory_space<vmem>>, vector<16xf32>,
      %mul3A_843 = arith.mulf %mul3A_838, %get3A_842 : vector<16xf32>
      %add3A_844 = arith.addf %get3A_840, %mul3A_843 : vector<16xf32>
      %get3A_845 = arith.constant 320 : i32
      %get3A_846 = tpu.memref_slice %arg7[%get3A_845] : memref<2400xf32, #tpu.memory_space<vmem>> -> memref<1056xf32, #tpu.memory_space<vmem>>
      %get3A_847 = arith.constant 880 : index
      %get3A_848 = tpu.vector_load %get3A_846[%get3A_847] {strides = array<i32>} : memref<1056xf32, #tpu.memory_space<vmem>>, vector<16xf32>,
      %add3A_849 = arith.addf %add3A_844, %get3A_848 : vector<16xf32>
      %max3A = arith.constant 0.000000e+00 : f32
      %max3A_850 = vector.broadcast %max3A : f32 to vector<16xf32>
      %max3A_851 = arith.maximumf %add3A_849, %max3A_850 : vector<16xf32>
      %swap3A_852 = arith.constant 0 : index
      %swap3A_853 = tpu.vector_load %arg8[%swap3A_852] {strides = array<i32>} : memref<320xf32, #tpu.memory_space<vmem>>, vector<16xf32>,
      tpu.vector_store %arg8[%swap3A_852], %max3A_851 {strides = array<i32>} : memref<320xf32, #tpu.memory_space<vmem>>, vector<16xf32>,
      %get3A_854 = arith.constant 64 : index
      %get3A_855 = tpu.vector_load %arg10[%get3A_854] {strides = array<i32>} : memref<320xf32, #tpu.memory_space<vmem>>, vector<16xf32>,
      %get3A_856 = arith.constant 64 : index
      %get3A_857 = tpu.vector_load %arg9[%get3A_856] {strides = array<i32>} : memref<320xf32, #tpu.memory_space<vmem>>, vector<16xf32>,
      %mul3A_858 = arith.mulf %mul3A_838, %get3A_857 : vector<16xf32>
      %add3A_859 = arith.addf %get3A_855, %mul3A_858 : vector<16xf32>
      %get3A_860 = arith.constant 320 : i32
      %get3A_861 = tpu.memref_slice %arg7[%get3A_860] : memref<2400xf32, #tpu.memory_space<vmem>> -> memref<1056xf32, #tpu.memory_space<vmem>>
      %get3A_862 = arith.constant 896 : index
      %get3A_863 = tpu.vector_load %get3A_861[%get3A_862] {strides = array<i32>} : memref<1056xf32, #tpu.memory_space<vmem>>, vector<16xf32>,
      %add3A_864 = arith.addf %add3A_859, %get3A_863 : vector<16xf32>
      %max3A_865 = arith.constant 0.000000e+00 : f32
      %max3A_866 = vector.broadcast %max3A_865 : f32 to vector<16xf32>
      %max3A_867 = arith.maximumf %add3A_864, %max3A_866 : vector<16xf32>
      %swap3A_868 = arith.constant 64 : index
      %swap3A_869 = tpu.vector_load %arg8[%swap3A_868] {strides = array<i32>} : memref<320xf32, #tpu.memory_space<vmem>>, vector<16xf32>,
      tpu.vector_store %arg8[%swap3A_868], %max3A_867 {strides = array<i32>} : memref<320xf32, #tpu.memory_space<vmem>>, vector<16xf32>,
      %get3A_870 = arith.constant 128 : index
      %get3A_871 = tpu.vector_load %arg10[%get3A_870] {strides = array<i32>} : memref<320xf32, #tpu.memory_space<vmem>>, vector<16xf32>,
      %get3A_872 = arith.constant 128 : index
      %get3A_873 = tpu.vector_load %arg9[%get3A_872] {strides = array<i32>} : memref<320xf32, #tpu.memory_space<vmem>>, vector<16xf32>,
      %mul3A_874 = arith.mulf %mul3A_838, %get3A_873 : vector<16xf32>
      %add3A_875 = arith.addf %get3A_871, %mul3A_874 : vector<16xf32>
      %get3A_876 = arith.constant 320 : i32
      %get3A_877 = tpu.memref_slice %arg7[%get3A_876] : memref<2400xf32, #tpu.memory_space<vmem>> -> memref<1056xf32, #tpu.memory_space<vmem>>
      %get3A_878 = arith.constant 912 : index
      %get3A_879 = tpu.vector_load %get3A_877[%get3A_878] {strides = array<i32>} : memref<1056xf32, #tpu.memory_space<vmem>>, vector<16xf32>,
      %add3A_880 = arith.addf %add3A_875, %get3A_879 : vector<16xf32>
      %max3A_881 = arith.constant 0.000000e+00 : f32
      %max3A_882 = vector.broadcast %max3A_881 : f32 to vector<16xf32>
      %max3A_883 = arith.maximumf %add3A_880, %max3A_882 : vector<16xf32>
      %swap3A_884 = arith.constant 128 : index
      %swap3A_885 = tpu.vector_load %arg8[%swap3A_884] {strides = array<i32>} : memref<320xf32, #tpu.memory_space<vmem>>, vector<16xf32>,
      tpu.vector_store %arg8[%swap3A_884], %max3A_883 {strides = array<i32>} : memref<320xf32, #tpu.memory_space<vmem>>, vector<16xf32>,
      %get3A_886 = arith.constant 192 : index
      %get3A_887 = tpu.vector_load %arg10[%get3A_886] {strides = array<i32>} : memref<320xf32, #tpu.memory_space<vmem>>, vector<16xf32>,
      %get3A_888 = arith.constant 192 : index
      %get3A_889 = tpu.vector_load %arg9[%get3A_888] {strides = array<i32>} : memref<320xf32, #tpu.memory_space<vmem>>, vector<16xf32>,
      %mul3A_890 = arith.mulf %mul3A_838, %get3A_889 : vector<16xf32>
      %add3A_891 = arith.addf %get3A_887, %mul3A_890 : vector<16xf32>
      %get3A_892 = arith.constant 320 : i32
      %get3A_893 = tpu.memref_slice %arg7[%get3A_892] : memref<2400xf32, #tpu.memory_space<vmem>> -> memref<1056xf32, #tpu.memory_space<vmem>>
      %get3A_894 = arith.constant 928 : index
      %get3A_895 = tpu.vector_load %get3A_893[%get3A_894] {strides = array<i32>} : memref<1056xf32, #tpu.memory_space<vmem>>, vector<16xf32>,
      %add3A_896 = arith.addf %add3A_891, %get3A_895 : vector<16xf32>
      %max3A_897 = arith.constant 0.000000e+00 : f32
      %max3A_898 = vector.broadcast %max3A_897 : f32 to vector<16xf32>
      %max3A_899 = arith.maximumf %add3A_896, %max3A_898 : vector<16xf32>
      %swap3A_900 = arith.constant 192 : index
      %swap3A_901 = tpu.vector_load %arg8[%swap3A_900] {strides = array<i32>} : memref<320xf32, #tpu.memory_space<vmem>>, vector<16xf32>,
      tpu.vector_store %arg8[%swap3A_900], %max3A_899 {strides = array<i32>} : memref<320xf32, #tpu.memory_space<vmem>>, vector<16xf32>,
      %get3A_902 = arith.constant 256 : index
      %get3A_903 = tpu.vector_load %arg10[%get3A_902] {strides = array<i32>} : memref<320xf32, #tpu.memory_space<vmem>>, vector<16xf32>,
      %get3A_904 = arith.constant 256 : index
      %get3A_905 = tpu.vector_load %arg9[%get3A_904] {strides = array<i32>} : memref<320xf32, #tpu.memory_space<vmem>>, vector<16xf32>,
      %mul3A_906 = arith.mulf %mul3A_838, %get3A_905 : vector<16xf32>
      %add3A_907 = arith.addf %get3A_903, %mul3A_906 : vector<16xf32>
      %get3A_908 = arith.constant 320 : i32
      %get3A_909 = tpu.memref_slice %arg7[%get3A_908] : memref<2400xf32, #tpu.memory_space<vmem>> -> memref<1056xf32, #tpu.memory_space<vmem>>
      %get3A_910 = arith.constant 944 : index
      %get3A_911 = tpu.vector_load %get3A_909[%get3A_910] {strides = array<i32>} : memref<1056xf32, #tpu.memory_space<vmem>>, vector<16xf32>,
      %add3A_912 = arith.addf %add3A_907, %get3A_911 : vector<16xf32>
      %max3A_913 = arith.constant 0.000000e+00 : f32
      %max3A_914 = vector.broadcast %max3A_913 : f32 to vector<16xf32>
      %max3A_915 = arith.maximumf %add3A_912, %max3A_914 : vector<16xf32>
      %swap3A_916 = arith.constant 256 : index
      %swap3A_917 = tpu.vector_load %arg8[%swap3A_916] {strides = array<i32>} : memref<320xf32, #tpu.memory_space<vmem>>, vector<16xf32>,
      tpu.vector_store %arg8[%swap3A_916], %max3A_915 {strides = array<i32>} : memref<320xf32, #tpu.memory_space<vmem>>, vector<16xf32>,
      %get3A_918 = arith.constant 16 : index
      %get3A_919 = tpu.vector_load %arg13[%get3A_918] {strides = array<i32>} : memref<64xf32, #tpu.memory_space<vmem>>, vector<16xf32>,
      %mul3A_920 = arith.mulf %get3A_919, %get3A_919 : vector<16xf32>
      %get3A_921 = arith.constant 16 : index
      %get3A_922 = tpu.vector_load %arg10[%get3A_921] {strides = array<i32>} : memref<320xf32, #tpu.memory_space<vmem>>, vector<16xf32>,
      %get3A_923 = arith.constant 16 : index
      %get3A_924 = tpu.vector_load %arg9[%get3A_923] {strides = array<i32>} : memref<320xf32, #tpu.memory_space<vmem>>, vector<16xf32>,
      %mul3A_925 = arith.mulf %mul3A_920, %get3A_924 : vector<16xf32>
      %add3A_926 = arith.addf %get3A_922, %mul3A_925 : vector<16xf32>
      %get3A_927 = arith.constant 320 : i32
      %get3A_928 = tpu.memref_slice %arg7[%get3A_927] : memref<2400xf32, #tpu.memory_space<vmem>> -> memref<1056xf32, #tpu.memory_space<vmem>>
      %get3A_929 = arith.constant 880 : index
      %get3A_930 = tpu.vector_load %get3A_928[%get3A_929] {strides = array<i32>} : memref<1056xf32, #tpu.memory_space<vmem>>, vector<16xf32>,
      %add3A_931 = arith.addf %add3A_926, %get3A_930 : vector<16xf32>
      %max3A_932 = arith.constant 0.000000e+00 : f32
      %max3A_933 = vector.broadcast %max3A_932 : f32 to vector<16xf32>
      %max3A_934 = arith.maximumf %add3A_931, %max3A_933 : vector<16xf32>
      %swap3A_935 = arith.constant 16 : index
      %swap3A_936 = tpu.vector_load %arg8[%swap3A_935] {strides = array<i32>} : memref<320xf32, #tpu.memory_space<vmem>>, vector<16xf32>,
      tpu.vector_store %arg8[%swap3A_935], %max3A_934 {strides = array<i32>} : memref<320xf32, #tpu.memory_space<vmem>>, vector<16xf32>,
      %get3A_937 = arith.constant 80 : index
      %get3A_938 = tpu.vector_load %arg10[%get3A_937] {strides = array<i32>} : memref<320xf32, #tpu.memory_space<vmem>>, vector<16xf32>,
      %get3A_939 = arith.constant 80 : index
      %get3A_940 = tpu.vector_load %arg9[%get3A_939] {strides = array<i32>} : memref<320xf32, #tpu.memory_space<vmem>>, vector<16xf32>,
      %mul3A_941 = arith.mulf %mul3A_920, %get3A_940 : vector<16xf32>
      %add3A_942 = arith.addf %get3A_938, %mul3A_941 : vector<16xf32>
      %get3A_943 = arith.constant 320 : i32
      %get3A_944 = tpu.memref_slice %arg7[%get3A_943] : memref<2400xf32, #tpu.memory_space<vmem>> -> memref<1056xf32, #tpu.memory_space<vmem>>
      %get3A_945 = arith.constant 896 : index
      %get3A_946 = tpu.vector_load %get3A_944[%get3A_945] {strides = array<i32>} : memref<1056xf32, #tpu.memory_space<vmem>>, vector<16xf32>,
      %add3A_947 = arith.addf %add3A_942, %get3A_946 : vector<16xf32>
      %max3A_948 = arith.constant 0.000000e+00 : f32
      %max3A_949 = vector.broadcast %max3A_948 : f32 to vector<16xf32>
      %max3A_950 = arith.maximumf %add3A_947, %max3A_949 : vector<16xf32>
      %swap3A_951 = arith.constant 80 : index
      %swap3A_952 = tpu.vector_load %arg8[%swap3A_951] {strides = array<i32>} : memref<320xf32, #tpu.memory_space<vmem>>, vector<16xf32>,
      tpu.vector_store %arg8[%swap3A_951], %max3A_950 {strides = array<i32>} : memref<320xf32, #tpu.memory_space<vmem>>, vector<16xf32>,
      %get3A_953 = arith.constant 144 : index
      %get3A_954 = tpu.vector_load %arg10[%get3A_953] {strides = array<i32>} : memref<320xf32, #tpu.memory_space<vmem>>, vector<16xf32>,
      %get3A_955 = arith.constant 144 : index
      %get3A_956 = tpu.vector_load %arg9[%get3A_955] {strides = array<i32>} : memref<320xf32, #tpu.memory_space<vmem>>, vector<16xf32>,
      %mul3A_957 = arith.mulf %mul3A_920, %get3A_956 : vector<16xf32>
      %add3A_958 = arith.addf %get3A_954, %mul3A_957 : vector<16xf32>
      %get3A_959 = arith.constant 320 : i32
      %get3A_960 = tpu.memref_slice %arg7[%get3A_959] : memref<2400xf32, #tpu.memory_space<vmem>> -> memref<1056xf32, #tpu.memory_space<vmem>>
      %get3A_961 = arith.constant 912 : index
      %get3A_962 = tpu.vector_load %get3A_960[%get3A_961] {strides = array<i32>} : memref<1056xf32, #tpu.memory_space<vmem>>, vector<16xf32>,
      %add3A_963 = arith.addf %add3A_958, %get3A_962 : vector<16xf32>
      %max3A_964 = arith.constant 0.000000e+00 : f32
      %max3A_965 = vector.broadcast %max3A_964 : f32 to vector<16xf32>
      %max3A_966 = arith.maximumf %add3A_963, %max3A_965 : vector<16xf32>
      %swap3A_967 = arith.constant 144 : index
      %swap3A_968 = tpu.vector_load %arg8[%swap3A_967] {strides = array<i32>} : memref<320xf32, #tpu.memory_space<vmem>>, vector<16xf32>,
      tpu.vector_store %arg8[%swap3A_967], %max3A_966 {strides = array<i32>} : memref<320xf32, #tpu.memory_space<vmem>>, vector<16xf32>,
      %get3A_969 = arith.constant 208 : index
      %get3A_970 = tpu.vector_load %arg10[%get3A_969] {strides = array<i32>} : memref<320xf32, #tpu.memory_space<vmem>>, vector<16xf32>,
      %get3A_971 = arith.constant 208 : index
      %get3A_972 = tpu.vector_load %arg9[%get3A_971] {strides = array<i32>} : memref<320xf32, #tpu.memory_space<vmem>>, vector<16xf32>,
      %mul3A_973 = arith.mulf %mul3A_920, %get3A_972 : vector<16xf32>
      %add3A_974 = arith.addf %get3A_970, %mul3A_973 : vector<16xf32>
      %get3A_975 = arith.constant 320 : i32
      %get3A_976 = tpu.memref_slice %arg7[%get3A_975] : memref<2400xf32, #tpu.memory_space<vmem>> -> memref<1056xf32, #tpu.memory_space<vmem>>
      %get3A_977 = arith.constant 928 : index
      %get3A_978 = tpu.vector_load %get3A_976[%get3A_977] {strides = array<i32>} : memref<1056xf32, #tpu.memory_space<vmem>>, vector<16xf32>,
      %add3A_979 = arith.addf %add3A_974, %get3A_978 : vector<16xf32>
      %max3A_980 = arith.constant 0.000000e+00 : f32
      %max3A_981 = vector.broadcast %max3A_980 : f32 to vector<16xf32>
      %max3A_982 = arith.maximumf %add3A_979, %max3A_981 : vector<16xf32>
      %swap3A_983 = arith.constant 208 : index
      %swap3A_984 = tpu.vector_load %arg8[%swap3A_983] {strides = array<i32>} : memref<320xf32, #tpu.memory_space<vmem>>, vector<16xf32>,
      tpu.vector_store %arg8[%swap3A_983], %max3A_982 {strides = array<i32>} : memref<320xf32, #tpu.memory_space<vmem>>, vector<16xf32>,
      %get3A_985 = arith.constant 272 : index
      %get3A_986 = tpu.vector_load %arg10[%get3A_985] {strides = array<i32>} : memref<320xf32, #tpu.memory_space<vmem>>, vector<16xf32>,
      %get3A_987 = arith.constant 272 : index
      %get3A_988 = tpu.vector_load %arg9[%get3A_987] {strides = array<i32>} : memref<320xf32, #tpu.memory_space<vmem>>, vector<16xf32>,
      %mul3A_989 = arith.mulf %mul3A_920, %get3A_988 : vector<16xf32>
      %add3A_990 = arith.addf %get3A_986, %mul3A_989 : vector<16xf32>
      %get3A_991 = arith.constant 320 : i32
      %get3A_992 = tpu.memref_slice %arg7[%get3A_991] : memref<2400xf32, #tpu.memory_space<vmem>> -> memref<1056xf32, #tpu.memory_space<vmem>>
      %get3A_993 = arith.constant 944 : index
      %get3A_994 = tpu.vector_load %get3A_992[%get3A_993] {strides = array<i32>} : memref<1056xf32, #tpu.memory_space<vmem>>, vector<16xf32>,
      %add3A_995 = arith.addf %add3A_990, %get3A_994 : vector<16xf32>
      %max3A_996 = arith.constant 0.000000e+00 : f32
      %max3A_997 = vector.broadcast %max3A_996 : f32 to vector<16xf32>
      %max3A_998 = arith.maximumf %add3A_995, %max3A_997 : vector<16xf32>
      %swap3A_999 = arith.constant 272 : index
      %swap3A_1000 = tpu.vector_load %arg8[%swap3A_999] {strides = array<i32>} : memref<320xf32, #tpu.memory_space<vmem>>, vector<16xf32>,
      tpu.vector_store %arg8[%swap3A_999], %max3A_998 {strides = array<i32>} : memref<320xf32, #tpu.memory_space<vmem>>, vector<16xf32>,
      %get3A_1001 = arith.constant 32 : index
      %get3A_1002 = tpu.vector_load %arg13[%get3A_1001] {strides = array<i32>} : memref<64xf32, #tpu.memory_space<vmem>>, vector<16xf32>,
      %mul3A_1003 = arith.mulf %get3A_1002, %get3A_1002 : vector<16xf32>
      %get3A_1004 = arith.constant 32 : index
      %get3A_1005 = tpu.vector_load %arg10[%get3A_1004] {strides = array<i32>} : memref<320xf32, #tpu.memory_space<vmem>>, vector<16xf32>,
      %get3A_1006 = arith.constant 32 : index
      %get3A_1007 = tpu.vector_load %arg9[%get3A_1006] {strides = array<i32>} : memref<320xf32, #tpu.memory_space<vmem>>, vector<16xf32>,
      %mul3A_1008 = arith.mulf %mul3A_1003, %get3A_1007 : vector<16xf32>
      %add3A_1009 = arith.addf %get3A_1005, %mul3A_1008 : vector<16xf32>
      %get3A_1010 = arith.constant 320 : i32
      %get3A_1011 = tpu.memref_slice %arg7[%get3A_1010] : memref<2400xf32, #tpu.memory_space<vmem>> -> memref<1056xf32, #tpu.memory_space<vmem>>
      %get3A_1012 = arith.constant 880 : index
      %get3A_1013 = tpu.vector_load %get3A_1011[%get3A_1012] {strides = array<i32>} : memref<1056xf32, #tpu.memory_space<vmem>>, vector<16xf32>,
      %add3A_1014 = arith.addf %add3A_1009, %get3A_1013 : vector<16xf32>
      %max3A_1015 = arith.constant 0.000000e+00 : f32
      %max3A_1016 = vector.broadcast %max3A_1015 : f32 to vector<16xf32>
      %max3A_1017 = arith.maximumf %add3A_1014, %max3A_1016 : vector<16xf32>
      %swap3A_1018 = arith.constant 32 : index
      %swap3A_1019 = tpu.vector_load %arg8[%swap3A_1018] {strides = array<i32>} : memref<320xf32, #tpu.memory_space<vmem>>, vector<16xf32>,
      tpu.vector_store %arg8[%swap3A_1018], %max3A_1017 {strides = array<i32>} : memref<320xf32, #tpu.memory_space<vmem>>, vector<16xf32>,
      %get3A_1020 = arith.constant 96 : index
      %get3A_1021 = tpu.vector_load %arg10[%get3A_1020] {strides = array<i32>} : memref<320xf32, #tpu.memory_space<vmem>>, vector<16xf32>,
      %get3A_1022 = arith.constant 96 : index
      %get3A_1023 = tpu.vector_load %arg9[%get3A_1022] {strides = array<i32>} : memref<320xf32, #tpu.memory_space<vmem>>, vector<16xf32>,
      %mul3A_1024 = arith.mulf %mul3A_1003, %get3A_1023 : vector<16xf32>
      %add3A_1025 = arith.addf %get3A_1021, %mul3A_1024 : vector<16xf32>
      %get3A_1026 = arith.constant 320 : i32
      %get3A_1027 = tpu.memref_slice %arg7[%get3A_1026] : memref<2400xf32, #tpu.memory_space<vmem>> -> memref<1056xf32, #tpu.memory_space<vmem>>
      %get3A_1028 = arith.constant 896 : index
      %get3A_1029 = tpu.vector_load %get3A_1027[%get3A_1028] {strides = array<i32>} : memref<1056xf32, #tpu.memory_space<vmem>>, vector<16xf32>,
      %add3A_1030 = arith.addf %add3A_1025, %get3A_1029 : vector<16xf32>
      %max3A_1031 = arith.constant 0.000000e+00 : f32
      %max3A_1032 = vector.broadcast %max3A_1031 : f32 to vector<16xf32>
      %max3A_1033 = arith.maximumf %add3A_1030, %max3A_1032 : vector<16xf32>
      %swap3A_1034 = arith.constant 96 : index
      %swap3A_1035 = tpu.vector_load %arg8[%swap3A_1034] {strides = array<i32>} : memref<320xf32, #tpu.memory_space<vmem>>, vector<16xf32>,
      tpu.vector_store %arg8[%swap3A_1034], %max3A_1033 {strides = array<i32>} : memref<320xf32, #tpu.memory_space<vmem>>, vector<16xf32>,
      %get3A_1036 = arith.constant 160 : index
      %get3A_1037 = tpu.vector_load %arg10[%get3A_1036] {strides = array<i32>} : memref<320xf32, #tpu.memory_space<vmem>>, vector<16xf32>,
      %get3A_1038 = arith.constant 160 : index
      %get3A_1039 = tpu.vector_load %arg9[%get3A_1038] {strides = array<i32>} : memref<320xf32, #tpu.memory_space<vmem>>, vector<16xf32>,
      %mul3A_1040 = arith.mulf %mul3A_1003, %get3A_1039 : vector<16xf32>
      %add3A_1041 = arith.addf %get3A_1037, %mul3A_1040 : vector<16xf32>
      %get3A_1042 = arith.constant 320 : i32
      %get3A_1043 = tpu.memref_slice %arg7[%get3A_1042] : memref<2400xf32, #tpu.memory_space<vmem>> -> memref<1056xf32, #tpu.memory_space<vmem>>
      %get3A_1044 = arith.constant 912 : index
      %get3A_1045 = tpu.vector_load %get3A_1043[%get3A_1044] {strides = array<i32>} : memref<1056xf32, #tpu.memory_space<vmem>>, vector<16xf32>,
      %add3A_1046 = arith.addf %add3A_1041, %get3A_1045 : vector<16xf32>
      %max3A_1047 = arith.constant 0.000000e+00 : f32
      %max3A_1048 = vector.broadcast %max3A_1047 : f32 to vector<16xf32>
      %max3A_1049 = arith.maximumf %add3A_1046, %max3A_1048 : vector<16xf32>
      %swap3A_1050 = arith.constant 160 : index
      %swap3A_1051 = tpu.vector_load %arg8[%swap3A_1050] {strides = array<i32>} : memref<320xf32, #tpu.memory_space<vmem>>, vector<16xf32>,
      tpu.vector_store %arg8[%swap3A_1050], %max3A_1049 {strides = array<i32>} : memref<320xf32, #tpu.memory_space<vmem>>, vector<16xf32>,
      %get3A_1052 = arith.constant 224 : index
      %get3A_1053 = tpu.vector_load %arg10[%get3A_1052] {strides = array<i32>} : memref<320xf32, #tpu.memory_space<vmem>>, vector<16xf32>,
      %get3A_1054 = arith.constant 224 : index
      %get3A_1055 = tpu.vector_load %arg9[%get3A_1054] {strides = array<i32>} : memref<320xf32, #tpu.memory_space<vmem>>, vector<16xf32>,
      %mul3A_1056 = arith.mulf %mul3A_1003, %get3A_1055 : vector<16xf32>
      %add3A_1057 = arith.addf %get3A_1053, %mul3A_1056 : vector<16xf32>
      %get3A_1058 = arith.constant 320 : i32
      %get3A_1059 = tpu.memref_slice %arg7[%get3A_1058] : memref<2400xf32, #tpu.memory_space<vmem>> -> memref<1056xf32, #tpu.memory_space<vmem>>
      %get3A_1060 = arith.constant 928 : index
      %get3A_1061 = tpu.vector_load %get3A_1059[%get3A_1060] {strides = array<i32>} : memref<1056xf32, #tpu.memory_space<vmem>>, vector<16xf32>,
      %add3A_1062 = arith.addf %add3A_1057, %get3A_1061 : vector<16xf32>
      %max3A_1063 = arith.constant 0.000000e+00 : f32
      %max3A_1064 = vector.broadcast %max3A_1063 : f32 to vector<16xf32>
      %max3A_1065 = arith.maximumf %add3A_1062, %max3A_1064 : vector<16xf32>
      %swap3A_1066 = arith.constant 224 : index
      %swap3A_1067 = tpu.vector_load %arg8[%swap3A_1066] {strides = array<i32>} : memref<320xf32, #tpu.memory_space<vmem>>, vector<16xf32>,
      tpu.vector_store %arg8[%swap3A_1066], %max3A_1065 {strides = array<i32>} : memref<320xf32, #tpu.memory_space<vmem>>, vector<16xf32>,
      %get3A_1068 = arith.constant 288 : index
      %get3A_1069 = tpu.vector_load %arg10[%get3A_1068] {strides = array<i32>} : memref<320xf32, #tpu.memory_space<vmem>>, vector<16xf32>,
      %get3A_1070 = arith.constant 288 : index
      %get3A_1071 = tpu.vector_load %arg9[%get3A_1070] {strides = array<i32>} : memref<320xf32, #tpu.memory_space<vmem>>, vector<16xf32>,
      %mul3A_1072 = arith.mulf %mul3A_1003, %get3A_1071 : vector<16xf32>
      %add3A_1073 = arith.addf %get3A_1069, %mul3A_1072 : vector<16xf32>
      %get3A_1074 = arith.constant 320 : i32
      %get3A_1075 = tpu.memref_slice %arg7[%get3A_1074] : memref<2400xf32, #tpu.memory_space<vmem>> -> memref<1056xf32, #tpu.memory_space<vmem>>
      %get3A_1076 = arith.constant 944 : index
      %get3A_1077 = tpu.vector_load %get3A_1075[%get3A_1076] {strides = array<i32>} : memref<1056xf32, #tpu.memory_space<vmem>>, vector<16xf32>,
      %add3A_1078 = arith.addf %add3A_1073, %get3A_1077 : vector<16xf32>
      %max3A_1079 = arith.constant 0.000000e+00 : f32
      %max3A_1080 = vector.broadcast %max3A_1079 : f32 to vector<16xf32>
      %max3A_1081 = arith.maximumf %add3A_1078, %max3A_1080 : vector<16xf32>
      %swap3A_1082 = arith.constant 288 : index
      %swap3A_1083 = tpu.vector_load %arg8[%swap3A_1082] {strides = array<i32>} : memref<320xf32, #tpu.memory_space<vmem>>, vector<16xf32>,
      tpu.vector_store %arg8[%swap3A_1082], %max3A_1081 {strides = array<i32>} : memref<320xf32, #tpu.memory_space<vmem>>, vector<16xf32>,
      %get3A_1084 = arith.constant 48 : index
      %get3A_1085 = tpu.vector_load %arg13[%get3A_1084] {strides = array<i32>} : memref<64xf32, #tpu.memory_space<vmem>>, vector<16xf32>,
      %mul3A_1086 = arith.mulf %get3A_1085, %get3A_1085 : vector<16xf32>
      %get3A_1087 = arith.constant 48 : index
      %get3A_1088 = tpu.vector_load %arg10[%get3A_1087] {strides = array<i32>} : memref<320xf32, #tpu.memory_space<vmem>>, vector<16xf32>,
      %get3A_1089 = arith.constant 48 : index
      %get3A_1090 = tpu.vector_load %arg9[%get3A_1089] {strides = array<i32>} : memref<320xf32, #tpu.memory_space<vmem>>, vector<16xf32>,
      %mul3A_1091 = arith.mulf %mul3A_1086, %get3A_1090 : vector<16xf32>
      %add3A_1092 = arith.addf %get3A_1088, %mul3A_1091 : vector<16xf32>
      %get3A_1093 = arith.constant 320 : i32
      %get3A_1094 = tpu.memref_slice %arg7[%get3A_1093] : memref<2400xf32, #tpu.memory_space<vmem>> -> memref<1056xf32, #tpu.memory_space<vmem>>
      %get3A_1095 = arith.constant 880 : index
      %get3A_1096 = tpu.vector_load %get3A_1094[%get3A_1095] {strides = array<i32>} : memref<1056xf32, #tpu.memory_space<vmem>>, vector<16xf32>,
      %add3A_1097 = arith.addf %add3A_1092, %get3A_1096 : vector<16xf32>
      %max3A_1098 = arith.constant 0.000000e+00 : f32
      %max3A_1099 = vector.broadcast %max3A_1098 : f32 to vector<16xf32>
      %max3A_1100 = arith.maximumf %add3A_1097, %max3A_1099 : vector<16xf32>
      %swap3A_1101 = arith.constant 48 : index
      %swap3A_1102 = tpu.vector_load %arg8[%swap3A_1101] {strides = array<i32>} : memref<320xf32, #tpu.memory_space<vmem>>, vector<16xf32>,
      tpu.vector_store %arg8[%swap3A_1101], %max3A_1100 {strides = array<i32>} : memref<320xf32, #tpu.memory_space<vmem>>, vector<16xf32>,
      %get3A_1103 = arith.constant 112 : index
      %get3A_1104 = tpu.vector_load %arg10[%get3A_1103] {strides = array<i32>} : memref<320xf32, #tpu.memory_space<vmem>>, vector<16xf32>,
      %get3A_1105 = arith.constant 112 : index
      %get3A_1106 = tpu.vector_load %arg9[%get3A_1105] {strides = array<i32>} : memref<320xf32, #tpu.memory_space<vmem>>, vector<16xf32>,
      %mul3A_1107 = arith.mulf %mul3A_1086, %get3A_1106 : vector<16xf32>
      %add3A_1108 = arith.addf %get3A_1104, %mul3A_1107 : vector<16xf32>
      %get3A_1109 = arith.constant 320 : i32
      %get3A_1110 = tpu.memref_slice %arg7[%get3A_1109] : memref<2400xf32, #tpu.memory_space<vmem>> -> memref<1056xf32, #tpu.memory_space<vmem>>
      %get3A_1111 = arith.constant 896 : index
      %get3A_1112 = tpu.vector_load %get3A_1110[%get3A_1111] {strides = array<i32>} : memref<1056xf32, #tpu.memory_space<vmem>>, vector<16xf32>,
      %add3A_1113 = arith.addf %add3A_1108, %get3A_1112 : vector<16xf32>
      %max3A_1114 = arith.constant 0.000000e+00 : f32
      %max3A_1115 = vector.broadcast %max3A_1114 : f32 to vector<16xf32>
      %max3A_1116 = arith.maximumf %add3A_1113, %max3A_1115 : vector<16xf32>
      %swap3A_1117 = arith.constant 112 : index
      %swap3A_1118 = tpu.vector_load %arg8[%swap3A_1117] {strides = array<i32>} : memref<320xf32, #tpu.memory_space<vmem>>, vector<16xf32>,
      tpu.vector_store %arg8[%swap3A_1117], %max3A_1116 {strides = array<i32>} : memref<320xf32, #tpu.memory_space<vmem>>, vector<16xf32>,
      %get3A_1119 = arith.constant 176 : index
      %get3A_1120 = tpu.vector_load %arg10[%get3A_1119] {strides = array<i32>} : memref<320xf32, #tpu.memory_space<vmem>>, vector<16xf32>,
      %get3A_1121 = arith.constant 176 : index
      %get3A_1122 = tpu.vector_load %arg9[%get3A_1121] {strides = array<i32>} : memref<320xf32, #tpu.memory_space<vmem>>, vector<16xf32>,
      %mul3A_1123 = arith.mulf %mul3A_1086, %get3A_1122 : vector<16xf32>
      %add3A_1124 = arith.addf %get3A_1120, %mul3A_1123 : vector<16xf32>
      %get3A_1125 = arith.constant 320 : i32
      %get3A_1126 = tpu.memref_slice %arg7[%get3A_1125] : memref<2400xf32, #tpu.memory_space<vmem>> -> memref<1056xf32, #tpu.memory_space<vmem>>
      %get3A_1127 = arith.constant 912 : index
      %get3A_1128 = tpu.vector_load %get3A_1126[%get3A_1127] {strides = array<i32>} : memref<1056xf32, #tpu.memory_space<vmem>>, vector<16xf32>,
      %add3A_1129 = arith.addf %add3A_1124, %get3A_1128 : vector<16xf32>
      %max3A_1130 = arith.constant 0.000000e+00 : f32
      %max3A_1131 = vector.broadcast %max3A_1130 : f32 to vector<16xf32>
      %max3A_1132 = arith.maximumf %add3A_1129, %max3A_1131 : vector<16xf32>
      %swap3A_1133 = arith.constant 176 : index
      %swap3A_1134 = tpu.vector_load %arg8[%swap3A_1133] {strides = array<i32>} : memref<320xf32, #tpu.memory_space<vmem>>, vector<16xf32>,
      tpu.vector_store %arg8[%swap3A_1133], %max3A_1132 {strides = array<i32>} : memref<320xf32, #tpu.memory_space<vmem>>, vector<16xf32>,
      %get3A_1135 = arith.constant 240 : index
      %get3A_1136 = tpu.vector_load %arg10[%get3A_1135] {strides = array<i32>} : memref<320xf32, #tpu.memory_space<vmem>>, vector<16xf32>,
      %get3A_1137 = arith.constant 240 : index
      %get3A_1138 = tpu.vector_load %arg9[%get3A_1137] {strides = array<i32>} : memref<320xf32, #tpu.memory_space<vmem>>, vector<16xf32>,
      %mul3A_1139 = arith.mulf %mul3A_1086, %get3A_1138 : vector<16xf32>
      %add3A_1140 = arith.addf %get3A_1136, %mul3A_1139 : vector<16xf32>
      %get3A_1141 = arith.constant 320 : i32
      %get3A_1142 = tpu.memref_slice %arg7[%get3A_1141] : memref<2400xf32, #tpu.memory_space<vmem>> -> memref<1056xf32, #tpu.memory_space<vmem>>
      %get3A_1143 = arith.constant 928 : index
      %get3A_1144 = tpu.vector_load %get3A_1142[%get3A_1143] {strides = array<i32>} : memref<1056xf32, #tpu.memory_space<vmem>>, vector<16xf32>,
      %add3A_1145 = arith.addf %add3A_1140, %get3A_1144 : vector<16xf32>
      %max3A_1146 = arith.constant 0.000000e+00 : f32
      %max3A_1147 = vector.broadcast %max3A_1146 : f32 to vector<16xf32>
      %max3A_1148 = arith.maximumf %add3A_1145, %max3A_1147 : vector<16xf32>
      %swap3A_1149 = arith.constant 240 : index
      %swap3A_1150 = tpu.vector_load %arg8[%swap3A_1149] {strides = array<i32>} : memref<320xf32, #tpu.memory_space<vmem>>, vector<16xf32>,
      tpu.vector_store %arg8[%swap3A_1149], %max3A_1148 {strides = array<i32>} : memref<320xf32, #tpu.memory_space<vmem>>, vector<16xf32>,
      %get3A_1151 = arith.constant 304 : index
      %get3A_1152 = tpu.vector_load %arg10[%get3A_1151] {strides = array<i32>} : memref<320xf32, #tpu.memory_space<vmem>>, vector<16xf32>,
      %get3A_1153 = arith.constant 304 : index
      %get3A_1154 = tpu.vector_load %arg9[%get3A_1153] {strides = array<i32>} : memref<320xf32, #tpu.memory_space<vmem>>, vector<16xf32>,
      %mul3A_1155 = arith.mulf %mul3A_1086, %get3A_1154 : vector<16xf32>
      %add3A_1156 = arith.addf %get3A_1152, %mul3A_1155 : vector<16xf32>
      %get3A_1157 = arith.constant 320 : i32
      %get3A_1158 = tpu.memref_slice %arg7[%get3A_1157] : memref<2400xf32, #tpu.memory_space<vmem>> -> memref<1056xf32, #tpu.memory_space<vmem>>
      %get3A_1159 = arith.constant 944 : index
      %get3A_1160 = tpu.vector_load %get3A_1158[%get3A_1159] {strides = array<i32>} : memref<1056xf32, #tpu.memory_space<vmem>>, vector<16xf32>,
      %add3A_1161 = arith.addf %add3A_1156, %get3A_1160 : vector<16xf32>
      %max3A_1162 = arith.constant 0.000000e+00 : f32
      %max3A_1163 = vector.broadcast %max3A_1162 : f32 to vector<16xf32>
      %max3A_1164 = arith.maximumf %add3A_1161, %max3A_1163 : vector<16xf32>
      %swap3A_1165 = arith.constant 304 : index
      %swap3A_1166 = tpu.vector_load %arg8[%swap3A_1165] {strides = array<i32>} : memref<320xf32, #tpu.memory_space<vmem>>, vector<16xf32>,
      tpu.vector_store %arg8[%swap3A_1165], %max3A_1164 {strides = array<i32>} : memref<320xf32, #tpu.memory_space<vmem>>, vector<16xf32>,
      %get3A_1167 = arith.constant 0 : index
      %get3A_1168 = tpu.vector_load %arg8[%get3A_1167] {strides = array<i32>} : memref<320xf32, #tpu.memory_space<vmem>>, vector<16xf32>,
      %bitcast3A = vector.bitcast %get3A_1168 : vector<16xf32> to vector<16xi32>
      %add3A_1169 = arith.constant 32767 : i32
      %add3A_1170 = vector.broadcast %add3A_1169 : i32 to vector<16xi32>
      %add3A_1171 = arith.addi %bitcast3A, %add3A_1170 : vector<16xi32>
      %shift_right_arithmetic3A = arith.constant 16 : i32
      %shift_right_arithmetic3A_1172 = vector.broadcast %shift_right_arithmetic3A : i32 to vector<16xi32>
      %shift_right_arithmetic3A_1173 = arith.shrsi %bitcast3A, %shift_right_arithmetic3A_1172 : vector<16xi32>
      %and3A_1174 = arith.constant 1 : i32
      %and3A_1175 = vector.broadcast %and3A_1174 : i32 to vector<16xi32>
      %and3A_1176 = arith.andi %shift_right_arithmetic3A_1173, %and3A_1175 : vector<16xi32>
      %add3A_1177 = arith.addi %add3A_1171, %and3A_1176 : vector<16xi32>
      %and3A_1178 = arith.constant -65536 : i32
      %and3A_1179 = vector.broadcast %and3A_1178 : i32 to vector<16xi32>
      %and3A_1180 = arith.andi %add3A_1177, %and3A_1179 : vector<16xi32>
      %bitcast3A_1181 = vector.bitcast %and3A_1180 : vector<16xi32> to vector<16xf32>
      %get3A_1182 = arith.constant 64 : index
      %get3A_1183 = tpu.vector_load %arg8[%get3A_1182] {strides = array<i32>} : memref<320xf32, #tpu.memory_space<vmem>>, vector<16xf32>,
      %bitcast3A_1184 = vector.bitcast %get3A_1183 : vector<16xf32> to vector<16xi32>
      %add3A_1185 = arith.constant 32767 : i32
      %add3A_1186 = vector.broadcast %add3A_1185 : i32 to vector<16xi32>
      %add3A_1187 = arith.addi %bitcast3A_1184, %add3A_1186 : vector<16xi32>
      %shift_right_arithmetic3A_1188 = arith.constant 16 : i32
      %shift_right_arithmetic3A_1189 = vector.broadcast %shift_right_arithmetic3A_1188 : i32 to vector<16xi32>
      %shift_right_arithmetic3A_1190 = arith.shrsi %bitcast3A_1184, %shift_right_arithmetic3A_1189 : vector<16xi32>
      %and3A_1191 = arith.constant 1 : i32
      %and3A_1192 = vector.broadcast %and3A_1191 : i32 to vector<16xi32>
      %and3A_1193 = arith.andi %shift_right_arithmetic3A_1190, %and3A_1192 : vector<16xi32>
      %add3A_1194 = arith.addi %add3A_1187, %and3A_1193 : vector<16xi32>
      %and3A_1195 = arith.constant -65536 : i32
      %and3A_1196 = vector.broadcast %and3A_1195 : i32 to vector<16xi32>
      %and3A_1197 = arith.andi %add3A_1194, %and3A_1196 : vector<16xi32>
      %bitcast3A_1198 = vector.bitcast %and3A_1197 : vector<16xi32> to vector<16xf32>
      %get3A_1199 = arith.constant 128 : index
      %get3A_1200 = tpu.vector_load %arg8[%get3A_1199] {strides = array<i32>} : memref<320xf32, #tpu.memory_space<vmem>>, vector<16xf32>,
      %bitcast3A_1201 = vector.bitcast %get3A_1200 : vector<16xf32> to vector<16xi32>
      %add3A_1202 = arith.constant 32767 : i32
      %add3A_1203 = vector.broadcast %add3A_1202 : i32 to vector<16xi32>
      %add3A_1204 = arith.addi %bitcast3A_1201, %add3A_1203 : vector<16xi32>
      %shift_right_arithmetic3A_1205 = arith.constant 16 : i32
      %shift_right_arithmetic3A_1206 = vector.broadcast %shift_right_arithmetic3A_1205 : i32 to vector<16xi32>
      %shift_right_arithmetic3A_1207 = arith.shrsi %bitcast3A_1201, %shift_right_arithmetic3A_1206 : vector<16xi32>
      %and3A_1208 = arith.constant 1 : i32
      %and3A_1209 = vector.broadcast %and3A_1208 : i32 to vector<16xi32>
      %and3A_1210 = arith.andi %shift_right_arithmetic3A_1207, %and3A_1209 : vector<16xi32>
      %add3A_1211 = arith.addi %add3A_1204, %and3A_1210 : vector<16xi32>
      %and3A_1212 = arith.constant -65536 : i32
      %and3A_1213 = vector.broadcast %and3A_1212 : i32 to vector<16xi32>
      %and3A_1214 = arith.andi %add3A_1211, %and3A_1213 : vector<16xi32>
      %bitcast3A_1215 = vector.bitcast %and3A_1214 : vector<16xi32> to vector<16xf32>
      %get3A_1216 = arith.constant 192 : index
      %get3A_1217 = tpu.vector_load %arg8[%get3A_1216] {strides = array<i32>} : memref<320xf32, #tpu.memory_space<vmem>>, vector<16xf32>,
      %bitcast3A_1218 = vector.bitcast %get3A_1217 : vector<16xf32> to vector<16xi32>
      %add3A_1219 = arith.constant 32767 : i32
      %add3A_1220 = vector.broadcast %add3A_1219 : i32 to vector<16xi32>
      %add3A_1221 = arith.addi %bitcast3A_1218, %add3A_1220 : vector<16xi32>
      %shift_right_arithmetic3A_1222 = arith.constant 16 : i32
      %shift_right_arithmetic3A_1223 = vector.broadcast %shift_right_arithmetic3A_1222 : i32 to vector<16xi32>
      %shift_right_arithmetic3A_1224 = arith.shrsi %bitcast3A_1218, %shift_right_arithmetic3A_1223 : vector<16xi32>
      %and3A_1225 = arith.constant 1 : i32
      %and3A_1226 = vector.broadcast %and3A_1225 : i32 to vector<16xi32>
      %and3A_1227 = arith.andi %shift_right_arithmetic3A_1224, %and3A_1226 : vector<16xi32>
      %add3A_1228 = arith.addi %add3A_1221, %and3A_1227 : vector<16xi32>
      %and3A_1229 = arith.constant -65536 : i32
      %and3A_1230 = vector.broadcast %and3A_1229 : i32 to vector<16xi32>
      %and3A_1231 = arith.andi %add3A_1228, %and3A_1230 : vector<16xi32>
      %bitcast3A_1232 = vector.bitcast %and3A_1231 : vector<16xi32> to vector<16xf32>
      %get3A_1233 = arith.constant 256 : index
      %get3A_1234 = tpu.vector_load %arg8[%get3A_1233] {strides = array<i32>} : memref<320xf32, #tpu.memory_space<vmem>>, vector<16xf32>,
      %bitcast3A_1235 = vector.bitcast %get3A_1234 : vector<16xf32> to vector<16xi32>
      %add3A_1236 = arith.constant 32767 : i32
      %add3A_1237 = vector.broadcast %add3A_1236 : i32 to vector<16xi32>
      %add3A_1238 = arith.addi %bitcast3A_1235, %add3A_1237 : vector<16xi32>
      %shift_right_arithmetic3A_1239 = arith.constant 16 : i32
      %shift_right_arithmetic3A_1240 = vector.broadcast %shift_right_arithmetic3A_1239 : i32 to vector<16xi32>
      %shift_right_arithmetic3A_1241 = arith.shrsi %bitcast3A_1235, %shift_right_arithmetic3A_1240 : vector<16xi32>
      %and3A_1242 = arith.constant 1 : i32
      %and3A_1243 = vector.broadcast %and3A_1242 : i32 to vector<16xi32>
      %and3A_1244 = arith.andi %shift_right_arithmetic3A_1241, %and3A_1243 : vector<16xi32>
      %add3A_1245 = arith.addi %add3A_1238, %and3A_1244 : vector<16xi32>
      %and3A_1246 = arith.constant -65536 : i32
      %and3A_1247 = vector.broadcast %and3A_1246 : i32 to vector<16xi32>
      %and3A_1248 = arith.andi %add3A_1245, %and3A_1247 : vector<16xi32>
      %bitcast3A_1249 = vector.bitcast %and3A_1248 : vector<16xi32> to vector<16xf32>
      %get3A_1250 = arith.constant 320 : i32
      %get3A_1251 = tpu.memref_slice %arg7[%get3A_1250] : memref<2400xf32, #tpu.memory_space<vmem>> -> memref<1056xf32, #tpu.memory_space<vmem>>
      %get3A_1252 = arith.constant 400 : index
      %get3A_1253 = tpu.vector_load %get3A_1251[%get3A_1252] {strides = array<i32>} : memref<1056xf32, #tpu.memory_space<vmem>>, vector<16xf32>,
      %mul3A_1254 = arith.mulf %get3A_1253, %bitcast3A_1181 : vector<16xf32>
      %add3A_1255 = arith.addf %broadcast_in_dim3A_30, %mul3A_1254 : vector<16xf32>
      %get3A_1256 = arith.constant 320 : i32
      %get3A_1257 = tpu.memref_slice %arg7[%get3A_1256] : memref<2400xf32, #tpu.memory_space<vmem>> -> memref<1056xf32, #tpu.memory_space<vmem>>
      %get3A_1258 = arith.constant 480 : index
      %get3A_1259 = tpu.vector_load %get3A_1257[%get3A_1258] {strides = array<i32>} : memref<1056xf32, #tpu.memory_space<vmem>>, vector<16xf32>,
      %mul3A_1260 = arith.mulf %get3A_1259, %bitcast3A_1198 : vector<16xf32>
      %add3A_1261 = arith.addf %add3A_1255, %mul3A_1260 : vector<16xf32>
      %get3A_1262 = arith.constant 320 : i32
      %get3A_1263 = tpu.memref_slice %arg7[%get3A_1262] : memref<2400xf32, #tpu.memory_space<vmem>> -> memref<1056xf32, #tpu.memory_space<vmem>>
      %get3A_1264 = arith.constant 560 : index
      %get3A_1265 = tpu.vector_load %get3A_1263[%get3A_1264] {strides = array<i32>} : memref<1056xf32, #tpu.memory_space<vmem>>, vector<16xf32>,
      %mul3A_1266 = arith.mulf %get3A_1265, %bitcast3A_1215 : vector<16xf32>
      %add3A_1267 = arith.addf %add3A_1261, %mul3A_1266 : vector<16xf32>
      %get3A_1268 = arith.constant 320 : i32
      %get3A_1269 = tpu.memref_slice %arg7[%get3A_1268] : memref<2400xf32, #tpu.memory_space<vmem>> -> memref<1056xf32, #tpu.memory_space<vmem>>
      %get3A_1270 = arith.constant 640 : index
      %get3A_1271 = tpu.vector_load %get3A_1269[%get3A_1270] {strides = array<i32>} : memref<1056xf32, #tpu.memory_space<vmem>>, vector<16xf32>,
      %mul3A_1272 = arith.mulf %get3A_1271, %bitcast3A_1232 : vector<16xf32>
      %add3A_1273 = arith.addf %add3A_1267, %mul3A_1272 : vector<16xf32>
      %get3A_1274 = arith.constant 320 : i32
      %get3A_1275 = tpu.memref_slice %arg7[%get3A_1274] : memref<2400xf32, #tpu.memory_space<vmem>> -> memref<1056xf32, #tpu.memory_space<vmem>>
      %get3A_1276 = arith.constant 720 : index
      %get3A_1277 = tpu.vector_load %get3A_1275[%get3A_1276] {strides = array<i32>} : memref<1056xf32, #tpu.memory_space<vmem>>, vector<16xf32>,
      %mul3A_1278 = arith.mulf %get3A_1277, %bitcast3A_1249 : vector<16xf32>
      %add3A_1279 = arith.addf %add3A_1273, %mul3A_1278 : vector<16xf32>
      %swap3A_1280 = arith.constant 0 : index
      %swap3A_1281 = tpu.vector_load %arg9[%swap3A_1280] {strides = array<i32>} : memref<320xf32, #tpu.memory_space<vmem>>, vector<16xf32>,
      tpu.vector_store %arg9[%swap3A_1280], %add3A_1279 {strides = array<i32>} : memref<320xf32, #tpu.memory_space<vmem>>, vector<16xf32>,
      %get3A_1282 = arith.constant 320 : i32
      %get3A_1283 = tpu.memref_slice %arg7[%get3A_1282] : memref<2400xf32, #tpu.memory_space<vmem>> -> memref<1056xf32, #tpu.memory_space<vmem>>
      %get3A_1284 = arith.constant 416 : index
      %get3A_1285 = tpu.vector_load %get3A_1283[%get3A_1284] {strides = array<i32>} : memref<1056xf32, #tpu.memory_space<vmem>>, vector<16xf32>,
      %mul3A_1286 = arith.mulf %get3A_1285, %bitcast3A_1181 : vector<16xf32>
      %add3A_1287 = arith.addf %broadcast_in_dim3A_30, %mul3A_1286 : vector<16xf32>
      %get3A_1288 = arith.constant 320 : i32
      %get3A_1289 = tpu.memref_slice %arg7[%get3A_1288] : memref<2400xf32, #tpu.memory_space<vmem>> -> memref<1056xf32, #tpu.memory_space<vmem>>
      %get3A_1290 = arith.constant 496 : index
      %get3A_1291 = tpu.vector_load %get3A_1289[%get3A_1290] {strides = array<i32>} : memref<1056xf32, #tpu.memory_space<vmem>>, vector<16xf32>,
      %mul3A_1292 = arith.mulf %get3A_1291, %bitcast3A_1198 : vector<16xf32>
      %add3A_1293 = arith.addf %add3A_1287, %mul3A_1292 : vector<16xf32>
      %get3A_1294 = arith.constant 320 : i32
      %get3A_1295 = tpu.memref_slice %arg7[%get3A_1294] : memref<2400xf32, #tpu.memory_space<vmem>> -> memref<1056xf32, #tpu.memory_space<vmem>>
      %get3A_1296 = arith.constant 576 : index
      %get3A_1297 = tpu.vector_load %get3A_1295[%get3A_1296] {strides = array<i32>} : memref<1056xf32, #tpu.memory_space<vmem>>, vector<16xf32>,
      %mul3A_1298 = arith.mulf %get3A_1297, %bitcast3A_1215 : vector<16xf32>
      %add3A_1299 = arith.addf %add3A_1293, %mul3A_1298 : vector<16xf32>
      %get3A_1300 = arith.constant 320 : i32
      %get3A_1301 = tpu.memref_slice %arg7[%get3A_1300] : memref<2400xf32, #tpu.memory_space<vmem>> -> memref<1056xf32, #tpu.memory_space<vmem>>
      %get3A_1302 = arith.constant 656 : index
      %get3A_1303 = tpu.vector_load %get3A_1301[%get3A_1302] {strides = array<i32>} : memref<1056xf32, #tpu.memory_space<vmem>>, vector<16xf32>,
      %mul3A_1304 = arith.mulf %get3A_1303, %bitcast3A_1232 : vector<16xf32>
      %add3A_1305 = arith.addf %add3A_1299, %mul3A_1304 : vector<16xf32>
      %get3A_1306 = arith.constant 320 : i32
      %get3A_1307 = tpu.memref_slice %arg7[%get3A_1306] : memref<2400xf32, #tpu.memory_space<vmem>> -> memref<1056xf32, #tpu.memory_space<vmem>>
      %get3A_1308 = arith.constant 736 : index
      %get3A_1309 = tpu.vector_load %get3A_1307[%get3A_1308] {strides = array<i32>} : memref<1056xf32, #tpu.memory_space<vmem>>, vector<16xf32>,
      %mul3A_1310 = arith.mulf %get3A_1309, %bitcast3A_1249 : vector<16xf32>
      %add3A_1311 = arith.addf %add3A_1305, %mul3A_1310 : vector<16xf32>
      %swap3A_1312 = arith.constant 64 : index
      %swap3A_1313 = tpu.vector_load %arg9[%swap3A_1312] {strides = array<i32>} : memref<320xf32, #tpu.memory_space<vmem>>, vector<16xf32>,
      tpu.vector_store %arg9[%swap3A_1312], %add3A_1311 {strides = array<i32>} : memref<320xf32, #tpu.memory_space<vmem>>, vector<16xf32>,
      %get3A_1314 = arith.constant 320 : i32
      %get3A_1315 = tpu.memref_slice %arg7[%get3A_1314] : memref<2400xf32, #tpu.memory_space<vmem>> -> memref<1056xf32, #tpu.memory_space<vmem>>
      %get3A_1316 = arith.constant 432 : index
      %get3A_1317 = tpu.vector_load %get3A_1315[%get3A_1316] {strides = array<i32>} : memref<1056xf32, #tpu.memory_space<vmem>>, vector<16xf32>,
      %mul3A_1318 = arith.mulf %get3A_1317, %bitcast3A_1181 : vector<16xf32>
      %add3A_1319 = arith.addf %broadcast_in_dim3A_30, %mul3A_1318 : vector<16xf32>
      %get3A_1320 = arith.constant 320 : i32
      %get3A_1321 = tpu.memref_slice %arg7[%get3A_1320] : memref<2400xf32, #tpu.memory_space<vmem>> -> memref<1056xf32, #tpu.memory_space<vmem>>
      %get3A_1322 = arith.constant 512 : index
      %get3A_1323 = tpu.vector_load %get3A_1321[%get3A_1322] {strides = array<i32>} : memref<1056xf32, #tpu.memory_space<vmem>>, vector<16xf32>,
      %mul3A_1324 = arith.mulf %get3A_1323, %bitcast3A_1198 : vector<16xf32>
      %add3A_1325 = arith.addf %add3A_1319, %mul3A_1324 : vector<16xf32>
      %get3A_1326 = arith.constant 320 : i32
      %get3A_1327 = tpu.memref_slice %arg7[%get3A_1326] : memref<2400xf32, #tpu.memory_space<vmem>> -> memref<1056xf32, #tpu.memory_space<vmem>>
      %get3A_1328 = arith.constant 592 : index
      %get3A_1329 = tpu.vector_load %get3A_1327[%get3A_1328] {strides = array<i32>} : memref<1056xf32, #tpu.memory_space<vmem>>, vector<16xf32>,
      %mul3A_1330 = arith.mulf %get3A_1329, %bitcast3A_1215 : vector<16xf32>
      %add3A_1331 = arith.addf %add3A_1325, %mul3A_1330 : vector<16xf32>
      %get3A_1332 = arith.constant 320 : i32
      %get3A_1333 = tpu.memref_slice %arg7[%get3A_1332] : memref<2400xf32, #tpu.memory_space<vmem>> -> memref<1056xf32, #tpu.memory_space<vmem>>
      %get3A_1334 = arith.constant 672 : index
      %get3A_1335 = tpu.vector_load %get3A_1333[%get3A_1334] {strides = array<i32>} : memref<1056xf32, #tpu.memory_space<vmem>>, vector<16xf32>,
      %mul3A_1336 = arith.mulf %get3A_1335, %bitcast3A_1232 : vector<16xf32>
      %add3A_1337 = arith.addf %add3A_1331, %mul3A_1336 : vector<16xf32>
      %get3A_1338 = arith.constant 320 : i32
      %get3A_1339 = tpu.memref_slice %arg7[%get3A_1338] : memref<2400xf32, #tpu.memory_space<vmem>> -> memref<1056xf32, #tpu.memory_space<vmem>>
      %get3A_1340 = arith.constant 752 : index
      %get3A_1341 = tpu.vector_load %get3A_1339[%get3A_1340] {strides = array<i32>} : memref<1056xf32, #tpu.memory_space<vmem>>, vector<16xf32>,
      %mul3A_1342 = arith.mulf %get3A_1341, %bitcast3A_1249 : vector<16xf32>
      %add3A_1343 = arith.addf %add3A_1337, %mul3A_1342 : vector<16xf32>
      %swap3A_1344 = arith.constant 128 : index
      %swap3A_1345 = tpu.vector_load %arg9[%swap3A_1344] {strides = array<i32>} : memref<320xf32, #tpu.memory_space<vmem>>, vector<16xf32>,
      tpu.vector_store %arg9[%swap3A_1344], %add3A_1343 {strides = array<i32>} : memref<320xf32, #tpu.memory_space<vmem>>, vector<16xf32>,
      %get3A_1346 = arith.constant 320 : i32
      %get3A_1347 = tpu.memref_slice %arg7[%get3A_1346] : memref<2400xf32, #tpu.memory_space<vmem>> -> memref<1056xf32, #tpu.memory_space<vmem>>
      %get3A_1348 = arith.constant 448 : index
      %get3A_1349 = tpu.vector_load %get3A_1347[%get3A_1348] {strides = array<i32>} : memref<1056xf32, #tpu.memory_space<vmem>>, vector<16xf32>,
      %mul3A_1350 = arith.mulf %get3A_1349, %bitcast3A_1181 : vector<16xf32>
      %add3A_1351 = arith.addf %broadcast_in_dim3A_30, %mul3A_1350 : vector<16xf32>
      %get3A_1352 = arith.constant 320 : i32
      %get3A_1353 = tpu.memref_slice %arg7[%get3A_1352] : memref<2400xf32, #tpu.memory_space<vmem>> -> memref<1056xf32, #tpu.memory_space<vmem>>
      %get3A_1354 = arith.constant 528 : index
      %get3A_1355 = tpu.vector_load %get3A_1353[%get3A_1354] {strides = array<i32>} : memref<1056xf32, #tpu.memory_space<vmem>>, vector<16xf32>,
      %mul3A_1356 = arith.mulf %get3A_1355, %bitcast3A_1198 : vector<16xf32>
      %add3A_1357 = arith.addf %add3A_1351, %mul3A_1356 : vector<16xf32>
      %get3A_1358 = arith.constant 320 : i32
      %get3A_1359 = tpu.memref_slice %arg7[%get3A_1358] : memref<2400xf32, #tpu.memory_space<vmem>> -> memref<1056xf32, #tpu.memory_space<vmem>>
      %get3A_1360 = arith.constant 608 : index
      %get3A_1361 = tpu.vector_load %get3A_1359[%get3A_1360] {strides = array<i32>} : memref<1056xf32, #tpu.memory_space<vmem>>, vector<16xf32>,
      %mul3A_1362 = arith.mulf %get3A_1361, %bitcast3A_1215 : vector<16xf32>
      %add3A_1363 = arith.addf %add3A_1357, %mul3A_1362 : vector<16xf32>
      %get3A_1364 = arith.constant 320 : i32
      %get3A_1365 = tpu.memref_slice %arg7[%get3A_1364] : memref<2400xf32, #tpu.memory_space<vmem>> -> memref<1056xf32, #tpu.memory_space<vmem>>
      %get3A_1366 = arith.constant 688 : index
      %get3A_1367 = tpu.vector_load %get3A_1365[%get3A_1366] {strides = array<i32>} : memref<1056xf32, #tpu.memory_space<vmem>>, vector<16xf32>,
      %mul3A_1368 = arith.mulf %get3A_1367, %bitcast3A_1232 : vector<16xf32>
      %add3A_1369 = arith.addf %add3A_1363, %mul3A_1368 : vector<16xf32>
      %get3A_1370 = arith.constant 320 : i32
      %get3A_1371 = tpu.memref_slice %arg7[%get3A_1370] : memref<2400xf32, #tpu.memory_space<vmem>> -> memref<1056xf32, #tpu.memory_space<vmem>>
      %get3A_1372 = arith.constant 768 : index
      %get3A_1373 = tpu.vector_load %get3A_1371[%get3A_1372] {strides = array<i32>} : memref<1056xf32, #tpu.memory_space<vmem>>, vector<16xf32>,
      %mul3A_1374 = arith.mulf %get3A_1373, %bitcast3A_1249 : vector<16xf32>
      %add3A_1375 = arith.addf %add3A_1369, %mul3A_1374 : vector<16xf32>
      %swap3A_1376 = arith.constant 192 : index
      %swap3A_1377 = tpu.vector_load %arg9[%swap3A_1376] {strides = array<i32>} : memref<320xf32, #tpu.memory_space<vmem>>, vector<16xf32>,
      tpu.vector_store %arg9[%swap3A_1376], %add3A_1375 {strides = array<i32>} : memref<320xf32, #tpu.memory_space<vmem>>, vector<16xf32>,
      %get3A_1378 = arith.constant 320 : i32
      %get3A_1379 = tpu.memref_slice %arg7[%get3A_1378] : memref<2400xf32, #tpu.memory_space<vmem>> -> memref<1056xf32, #tpu.memory_space<vmem>>
      %get3A_1380 = arith.constant 464 : index
      %get3A_1381 = tpu.vector_load %get3A_1379[%get3A_1380] {strides = array<i32>} : memref<1056xf32, #tpu.memory_space<vmem>>, vector<16xf32>,
      %mul3A_1382 = arith.mulf %get3A_1381, %bitcast3A_1181 : vector<16xf32>
      %add3A_1383 = arith.addf %broadcast_in_dim3A_30, %mul3A_1382 : vector<16xf32>
      %get3A_1384 = arith.constant 320 : i32
      %get3A_1385 = tpu.memref_slice %arg7[%get3A_1384] : memref<2400xf32, #tpu.memory_space<vmem>> -> memref<1056xf32, #tpu.memory_space<vmem>>
      %get3A_1386 = arith.constant 544 : index
      %get3A_1387 = tpu.vector_load %get3A_1385[%get3A_1386] {strides = array<i32>} : memref<1056xf32, #tpu.memory_space<vmem>>, vector<16xf32>,
      %mul3A_1388 = arith.mulf %get3A_1387, %bitcast3A_1198 : vector<16xf32>
      %add3A_1389 = arith.addf %add3A_1383, %mul3A_1388 : vector<16xf32>
      %get3A_1390 = arith.constant 320 : i32
      %get3A_1391 = tpu.memref_slice %arg7[%get3A_1390] : memref<2400xf32, #tpu.memory_space<vmem>> -> memref<1056xf32, #tpu.memory_space<vmem>>
      %get3A_1392 = arith.constant 624 : index
      %get3A_1393 = tpu.vector_load %get3A_1391[%get3A_1392] {strides = array<i32>} : memref<1056xf32, #tpu.memory_space<vmem>>, vector<16xf32>,
      %mul3A_1394 = arith.mulf %get3A_1393, %bitcast3A_1215 : vector<16xf32>
      %add3A_1395 = arith.addf %add3A_1389, %mul3A_1394 : vector<16xf32>
      %get3A_1396 = arith.constant 320 : i32
      %get3A_1397 = tpu.memref_slice %arg7[%get3A_1396] : memref<2400xf32, #tpu.memory_space<vmem>> -> memref<1056xf32, #tpu.memory_space<vmem>>
      %get3A_1398 = arith.constant 704 : index
      %get3A_1399 = tpu.vector_load %get3A_1397[%get3A_1398] {strides = array<i32>} : memref<1056xf32, #tpu.memory_space<vmem>>, vector<16xf32>,
      %mul3A_1400 = arith.mulf %get3A_1399, %bitcast3A_1232 : vector<16xf32>
      %add3A_1401 = arith.addf %add3A_1395, %mul3A_1400 : vector<16xf32>
      %get3A_1402 = arith.constant 320 : i32
      %get3A_1403 = tpu.memref_slice %arg7[%get3A_1402] : memref<2400xf32, #tpu.memory_space<vmem>> -> memref<1056xf32, #tpu.memory_space<vmem>>
      %get3A_1404 = arith.constant 784 : index
      %get3A_1405 = tpu.vector_load %get3A_1403[%get3A_1404] {strides = array<i32>} : memref<1056xf32, #tpu.memory_space<vmem>>, vector<16xf32>,
      %mul3A_1406 = arith.mulf %get3A_1405, %bitcast3A_1249 : vector<16xf32>
      %add3A_1407 = arith.addf %add3A_1401, %mul3A_1406 : vector<16xf32>
      %swap3A_1408 = arith.constant 256 : index
      %swap3A_1409 = tpu.vector_load %arg9[%swap3A_1408] {strides = array<i32>} : memref<320xf32, #tpu.memory_space<vmem>>, vector<16xf32>,
      tpu.vector_store %arg9[%swap3A_1408], %add3A_1407 {strides = array<i32>} : memref<320xf32, #tpu.memory_space<vmem>>, vector<16xf32>,
      %get3A_1410 = arith.constant 16 : index
      %get3A_1411 = tpu.vector_load %arg8[%get3A_1410] {strides = array<i32>} : memref<320xf32, #tpu.memory_space<vmem>>, vector<16xf32>,
      %bitcast3A_1412 = vector.bitcast %get3A_1411 : vector<16xf32> to vector<16xi32>
      %add3A_1413 = arith.constant 32767 : i32
      %add3A_1414 = vector.broadcast %add3A_1413 : i32 to vector<16xi32>
      %add3A_1415 = arith.addi %bitcast3A_1412, %add3A_1414 : vector<16xi32>
      %shift_right_arithmetic3A_1416 = arith.constant 16 : i32
      %shift_right_arithmetic3A_1417 = vector.broadcast %shift_right_arithmetic3A_1416 : i32 to vector<16xi32>
      %shift_right_arithmetic3A_1418 = arith.shrsi %bitcast3A_1412, %shift_right_arithmetic3A_1417 : vector<16xi32>
      %and3A_1419 = arith.constant 1 : i32
      %and3A_1420 = vector.broadcast %and3A_1419 : i32 to vector<16xi32>
      %and3A_1421 = arith.andi %shift_right_arithmetic3A_1418, %and3A_1420 : vector<16xi32>
      %add3A_1422 = arith.addi %add3A_1415, %and3A_1421 : vector<16xi32>
      %and3A_1423 = arith.constant -65536 : i32
      %and3A_1424 = vector.broadcast %and3A_1423 : i32 to vector<16xi32>
      %and3A_1425 = arith.andi %add3A_1422, %and3A_1424 : vector<16xi32>
      %bitcast3A_1426 = vector.bitcast %and3A_1425 : vector<16xi32> to vector<16xf32>
      %get3A_1427 = arith.constant 80 : index
      %get3A_1428 = tpu.vector_load %arg8[%get3A_1427] {strides = array<i32>} : memref<320xf32, #tpu.memory_space<vmem>>, vector<16xf32>,
      %bitcast3A_1429 = vector.bitcast %get3A_1428 : vector<16xf32> to vector<16xi32>
      %add3A_1430 = arith.constant 32767 : i32
      %add3A_1431 = vector.broadcast %add3A_1430 : i32 to vector<16xi32>
      %add3A_1432 = arith.addi %bitcast3A_1429, %add3A_1431 : vector<16xi32>
      %shift_right_arithmetic3A_1433 = arith.constant 16 : i32
      %shift_right_arithmetic3A_1434 = vector.broadcast %shift_right_arithmetic3A_1433 : i32 to vector<16xi32>
      %shift_right_arithmetic3A_1435 = arith.shrsi %bitcast3A_1429, %shift_right_arithmetic3A_1434 : vector<16xi32>
      %and3A_1436 = arith.constant 1 : i32
      %and3A_1437 = vector.broadcast %and3A_1436 : i32 to vector<16xi32>
      %and3A_1438 = arith.andi %shift_right_arithmetic3A_1435, %and3A_1437 : vector<16xi32>
      %add3A_1439 = arith.addi %add3A_1432, %and3A_1438 : vector<16xi32>
      %and3A_1440 = arith.constant -65536 : i32
      %and3A_1441 = vector.broadcast %and3A_1440 : i32 to vector<16xi32>
      %and3A_1442 = arith.andi %add3A_1439, %and3A_1441 : vector<16xi32>
      %bitcast3A_1443 = vector.bitcast %and3A_1442 : vector<16xi32> to vector<16xf32>
      %get3A_1444 = arith.constant 144 : index
      %get3A_1445 = tpu.vector_load %arg8[%get3A_1444] {strides = array<i32>} : memref<320xf32, #tpu.memory_space<vmem>>, vector<16xf32>,
      %bitcast3A_1446 = vector.bitcast %get3A_1445 : vector<16xf32> to vector<16xi32>
      %add3A_1447 = arith.constant 32767 : i32
      %add3A_1448 = vector.broadcast %add3A_1447 : i32 to vector<16xi32>
      %add3A_1449 = arith.addi %bitcast3A_1446, %add3A_1448 : vector<16xi32>
      %shift_right_arithmetic3A_1450 = arith.constant 16 : i32
      %shift_right_arithmetic3A_1451 = vector.broadcast %shift_right_arithmetic3A_1450 : i32 to vector<16xi32>
      %shift_right_arithmetic3A_1452 = arith.shrsi %bitcast3A_1446, %shift_right_arithmetic3A_1451 : vector<16xi32>
      %and3A_1453 = arith.constant 1 : i32
      %and3A_1454 = vector.broadcast %and3A_1453 : i32 to vector<16xi32>
      %and3A_1455 = arith.andi %shift_right_arithmetic3A_1452, %and3A_1454 : vector<16xi32>
      %add3A_1456 = arith.addi %add3A_1449, %and3A_1455 : vector<16xi32>
      %and3A_1457 = arith.constant -65536 : i32
      %and3A_1458 = vector.broadcast %and3A_1457 : i32 to vector<16xi32>
      %and3A_1459 = arith.andi %add3A_1456, %and3A_1458 : vector<16xi32>
      %bitcast3A_1460 = vector.bitcast %and3A_1459 : vector<16xi32> to vector<16xf32>
      %get3A_1461 = arith.constant 208 : index
      %get3A_1462 = tpu.vector_load %arg8[%get3A_1461] {strides = array<i32>} : memref<320xf32, #tpu.memory_space<vmem>>, vector<16xf32>,
      %bitcast3A_1463 = vector.bitcast %get3A_1462 : vector<16xf32> to vector<16xi32>
      %add3A_1464 = arith.constant 32767 : i32
      %add3A_1465 = vector.broadcast %add3A_1464 : i32 to vector<16xi32>
      %add3A_1466 = arith.addi %bitcast3A_1463, %add3A_1465 : vector<16xi32>
      %shift_right_arithmetic3A_1467 = arith.constant 16 : i32
      %shift_right_arithmetic3A_1468 = vector.broadcast %shift_right_arithmetic3A_1467 : i32 to vector<16xi32>
      %shift_right_arithmetic3A_1469 = arith.shrsi %bitcast3A_1463, %shift_right_arithmetic3A_1468 : vector<16xi32>
      %and3A_1470 = arith.constant 1 : i32
      %and3A_1471 = vector.broadcast %and3A_1470 : i32 to vector<16xi32>
      %and3A_1472 = arith.andi %shift_right_arithmetic3A_1469, %and3A_1471 : vector<16xi32>
      %add3A_1473 = arith.addi %add3A_1466, %and3A_1472 : vector<16xi32>
      %and3A_1474 = arith.constant -65536 : i32
      %and3A_1475 = vector.broadcast %and3A_1474 : i32 to vector<16xi32>
      %and3A_1476 = arith.andi %add3A_1473, %and3A_1475 : vector<16xi32>
      %bitcast3A_1477 = vector.bitcast %and3A_1476 : vector<16xi32> to vector<16xf32>
      %get3A_1478 = arith.constant 272 : index
      %get3A_1479 = tpu.vector_load %arg8[%get3A_1478] {strides = array<i32>} : memref<320xf32, #tpu.memory_space<vmem>>, vector<16xf32>,
      %bitcast3A_1480 = vector.bitcast %get3A_1479 : vector<16xf32> to vector<16xi32>
      %add3A_1481 = arith.constant 32767 : i32
      %add3A_1482 = vector.broadcast %add3A_1481 : i32 to vector<16xi32>
      %add3A_1483 = arith.addi %bitcast3A_1480, %add3A_1482 : vector<16xi32>
      %shift_right_arithmetic3A_1484 = arith.constant 16 : i32
      %shift_right_arithmetic3A_1485 = vector.broadcast %shift_right_arithmetic3A_1484 : i32 to vector<16xi32>
      %shift_right_arithmetic3A_1486 = arith.shrsi %bitcast3A_1480, %shift_right_arithmetic3A_1485 : vector<16xi32>
      %and3A_1487 = arith.constant 1 : i32
      %and3A_1488 = vector.broadcast %and3A_1487 : i32 to vector<16xi32>
      %and3A_1489 = arith.andi %shift_right_arithmetic3A_1486, %and3A_1488 : vector<16xi32>
      %add3A_1490 = arith.addi %add3A_1483, %and3A_1489 : vector<16xi32>
      %and3A_1491 = arith.constant -65536 : i32
      %and3A_1492 = vector.broadcast %and3A_1491 : i32 to vector<16xi32>
      %and3A_1493 = arith.andi %add3A_1490, %and3A_1492 : vector<16xi32>
      %bitcast3A_1494 = vector.bitcast %and3A_1493 : vector<16xi32> to vector<16xf32>
      %get3A_1495 = arith.constant 320 : i32
      %get3A_1496 = tpu.memref_slice %arg7[%get3A_1495] : memref<2400xf32, #tpu.memory_space<vmem>> -> memref<1056xf32, #tpu.memory_space<vmem>>
      %get3A_1497 = arith.constant 400 : index
      %get3A_1498 = tpu.vector_load %get3A_1496[%get3A_1497] {strides = array<i32>} : memref<1056xf32, #tpu.memory_space<vmem>>, vector<16xf32>,
      %mul3A_1499 = arith.mulf %get3A_1498, %bitcast3A_1426 : vector<16xf32>
      %add3A_1500 = arith.addf %broadcast_in_dim3A_30, %mul3A_1499 : vector<16xf32>
      %get3A_1501 = arith.constant 320 : i32
      %get3A_1502 = tpu.memref_slice %arg7[%get3A_1501] : memref<2400xf32, #tpu.memory_space<vmem>> -> memref<1056xf32, #tpu.memory_space<vmem>>
      %get3A_1503 = arith.constant 480 : index
      %get3A_1504 = tpu.vector_load %get3A_1502[%get3A_1503] {strides = array<i32>} : memref<1056xf32, #tpu.memory_space<vmem>>, vector<16xf32>,
      %mul3A_1505 = arith.mulf %get3A_1504, %bitcast3A_1443 : vector<16xf32>
      %add3A_1506 = arith.addf %add3A_1500, %mul3A_1505 : vector<16xf32>
      %get3A_1507 = arith.constant 320 : i32
      %get3A_1508 = tpu.memref_slice %arg7[%get3A_1507] : memref<2400xf32, #tpu.memory_space<vmem>> -> memref<1056xf32, #tpu.memory_space<vmem>>
      %get3A_1509 = arith.constant 560 : index
      %get3A_1510 = tpu.vector_load %get3A_1508[%get3A_1509] {strides = array<i32>} : memref<1056xf32, #tpu.memory_space<vmem>>, vector<16xf32>,
      %mul3A_1511 = arith.mulf %get3A_1510, %bitcast3A_1460 : vector<16xf32>
      %add3A_1512 = arith.addf %add3A_1506, %mul3A_1511 : vector<16xf32>
      %get3A_1513 = arith.constant 320 : i32
      %get3A_1514 = tpu.memref_slice %arg7[%get3A_1513] : memref<2400xf32, #tpu.memory_space<vmem>> -> memref<1056xf32, #tpu.memory_space<vmem>>
      %get3A_1515 = arith.constant 640 : index
      %get3A_1516 = tpu.vector_load %get3A_1514[%get3A_1515] {strides = array<i32>} : memref<1056xf32, #tpu.memory_space<vmem>>, vector<16xf32>,
      %mul3A_1517 = arith.mulf %get3A_1516, %bitcast3A_1477 : vector<16xf32>
      %add3A_1518 = arith.addf %add3A_1512, %mul3A_1517 : vector<16xf32>
      %get3A_1519 = arith.constant 320 : i32
      %get3A_1520 = tpu.memref_slice %arg7[%get3A_1519] : memref<2400xf32, #tpu.memory_space<vmem>> -> memref<1056xf32, #tpu.memory_space<vmem>>
      %get3A_1521 = arith.constant 720 : index
      %get3A_1522 = tpu.vector_load %get3A_1520[%get3A_1521] {strides = array<i32>} : memref<1056xf32, #tpu.memory_space<vmem>>, vector<16xf32>,
      %mul3A_1523 = arith.mulf %get3A_1522, %bitcast3A_1494 : vector<16xf32>
      %add3A_1524 = arith.addf %add3A_1518, %mul3A_1523 : vector<16xf32>
      %swap3A_1525 = arith.constant 16 : index
      %swap3A_1526 = tpu.vector_load %arg9[%swap3A_1525] {strides = array<i32>} : memref<320xf32, #tpu.memory_space<vmem>>, vector<16xf32>,
      tpu.vector_store %arg9[%swap3A_1525], %add3A_1524 {strides = array<i32>} : memref<320xf32, #tpu.memory_space<vmem>>, vector<16xf32>,
      %get3A_1527 = arith.constant 320 : i32
      %get3A_1528 = tpu.memref_slice %arg7[%get3A_1527] : memref<2400xf32, #tpu.memory_space<vmem>> -> memref<1056xf32, #tpu.memory_space<vmem>>
      %get3A_1529 = arith.constant 416 : index
      %get3A_1530 = tpu.vector_load %get3A_1528[%get3A_1529] {strides = array<i32>} : memref<1056xf32, #tpu.memory_space<vmem>>, vector<16xf32>,
      %mul3A_1531 = arith.mulf %get3A_1530, %bitcast3A_1426 : vector<16xf32>
      %add3A_1532 = arith.addf %broadcast_in_dim3A_30, %mul3A_1531 : vector<16xf32>
      %get3A_1533 = arith.constant 320 : i32
      %get3A_1534 = tpu.memref_slice %arg7[%get3A_1533] : memref<2400xf32, #tpu.memory_space<vmem>> -> memref<1056xf32, #tpu.memory_space<vmem>>
      %get3A_1535 = arith.constant 496 : index
      %get3A_1536 = tpu.vector_load %get3A_1534[%get3A_1535] {strides = array<i32>} : memref<1056xf32, #tpu.memory_space<vmem>>, vector<16xf32>,
      %mul3A_1537 = arith.mulf %get3A_1536, %bitcast3A_1443 : vector<16xf32>
      %add3A_1538 = arith.addf %add3A_1532, %mul3A_1537 : vector<16xf32>
      %get3A_1539 = arith.constant 320 : i32
      %get3A_1540 = tpu.memref_slice %arg7[%get3A_1539] : memref<2400xf32, #tpu.memory_space<vmem>> -> memref<1056xf32, #tpu.memory_space<vmem>>
      %get3A_1541 = arith.constant 576 : index
      %get3A_1542 = tpu.vector_load %get3A_1540[%get3A_1541] {strides = array<i32>} : memref<1056xf32, #tpu.memory_space<vmem>>, vector<16xf32>,
      %mul3A_1543 = arith.mulf %get3A_1542, %bitcast3A_1460 : vector<16xf32>
      %add3A_1544 = arith.addf %add3A_1538, %mul3A_1543 : vector<16xf32>
      %get3A_1545 = arith.constant 320 : i32
      %get3A_1546 = tpu.memref_slice %arg7[%get3A_1545] : memref<2400xf32, #tpu.memory_space<vmem>> -> memref<1056xf32, #tpu.memory_space<vmem>>
      %get3A_1547 = arith.constant 656 : index
      %get3A_1548 = tpu.vector_load %get3A_1546[%get3A_1547] {strides = array<i32>} : memref<1056xf32, #tpu.memory_space<vmem>>, vector<16xf32>,
      %mul3A_1549 = arith.mulf %get3A_1548, %bitcast3A_1477 : vector<16xf32>
      %add3A_1550 = arith.addf %add3A_1544, %mul3A_1549 : vector<16xf32>
      %get3A_1551 = arith.constant 320 : i32
      %get3A_1552 = tpu.memref_slice %arg7[%get3A_1551] : memref<2400xf32, #tpu.memory_space<vmem>> -> memref<1056xf32, #tpu.memory_space<vmem>>
      %get3A_1553 = arith.constant 736 : index
      %get3A_1554 = tpu.vector_load %get3A_1552[%get3A_1553] {strides = array<i32>} : memref<1056xf32, #tpu.memory_space<vmem>>, vector<16xf32>,
      %mul3A_1555 = arith.mulf %get3A_1554, %bitcast3A_1494 : vector<16xf32>
      %add3A_1556 = arith.addf %add3A_1550, %mul3A_1555 : vector<16xf32>
      %swap3A_1557 = arith.constant 80 : index
      %swap3A_1558 = tpu.vector_load %arg9[%swap3A_1557] {strides = array<i32>} : memref<320xf32, #tpu.memory_space<vmem>>, vector<16xf32>,
      tpu.vector_store %arg9[%swap3A_1557], %add3A_1556 {strides = array<i32>} : memref<320xf32, #tpu.memory_space<vmem>>, vector<16xf32>,
      %get3A_1559 = arith.constant 320 : i32
      %get3A_1560 = tpu.memref_slice %arg7[%get3A_1559] : memref<2400xf32, #tpu.memory_space<vmem>> -> memref<1056xf32, #tpu.memory_space<vmem>>
      %get3A_1561 = arith.constant 432 : index
      %get3A_1562 = tpu.vector_load %get3A_1560[%get3A_1561] {strides = array<i32>} : memref<1056xf32, #tpu.memory_space<vmem>>, vector<16xf32>,
      %mul3A_1563 = arith.mulf %get3A_1562, %bitcast3A_1426 : vector<16xf32>
      %add3A_1564 = arith.addf %broadcast_in_dim3A_30, %mul3A_1563 : vector<16xf32>
      %get3A_1565 = arith.constant 320 : i32
      %get3A_1566 = tpu.memref_slice %arg7[%get3A_1565] : memref<2400xf32, #tpu.memory_space<vmem>> -> memref<1056xf32, #tpu.memory_space<vmem>>
      %get3A_1567 = arith.constant 512 : index
      %get3A_1568 = tpu.vector_load %get3A_1566[%get3A_1567] {strides = array<i32>} : memref<1056xf32, #tpu.memory_space<vmem>>, vector<16xf32>,
      %mul3A_1569 = arith.mulf %get3A_1568, %bitcast3A_1443 : vector<16xf32>
      %add3A_1570 = arith.addf %add3A_1564, %mul3A_1569 : vector<16xf32>
      %get3A_1571 = arith.constant 320 : i32
      %get3A_1572 = tpu.memref_slice %arg7[%get3A_1571] : memref<2400xf32, #tpu.memory_space<vmem>> -> memref<1056xf32, #tpu.memory_space<vmem>>
      %get3A_1573 = arith.constant 592 : index
      %get3A_1574 = tpu.vector_load %get3A_1572[%get3A_1573] {strides = array<i32>} : memref<1056xf32, #tpu.memory_space<vmem>>, vector<16xf32>,
      %mul3A_1575 = arith.mulf %get3A_1574, %bitcast3A_1460 : vector<16xf32>
      %add3A_1576 = arith.addf %add3A_1570, %mul3A_1575 : vector<16xf32>
      %get3A_1577 = arith.constant 320 : i32
      %get3A_1578 = tpu.memref_slice %arg7[%get3A_1577] : memref<2400xf32, #tpu.memory_space<vmem>> -> memref<1056xf32, #tpu.memory_space<vmem>>
      %get3A_1579 = arith.constant 672 : index
      %get3A_1580 = tpu.vector_load %get3A_1578[%get3A_1579] {strides = array<i32>} : memref<1056xf32, #tpu.memory_space<vmem>>, vector<16xf32>,
      %mul3A_1581 = arith.mulf %get3A_1580, %bitcast3A_1477 : vector<16xf32>
      %add3A_1582 = arith.addf %add3A_1576, %mul3A_1581 : vector<16xf32>
      %get3A_1583 = arith.constant 320 : i32
      %get3A_1584 = tpu.memref_slice %arg7[%get3A_1583] : memref<2400xf32, #tpu.memory_space<vmem>> -> memref<1056xf32, #tpu.memory_space<vmem>>
      %get3A_1585 = arith.constant 752 : index
      %get3A_1586 = tpu.vector_load %get3A_1584[%get3A_1585] {strides = array<i32>} : memref<1056xf32, #tpu.memory_space<vmem>>, vector<16xf32>,
      %mul3A_1587 = arith.mulf %get3A_1586, %bitcast3A_1494 : vector<16xf32>
      %add3A_1588 = arith.addf %add3A_1582, %mul3A_1587 : vector<16xf32>
      %swap3A_1589 = arith.constant 144 : index
      %swap3A_1590 = tpu.vector_load %arg9[%swap3A_1589] {strides = array<i32>} : memref<320xf32, #tpu.memory_space<vmem>>, vector<16xf32>,
      tpu.vector_store %arg9[%swap3A_1589], %add3A_1588 {strides = array<i32>} : memref<320xf32, #tpu.memory_space<vmem>>, vector<16xf32>,
      %get3A_1591 = arith.constant 320 : i32
      %get3A_1592 = tpu.memref_slice %arg7[%get3A_1591] : memref<2400xf32, #tpu.memory_space<vmem>> -> memref<1056xf32, #tpu.memory_space<vmem>>
      %get3A_1593 = arith.constant 448 : index
      %get3A_1594 = tpu.vector_load %get3A_1592[%get3A_1593] {strides = array<i32>} : memref<1056xf32, #tpu.memory_space<vmem>>, vector<16xf32>,
      %mul3A_1595 = arith.mulf %get3A_1594, %bitcast3A_1426 : vector<16xf32>
      %add3A_1596 = arith.addf %broadcast_in_dim3A_30, %mul3A_1595 : vector<16xf32>
      %get3A_1597 = arith.constant 320 : i32
      %get3A_1598 = tpu.memref_slice %arg7[%get3A_1597] : memref<2400xf32, #tpu.memory_space<vmem>> -> memref<1056xf32, #tpu.memory_space<vmem>>
      %get3A_1599 = arith.constant 528 : index
      %get3A_1600 = tpu.vector_load %get3A_1598[%get3A_1599] {strides = array<i32>} : memref<1056xf32, #tpu.memory_space<vmem>>, vector<16xf32>,
      %mul3A_1601 = arith.mulf %get3A_1600, %bitcast3A_1443 : vector<16xf32>
      %add3A_1602 = arith.addf %add3A_1596, %mul3A_1601 : vector<16xf32>
      %get3A_1603 = arith.constant 320 : i32
      %get3A_1604 = tpu.memref_slice %arg7[%get3A_1603] : memref<2400xf32, #tpu.memory_space<vmem>> -> memref<1056xf32, #tpu.memory_space<vmem>>
      %get3A_1605 = arith.constant 608 : index
      %get3A_1606 = tpu.vector_load %get3A_1604[%get3A_1605] {strides = array<i32>} : memref<1056xf32, #tpu.memory_space<vmem>>, vector<16xf32>,
      %mul3A_1607 = arith.mulf %get3A_1606, %bitcast3A_1460 : vector<16xf32>
      %add3A_1608 = arith.addf %add3A_1602, %mul3A_1607 : vector<16xf32>
      %get3A_1609 = arith.constant 320 : i32
      %get3A_1610 = tpu.memref_slice %arg7[%get3A_1609] : memref<2400xf32, #tpu.memory_space<vmem>> -> memref<1056xf32, #tpu.memory_space<vmem>>
      %get3A_1611 = arith.constant 688 : index
      %get3A_1612 = tpu.vector_load %get3A_1610[%get3A_1611] {strides = array<i32>} : memref<1056xf32, #tpu.memory_space<vmem>>, vector<16xf32>,
      %mul3A_1613 = arith.mulf %get3A_1612, %bitcast3A_1477 : vector<16xf32>
      %add3A_1614 = arith.addf %add3A_1608, %mul3A_1613 : vector<16xf32>
      %get3A_1615 = arith.constant 320 : i32
      %get3A_1616 = tpu.memref_slice %arg7[%get3A_1615] : memref<2400xf32, #tpu.memory_space<vmem>> -> memref<1056xf32, #tpu.memory_space<vmem>>
      %get3A_1617 = arith.constant 768 : index
      %get3A_1618 = tpu.vector_load %get3A_1616[%get3A_1617] {strides = array<i32>} : memref<1056xf32, #tpu.memory_space<vmem>>, vector<16xf32>,
      %mul3A_1619 = arith.mulf %get3A_1618, %bitcast3A_1494 : vector<16xf32>
      %add3A_1620 = arith.addf %add3A_1614, %mul3A_1619 : vector<16xf32>
      %swap3A_1621 = arith.constant 208 : index
      %swap3A_1622 = tpu.vector_load %arg9[%swap3A_1621] {strides = array<i32>} : memref<320xf32, #tpu.memory_space<vmem>>, vector<16xf32>,
      tpu.vector_store %arg9[%swap3A_1621], %add3A_1620 {strides = array<i32>} : memref<320xf32, #tpu.memory_space<vmem>>, vector<16xf32>,
      %get3A_1623 = arith.constant 320 : i32
      %get3A_1624 = tpu.memref_slice %arg7[%get3A_1623] : memref<2400xf32, #tpu.memory_space<vmem>> -> memref<1056xf32, #tpu.memory_space<vmem>>
      %get3A_1625 = arith.constant 464 : index
      %get3A_1626 = tpu.vector_load %get3A_1624[%get3A_1625] {strides = array<i32>} : memref<1056xf32, #tpu.memory_space<vmem>>, vector<16xf32>,
      %mul3A_1627 = arith.mulf %get3A_1626, %bitcast3A_1426 : vector<16xf32>
      %add3A_1628 = arith.addf %broadcast_in_dim3A_30, %mul3A_1627 : vector<16xf32>
      %get3A_1629 = arith.constant 320 : i32
      %get3A_1630 = tpu.memref_slice %arg7[%get3A_1629] : memref<2400xf32, #tpu.memory_space<vmem>> -> memref<1056xf32, #tpu.memory_space<vmem>>
      %get3A_1631 = arith.constant 544 : index
      %get3A_1632 = tpu.vector_load %get3A_1630[%get3A_1631] {strides = array<i32>} : memref<1056xf32, #tpu.memory_space<vmem>>, vector<16xf32>,
      %mul3A_1633 = arith.mulf %get3A_1632, %bitcast3A_1443 : vector<16xf32>
      %add3A_1634 = arith.addf %add3A_1628, %mul3A_1633 : vector<16xf32>
      %get3A_1635 = arith.constant 320 : i32
      %get3A_1636 = tpu.memref_slice %arg7[%get3A_1635] : memref<2400xf32, #tpu.memory_space<vmem>> -> memref<1056xf32, #tpu.memory_space<vmem>>
      %get3A_1637 = arith.constant 624 : index
      %get3A_1638 = tpu.vector_load %get3A_1636[%get3A_1637] {strides = array<i32>} : memref<1056xf32, #tpu.memory_space<vmem>>, vector<16xf32>,
      %mul3A_1639 = arith.mulf %get3A_1638, %bitcast3A_1460 : vector<16xf32>
      %add3A_1640 = arith.addf %add3A_1634, %mul3A_1639 : vector<16xf32>
      %get3A_1641 = arith.constant 320 : i32
      %get3A_1642 = tpu.memref_slice %arg7[%get3A_1641] : memref<2400xf32, #tpu.memory_space<vmem>> -> memref<1056xf32, #tpu.memory_space<vmem>>
      %get3A_1643 = arith.constant 704 : index
      %get3A_1644 = tpu.vector_load %get3A_1642[%get3A_1643] {strides = array<i32>} : memref<1056xf32, #tpu.memory_space<vmem>>, vector<16xf32>,
      %mul3A_1645 = arith.mulf %get3A_1644, %bitcast3A_1477 : vector<16xf32>
      %add3A_1646 = arith.addf %add3A_1640, %mul3A_1645 : vector<16xf32>
      %get3A_1647 = arith.constant 320 : i32
      %get3A_1648 = tpu.memref_slice %arg7[%get3A_1647] : memref<2400xf32, #tpu.memory_space<vmem>> -> memref<1056xf32, #tpu.memory_space<vmem>>
      %get3A_1649 = arith.constant 784 : index
      %get3A_1650 = tpu.vector_load %get3A_1648[%get3A_1649] {strides = array<i32>} : memref<1056xf32, #tpu.memory_space<vmem>>, vector<16xf32>,
      %mul3A_1651 = arith.mulf %get3A_1650, %bitcast3A_1494 : vector<16xf32>
      %add3A_1652 = arith.addf %add3A_1646, %mul3A_1651 : vector<16xf32>
      %swap3A_1653 = arith.constant 272 : index
      %swap3A_1654 = tpu.vector_load %arg9[%swap3A_1653] {strides = array<i32>} : memref<320xf32, #tpu.memory_space<vmem>>, vector<16xf32>,
      tpu.vector_store %arg9[%swap3A_1653], %add3A_1652 {strides = array<i32>} : memref<320xf32, #tpu.memory_space<vmem>>, vector<16xf32>,
      %get3A_1655 = arith.constant 32 : index
      %get3A_1656 = tpu.vector_load %arg8[%get3A_1655] {strides = array<i32>} : memref<320xf32, #tpu.memory_space<vmem>>, vector<16xf32>,
      %bitcast3A_1657 = vector.bitcast %get3A_1656 : vector<16xf32> to vector<16xi32>
      %add3A_1658 = arith.constant 32767 : i32
      %add3A_1659 = vector.broadcast %add3A_1658 : i32 to vector<16xi32>
      %add3A_1660 = arith.addi %bitcast3A_1657, %add3A_1659 : vector<16xi32>
      %shift_right_arithmetic3A_1661 = arith.constant 16 : i32
      %shift_right_arithmetic3A_1662 = vector.broadcast %shift_right_arithmetic3A_1661 : i32 to vector<16xi32>
      %shift_right_arithmetic3A_1663 = arith.shrsi %bitcast3A_1657, %shift_right_arithmetic3A_1662 : vector<16xi32>
      %and3A_1664 = arith.constant 1 : i32
      %and3A_1665 = vector.broadcast %and3A_1664 : i32 to vector<16xi32>
      %and3A_1666 = arith.andi %shift_right_arithmetic3A_1663, %and3A_1665 : vector<16xi32>
      %add3A_1667 = arith.addi %add3A_1660, %and3A_1666 : vector<16xi32>
      %and3A_1668 = arith.constant -65536 : i32
      %and3A_1669 = vector.broadcast %and3A_1668 : i32 to vector<16xi32>
      %and3A_1670 = arith.andi %add3A_1667, %and3A_1669 : vector<16xi32>
      %bitcast3A_1671 = vector.bitcast %and3A_1670 : vector<16xi32> to vector<16xf32>
      %get3A_1672 = arith.constant 96 : index
      %get3A_1673 = tpu.vector_load %arg8[%get3A_1672] {strides = array<i32>} : memref<320xf32, #tpu.memory_space<vmem>>, vector<16xf32>,
      %bitcast3A_1674 = vector.bitcast %get3A_1673 : vector<16xf32> to vector<16xi32>
      %add3A_1675 = arith.constant 32767 : i32
      %add3A_1676 = vector.broadcast %add3A_1675 : i32 to vector<16xi32>
      %add3A_1677 = arith.addi %bitcast3A_1674, %add3A_1676 : vector<16xi32>
      %shift_right_arithmetic3A_1678 = arith.constant 16 : i32
      %shift_right_arithmetic3A_1679 = vector.broadcast %shift_right_arithmetic3A_1678 : i32 to vector<16xi32>
      %shift_right_arithmetic3A_1680 = arith.shrsi %bitcast3A_1674, %shift_right_arithmetic3A_1679 : vector<16xi32>
      %and3A_1681 = arith.constant 1 : i32
      %and3A_1682 = vector.broadcast %and3A_1681 : i32 to vector<16xi32>
      %and3A_1683 = arith.andi %shift_right_arithmetic3A_1680, %and3A_1682 : vector<16xi32>
      %add3A_1684 = arith.addi %add3A_1677, %and3A_1683 : vector<16xi32>
      %and3A_1685 = arith.constant -65536 : i32
      %and3A_1686 = vector.broadcast %and3A_1685 : i32 to vector<16xi32>
      %and3A_1687 = arith.andi %add3A_1684, %and3A_1686 : vector<16xi32>
      %bitcast3A_1688 = vector.bitcast %and3A_1687 : vector<16xi32> to vector<16xf32>
      %get3A_1689 = arith.constant 160 : index
      %get3A_1690 = tpu.vector_load %arg8[%get3A_1689] {strides = array<i32>} : memref<320xf32, #tpu.memory_space<vmem>>, vector<16xf32>,
      %bitcast3A_1691 = vector.bitcast %get3A_1690 : vector<16xf32> to vector<16xi32>
      %add3A_1692 = arith.constant 32767 : i32
      %add3A_1693 = vector.broadcast %add3A_1692 : i32 to vector<16xi32>
      %add3A_1694 = arith.addi %bitcast3A_1691, %add3A_1693 : vector<16xi32>
      %shift_right_arithmetic3A_1695 = arith.constant 16 : i32
      %shift_right_arithmetic3A_1696 = vector.broadcast %shift_right_arithmetic3A_1695 : i32 to vector<16xi32>
      %shift_right_arithmetic3A_1697 = arith.shrsi %bitcast3A_1691, %shift_right_arithmetic3A_1696 : vector<16xi32>
      %and3A_1698 = arith.constant 1 : i32
      %and3A_1699 = vector.broadcast %and3A_1698 : i32 to vector<16xi32>
      %and3A_1700 = arith.andi %shift_right_arithmetic3A_1697, %and3A_1699 : vector<16xi32>
      %add3A_1701 = arith.addi %add3A_1694, %and3A_1700 : vector<16xi32>
      %and3A_1702 = arith.constant -65536 : i32
      %and3A_1703 = vector.broadcast %and3A_1702 : i32 to vector<16xi32>
      %and3A_1704 = arith.andi %add3A_1701, %and3A_1703 : vector<16xi32>
      %bitcast3A_1705 = vector.bitcast %and3A_1704 : vector<16xi32> to vector<16xf32>
      %get3A_1706 = arith.constant 224 : index
      %get3A_1707 = tpu.vector_load %arg8[%get3A_1706] {strides = array<i32>} : memref<320xf32, #tpu.memory_space<vmem>>, vector<16xf32>,
      %bitcast3A_1708 = vector.bitcast %get3A_1707 : vector<16xf32> to vector<16xi32>
      %add3A_1709 = arith.constant 32767 : i32
      %add3A_1710 = vector.broadcast %add3A_1709 : i32 to vector<16xi32>
      %add3A_1711 = arith.addi %bitcast3A_1708, %add3A_1710 : vector<16xi32>
      %shift_right_arithmetic3A_1712 = arith.constant 16 : i32
      %shift_right_arithmetic3A_1713 = vector.broadcast %shift_right_arithmetic3A_1712 : i32 to vector<16xi32>
      %shift_right_arithmetic3A_1714 = arith.shrsi %bitcast3A_1708, %shift_right_arithmetic3A_1713 : vector<16xi32>
      %and3A_1715 = arith.constant 1 : i32
      %and3A_1716 = vector.broadcast %and3A_1715 : i32 to vector<16xi32>
      %and3A_1717 = arith.andi %shift_right_arithmetic3A_1714, %and3A_1716 : vector<16xi32>
      %add3A_1718 = arith.addi %add3A_1711, %and3A_1717 : vector<16xi32>
      %and3A_1719 = arith.constant -65536 : i32
      %and3A_1720 = vector.broadcast %and3A_1719 : i32 to vector<16xi32>
      %and3A_1721 = arith.andi %add3A_1718, %and3A_1720 : vector<16xi32>
      %bitcast3A_1722 = vector.bitcast %and3A_1721 : vector<16xi32> to vector<16xf32>
      %get3A_1723 = arith.constant 288 : index
      %get3A_1724 = tpu.vector_load %arg8[%get3A_1723] {strides = array<i32>} : memref<320xf32, #tpu.memory_space<vmem>>, vector<16xf32>,
      %bitcast3A_1725 = vector.bitcast %get3A_1724 : vector<16xf32> to vector<16xi32>
      %add3A_1726 = arith.constant 32767 : i32
      %add3A_1727 = vector.broadcast %add3A_1726 : i32 to vector<16xi32>
      %add3A_1728 = arith.addi %bitcast3A_1725, %add3A_1727 : vector<16xi32>
      %shift_right_arithmetic3A_1729 = arith.constant 16 : i32
      %shift_right_arithmetic3A_1730 = vector.broadcast %shift_right_arithmetic3A_1729 : i32 to vector<16xi32>
      %shift_right_arithmetic3A_1731 = arith.shrsi %bitcast3A_1725, %shift_right_arithmetic3A_1730 : vector<16xi32>
      %and3A_1732 = arith.constant 1 : i32
      %and3A_1733 = vector.broadcast %and3A_1732 : i32 to vector<16xi32>
      %and3A_1734 = arith.andi %shift_right_arithmetic3A_1731, %and3A_1733 : vector<16xi32>
      %add3A_1735 = arith.addi %add3A_1728, %and3A_1734 : vector<16xi32>
      %and3A_1736 = arith.constant -65536 : i32
      %and3A_1737 = vector.broadcast %and3A_1736 : i32 to vector<16xi32>
      %and3A_1738 = arith.andi %add3A_1735, %and3A_1737 : vector<16xi32>
      %bitcast3A_1739 = vector.bitcast %and3A_1738 : vector<16xi32> to vector<16xf32>
      %get3A_1740 = arith.constant 320 : i32
      %get3A_1741 = tpu.memref_slice %arg7[%get3A_1740] : memref<2400xf32, #tpu.memory_space<vmem>> -> memref<1056xf32, #tpu.memory_space<vmem>>
      %get3A_1742 = arith.constant 400 : index
      %get3A_1743 = tpu.vector_load %get3A_1741[%get3A_1742] {strides = array<i32>} : memref<1056xf32, #tpu.memory_space<vmem>>, vector<16xf32>,
      %mul3A_1744 = arith.mulf %get3A_1743, %bitcast3A_1671 : vector<16xf32>
      %add3A_1745 = arith.addf %broadcast_in_dim3A_30, %mul3A_1744 : vector<16xf32>
      %get3A_1746 = arith.constant 320 : i32
      %get3A_1747 = tpu.memref_slice %arg7[%get3A_1746] : memref<2400xf32, #tpu.memory_space<vmem>> -> memref<1056xf32, #tpu.memory_space<vmem>>
      %get3A_1748 = arith.constant 480 : index
      %get3A_1749 = tpu.vector_load %get3A_1747[%get3A_1748] {strides = array<i32>} : memref<1056xf32, #tpu.memory_space<vmem>>, vector<16xf32>,
      %mul3A_1750 = arith.mulf %get3A_1749, %bitcast3A_1688 : vector<16xf32>
      %add3A_1751 = arith.addf %add3A_1745, %mul3A_1750 : vector<16xf32>
      %get3A_1752 = arith.constant 320 : i32
      %get3A_1753 = tpu.memref_slice %arg7[%get3A_1752] : memref<2400xf32, #tpu.memory_space<vmem>> -> memref<1056xf32, #tpu.memory_space<vmem>>
      %get3A_1754 = arith.constant 560 : index
      %get3A_1755 = tpu.vector_load %get3A_1753[%get3A_1754] {strides = array<i32>} : memref<1056xf32, #tpu.memory_space<vmem>>, vector<16xf32>,
      %mul3A_1756 = arith.mulf %get3A_1755, %bitcast3A_1705 : vector<16xf32>
      %add3A_1757 = arith.addf %add3A_1751, %mul3A_1756 : vector<16xf32>
      %get3A_1758 = arith.constant 320 : i32
      %get3A_1759 = tpu.memref_slice %arg7[%get3A_1758] : memref<2400xf32, #tpu.memory_space<vmem>> -> memref<1056xf32, #tpu.memory_space<vmem>>
      %get3A_1760 = arith.constant 640 : index
      %get3A_1761 = tpu.vector_load %get3A_1759[%get3A_1760] {strides = array<i32>} : memref<1056xf32, #tpu.memory_space<vmem>>, vector<16xf32>,
      %mul3A_1762 = arith.mulf %get3A_1761, %bitcast3A_1722 : vector<16xf32>
      %add3A_1763 = arith.addf %add3A_1757, %mul3A_1762 : vector<16xf32>
      %get3A_1764 = arith.constant 320 : i32
      %get3A_1765 = tpu.memref_slice %arg7[%get3A_1764] : memref<2400xf32, #tpu.memory_space<vmem>> -> memref<1056xf32, #tpu.memory_space<vmem>>
      %get3A_1766 = arith.constant 720 : index
      %get3A_1767 = tpu.vector_load %get3A_1765[%get3A_1766] {strides = array<i32>} : memref<1056xf32, #tpu.memory_space<vmem>>, vector<16xf32>,
      %mul3A_1768 = arith.mulf %get3A_1767, %bitcast3A_1739 : vector<16xf32>
      %add3A_1769 = arith.addf %add3A_1763, %mul3A_1768 : vector<16xf32>
      %swap3A_1770 = arith.constant 32 : index
      %swap3A_1771 = tpu.vector_load %arg9[%swap3A_1770] {strides = array<i32>} : memref<320xf32, #tpu.memory_space<vmem>>, vector<16xf32>,
      tpu.vector_store %arg9[%swap3A_1770], %add3A_1769 {strides = array<i32>} : memref<320xf32, #tpu.memory_space<vmem>>, vector<16xf32>,
      %get3A_1772 = arith.constant 320 : i32
      %get3A_1773 = tpu.memref_slice %arg7[%get3A_1772] : memref<2400xf32, #tpu.memory_space<vmem>> -> memref<1056xf32, #tpu.memory_space<vmem>>
      %get3A_1774 = arith.constant 416 : index
      %get3A_1775 = tpu.vector_load %get3A_1773[%get3A_1774] {strides = array<i32>} : memref<1056xf32, #tpu.memory_space<vmem>>, vector<16xf32>,
      %mul3A_1776 = arith.mulf %get3A_1775, %bitcast3A_1671 : vector<16xf32>
      %add3A_1777 = arith.addf %broadcast_in_dim3A_30, %mul3A_1776 : vector<16xf32>
      %get3A_1778 = arith.constant 320 : i32
      %get3A_1779 = tpu.memref_slice %arg7[%get3A_1778] : memref<2400xf32, #tpu.memory_space<vmem>> -> memref<1056xf32, #tpu.memory_space<vmem>>
      %get3A_1780 = arith.constant 496 : index
      %get3A_1781 = tpu.vector_load %get3A_1779[%get3A_1780] {strides = array<i32>} : memref<1056xf32, #tpu.memory_space<vmem>>, vector<16xf32>,
      %mul3A_1782 = arith.mulf %get3A_1781, %bitcast3A_1688 : vector<16xf32>
      %add3A_1783 = arith.addf %add3A_1777, %mul3A_1782 : vector<16xf32>
      %get3A_1784 = arith.constant 320 : i32
      %get3A_1785 = tpu.memref_slice %arg7[%get3A_1784] : memref<2400xf32, #tpu.memory_space<vmem>> -> memref<1056xf32, #tpu.memory_space<vmem>>
      %get3A_1786 = arith.constant 576 : index
      %get3A_1787 = tpu.vector_load %get3A_1785[%get3A_1786] {strides = array<i32>} : memref<1056xf32, #tpu.memory_space<vmem>>, vector<16xf32>,
      %mul3A_1788 = arith.mulf %get3A_1787, %bitcast3A_1705 : vector<16xf32>
      %add3A_1789 = arith.addf %add3A_1783, %mul3A_1788 : vector<16xf32>
      %get3A_1790 = arith.constant 320 : i32
      %get3A_1791 = tpu.memref_slice %arg7[%get3A_1790] : memref<2400xf32, #tpu.memory_space<vmem>> -> memref<1056xf32, #tpu.memory_space<vmem>>
      %get3A_1792 = arith.constant 656 : index
      %get3A_1793 = tpu.vector_load %get3A_1791[%get3A_1792] {strides = array<i32>} : memref<1056xf32, #tpu.memory_space<vmem>>, vector<16xf32>,
      %mul3A_1794 = arith.mulf %get3A_1793, %bitcast3A_1722 : vector<16xf32>
      %add3A_1795 = arith.addf %add3A_1789, %mul3A_1794 : vector<16xf32>
      %get3A_1796 = arith.constant 320 : i32
      %get3A_1797 = tpu.memref_slice %arg7[%get3A_1796] : memref<2400xf32, #tpu.memory_space<vmem>> -> memref<1056xf32, #tpu.memory_space<vmem>>
      %get3A_1798 = arith.constant 736 : index
      %get3A_1799 = tpu.vector_load %get3A_1797[%get3A_1798] {strides = array<i32>} : memref<1056xf32, #tpu.memory_space<vmem>>, vector<16xf32>,
      %mul3A_1800 = arith.mulf %get3A_1799, %bitcast3A_1739 : vector<16xf32>
      %add3A_1801 = arith.addf %add3A_1795, %mul3A_1800 : vector<16xf32>
      %swap3A_1802 = arith.constant 96 : index
      %swap3A_1803 = tpu.vector_load %arg9[%swap3A_1802] {strides = array<i32>} : memref<320xf32, #tpu.memory_space<vmem>>, vector<16xf32>,
      tpu.vector_store %arg9[%swap3A_1802], %add3A_1801 {strides = array<i32>} : memref<320xf32, #tpu.memory_space<vmem>>, vector<16xf32>,
      %get3A_1804 = arith.constant 320 : i32
      %get3A_1805 = tpu.memref_slice %arg7[%get3A_1804] : memref<2400xf32, #tpu.memory_space<vmem>> -> memref<1056xf32, #tpu.memory_space<vmem>>
      %get3A_1806 = arith.constant 432 : index
      %get3A_1807 = tpu.vector_load %get3A_1805[%get3A_1806] {strides = array<i32>} : memref<1056xf32, #tpu.memory_space<vmem>>, vector<16xf32>,
      %mul3A_1808 = arith.mulf %get3A_1807, %bitcast3A_1671 : vector<16xf32>
      %add3A_1809 = arith.addf %broadcast_in_dim3A_30, %mul3A_1808 : vector<16xf32>
      %get3A_1810 = arith.constant 320 : i32
      %get3A_1811 = tpu.memref_slice %arg7[%get3A_1810] : memref<2400xf32, #tpu.memory_space<vmem>> -> memref<1056xf32, #tpu.memory_space<vmem>>
      %get3A_1812 = arith.constant 512 : index
      %get3A_1813 = tpu.vector_load %get3A_1811[%get3A_1812] {strides = array<i32>} : memref<1056xf32, #tpu.memory_space<vmem>>, vector<16xf32>,
      %mul3A_1814 = arith.mulf %get3A_1813, %bitcast3A_1688 : vector<16xf32>
      %add3A_1815 = arith.addf %add3A_1809, %mul3A_1814 : vector<16xf32>
      %get3A_1816 = arith.constant 320 : i32
      %get3A_1817 = tpu.memref_slice %arg7[%get3A_1816] : memref<2400xf32, #tpu.memory_space<vmem>> -> memref<1056xf32, #tpu.memory_space<vmem>>
      %get3A_1818 = arith.constant 592 : index
      %get3A_1819 = tpu.vector_load %get3A_1817[%get3A_1818] {strides = array<i32>} : memref<1056xf32, #tpu.memory_space<vmem>>, vector<16xf32>,
      %mul3A_1820 = arith.mulf %get3A_1819, %bitcast3A_1705 : vector<16xf32>
      %add3A_1821 = arith.addf %add3A_1815, %mul3A_1820 : vector<16xf32>
      %get3A_1822 = arith.constant 320 : i32
      %get3A_1823 = tpu.memref_slice %arg7[%get3A_1822] : memref<2400xf32, #tpu.memory_space<vmem>> -> memref<1056xf32, #tpu.memory_space<vmem>>
      %get3A_1824 = arith.constant 672 : index
      %get3A_1825 = tpu.vector_load %get3A_1823[%get3A_1824] {strides = array<i32>} : memref<1056xf32, #tpu.memory_space<vmem>>, vector<16xf32>,
      %mul3A_1826 = arith.mulf %get3A_1825, %bitcast3A_1722 : vector<16xf32>
      %add3A_1827 = arith.addf %add3A_1821, %mul3A_1826 : vector<16xf32>
      %get3A_1828 = arith.constant 320 : i32
      %get3A_1829 = tpu.memref_slice %arg7[%get3A_1828] : memref<2400xf32, #tpu.memory_space<vmem>> -> memref<1056xf32, #tpu.memory_space<vmem>>
      %get3A_1830 = arith.constant 752 : index
      %get3A_1831 = tpu.vector_load %get3A_1829[%get3A_1830] {strides = array<i32>} : memref<1056xf32, #tpu.memory_space<vmem>>, vector<16xf32>,
      %mul3A_1832 = arith.mulf %get3A_1831, %bitcast3A_1739 : vector<16xf32>
      %add3A_1833 = arith.addf %add3A_1827, %mul3A_1832 : vector<16xf32>
      %swap3A_1834 = arith.constant 160 : index
      %swap3A_1835 = tpu.vector_load %arg9[%swap3A_1834] {strides = array<i32>} : memref<320xf32, #tpu.memory_space<vmem>>, vector<16xf32>,
      tpu.vector_store %arg9[%swap3A_1834], %add3A_1833 {strides = array<i32>} : memref<320xf32, #tpu.memory_space<vmem>>, vector<16xf32>,
      %get3A_1836 = arith.constant 320 : i32
      %get3A_1837 = tpu.memref_slice %arg7[%get3A_1836] : memref<2400xf32, #tpu.memory_space<vmem>> -> memref<1056xf32, #tpu.memory_space<vmem>>
      %get3A_1838 = arith.constant 448 : index
      %get3A_1839 = tpu.vector_load %get3A_1837[%get3A_1838] {strides = array<i32>} : memref<1056xf32, #tpu.memory_space<vmem>>, vector<16xf32>,
      %mul3A_1840 = arith.mulf %get3A_1839, %bitcast3A_1671 : vector<16xf32>
      %add3A_1841 = arith.addf %broadcast_in_dim3A_30, %mul3A_1840 : vector<16xf32>
      %get3A_1842 = arith.constant 320 : i32
      %get3A_1843 = tpu.memref_slice %arg7[%get3A_1842] : memref<2400xf32, #tpu.memory_space<vmem>> -> memref<1056xf32, #tpu.memory_space<vmem>>
      %get3A_1844 = arith.constant 528 : index
      %get3A_1845 = tpu.vector_load %get3A_1843[%get3A_1844] {strides = array<i32>} : memref<1056xf32, #tpu.memory_space<vmem>>, vector<16xf32>,
      %mul3A_1846 = arith.mulf %get3A_1845, %bitcast3A_1688 : vector<16xf32>
      %add3A_1847 = arith.addf %add3A_1841, %mul3A_1846 : vector<16xf32>
      %get3A_1848 = arith.constant 320 : i32
      %get3A_1849 = tpu.memref_slice %arg7[%get3A_1848] : memref<2400xf32, #tpu.memory_space<vmem>> -> memref<1056xf32, #tpu.memory_space<vmem>>
      %get3A_1850 = arith.constant 608 : index
      %get3A_1851 = tpu.vector_load %get3A_1849[%get3A_1850] {strides = array<i32>} : memref<1056xf32, #tpu.memory_space<vmem>>, vector<16xf32>,
      %mul3A_1852 = arith.mulf %get3A_1851, %bitcast3A_1705 : vector<16xf32>
      %add3A_1853 = arith.addf %add3A_1847, %mul3A_1852 : vector<16xf32>
      %get3A_1854 = arith.constant 320 : i32
      %get3A_1855 = tpu.memref_slice %arg7[%get3A_1854] : memref<2400xf32, #tpu.memory_space<vmem>> -> memref<1056xf32, #tpu.memory_space<vmem>>
      %get3A_1856 = arith.constant 688 : index
      %get3A_1857 = tpu.vector_load %get3A_1855[%get3A_1856] {strides = array<i32>} : memref<1056xf32, #tpu.memory_space<vmem>>, vector<16xf32>,
      %mul3A_1858 = arith.mulf %get3A_1857, %bitcast3A_1722 : vector<16xf32>
      %add3A_1859 = arith.addf %add3A_1853, %mul3A_1858 : vector<16xf32>
      %get3A_1860 = arith.constant 320 : i32
      %get3A_1861 = tpu.memref_slice %arg7[%get3A_1860] : memref<2400xf32, #tpu.memory_space<vmem>> -> memref<1056xf32, #tpu.memory_space<vmem>>
      %get3A_1862 = arith.constant 768 : index
      %get3A_1863 = tpu.vector_load %get3A_1861[%get3A_1862] {strides = array<i32>} : memref<1056xf32, #tpu.memory_space<vmem>>, vector<16xf32>,
      %mul3A_1864 = arith.mulf %get3A_1863, %bitcast3A_1739 : vector<16xf32>
      %add3A_1865 = arith.addf %add3A_1859, %mul3A_1864 : vector<16xf32>
      %swap3A_1866 = arith.constant 224 : index
      %swap3A_1867 = tpu.vector_load %arg9[%swap3A_1866] {strides = array<i32>} : memref<320xf32, #tpu.memory_space<vmem>>, vector<16xf32>,
      tpu.vector_store %arg9[%swap3A_1866], %add3A_1865 {strides = array<i32>} : memref<320xf32, #tpu.memory_space<vmem>>, vector<16xf32>,
      %get3A_1868 = arith.constant 320 : i32
      %get3A_1869 = tpu.memref_slice %arg7[%get3A_1868] : memref<2400xf32, #tpu.memory_space<vmem>> -> memref<1056xf32, #tpu.memory_space<vmem>>
      %get3A_1870 = arith.constant 464 : index
      %get3A_1871 = tpu.vector_load %get3A_1869[%get3A_1870] {strides = array<i32>} : memref<1056xf32, #tpu.memory_space<vmem>>, vector<16xf32>,
      %mul3A_1872 = arith.mulf %get3A_1871, %bitcast3A_1671 : vector<16xf32>
      %add3A_1873 = arith.addf %broadcast_in_dim3A_30, %mul3A_1872 : vector<16xf32>
      %get3A_1874 = arith.constant 320 : i32
      %get3A_1875 = tpu.memref_slice %arg7[%get3A_1874] : memref<2400xf32, #tpu.memory_space<vmem>> -> memref<1056xf32, #tpu.memory_space<vmem>>
      %get3A_1876 = arith.constant 544 : index
      %get3A_1877 = tpu.vector_load %get3A_1875[%get3A_1876] {strides = array<i32>} : memref<1056xf32, #tpu.memory_space<vmem>>, vector<16xf32>,
      %mul3A_1878 = arith.mulf %get3A_1877, %bitcast3A_1688 : vector<16xf32>
      %add3A_1879 = arith.addf %add3A_1873, %mul3A_1878 : vector<16xf32>
      %get3A_1880 = arith.constant 320 : i32
      %get3A_1881 = tpu.memref_slice %arg7[%get3A_1880] : memref<2400xf32, #tpu.memory_space<vmem>> -> memref<1056xf32, #tpu.memory_space<vmem>>
      %get3A_1882 = arith.constant 624 : index
      %get3A_1883 = tpu.vector_load %get3A_1881[%get3A_1882] {strides = array<i32>} : memref<1056xf32, #tpu.memory_space<vmem>>, vector<16xf32>,
      %mul3A_1884 = arith.mulf %get3A_1883, %bitcast3A_1705 : vector<16xf32>
      %add3A_1885 = arith.addf %add3A_1879, %mul3A_1884 : vector<16xf32>
      %get3A_1886 = arith.constant 320 : i32
      %get3A_1887 = tpu.memref_slice %arg7[%get3A_1886] : memref<2400xf32, #tpu.memory_space<vmem>> -> memref<1056xf32, #tpu.memory_space<vmem>>
      %get3A_1888 = arith.constant 704 : index
      %get3A_1889 = tpu.vector_load %get3A_1887[%get3A_1888] {strides = array<i32>} : memref<1056xf32, #tpu.memory_space<vmem>>, vector<16xf32>,
      %mul3A_1890 = arith.mulf %get3A_1889, %bitcast3A_1722 : vector<16xf32>
      %add3A_1891 = arith.addf %add3A_1885, %mul3A_1890 : vector<16xf32>
      %get3A_1892 = arith.constant 320 : i32
      %get3A_1893 = tpu.memref_slice %arg7[%get3A_1892] : memref<2400xf32, #tpu.memory_space<vmem>> -> memref<1056xf32, #tpu.memory_space<vmem>>
      %get3A_1894 = arith.constant 784 : index
      %get3A_1895 = tpu.vector_load %get3A_1893[%get3A_1894] {strides = array<i32>} : memref<1056xf32, #tpu.memory_space<vmem>>, vector<16xf32>,
      %mul3A_1896 = arith.mulf %get3A_1895, %bitcast3A_1739 : vector<16xf32>
      %add3A_1897 = arith.addf %add3A_1891, %mul3A_1896 : vector<16xf32>
      %swap3A_1898 = arith.constant 288 : index
      %swap3A_1899 = tpu.vector_load %arg9[%swap3A_1898] {strides = array<i32>} : memref<320xf32, #tpu.memory_space<vmem>>, vector<16xf32>,
      tpu.vector_store %arg9[%swap3A_1898], %add3A_1897 {strides = array<i32>} : memref<320xf32, #tpu.memory_space<vmem>>, vector<16xf32>,
      %get3A_1900 = arith.constant 48 : index
      %get3A_1901 = tpu.vector_load %arg8[%get3A_1900] {strides = array<i32>} : memref<320xf32, #tpu.memory_space<vmem>>, vector<16xf32>,
      %bitcast3A_1902 = vector.bitcast %get3A_1901 : vector<16xf32> to vector<16xi32>
      %add3A_1903 = arith.constant 32767 : i32
      %add3A_1904 = vector.broadcast %add3A_1903 : i32 to vector<16xi32>
      %add3A_1905 = arith.addi %bitcast3A_1902, %add3A_1904 : vector<16xi32>
      %shift_right_arithmetic3A_1906 = arith.constant 16 : i32
      %shift_right_arithmetic3A_1907 = vector.broadcast %shift_right_arithmetic3A_1906 : i32 to vector<16xi32>
      %shift_right_arithmetic3A_1908 = arith.shrsi %bitcast3A_1902, %shift_right_arithmetic3A_1907 : vector<16xi32>
      %and3A_1909 = arith.constant 1 : i32
      %and3A_1910 = vector.broadcast %and3A_1909 : i32 to vector<16xi32>
      %and3A_1911 = arith.andi %shift_right_arithmetic3A_1908, %and3A_1910 : vector<16xi32>
      %add3A_1912 = arith.addi %add3A_1905, %and3A_1911 : vector<16xi32>
      %and3A_1913 = arith.constant -65536 : i32
      %and3A_1914 = vector.broadcast %and3A_1913 : i32 to vector<16xi32>
      %and3A_1915 = arith.andi %add3A_1912, %and3A_1914 : vector<16xi32>
      %bitcast3A_1916 = vector.bitcast %and3A_1915 : vector<16xi32> to vector<16xf32>
      %get3A_1917 = arith.constant 112 : index
      %get3A_1918 = tpu.vector_load %arg8[%get3A_1917] {strides = array<i32>} : memref<320xf32, #tpu.memory_space<vmem>>, vector<16xf32>,
      %bitcast3A_1919 = vector.bitcast %get3A_1918 : vector<16xf32> to vector<16xi32>
      %add3A_1920 = arith.constant 32767 : i32
      %add3A_1921 = vector.broadcast %add3A_1920 : i32 to vector<16xi32>
      %add3A_1922 = arith.addi %bitcast3A_1919, %add3A_1921 : vector<16xi32>
      %shift_right_arithmetic3A_1923 = arith.constant 16 : i32
      %shift_right_arithmetic3A_1924 = vector.broadcast %shift_right_arithmetic3A_1923 : i32 to vector<16xi32>
      %shift_right_arithmetic3A_1925 = arith.shrsi %bitcast3A_1919, %shift_right_arithmetic3A_1924 : vector<16xi32>
      %and3A_1926 = arith.constant 1 : i32
      %and3A_1927 = vector.broadcast %and3A_1926 : i32 to vector<16xi32>
      %and3A_1928 = arith.andi %shift_right_arithmetic3A_1925, %and3A_1927 : vector<16xi32>
      %add3A_1929 = arith.addi %add3A_1922, %and3A_1928 : vector<16xi32>
      %and3A_1930 = arith.constant -65536 : i32
      %and3A_1931 = vector.broadcast %and3A_1930 : i32 to vector<16xi32>
      %and3A_1932 = arith.andi %add3A_1929, %and3A_1931 : vector<16xi32>
      %bitcast3A_1933 = vector.bitcast %and3A_1932 : vector<16xi32> to vector<16xf32>
      %get3A_1934 = arith.constant 176 : index
      %get3A_1935 = tpu.vector_load %arg8[%get3A_1934] {strides = array<i32>} : memref<320xf32, #tpu.memory_space<vmem>>, vector<16xf32>,
      %bitcast3A_1936 = vector.bitcast %get3A_1935 : vector<16xf32> to vector<16xi32>
      %add3A_1937 = arith.constant 32767 : i32
      %add3A_1938 = vector.broadcast %add3A_1937 : i32 to vector<16xi32>
      %add3A_1939 = arith.addi %bitcast3A_1936, %add3A_1938 : vector<16xi32>
      %shift_right_arithmetic3A_1940 = arith.constant 16 : i32
      %shift_right_arithmetic3A_1941 = vector.broadcast %shift_right_arithmetic3A_1940 : i32 to vector<16xi32>
      %shift_right_arithmetic3A_1942 = arith.shrsi %bitcast3A_1936, %shift_right_arithmetic3A_1941 : vector<16xi32>
      %and3A_1943 = arith.constant 1 : i32
      %and3A_1944 = vector.broadcast %and3A_1943 : i32 to vector<16xi32>
      %and3A_1945 = arith.andi %shift_right_arithmetic3A_1942, %and3A_1944 : vector<16xi32>
      %add3A_1946 = arith.addi %add3A_1939, %and3A_1945 : vector<16xi32>
      %and3A_1947 = arith.constant -65536 : i32
      %and3A_1948 = vector.broadcast %and3A_1947 : i32 to vector<16xi32>
      %and3A_1949 = arith.andi %add3A_1946, %and3A_1948 : vector<16xi32>
      %bitcast3A_1950 = vector.bitcast %and3A_1949 : vector<16xi32> to vector<16xf32>
      %get3A_1951 = arith.constant 240 : index
      %get3A_1952 = tpu.vector_load %arg8[%get3A_1951] {strides = array<i32>} : memref<320xf32, #tpu.memory_space<vmem>>, vector<16xf32>,
      %bitcast3A_1953 = vector.bitcast %get3A_1952 : vector<16xf32> to vector<16xi32>
      %add3A_1954 = arith.constant 32767 : i32
      %add3A_1955 = vector.broadcast %add3A_1954 : i32 to vector<16xi32>
      %add3A_1956 = arith.addi %bitcast3A_1953, %add3A_1955 : vector<16xi32>
      %shift_right_arithmetic3A_1957 = arith.constant 16 : i32
      %shift_right_arithmetic3A_1958 = vector.broadcast %shift_right_arithmetic3A_1957 : i32 to vector<16xi32>
      %shift_right_arithmetic3A_1959 = arith.shrsi %bitcast3A_1953, %shift_right_arithmetic3A_1958 : vector<16xi32>
      %and3A_1960 = arith.constant 1 : i32
      %and3A_1961 = vector.broadcast %and3A_1960 : i32 to vector<16xi32>
      %and3A_1962 = arith.andi %shift_right_arithmetic3A_1959, %and3A_1961 : vector<16xi32>
      %add3A_1963 = arith.addi %add3A_1956, %and3A_1962 : vector<16xi32>
      %and3A_1964 = arith.constant -65536 : i32
      %and3A_1965 = vector.broadcast %and3A_1964 : i32 to vector<16xi32>
      %and3A_1966 = arith.andi %add3A_1963, %and3A_1965 : vector<16xi32>
      %bitcast3A_1967 = vector.bitcast %and3A_1966 : vector<16xi32> to vector<16xf32>
      %get3A_1968 = arith.constant 304 : index
      %get3A_1969 = tpu.vector_load %arg8[%get3A_1968] {strides = array<i32>} : memref<320xf32, #tpu.memory_space<vmem>>, vector<16xf32>,
      %bitcast3A_1970 = vector.bitcast %get3A_1969 : vector<16xf32> to vector<16xi32>
      %add3A_1971 = arith.constant 32767 : i32
      %add3A_1972 = vector.broadcast %add3A_1971 : i32 to vector<16xi32>
      %add3A_1973 = arith.addi %bitcast3A_1970, %add3A_1972 : vector<16xi32>
      %shift_right_arithmetic3A_1974 = arith.constant 16 : i32
      %shift_right_arithmetic3A_1975 = vector.broadcast %shift_right_arithmetic3A_1974 : i32 to vector<16xi32>
      %shift_right_arithmetic3A_1976 = arith.shrsi %bitcast3A_1970, %shift_right_arithmetic3A_1975 : vector<16xi32>
      %and3A_1977 = arith.constant 1 : i32
      %and3A_1978 = vector.broadcast %and3A_1977 : i32 to vector<16xi32>
      %and3A_1979 = arith.andi %shift_right_arithmetic3A_1976, %and3A_1978 : vector<16xi32>
      %add3A_1980 = arith.addi %add3A_1973, %and3A_1979 : vector<16xi32>
      %and3A_1981 = arith.constant -65536 : i32
      %and3A_1982 = vector.broadcast %and3A_1981 : i32 to vector<16xi32>
      %and3A_1983 = arith.andi %add3A_1980, %and3A_1982 : vector<16xi32>
      %bitcast3A_1984 = vector.bitcast %and3A_1983 : vector<16xi32> to vector<16xf32>
      %get3A_1985 = arith.constant 320 : i32
      %get3A_1986 = tpu.memref_slice %arg7[%get3A_1985] : memref<2400xf32, #tpu.memory_space<vmem>> -> memref<1056xf32, #tpu.memory_space<vmem>>
      %get3A_1987 = arith.constant 400 : index
      %get3A_1988 = tpu.vector_load %get3A_1986[%get3A_1987] {strides = array<i32>} : memref<1056xf32, #tpu.memory_space<vmem>>, vector<16xf32>,
      %mul3A_1989 = arith.mulf %get3A_1988, %bitcast3A_1916 : vector<16xf32>
      %add3A_1990 = arith.addf %broadcast_in_dim3A_30, %mul3A_1989 : vector<16xf32>
      %get3A_1991 = arith.constant 320 : i32
      %get3A_1992 = tpu.memref_slice %arg7[%get3A_1991] : memref<2400xf32, #tpu.memory_space<vmem>> -> memref<1056xf32, #tpu.memory_space<vmem>>
      %get3A_1993 = arith.constant 480 : index
      %get3A_1994 = tpu.vector_load %get3A_1992[%get3A_1993] {strides = array<i32>} : memref<1056xf32, #tpu.memory_space<vmem>>, vector<16xf32>,
      %mul3A_1995 = arith.mulf %get3A_1994, %bitcast3A_1933 : vector<16xf32>
      %add3A_1996 = arith.addf %add3A_1990, %mul3A_1995 : vector<16xf32>
      %get3A_1997 = arith.constant 320 : i32
      %get3A_1998 = tpu.memref_slice %arg7[%get3A_1997] : memref<2400xf32, #tpu.memory_space<vmem>> -> memref<1056xf32, #tpu.memory_space<vmem>>
      %get3A_1999 = arith.constant 560 : index
      %get3A_2000 = tpu.vector_load %get3A_1998[%get3A_1999] {strides = array<i32>} : memref<1056xf32, #tpu.memory_space<vmem>>, vector<16xf32>,
      %mul3A_2001 = arith.mulf %get3A_2000, %bitcast3A_1950 : vector<16xf32>
      %add3A_2002 = arith.addf %add3A_1996, %mul3A_2001 : vector<16xf32>
      %get3A_2003 = arith.constant 320 : i32
      %get3A_2004 = tpu.memref_slice %arg7[%get3A_2003] : memref<2400xf32, #tpu.memory_space<vmem>> -> memref<1056xf32, #tpu.memory_space<vmem>>
      %get3A_2005 = arith.constant 640 : index
      %get3A_2006 = tpu.vector_load %get3A_2004[%get3A_2005] {strides = array<i32>} : memref<1056xf32, #tpu.memory_space<vmem>>, vector<16xf32>,
      %mul3A_2007 = arith.mulf %get3A_2006, %bitcast3A_1967 : vector<16xf32>
      %add3A_2008 = arith.addf %add3A_2002, %mul3A_2007 : vector<16xf32>
      %get3A_2009 = arith.constant 320 : i32
      %get3A_2010 = tpu.memref_slice %arg7[%get3A_2009] : memref<2400xf32, #tpu.memory_space<vmem>> -> memref<1056xf32, #tpu.memory_space<vmem>>
      %get3A_2011 = arith.constant 720 : index
      %get3A_2012 = tpu.vector_load %get3A_2010[%get3A_2011] {strides = array<i32>} : memref<1056xf32, #tpu.memory_space<vmem>>, vector<16xf32>,
      %mul3A_2013 = arith.mulf %get3A_2012, %bitcast3A_1984 : vector<16xf32>
      %add3A_2014 = arith.addf %add3A_2008, %mul3A_2013 : vector<16xf32>
      %swap3A_2015 = arith.constant 48 : index
      %swap3A_2016 = tpu.vector_load %arg9[%swap3A_2015] {strides = array<i32>} : memref<320xf32, #tpu.memory_space<vmem>>, vector<16xf32>,
      tpu.vector_store %arg9[%swap3A_2015], %add3A_2014 {strides = array<i32>} : memref<320xf32, #tpu.memory_space<vmem>>, vector<16xf32>,
      %get3A_2017 = arith.constant 320 : i32
      %get3A_2018 = tpu.memref_slice %arg7[%get3A_2017] : memref<2400xf32, #tpu.memory_space<vmem>> -> memref<1056xf32, #tpu.memory_space<vmem>>
      %get3A_2019 = arith.constant 416 : index
      %get3A_2020 = tpu.vector_load %get3A_2018[%get3A_2019] {strides = array<i32>} : memref<1056xf32, #tpu.memory_space<vmem>>, vector<16xf32>,
      %mul3A_2021 = arith.mulf %get3A_2020, %bitcast3A_1916 : vector<16xf32>
      %add3A_2022 = arith.addf %broadcast_in_dim3A_30, %mul3A_2021 : vector<16xf32>
      %get3A_2023 = arith.constant 320 : i32
      %get3A_2024 = tpu.memref_slice %arg7[%get3A_2023] : memref<2400xf32, #tpu.memory_space<vmem>> -> memref<1056xf32, #tpu.memory_space<vmem>>
      %get3A_2025 = arith.constant 496 : index
      %get3A_2026 = tpu.vector_load %get3A_2024[%get3A_2025] {strides = array<i32>} : memref<1056xf32, #tpu.memory_space<vmem>>, vector<16xf32>,
      %mul3A_2027 = arith.mulf %get3A_2026, %bitcast3A_1933 : vector<16xf32>
      %add3A_2028 = arith.addf %add3A_2022, %mul3A_2027 : vector<16xf32>
      %get3A_2029 = arith.constant 320 : i32
      %get3A_2030 = tpu.memref_slice %arg7[%get3A_2029] : memref<2400xf32, #tpu.memory_space<vmem>> -> memref<1056xf32, #tpu.memory_space<vmem>>
      %get3A_2031 = arith.constant 576 : index
      %get3A_2032 = tpu.vector_load %get3A_2030[%get3A_2031] {strides = array<i32>} : memref<1056xf32, #tpu.memory_space<vmem>>, vector<16xf32>,
      %mul3A_2033 = arith.mulf %get3A_2032, %bitcast3A_1950 : vector<16xf32>
      %add3A_2034 = arith.addf %add3A_2028, %mul3A_2033 : vector<16xf32>
      %get3A_2035 = arith.constant 320 : i32
      %get3A_2036 = tpu.memref_slice %arg7[%get3A_2035] : memref<2400xf32, #tpu.memory_space<vmem>> -> memref<1056xf32, #tpu.memory_space<vmem>>
      %get3A_2037 = arith.constant 656 : index
      %get3A_2038 = tpu.vector_load %get3A_2036[%get3A_2037] {strides = array<i32>} : memref<1056xf32, #tpu.memory_space<vmem>>, vector<16xf32>,
      %mul3A_2039 = arith.mulf %get3A_2038, %bitcast3A_1967 : vector<16xf32>
      %add3A_2040 = arith.addf %add3A_2034, %mul3A_2039 : vector<16xf32>
      %get3A_2041 = arith.constant 320 : i32
      %get3A_2042 = tpu.memref_slice %arg7[%get3A_2041] : memref<2400xf32, #tpu.memory_space<vmem>> -> memref<1056xf32, #tpu.memory_space<vmem>>
      %get3A_2043 = arith.constant 736 : index
      %get3A_2044 = tpu.vector_load %get3A_2042[%get3A_2043] {strides = array<i32>} : memref<1056xf32, #tpu.memory_space<vmem>>, vector<16xf32>,
      %mul3A_2045 = arith.mulf %get3A_2044, %bitcast3A_1984 : vector<16xf32>
      %add3A_2046 = arith.addf %add3A_2040, %mul3A_2045 : vector<16xf32>
      %swap3A_2047 = arith.constant 112 : index
      %swap3A_2048 = tpu.vector_load %arg9[%swap3A_2047] {strides = array<i32>} : memref<320xf32, #tpu.memory_space<vmem>>, vector<16xf32>,
      tpu.vector_store %arg9[%swap3A_2047], %add3A_2046 {strides = array<i32>} : memref<320xf32, #tpu.memory_space<vmem>>, vector<16xf32>,
      %get3A_2049 = arith.constant 320 : i32
      %get3A_2050 = tpu.memref_slice %arg7[%get3A_2049] : memref<2400xf32, #tpu.memory_space<vmem>> -> memref<1056xf32, #tpu.memory_space<vmem>>
      %get3A_2051 = arith.constant 432 : index
      %get3A_2052 = tpu.vector_load %get3A_2050[%get3A_2051] {strides = array<i32>} : memref<1056xf32, #tpu.memory_space<vmem>>, vector<16xf32>,
      %mul3A_2053 = arith.mulf %get3A_2052, %bitcast3A_1916 : vector<16xf32>
      %add3A_2054 = arith.addf %broadcast_in_dim3A_30, %mul3A_2053 : vector<16xf32>
      %get3A_2055 = arith.constant 320 : i32
      %get3A_2056 = tpu.memref_slice %arg7[%get3A_2055] : memref<2400xf32, #tpu.memory_space<vmem>> -> memref<1056xf32, #tpu.memory_space<vmem>>
      %get3A_2057 = arith.constant 512 : index
      %get3A_2058 = tpu.vector_load %get3A_2056[%get3A_2057] {strides = array<i32>} : memref<1056xf32, #tpu.memory_space<vmem>>, vector<16xf32>,
      %mul3A_2059 = arith.mulf %get3A_2058, %bitcast3A_1933 : vector<16xf32>
      %add3A_2060 = arith.addf %add3A_2054, %mul3A_2059 : vector<16xf32>
      %get3A_2061 = arith.constant 320 : i32
      %get3A_2062 = tpu.memref_slice %arg7[%get3A_2061] : memref<2400xf32, #tpu.memory_space<vmem>> -> memref<1056xf32, #tpu.memory_space<vmem>>
      %get3A_2063 = arith.constant 592 : index
      %get3A_2064 = tpu.vector_load %get3A_2062[%get3A_2063] {strides = array<i32>} : memref<1056xf32, #tpu.memory_space<vmem>>, vector<16xf32>,
      %mul3A_2065 = arith.mulf %get3A_2064, %bitcast3A_1950 : vector<16xf32>
      %add3A_2066 = arith.addf %add3A_2060, %mul3A_2065 : vector<16xf32>
      %get3A_2067 = arith.constant 320 : i32
      %get3A_2068 = tpu.memref_slice %arg7[%get3A_2067] : memref<2400xf32, #tpu.memory_space<vmem>> -> memref<1056xf32, #tpu.memory_space<vmem>>
      %get3A_2069 = arith.constant 672 : index
      %get3A_2070 = tpu.vector_load %get3A_2068[%get3A_2069] {strides = array<i32>} : memref<1056xf32, #tpu.memory_space<vmem>>, vector<16xf32>,
      %mul3A_2071 = arith.mulf %get3A_2070, %bitcast3A_1967 : vector<16xf32>
      %add3A_2072 = arith.addf %add3A_2066, %mul3A_2071 : vector<16xf32>
      %get3A_2073 = arith.constant 320 : i32
      %get3A_2074 = tpu.memref_slice %arg7[%get3A_2073] : memref<2400xf32, #tpu.memory_space<vmem>> -> memref<1056xf32, #tpu.memory_space<vmem>>
      %get3A_2075 = arith.constant 752 : index
      %get3A_2076 = tpu.vector_load %get3A_2074[%get3A_2075] {strides = array<i32>} : memref<1056xf32, #tpu.memory_space<vmem>>, vector<16xf32>,
      %mul3A_2077 = arith.mulf %get3A_2076, %bitcast3A_1984 : vector<16xf32>
      %add3A_2078 = arith.addf %add3A_2072, %mul3A_2077 : vector<16xf32>
      %swap3A_2079 = arith.constant 176 : index
      %swap3A_2080 = tpu.vector_load %arg9[%swap3A_2079] {strides = array<i32>} : memref<320xf32, #tpu.memory_space<vmem>>, vector<16xf32>,
      tpu.vector_store %arg9[%swap3A_2079], %add3A_2078 {strides = array<i32>} : memref<320xf32, #tpu.memory_space<vmem>>, vector<16xf32>,
      %get3A_2081 = arith.constant 320 : i32
      %get3A_2082 = tpu.memref_slice %arg7[%get3A_2081] : memref<2400xf32, #tpu.memory_space<vmem>> -> memref<1056xf32, #tpu.memory_space<vmem>>
      %get3A_2083 = arith.constant 448 : index
      %get3A_2084 = tpu.vector_load %get3A_2082[%get3A_2083] {strides = array<i32>} : memref<1056xf32, #tpu.memory_space<vmem>>, vector<16xf32>,
      %mul3A_2085 = arith.mulf %get3A_2084, %bitcast3A_1916 : vector<16xf32>
      %add3A_2086 = arith.addf %broadcast_in_dim3A_30, %mul3A_2085 : vector<16xf32>
      %get3A_2087 = arith.constant 320 : i32
      %get3A_2088 = tpu.memref_slice %arg7[%get3A_2087] : memref<2400xf32, #tpu.memory_space<vmem>> -> memref<1056xf32, #tpu.memory_space<vmem>>
      %get3A_2089 = arith.constant 528 : index
      %get3A_2090 = tpu.vector_load %get3A_2088[%get3A_2089] {strides = array<i32>} : memref<1056xf32, #tpu.memory_space<vmem>>, vector<16xf32>,
      %mul3A_2091 = arith.mulf %get3A_2090, %bitcast3A_1933 : vector<16xf32>
      %add3A_2092 = arith.addf %add3A_2086, %mul3A_2091 : vector<16xf32>
      %get3A_2093 = arith.constant 320 : i32
      %get3A_2094 = tpu.memref_slice %arg7[%get3A_2093] : memref<2400xf32, #tpu.memory_space<vmem>> -> memref<1056xf32, #tpu.memory_space<vmem>>
      %get3A_2095 = arith.constant 608 : index
      %get3A_2096 = tpu.vector_load %get3A_2094[%get3A_2095] {strides = array<i32>} : memref<1056xf32, #tpu.memory_space<vmem>>, vector<16xf32>,
      %mul3A_2097 = arith.mulf %get3A_2096, %bitcast3A_1950 : vector<16xf32>
      %add3A_2098 = arith.addf %add3A_2092, %mul3A_2097 : vector<16xf32>
      %get3A_2099 = arith.constant 320 : i32
      %get3A_2100 = tpu.memref_slice %arg7[%get3A_2099] : memref<2400xf32, #tpu.memory_space<vmem>> -> memref<1056xf32, #tpu.memory_space<vmem>>
      %get3A_2101 = arith.constant 688 : index
      %get3A_2102 = tpu.vector_load %get3A_2100[%get3A_2101] {strides = array<i32>} : memref<1056xf32, #tpu.memory_space<vmem>>, vector<16xf32>,
      %mul3A_2103 = arith.mulf %get3A_2102, %bitcast3A_1967 : vector<16xf32>
      %add3A_2104 = arith.addf %add3A_2098, %mul3A_2103 : vector<16xf32>
      %get3A_2105 = arith.constant 320 : i32
      %get3A_2106 = tpu.memref_slice %arg7[%get3A_2105] : memref<2400xf32, #tpu.memory_space<vmem>> -> memref<1056xf32, #tpu.memory_space<vmem>>
      %get3A_2107 = arith.constant 768 : index
      %get3A_2108 = tpu.vector_load %get3A_2106[%get3A_2107] {strides = array<i32>} : memref<1056xf32, #tpu.memory_space<vmem>>, vector<16xf32>,
      %mul3A_2109 = arith.mulf %get3A_2108, %bitcast3A_1984 : vector<16xf32>
      %add3A_2110 = arith.addf %add3A_2104, %mul3A_2109 : vector<16xf32>
      %swap3A_2111 = arith.constant 240 : index
      %swap3A_2112 = tpu.vector_load %arg9[%swap3A_2111] {strides = array<i32>} : memref<320xf32, #tpu.memory_space<vmem>>, vector<16xf32>,
      tpu.vector_store %arg9[%swap3A_2111], %add3A_2110 {strides = array<i32>} : memref<320xf32, #tpu.memory_space<vmem>>, vector<16xf32>,
      %get3A_2113 = arith.constant 320 : i32
      %get3A_2114 = tpu.memref_slice %arg7[%get3A_2113] : memref<2400xf32, #tpu.memory_space<vmem>> -> memref<1056xf32, #tpu.memory_space<vmem>>
      %get3A_2115 = arith.constant 464 : index
      %get3A_2116 = tpu.vector_load %get3A_2114[%get3A_2115] {strides = array<i32>} : memref<1056xf32, #tpu.memory_space<vmem>>, vector<16xf32>,
      %mul3A_2117 = arith.mulf %get3A_2116, %bitcast3A_1916 : vector<16xf32>
      %add3A_2118 = arith.addf %broadcast_in_dim3A_30, %mul3A_2117 : vector<16xf32>
      %get3A_2119 = arith.constant 320 : i32
      %get3A_2120 = tpu.memref_slice %arg7[%get3A_2119] : memref<2400xf32, #tpu.memory_space<vmem>> -> memref<1056xf32, #tpu.memory_space<vmem>>
      %get3A_2121 = arith.constant 544 : index
      %get3A_2122 = tpu.vector_load %get3A_2120[%get3A_2121] {strides = array<i32>} : memref<1056xf32, #tpu.memory_space<vmem>>, vector<16xf32>,
      %mul3A_2123 = arith.mulf %get3A_2122, %bitcast3A_1933 : vector<16xf32>
      %add3A_2124 = arith.addf %add3A_2118, %mul3A_2123 : vector<16xf32>
      %get3A_2125 = arith.constant 320 : i32
      %get3A_2126 = tpu.memref_slice %arg7[%get3A_2125] : memref<2400xf32, #tpu.memory_space<vmem>> -> memref<1056xf32, #tpu.memory_space<vmem>>
      %get3A_2127 = arith.constant 624 : index
      %get3A_2128 = tpu.vector_load %get3A_2126[%get3A_2127] {strides = array<i32>} : memref<1056xf32, #tpu.memory_space<vmem>>, vector<16xf32>,
      %mul3A_2129 = arith.mulf %get3A_2128, %bitcast3A_1950 : vector<16xf32>
      %add3A_2130 = arith.addf %add3A_2124, %mul3A_2129 : vector<16xf32>
      %get3A_2131 = arith.constant 320 : i32
      %get3A_2132 = tpu.memref_slice %arg7[%get3A_2131] : memref<2400xf32, #tpu.memory_space<vmem>> -> memref<1056xf32, #tpu.memory_space<vmem>>
      %get3A_2133 = arith.constant 704 : index
      %get3A_2134 = tpu.vector_load %get3A_2132[%get3A_2133] {strides = array<i32>} : memref<1056xf32, #tpu.memory_space<vmem>>, vector<16xf32>,
      %mul3A_2135 = arith.mulf %get3A_2134, %bitcast3A_1967 : vector<16xf32>
      %add3A_2136 = arith.addf %add3A_2130, %mul3A_2135 : vector<16xf32>
      %get3A_2137 = arith.constant 320 : i32
      %get3A_2138 = tpu.memref_slice %arg7[%get3A_2137] : memref<2400xf32, #tpu.memory_space<vmem>> -> memref<1056xf32, #tpu.memory_space<vmem>>
      %get3A_2139 = arith.constant 784 : index
      %get3A_2140 = tpu.vector_load %get3A_2138[%get3A_2139] {strides = array<i32>} : memref<1056xf32, #tpu.memory_space<vmem>>, vector<16xf32>,
      %mul3A_2141 = arith.mulf %get3A_2140, %bitcast3A_1984 : vector<16xf32>
      %add3A_2142 = arith.addf %add3A_2136, %mul3A_2141 : vector<16xf32>
      %swap3A_2143 = arith.constant 304 : index
      %swap3A_2144 = tpu.vector_load %arg9[%swap3A_2143] {strides = array<i32>} : memref<320xf32, #tpu.memory_space<vmem>>, vector<16xf32>,
      tpu.vector_store %arg9[%swap3A_2143], %add3A_2142 {strides = array<i32>} : memref<320xf32, #tpu.memory_space<vmem>>, vector<16xf32>,
      %swap3A_2145 = arith.constant 0 : index
      %swap3A_2146 = tpu.vector_load %arg10[%swap3A_2145] {strides = array<i32>} : memref<320xf32, #tpu.memory_space<vmem>>, vector<16xf32>,
      tpu.vector_store %arg10[%swap3A_2145], %broadcast_in_dim3A_30 {strides = array<i32>} : memref<320xf32, #tpu.memory_space<vmem>>, vector<16xf32>,
      %swap3A_2147 = arith.constant 16 : index
      %swap3A_2148 = tpu.vector_load %arg10[%swap3A_2147] {strides = array<i32>} : memref<320xf32, #tpu.memory_space<vmem>>, vector<16xf32>,
      tpu.vector_store %arg10[%swap3A_2147], %broadcast_in_dim3A_30 {strides = array<i32>} : memref<320xf32, #tpu.memory_space<vmem>>, vector<16xf32>,
      %swap3A_2149 = arith.constant 32 : index
      %swap3A_2150 = tpu.vector_load %arg10[%swap3A_2149] {strides = array<i32>} : memref<320xf32, #tpu.memory_space<vmem>>, vector<16xf32>,
      tpu.vector_store %arg10[%swap3A_2149], %broadcast_in_dim3A_30 {strides = array<i32>} : memref<320xf32, #tpu.memory_space<vmem>>, vector<16xf32>,
      %swap3A_2151 = arith.constant 48 : index
      %swap3A_2152 = tpu.vector_load %arg10[%swap3A_2151] {strides = array<i32>} : memref<320xf32, #tpu.memory_space<vmem>>, vector<16xf32>,
      tpu.vector_store %arg10[%swap3A_2151], %broadcast_in_dim3A_30 {strides = array<i32>} : memref<320xf32, #tpu.memory_space<vmem>>, vector<16xf32>,
      %swap3A_2153 = arith.constant 64 : index
      %swap3A_2154 = tpu.vector_load %arg10[%swap3A_2153] {strides = array<i32>} : memref<320xf32, #tpu.memory_space<vmem>>, vector<16xf32>,
      tpu.vector_store %arg10[%swap3A_2153], %broadcast_in_dim3A_30 {strides = array<i32>} : memref<320xf32, #tpu.memory_space<vmem>>, vector<16xf32>,
      %swap3A_2155 = arith.constant 80 : index
      %swap3A_2156 = tpu.vector_load %arg10[%swap3A_2155] {strides = array<i32>} : memref<320xf32, #tpu.memory_space<vmem>>, vector<16xf32>,
      tpu.vector_store %arg10[%swap3A_2155], %broadcast_in_dim3A_30 {strides = array<i32>} : memref<320xf32, #tpu.memory_space<vmem>>, vector<16xf32>,
      %swap3A_2157 = arith.constant 96 : index
      %swap3A_2158 = tpu.vector_load %arg10[%swap3A_2157] {strides = array<i32>} : memref<320xf32, #tpu.memory_space<vmem>>, vector<16xf32>,
      tpu.vector_store %arg10[%swap3A_2157], %broadcast_in_dim3A_30 {strides = array<i32>} : memref<320xf32, #tpu.memory_space<vmem>>, vector<16xf32>,
      %swap3A_2159 = arith.constant 112 : index
      %swap3A_2160 = tpu.vector_load %arg10[%swap3A_2159] {strides = array<i32>} : memref<320xf32, #tpu.memory_space<vmem>>, vector<16xf32>,
      tpu.vector_store %arg10[%swap3A_2159], %broadcast_in_dim3A_30 {strides = array<i32>} : memref<320xf32, #tpu.memory_space<vmem>>, vector<16xf32>,
      %swap3A_2161 = arith.constant 128 : index
      %swap3A_2162 = tpu.vector_load %arg10[%swap3A_2161] {strides = array<i32>} : memref<320xf32, #tpu.memory_space<vmem>>, vector<16xf32>,
      tpu.vector_store %arg10[%swap3A_2161], %broadcast_in_dim3A_30 {strides = array<i32>} : memref<320xf32, #tpu.memory_space<vmem>>, vector<16xf32>,
      %swap3A_2163 = arith.constant 144 : index
      %swap3A_2164 = tpu.vector_load %arg10[%swap3A_2163] {strides = array<i32>} : memref<320xf32, #tpu.memory_space<vmem>>, vector<16xf32>,
      tpu.vector_store %arg10[%swap3A_2163], %broadcast_in_dim3A_30 {strides = array<i32>} : memref<320xf32, #tpu.memory_space<vmem>>, vector<16xf32>,
      %swap3A_2165 = arith.constant 160 : index
      %swap3A_2166 = tpu.vector_load %arg10[%swap3A_2165] {strides = array<i32>} : memref<320xf32, #tpu.memory_space<vmem>>, vector<16xf32>,
      tpu.vector_store %arg10[%swap3A_2165], %broadcast_in_dim3A_30 {strides = array<i32>} : memref<320xf32, #tpu.memory_space<vmem>>, vector<16xf32>,
      %swap3A_2167 = arith.constant 176 : index
      %swap3A_2168 = tpu.vector_load %arg10[%swap3A_2167] {strides = array<i32>} : memref<320xf32, #tpu.memory_space<vmem>>, vector<16xf32>,
      tpu.vector_store %arg10[%swap3A_2167], %broadcast_in_dim3A_30 {strides = array<i32>} : memref<320xf32, #tpu.memory_space<vmem>>, vector<16xf32>,
      %swap3A_2169 = arith.constant 192 : index
      %swap3A_2170 = tpu.vector_load %arg10[%swap3A_2169] {strides = array<i32>} : memref<320xf32, #tpu.memory_space<vmem>>, vector<16xf32>,
      tpu.vector_store %arg10[%swap3A_2169], %broadcast_in_dim3A_30 {strides = array<i32>} : memref<320xf32, #tpu.memory_space<vmem>>, vector<16xf32>,
      %swap3A_2171 = arith.constant 208 : index
      %swap3A_2172 = tpu.vector_load %arg10[%swap3A_2171] {strides = array<i32>} : memref<320xf32, #tpu.memory_space<vmem>>, vector<16xf32>,
      tpu.vector_store %arg10[%swap3A_2171], %broadcast_in_dim3A_30 {strides = array<i32>} : memref<320xf32, #tpu.memory_space<vmem>>, vector<16xf32>,
      %swap3A_2173 = arith.constant 224 : index
      %swap3A_2174 = tpu.vector_load %arg10[%swap3A_2173] {strides = array<i32>} : memref<320xf32, #tpu.memory_space<vmem>>, vector<16xf32>,
      tpu.vector_store %arg10[%swap3A_2173], %broadcast_in_dim3A_30 {strides = array<i32>} : memref<320xf32, #tpu.memory_space<vmem>>, vector<16xf32>,
      %swap3A_2175 = arith.constant 240 : index
      %swap3A_2176 = tpu.vector_load %arg10[%swap3A_2175] {strides = array<i32>} : memref<320xf32, #tpu.memory_space<vmem>>, vector<16xf32>,
      tpu.vector_store %arg10[%swap3A_2175], %broadcast_in_dim3A_30 {strides = array<i32>} : memref<320xf32, #tpu.memory_space<vmem>>, vector<16xf32>,
      %swap3A_2177 = arith.constant 256 : index
      %swap3A_2178 = tpu.vector_load %arg10[%swap3A_2177] {strides = array<i32>} : memref<320xf32, #tpu.memory_space<vmem>>, vector<16xf32>,
      tpu.vector_store %arg10[%swap3A_2177], %broadcast_in_dim3A_30 {strides = array<i32>} : memref<320xf32, #tpu.memory_space<vmem>>, vector<16xf32>,
      %swap3A_2179 = arith.constant 272 : index
      %swap3A_2180 = tpu.vector_load %arg10[%swap3A_2179] {strides = array<i32>} : memref<320xf32, #tpu.memory_space<vmem>>, vector<16xf32>,
      tpu.vector_store %arg10[%swap3A_2179], %broadcast_in_dim3A_30 {strides = array<i32>} : memref<320xf32, #tpu.memory_space<vmem>>, vector<16xf32>,
      %swap3A_2181 = arith.constant 288 : index
      %swap3A_2182 = tpu.vector_load %arg10[%swap3A_2181] {strides = array<i32>} : memref<320xf32, #tpu.memory_space<vmem>>, vector<16xf32>,
      tpu.vector_store %arg10[%swap3A_2181], %broadcast_in_dim3A_30 {strides = array<i32>} : memref<320xf32, #tpu.memory_space<vmem>>, vector<16xf32>,
      %swap3A_2183 = arith.constant 304 : index
      %swap3A_2184 = tpu.vector_load %arg10[%swap3A_2183] {strides = array<i32>} : memref<320xf32, #tpu.memory_space<vmem>>, vector<16xf32>,
      tpu.vector_store %arg10[%swap3A_2183], %broadcast_in_dim3A_30 {strides = array<i32>} : memref<320xf32, #tpu.memory_space<vmem>>, vector<16xf32>,
      %parallel_loop3A_2185 = arith.constant 0 : i32
      %parallel_loop3A_2186 = arith.constant 800 : i32
      %parallel_loop3A_2187 = arith.constant 16 : i32
      scf.for %parallel_loop3A_2932 = %parallel_loop3A_2185 to %parallel_loop3A_2186 step %parallel_loop3A_2187  : i32 {
        %parallel_loop3A_2933 = arith.index_cast %parallel_loop3A_2932 : i32 to index
        %parallel_loop3A_2934 = tpu.vector_load %arg5[%parallel_loop3A_2933] {strides = array<i32>} : memref<800xi32, #tpu.memory_space<vmem>>, vector<16xi32>,
        %parallel_loop3A_2935 = arith.index_cast %parallel_loop3A_2932 : i32 to index
        %parallel_loop3A_2936 = tpu.vector_load %arg6[%parallel_loop3A_2935] {strides = array<i32>} : memref<800xi32, #tpu.memory_space<vmem>>, vector<16xi32>,
        %parallel_loop3A_2937 = arith.index_cast %parallel_loop3A_2932 : i32 to index
        %parallel_loop3A_2938 = tpu.vector_load %arg11[%parallel_loop3A_2937] {strides = array<i32>} : memref<800xf32, #tpu.memory_space<vmem>>, vector<16xf32>,
        %parallel_loop3A_2939 = arith.constant 0 : i32
        %parallel_loop3A_2940 = vector.broadcast %parallel_loop3A_2939 : i32 to vector<16xi32>
        %parallel_loop3A_2941 = arith.addi %parallel_loop3A_2934, %parallel_loop3A_2940 : vector<16xi32>
        %parallel_loop3A_2942 = tpu.vector_load_idx %arg9[%parallel_loop3A_2941] : memref<320xf32, #tpu.memory_space<vmem>>[vector<16xi32>], vector<16xf32>,
        %parallel_loop3A_2943 = arith.mulf %parallel_loop3A_2942, %parallel_loop3A_2938 : vector<16xf32>
        %parallel_loop3A_2944 = arith.constant 0 : i32
        %parallel_loop3A_2945 = vector.broadcast %parallel_loop3A_2944 : i32 to vector<16xi32>
        %parallel_loop3A_2946 = arith.addi %parallel_loop3A_2936, %parallel_loop3A_2945 : vector<16xi32>
        tpu.vector_store_idx %arg10[%parallel_loop3A_2946], %parallel_loop3A_2943 {add = true} : memref<320xf32, #tpu.memory_space<vmem>>[vector<16xi32>], vector<16xf32>,
        %parallel_loop3A_2947 = arith.constant 64 : i32
        %parallel_loop3A_2948 = vector.broadcast %parallel_loop3A_2947 : i32 to vector<16xi32>
        %parallel_loop3A_2949 = arith.addi %parallel_loop3A_2934, %parallel_loop3A_2948 : vector<16xi32>
        %parallel_loop3A_2950 = tpu.vector_load_idx %arg9[%parallel_loop3A_2949] : memref<320xf32, #tpu.memory_space<vmem>>[vector<16xi32>], vector<16xf32>,
        %parallel_loop3A_2951 = arith.mulf %parallel_loop3A_2950, %parallel_loop3A_2938 : vector<16xf32>
        %parallel_loop3A_2952 = arith.constant 64 : i32
        %parallel_loop3A_2953 = vector.broadcast %parallel_loop3A_2952 : i32 to vector<16xi32>
        %parallel_loop3A_2954 = arith.addi %parallel_loop3A_2936, %parallel_loop3A_2953 : vector<16xi32>
        tpu.vector_store_idx %arg10[%parallel_loop3A_2954], %parallel_loop3A_2951 {add = true} : memref<320xf32, #tpu.memory_space<vmem>>[vector<16xi32>], vector<16xf32>,
        %parallel_loop3A_2955 = arith.constant 128 : i32
        %parallel_loop3A_2956 = vector.broadcast %parallel_loop3A_2955 : i32 to vector<16xi32>
        %parallel_loop3A_2957 = arith.addi %parallel_loop3A_2934, %parallel_loop3A_2956 : vector<16xi32>
        %parallel_loop3A_2958 = tpu.vector_load_idx %arg9[%parallel_loop3A_2957] : memref<320xf32, #tpu.memory_space<vmem>>[vector<16xi32>], vector<16xf32>,
        %parallel_loop3A_2959 = arith.mulf %parallel_loop3A_2958, %parallel_loop3A_2938 : vector<16xf32>
        %parallel_loop3A_2960 = arith.constant 128 : i32
        %parallel_loop3A_2961 = vector.broadcast %parallel_loop3A_2960 : i32 to vector<16xi32>
        %parallel_loop3A_2962 = arith.addi %parallel_loop3A_2936, %parallel_loop3A_2961 : vector<16xi32>
        tpu.vector_store_idx %arg10[%parallel_loop3A_2962], %parallel_loop3A_2959 {add = true} : memref<320xf32, #tpu.memory_space<vmem>>[vector<16xi32>], vector<16xf32>,
        %parallel_loop3A_2963 = arith.constant 192 : i32
        %parallel_loop3A_2964 = vector.broadcast %parallel_loop3A_2963 : i32 to vector<16xi32>
        %parallel_loop3A_2965 = arith.addi %parallel_loop3A_2934, %parallel_loop3A_2964 : vector<16xi32>
        %parallel_loop3A_2966 = tpu.vector_load_idx %arg9[%parallel_loop3A_2965] : memref<320xf32, #tpu.memory_space<vmem>>[vector<16xi32>], vector<16xf32>,
        %parallel_loop3A_2967 = arith.mulf %parallel_loop3A_2966, %parallel_loop3A_2938 : vector<16xf32>
        %parallel_loop3A_2968 = arith.constant 192 : i32
        %parallel_loop3A_2969 = vector.broadcast %parallel_loop3A_2968 : i32 to vector<16xi32>
        %parallel_loop3A_2970 = arith.addi %parallel_loop3A_2936, %parallel_loop3A_2969 : vector<16xi32>
        tpu.vector_store_idx %arg10[%parallel_loop3A_2970], %parallel_loop3A_2967 {add = true} : memref<320xf32, #tpu.memory_space<vmem>>[vector<16xi32>], vector<16xf32>,
        %parallel_loop3A_2971 = arith.constant 256 : i32
        %parallel_loop3A_2972 = vector.broadcast %parallel_loop3A_2971 : i32 to vector<16xi32>
        %parallel_loop3A_2973 = arith.addi %parallel_loop3A_2934, %parallel_loop3A_2972 : vector<16xi32>
        %parallel_loop3A_2974 = tpu.vector_load_idx %arg9[%parallel_loop3A_2973] : memref<320xf32, #tpu.memory_space<vmem>>[vector<16xi32>], vector<16xf32>,
        %parallel_loop3A_2975 = arith.mulf %parallel_loop3A_2974, %parallel_loop3A_2938 : vector<16xf32>
        %parallel_loop3A_2976 = arith.constant 256 : i32
        %parallel_loop3A_2977 = vector.broadcast %parallel_loop3A_2976 : i32 to vector<16xi32>
        %parallel_loop3A_2978 = arith.addi %parallel_loop3A_2936, %parallel_loop3A_2977 : vector<16xi32>
        tpu.vector_store_idx %arg10[%parallel_loop3A_2978], %parallel_loop3A_2975 {add = true} : memref<320xf32, #tpu.memory_space<vmem>>[vector<16xi32>], vector<16xf32>,
      } {sc.loop_unroll_factor = 1 : i64, sc.parallel_access}
      %get3A_2188 = arith.constant 0 : index
      %get3A_2189 = tpu.vector_load %arg13[%get3A_2188] {strides = array<i32>} : memref<64xf32, #tpu.memory_space<vmem>>, vector<16xf32>,
      %mul3A_2190 = arith.mulf %get3A_2189, %get3A_2189 : vector<16xf32>
      %get3A_2191 = arith.constant 0 : index
      %get3A_2192 = tpu.vector_load %arg10[%get3A_2191] {strides = array<i32>} : memref<320xf32, #tpu.memory_space<vmem>>, vector<16xf32>,
      %get3A_2193 = arith.constant 0 : index
      %get3A_2194 = tpu.vector_load %arg9[%get3A_2193] {strides = array<i32>} : memref<320xf32, #tpu.memory_space<vmem>>, vector<16xf32>,
      %mul3A_2195 = arith.mulf %mul3A_2190, %get3A_2194 : vector<16xf32>
      %add3A_2196 = arith.addf %get3A_2192, %mul3A_2195 : vector<16xf32>
      %get3A_2197 = arith.constant 320 : i32
      %get3A_2198 = tpu.memref_slice %arg7[%get3A_2197] : memref<2400xf32, #tpu.memory_space<vmem>> -> memref<1056xf32, #tpu.memory_space<vmem>>
      %get3A_2199 = arith.constant 960 : index
      %get3A_2200 = tpu.vector_load %get3A_2198[%get3A_2199] {strides = array<i32>} : memref<1056xf32, #tpu.memory_space<vmem>>, vector<16xf32>,
      %add3A_2201 = arith.addf %add3A_2196, %get3A_2200 : vector<16xf32>
      %max3A_2202 = arith.constant 0.000000e+00 : f32
      %max3A_2203 = vector.broadcast %max3A_2202 : f32 to vector<16xf32>
      %max3A_2204 = arith.maximumf %add3A_2201, %max3A_2203 : vector<16xf32>
      %swap3A_2205 = arith.constant 0 : index
      %swap3A_2206 = tpu.vector_load %arg8[%swap3A_2205] {strides = array<i32>} : memref<320xf32, #tpu.memory_space<vmem>>, vector<16xf32>,
      tpu.vector_store %arg8[%swap3A_2205], %max3A_2204 {strides = array<i32>} : memref<320xf32, #tpu.memory_space<vmem>>, vector<16xf32>,
      %get3A_2207 = arith.constant 64 : index
      %get3A_2208 = tpu.vector_load %arg10[%get3A_2207] {strides = array<i32>} : memref<320xf32, #tpu.memory_space<vmem>>, vector<16xf32>,
      %get3A_2209 = arith.constant 64 : index
      %get3A_2210 = tpu.vector_load %arg9[%get3A_2209] {strides = array<i32>} : memref<320xf32, #tpu.memory_space<vmem>>, vector<16xf32>,
      %mul3A_2211 = arith.mulf %mul3A_2190, %get3A_2210 : vector<16xf32>
      %add3A_2212 = arith.addf %get3A_2208, %mul3A_2211 : vector<16xf32>
      %get3A_2213 = arith.constant 320 : i32
      %get3A_2214 = tpu.memref_slice %arg7[%get3A_2213] : memref<2400xf32, #tpu.memory_space<vmem>> -> memref<1056xf32, #tpu.memory_space<vmem>>
      %get3A_2215 = arith.constant 976 : index
      %get3A_2216 = tpu.vector_load %get3A_2214[%get3A_2215] {strides = array<i32>} : memref<1056xf32, #tpu.memory_space<vmem>>, vector<16xf32>,
      %add3A_2217 = arith.addf %add3A_2212, %get3A_2216 : vector<16xf32>
      %max3A_2218 = arith.constant 0.000000e+00 : f32
      %max3A_2219 = vector.broadcast %max3A_2218 : f32 to vector<16xf32>
      %max3A_2220 = arith.maximumf %add3A_2217, %max3A_2219 : vector<16xf32>
      %swap3A_2221 = arith.constant 64 : index
      %swap3A_2222 = tpu.vector_load %arg8[%swap3A_2221] {strides = array<i32>} : memref<320xf32, #tpu.memory_space<vmem>>, vector<16xf32>,
      tpu.vector_store %arg8[%swap3A_2221], %max3A_2220 {strides = array<i32>} : memref<320xf32, #tpu.memory_space<vmem>>, vector<16xf32>,
      %get3A_2223 = arith.constant 128 : index
      %get3A_2224 = tpu.vector_load %arg10[%get3A_2223] {strides = array<i32>} : memref<320xf32, #tpu.memory_space<vmem>>, vector<16xf32>,
      %get3A_2225 = arith.constant 128 : index
      %get3A_2226 = tpu.vector_load %arg9[%get3A_2225] {strides = array<i32>} : memref<320xf32, #tpu.memory_space<vmem>>, vector<16xf32>,
      %mul3A_2227 = arith.mulf %mul3A_2190, %get3A_2226 : vector<16xf32>
      %add3A_2228 = arith.addf %get3A_2224, %mul3A_2227 : vector<16xf32>
      %get3A_2229 = arith.constant 320 : i32
      %get3A_2230 = tpu.memref_slice %arg7[%get3A_2229] : memref<2400xf32, #tpu.memory_space<vmem>> -> memref<1056xf32, #tpu.memory_space<vmem>>
      %get3A_2231 = arith.constant 992 : index
      %get3A_2232 = tpu.vector_load %get3A_2230[%get3A_2231] {strides = array<i32>} : memref<1056xf32, #tpu.memory_space<vmem>>, vector<16xf32>,
      %add3A_2233 = arith.addf %add3A_2228, %get3A_2232 : vector<16xf32>
      %max3A_2234 = arith.constant 0.000000e+00 : f32
      %max3A_2235 = vector.broadcast %max3A_2234 : f32 to vector<16xf32>
      %max3A_2236 = arith.maximumf %add3A_2233, %max3A_2235 : vector<16xf32>
      %swap3A_2237 = arith.constant 128 : index
      %swap3A_2238 = tpu.vector_load %arg8[%swap3A_2237] {strides = array<i32>} : memref<320xf32, #tpu.memory_space<vmem>>, vector<16xf32>,
      tpu.vector_store %arg8[%swap3A_2237], %max3A_2236 {strides = array<i32>} : memref<320xf32, #tpu.memory_space<vmem>>, vector<16xf32>,
      %get3A_2239 = arith.constant 192 : index
      %get3A_2240 = tpu.vector_load %arg10[%get3A_2239] {strides = array<i32>} : memref<320xf32, #tpu.memory_space<vmem>>, vector<16xf32>,
      %get3A_2241 = arith.constant 192 : index
      %get3A_2242 = tpu.vector_load %arg9[%get3A_2241] {strides = array<i32>} : memref<320xf32, #tpu.memory_space<vmem>>, vector<16xf32>,
      %mul3A_2243 = arith.mulf %mul3A_2190, %get3A_2242 : vector<16xf32>
      %add3A_2244 = arith.addf %get3A_2240, %mul3A_2243 : vector<16xf32>
      %get3A_2245 = arith.constant 320 : i32
      %get3A_2246 = tpu.memref_slice %arg7[%get3A_2245] : memref<2400xf32, #tpu.memory_space<vmem>> -> memref<1056xf32, #tpu.memory_space<vmem>>
      %get3A_2247 = arith.constant 1008 : index
      %get3A_2248 = tpu.vector_load %get3A_2246[%get3A_2247] {strides = array<i32>} : memref<1056xf32, #tpu.memory_space<vmem>>, vector<16xf32>,
      %add3A_2249 = arith.addf %add3A_2244, %get3A_2248 : vector<16xf32>
      %max3A_2250 = arith.constant 0.000000e+00 : f32
      %max3A_2251 = vector.broadcast %max3A_2250 : f32 to vector<16xf32>
      %max3A_2252 = arith.maximumf %add3A_2249, %max3A_2251 : vector<16xf32>
      %swap3A_2253 = arith.constant 192 : index
      %swap3A_2254 = tpu.vector_load %arg8[%swap3A_2253] {strides = array<i32>} : memref<320xf32, #tpu.memory_space<vmem>>, vector<16xf32>,
      tpu.vector_store %arg8[%swap3A_2253], %max3A_2252 {strides = array<i32>} : memref<320xf32, #tpu.memory_space<vmem>>, vector<16xf32>,
      %get3A_2255 = arith.constant 256 : index
      %get3A_2256 = tpu.vector_load %arg10[%get3A_2255] {strides = array<i32>} : memref<320xf32, #tpu.memory_space<vmem>>, vector<16xf32>,
      %get3A_2257 = arith.constant 256 : index
      %get3A_2258 = tpu.vector_load %arg9[%get3A_2257] {strides = array<i32>} : memref<320xf32, #tpu.memory_space<vmem>>, vector<16xf32>,
      %mul3A_2259 = arith.mulf %mul3A_2190, %get3A_2258 : vector<16xf32>
      %add3A_2260 = arith.addf %get3A_2256, %mul3A_2259 : vector<16xf32>
      %get3A_2261 = arith.constant 320 : i32
      %get3A_2262 = tpu.memref_slice %arg7[%get3A_2261] : memref<2400xf32, #tpu.memory_space<vmem>> -> memref<1056xf32, #tpu.memory_space<vmem>>
      %get3A_2263 = arith.constant 1024 : index
      %get3A_2264 = tpu.vector_load %get3A_2262[%get3A_2263] {strides = array<i32>} : memref<1056xf32, #tpu.memory_space<vmem>>, vector<16xf32>,
      %add3A_2265 = arith.addf %add3A_2260, %get3A_2264 : vector<16xf32>
      %max3A_2266 = arith.constant 0.000000e+00 : f32
      %max3A_2267 = vector.broadcast %max3A_2266 : f32 to vector<16xf32>
      %max3A_2268 = arith.maximumf %add3A_2265, %max3A_2267 : vector<16xf32>
      %swap3A_2269 = arith.constant 256 : index
      %swap3A_2270 = tpu.vector_load %arg8[%swap3A_2269] {strides = array<i32>} : memref<320xf32, #tpu.memory_space<vmem>>, vector<16xf32>,
      tpu.vector_store %arg8[%swap3A_2269], %max3A_2268 {strides = array<i32>} : memref<320xf32, #tpu.memory_space<vmem>>, vector<16xf32>,
      %get3A_2271 = arith.constant 16 : index
      %get3A_2272 = tpu.vector_load %arg13[%get3A_2271] {strides = array<i32>} : memref<64xf32, #tpu.memory_space<vmem>>, vector<16xf32>,
      %mul3A_2273 = arith.mulf %get3A_2272, %get3A_2272 : vector<16xf32>
      %get3A_2274 = arith.constant 16 : index
      %get3A_2275 = tpu.vector_load %arg10[%get3A_2274] {strides = array<i32>} : memref<320xf32, #tpu.memory_space<vmem>>, vector<16xf32>,
      %get3A_2276 = arith.constant 16 : index
      %get3A_2277 = tpu.vector_load %arg9[%get3A_2276] {strides = array<i32>} : memref<320xf32, #tpu.memory_space<vmem>>, vector<16xf32>,
      %mul3A_2278 = arith.mulf %mul3A_2273, %get3A_2277 : vector<16xf32>
      %add3A_2279 = arith.addf %get3A_2275, %mul3A_2278 : vector<16xf32>
      %get3A_2280 = arith.constant 320 : i32
      %get3A_2281 = tpu.memref_slice %arg7[%get3A_2280] : memref<2400xf32, #tpu.memory_space<vmem>> -> memref<1056xf32, #tpu.memory_space<vmem>>
      %get3A_2282 = arith.constant 960 : index
      %get3A_2283 = tpu.vector_load %get3A_2281[%get3A_2282] {strides = array<i32>} : memref<1056xf32, #tpu.memory_space<vmem>>, vector<16xf32>,
      %add3A_2284 = arith.addf %add3A_2279, %get3A_2283 : vector<16xf32>
      %max3A_2285 = arith.constant 0.000000e+00 : f32
      %max3A_2286 = vector.broadcast %max3A_2285 : f32 to vector<16xf32>
      %max3A_2287 = arith.maximumf %add3A_2284, %max3A_2286 : vector<16xf32>
      %swap3A_2288 = arith.constant 16 : index
      %swap3A_2289 = tpu.vector_load %arg8[%swap3A_2288] {strides = array<i32>} : memref<320xf32, #tpu.memory_space<vmem>>, vector<16xf32>,
      tpu.vector_store %arg8[%swap3A_2288], %max3A_2287 {strides = array<i32>} : memref<320xf32, #tpu.memory_space<vmem>>, vector<16xf32>,
      %get3A_2290 = arith.constant 80 : index
      %get3A_2291 = tpu.vector_load %arg10[%get3A_2290] {strides = array<i32>} : memref<320xf32, #tpu.memory_space<vmem>>, vector<16xf32>,
      %get3A_2292 = arith.constant 80 : index
      %get3A_2293 = tpu.vector_load %arg9[%get3A_2292] {strides = array<i32>} : memref<320xf32, #tpu.memory_space<vmem>>, vector<16xf32>,
      %mul3A_2294 = arith.mulf %mul3A_2273, %get3A_2293 : vector<16xf32>
      %add3A_2295 = arith.addf %get3A_2291, %mul3A_2294 : vector<16xf32>
      %get3A_2296 = arith.constant 320 : i32
      %get3A_2297 = tpu.memref_slice %arg7[%get3A_2296] : memref<2400xf32, #tpu.memory_space<vmem>> -> memref<1056xf32, #tpu.memory_space<vmem>>
      %get3A_2298 = arith.constant 976 : index
      %get3A_2299 = tpu.vector_load %get3A_2297[%get3A_2298] {strides = array<i32>} : memref<1056xf32, #tpu.memory_space<vmem>>, vector<16xf32>,
      %add3A_2300 = arith.addf %add3A_2295, %get3A_2299 : vector<16xf32>
      %max3A_2301 = arith.constant 0.000000e+00 : f32
      %max3A_2302 = vector.broadcast %max3A_2301 : f32 to vector<16xf32>
      %max3A_2303 = arith.maximumf %add3A_2300, %max3A_2302 : vector<16xf32>
      %swap3A_2304 = arith.constant 80 : index
      %swap3A_2305 = tpu.vector_load %arg8[%swap3A_2304] {strides = array<i32>} : memref<320xf32, #tpu.memory_space<vmem>>, vector<16xf32>,
      tpu.vector_store %arg8[%swap3A_2304], %max3A_2303 {strides = array<i32>} : memref<320xf32, #tpu.memory_space<vmem>>, vector<16xf32>,
      %get3A_2306 = arith.constant 144 : index
      %get3A_2307 = tpu.vector_load %arg10[%get3A_2306] {strides = array<i32>} : memref<320xf32, #tpu.memory_space<vmem>>, vector<16xf32>,
      %get3A_2308 = arith.constant 144 : index
      %get3A_2309 = tpu.vector_load %arg9[%get3A_2308] {strides = array<i32>} : memref<320xf32, #tpu.memory_space<vmem>>, vector<16xf32>,
      %mul3A_2310 = arith.mulf %mul3A_2273, %get3A_2309 : vector<16xf32>
      %add3A_2311 = arith.addf %get3A_2307, %mul3A_2310 : vector<16xf32>
      %get3A_2312 = arith.constant 320 : i32
      %get3A_2313 = tpu.memref_slice %arg7[%get3A_2312] : memref<2400xf32, #tpu.memory_space<vmem>> -> memref<1056xf32, #tpu.memory_space<vmem>>
      %get3A_2314 = arith.constant 992 : index
      %get3A_2315 = tpu.vector_load %get3A_2313[%get3A_2314] {strides = array<i32>} : memref<1056xf32, #tpu.memory_space<vmem>>, vector<16xf32>,
      %add3A_2316 = arith.addf %add3A_2311, %get3A_2315 : vector<16xf32>
      %max3A_2317 = arith.constant 0.000000e+00 : f32
      %max3A_2318 = vector.broadcast %max3A_2317 : f32 to vector<16xf32>
      %max3A_2319 = arith.maximumf %add3A_2316, %max3A_2318 : vector<16xf32>
      %swap3A_2320 = arith.constant 144 : index
      %swap3A_2321 = tpu.vector_load %arg8[%swap3A_2320] {strides = array<i32>} : memref<320xf32, #tpu.memory_space<vmem>>, vector<16xf32>,
      tpu.vector_store %arg8[%swap3A_2320], %max3A_2319 {strides = array<i32>} : memref<320xf32, #tpu.memory_space<vmem>>, vector<16xf32>,
      %get3A_2322 = arith.constant 208 : index
      %get3A_2323 = tpu.vector_load %arg10[%get3A_2322] {strides = array<i32>} : memref<320xf32, #tpu.memory_space<vmem>>, vector<16xf32>,
      %get3A_2324 = arith.constant 208 : index
      %get3A_2325 = tpu.vector_load %arg9[%get3A_2324] {strides = array<i32>} : memref<320xf32, #tpu.memory_space<vmem>>, vector<16xf32>,
      %mul3A_2326 = arith.mulf %mul3A_2273, %get3A_2325 : vector<16xf32>
      %add3A_2327 = arith.addf %get3A_2323, %mul3A_2326 : vector<16xf32>
      %get3A_2328 = arith.constant 320 : i32
      %get3A_2329 = tpu.memref_slice %arg7[%get3A_2328] : memref<2400xf32, #tpu.memory_space<vmem>> -> memref<1056xf32, #tpu.memory_space<vmem>>
      %get3A_2330 = arith.constant 1008 : index
      %get3A_2331 = tpu.vector_load %get3A_2329[%get3A_2330] {strides = array<i32>} : memref<1056xf32, #tpu.memory_space<vmem>>, vector<16xf32>,
      %add3A_2332 = arith.addf %add3A_2327, %get3A_2331 : vector<16xf32>
      %max3A_2333 = arith.constant 0.000000e+00 : f32
      %max3A_2334 = vector.broadcast %max3A_2333 : f32 to vector<16xf32>
      %max3A_2335 = arith.maximumf %add3A_2332, %max3A_2334 : vector<16xf32>
      %swap3A_2336 = arith.constant 208 : index
      %swap3A_2337 = tpu.vector_load %arg8[%swap3A_2336] {strides = array<i32>} : memref<320xf32, #tpu.memory_space<vmem>>, vector<16xf32>,
      tpu.vector_store %arg8[%swap3A_2336], %max3A_2335 {strides = array<i32>} : memref<320xf32, #tpu.memory_space<vmem>>, vector<16xf32>,
      %get3A_2338 = arith.constant 272 : index
      %get3A_2339 = tpu.vector_load %arg10[%get3A_2338] {strides = array<i32>} : memref<320xf32, #tpu.memory_space<vmem>>, vector<16xf32>,
      %get3A_2340 = arith.constant 272 : index
      %get3A_2341 = tpu.vector_load %arg9[%get3A_2340] {strides = array<i32>} : memref<320xf32, #tpu.memory_space<vmem>>, vector<16xf32>,
      %mul3A_2342 = arith.mulf %mul3A_2273, %get3A_2341 : vector<16xf32>
      %add3A_2343 = arith.addf %get3A_2339, %mul3A_2342 : vector<16xf32>
      %get3A_2344 = arith.constant 320 : i32
      %get3A_2345 = tpu.memref_slice %arg7[%get3A_2344] : memref<2400xf32, #tpu.memory_space<vmem>> -> memref<1056xf32, #tpu.memory_space<vmem>>
      %get3A_2346 = arith.constant 1024 : index
      %get3A_2347 = tpu.vector_load %get3A_2345[%get3A_2346] {strides = array<i32>} : memref<1056xf32, #tpu.memory_space<vmem>>, vector<16xf32>,
      %add3A_2348 = arith.addf %add3A_2343, %get3A_2347 : vector<16xf32>
      %max3A_2349 = arith.constant 0.000000e+00 : f32
      %max3A_2350 = vector.broadcast %max3A_2349 : f32 to vector<16xf32>
      %max3A_2351 = arith.maximumf %add3A_2348, %max3A_2350 : vector<16xf32>
      %swap3A_2352 = arith.constant 272 : index
      %swap3A_2353 = tpu.vector_load %arg8[%swap3A_2352] {strides = array<i32>} : memref<320xf32, #tpu.memory_space<vmem>>, vector<16xf32>,
      tpu.vector_store %arg8[%swap3A_2352], %max3A_2351 {strides = array<i32>} : memref<320xf32, #tpu.memory_space<vmem>>, vector<16xf32>,
      %get3A_2354 = arith.constant 32 : index
      %get3A_2355 = tpu.vector_load %arg13[%get3A_2354] {strides = array<i32>} : memref<64xf32, #tpu.memory_space<vmem>>, vector<16xf32>,
      %mul3A_2356 = arith.mulf %get3A_2355, %get3A_2355 : vector<16xf32>
      %get3A_2357 = arith.constant 32 : index
      %get3A_2358 = tpu.vector_load %arg10[%get3A_2357] {strides = array<i32>} : memref<320xf32, #tpu.memory_space<vmem>>, vector<16xf32>,
      %get3A_2359 = arith.constant 32 : index
      %get3A_2360 = tpu.vector_load %arg9[%get3A_2359] {strides = array<i32>} : memref<320xf32, #tpu.memory_space<vmem>>, vector<16xf32>,
      %mul3A_2361 = arith.mulf %mul3A_2356, %get3A_2360 : vector<16xf32>
      %add3A_2362 = arith.addf %get3A_2358, %mul3A_2361 : vector<16xf32>
      %get3A_2363 = arith.constant 320 : i32
      %get3A_2364 = tpu.memref_slice %arg7[%get3A_2363] : memref<2400xf32, #tpu.memory_space<vmem>> -> memref<1056xf32, #tpu.memory_space<vmem>>
      %get3A_2365 = arith.constant 960 : index
      %get3A_2366 = tpu.vector_load %get3A_2364[%get3A_2365] {strides = array<i32>} : memref<1056xf32, #tpu.memory_space<vmem>>, vector<16xf32>,
      %add3A_2367 = arith.addf %add3A_2362, %get3A_2366 : vector<16xf32>
      %max3A_2368 = arith.constant 0.000000e+00 : f32
      %max3A_2369 = vector.broadcast %max3A_2368 : f32 to vector<16xf32>
      %max3A_2370 = arith.maximumf %add3A_2367, %max3A_2369 : vector<16xf32>
      %swap3A_2371 = arith.constant 32 : index
      %swap3A_2372 = tpu.vector_load %arg8[%swap3A_2371] {strides = array<i32>} : memref<320xf32, #tpu.memory_space<vmem>>, vector<16xf32>,
      tpu.vector_store %arg8[%swap3A_2371], %max3A_2370 {strides = array<i32>} : memref<320xf32, #tpu.memory_space<vmem>>, vector<16xf32>,
      %get3A_2373 = arith.constant 96 : index
      %get3A_2374 = tpu.vector_load %arg10[%get3A_2373] {strides = array<i32>} : memref<320xf32, #tpu.memory_space<vmem>>, vector<16xf32>,
      %get3A_2375 = arith.constant 96 : index
      %get3A_2376 = tpu.vector_load %arg9[%get3A_2375] {strides = array<i32>} : memref<320xf32, #tpu.memory_space<vmem>>, vector<16xf32>,
      %mul3A_2377 = arith.mulf %mul3A_2356, %get3A_2376 : vector<16xf32>
      %add3A_2378 = arith.addf %get3A_2374, %mul3A_2377 : vector<16xf32>
      %get3A_2379 = arith.constant 320 : i32
      %get3A_2380 = tpu.memref_slice %arg7[%get3A_2379] : memref<2400xf32, #tpu.memory_space<vmem>> -> memref<1056xf32, #tpu.memory_space<vmem>>
      %get3A_2381 = arith.constant 976 : index
      %get3A_2382 = tpu.vector_load %get3A_2380[%get3A_2381] {strides = array<i32>} : memref<1056xf32, #tpu.memory_space<vmem>>, vector<16xf32>,
      %add3A_2383 = arith.addf %add3A_2378, %get3A_2382 : vector<16xf32>
      %max3A_2384 = arith.constant 0.000000e+00 : f32
      %max3A_2385 = vector.broadcast %max3A_2384 : f32 to vector<16xf32>
      %max3A_2386 = arith.maximumf %add3A_2383, %max3A_2385 : vector<16xf32>
      %swap3A_2387 = arith.constant 96 : index
      %swap3A_2388 = tpu.vector_load %arg8[%swap3A_2387] {strides = array<i32>} : memref<320xf32, #tpu.memory_space<vmem>>, vector<16xf32>,
      tpu.vector_store %arg8[%swap3A_2387], %max3A_2386 {strides = array<i32>} : memref<320xf32, #tpu.memory_space<vmem>>, vector<16xf32>,
      %get3A_2389 = arith.constant 160 : index
      %get3A_2390 = tpu.vector_load %arg10[%get3A_2389] {strides = array<i32>} : memref<320xf32, #tpu.memory_space<vmem>>, vector<16xf32>,
      %get3A_2391 = arith.constant 160 : index
      %get3A_2392 = tpu.vector_load %arg9[%get3A_2391] {strides = array<i32>} : memref<320xf32, #tpu.memory_space<vmem>>, vector<16xf32>,
      %mul3A_2393 = arith.mulf %mul3A_2356, %get3A_2392 : vector<16xf32>
      %add3A_2394 = arith.addf %get3A_2390, %mul3A_2393 : vector<16xf32>
      %get3A_2395 = arith.constant 320 : i32
      %get3A_2396 = tpu.memref_slice %arg7[%get3A_2395] : memref<2400xf32, #tpu.memory_space<vmem>> -> memref<1056xf32, #tpu.memory_space<vmem>>
      %get3A_2397 = arith.constant 992 : index
      %get3A_2398 = tpu.vector_load %get3A_2396[%get3A_2397] {strides = array<i32>} : memref<1056xf32, #tpu.memory_space<vmem>>, vector<16xf32>,
      %add3A_2399 = arith.addf %add3A_2394, %get3A_2398 : vector<16xf32>
      %max3A_2400 = arith.constant 0.000000e+00 : f32
      %max3A_2401 = vector.broadcast %max3A_2400 : f32 to vector<16xf32>
      %max3A_2402 = arith.maximumf %add3A_2399, %max3A_2401 : vector<16xf32>
      %swap3A_2403 = arith.constant 160 : index
      %swap3A_2404 = tpu.vector_load %arg8[%swap3A_2403] {strides = array<i32>} : memref<320xf32, #tpu.memory_space<vmem>>, vector<16xf32>,
      tpu.vector_store %arg8[%swap3A_2403], %max3A_2402 {strides = array<i32>} : memref<320xf32, #tpu.memory_space<vmem>>, vector<16xf32>,
      %get3A_2405 = arith.constant 224 : index
      %get3A_2406 = tpu.vector_load %arg10[%get3A_2405] {strides = array<i32>} : memref<320xf32, #tpu.memory_space<vmem>>, vector<16xf32>,
      %get3A_2407 = arith.constant 224 : index
      %get3A_2408 = tpu.vector_load %arg9[%get3A_2407] {strides = array<i32>} : memref<320xf32, #tpu.memory_space<vmem>>, vector<16xf32>,
      %mul3A_2409 = arith.mulf %mul3A_2356, %get3A_2408 : vector<16xf32>
      %add3A_2410 = arith.addf %get3A_2406, %mul3A_2409 : vector<16xf32>
      %get3A_2411 = arith.constant 320 : i32
      %get3A_2412 = tpu.memref_slice %arg7[%get3A_2411] : memref<2400xf32, #tpu.memory_space<vmem>> -> memref<1056xf32, #tpu.memory_space<vmem>>
      %get3A_2413 = arith.constant 1008 : index
      %get3A_2414 = tpu.vector_load %get3A_2412[%get3A_2413] {strides = array<i32>} : memref<1056xf32, #tpu.memory_space<vmem>>, vector<16xf32>,
      %add3A_2415 = arith.addf %add3A_2410, %get3A_2414 : vector<16xf32>
      %max3A_2416 = arith.constant 0.000000e+00 : f32
      %max3A_2417 = vector.broadcast %max3A_2416 : f32 to vector<16xf32>
      %max3A_2418 = arith.maximumf %add3A_2415, %max3A_2417 : vector<16xf32>
      %swap3A_2419 = arith.constant 224 : index
      %swap3A_2420 = tpu.vector_load %arg8[%swap3A_2419] {strides = array<i32>} : memref<320xf32, #tpu.memory_space<vmem>>, vector<16xf32>,
      tpu.vector_store %arg8[%swap3A_2419], %max3A_2418 {strides = array<i32>} : memref<320xf32, #tpu.memory_space<vmem>>, vector<16xf32>,
      %get3A_2421 = arith.constant 288 : index
      %get3A_2422 = tpu.vector_load %arg10[%get3A_2421] {strides = array<i32>} : memref<320xf32, #tpu.memory_space<vmem>>, vector<16xf32>,
      %get3A_2423 = arith.constant 288 : index
      %get3A_2424 = tpu.vector_load %arg9[%get3A_2423] {strides = array<i32>} : memref<320xf32, #tpu.memory_space<vmem>>, vector<16xf32>,
      %mul3A_2425 = arith.mulf %mul3A_2356, %get3A_2424 : vector<16xf32>
      %add3A_2426 = arith.addf %get3A_2422, %mul3A_2425 : vector<16xf32>
      %get3A_2427 = arith.constant 320 : i32
      %get3A_2428 = tpu.memref_slice %arg7[%get3A_2427] : memref<2400xf32, #tpu.memory_space<vmem>> -> memref<1056xf32, #tpu.memory_space<vmem>>
      %get3A_2429 = arith.constant 1024 : index
      %get3A_2430 = tpu.vector_load %get3A_2428[%get3A_2429] {strides = array<i32>} : memref<1056xf32, #tpu.memory_space<vmem>>, vector<16xf32>,
      %add3A_2431 = arith.addf %add3A_2426, %get3A_2430 : vector<16xf32>
      %max3A_2432 = arith.constant 0.000000e+00 : f32
      %max3A_2433 = vector.broadcast %max3A_2432 : f32 to vector<16xf32>
      %max3A_2434 = arith.maximumf %add3A_2431, %max3A_2433 : vector<16xf32>
      %swap3A_2435 = arith.constant 288 : index
      %swap3A_2436 = tpu.vector_load %arg8[%swap3A_2435] {strides = array<i32>} : memref<320xf32, #tpu.memory_space<vmem>>, vector<16xf32>,
      tpu.vector_store %arg8[%swap3A_2435], %max3A_2434 {strides = array<i32>} : memref<320xf32, #tpu.memory_space<vmem>>, vector<16xf32>,
      %get3A_2437 = arith.constant 48 : index
      %get3A_2438 = tpu.vector_load %arg13[%get3A_2437] {strides = array<i32>} : memref<64xf32, #tpu.memory_space<vmem>>, vector<16xf32>,
      %mul3A_2439 = arith.mulf %get3A_2438, %get3A_2438 : vector<16xf32>
      %get3A_2440 = arith.constant 48 : index
      %get3A_2441 = tpu.vector_load %arg10[%get3A_2440] {strides = array<i32>} : memref<320xf32, #tpu.memory_space<vmem>>, vector<16xf32>,
      %get3A_2442 = arith.constant 48 : index
      %get3A_2443 = tpu.vector_load %arg9[%get3A_2442] {strides = array<i32>} : memref<320xf32, #tpu.memory_space<vmem>>, vector<16xf32>,
      %mul3A_2444 = arith.mulf %mul3A_2439, %get3A_2443 : vector<16xf32>
      %add3A_2445 = arith.addf %get3A_2441, %mul3A_2444 : vector<16xf32>
      %get3A_2446 = arith.constant 320 : i32
      %get3A_2447 = tpu.memref_slice %arg7[%get3A_2446] : memref<2400xf32, #tpu.memory_space<vmem>> -> memref<1056xf32, #tpu.memory_space<vmem>>
      %get3A_2448 = arith.constant 960 : index
      %get3A_2449 = tpu.vector_load %get3A_2447[%get3A_2448] {strides = array<i32>} : memref<1056xf32, #tpu.memory_space<vmem>>, vector<16xf32>,
      %add3A_2450 = arith.addf %add3A_2445, %get3A_2449 : vector<16xf32>
      %max3A_2451 = arith.constant 0.000000e+00 : f32
      %max3A_2452 = vector.broadcast %max3A_2451 : f32 to vector<16xf32>
      %max3A_2453 = arith.maximumf %add3A_2450, %max3A_2452 : vector<16xf32>
      %swap3A_2454 = arith.constant 48 : index
      %swap3A_2455 = tpu.vector_load %arg8[%swap3A_2454] {strides = array<i32>} : memref<320xf32, #tpu.memory_space<vmem>>, vector<16xf32>,
      tpu.vector_store %arg8[%swap3A_2454], %max3A_2453 {strides = array<i32>} : memref<320xf32, #tpu.memory_space<vmem>>, vector<16xf32>,
      %get3A_2456 = arith.constant 112 : index
      %get3A_2457 = tpu.vector_load %arg10[%get3A_2456] {strides = array<i32>} : memref<320xf32, #tpu.memory_space<vmem>>, vector<16xf32>,
      %get3A_2458 = arith.constant 112 : index
      %get3A_2459 = tpu.vector_load %arg9[%get3A_2458] {strides = array<i32>} : memref<320xf32, #tpu.memory_space<vmem>>, vector<16xf32>,
      %mul3A_2460 = arith.mulf %mul3A_2439, %get3A_2459 : vector<16xf32>
      %add3A_2461 = arith.addf %get3A_2457, %mul3A_2460 : vector<16xf32>
      %get3A_2462 = arith.constant 320 : i32
      %get3A_2463 = tpu.memref_slice %arg7[%get3A_2462] : memref<2400xf32, #tpu.memory_space<vmem>> -> memref<1056xf32, #tpu.memory_space<vmem>>
      %get3A_2464 = arith.constant 976 : index
      %get3A_2465 = tpu.vector_load %get3A_2463[%get3A_2464] {strides = array<i32>} : memref<1056xf32, #tpu.memory_space<vmem>>, vector<16xf32>,
      %add3A_2466 = arith.addf %add3A_2461, %get3A_2465 : vector<16xf32>
      %max3A_2467 = arith.constant 0.000000e+00 : f32
      %max3A_2468 = vector.broadcast %max3A_2467 : f32 to vector<16xf32>
      %max3A_2469 = arith.maximumf %add3A_2466, %max3A_2468 : vector<16xf32>
      %swap3A_2470 = arith.constant 112 : index
      %swap3A_2471 = tpu.vector_load %arg8[%swap3A_2470] {strides = array<i32>} : memref<320xf32, #tpu.memory_space<vmem>>, vector<16xf32>,
      tpu.vector_store %arg8[%swap3A_2470], %max3A_2469 {strides = array<i32>} : memref<320xf32, #tpu.memory_space<vmem>>, vector<16xf32>,
      %get3A_2472 = arith.constant 176 : index
      %get3A_2473 = tpu.vector_load %arg10[%get3A_2472] {strides = array<i32>} : memref<320xf32, #tpu.memory_space<vmem>>, vector<16xf32>,
      %get3A_2474 = arith.constant 176 : index
      %get3A_2475 = tpu.vector_load %arg9[%get3A_2474] {strides = array<i32>} : memref<320xf32, #tpu.memory_space<vmem>>, vector<16xf32>,
      %mul3A_2476 = arith.mulf %mul3A_2439, %get3A_2475 : vector<16xf32>
      %add3A_2477 = arith.addf %get3A_2473, %mul3A_2476 : vector<16xf32>
      %get3A_2478 = arith.constant 320 : i32
      %get3A_2479 = tpu.memref_slice %arg7[%get3A_2478] : memref<2400xf32, #tpu.memory_space<vmem>> -> memref<1056xf32, #tpu.memory_space<vmem>>
      %get3A_2480 = arith.constant 992 : index
      %get3A_2481 = tpu.vector_load %get3A_2479[%get3A_2480] {strides = array<i32>} : memref<1056xf32, #tpu.memory_space<vmem>>, vector<16xf32>,
      %add3A_2482 = arith.addf %add3A_2477, %get3A_2481 : vector<16xf32>
      %max3A_2483 = arith.constant 0.000000e+00 : f32
      %max3A_2484 = vector.broadcast %max3A_2483 : f32 to vector<16xf32>
      %max3A_2485 = arith.maximumf %add3A_2482, %max3A_2484 : vector<16xf32>
      %swap3A_2486 = arith.constant 176 : index
      %swap3A_2487 = tpu.vector_load %arg8[%swap3A_2486] {strides = array<i32>} : memref<320xf32, #tpu.memory_space<vmem>>, vector<16xf32>,
      tpu.vector_store %arg8[%swap3A_2486], %max3A_2485 {strides = array<i32>} : memref<320xf32, #tpu.memory_space<vmem>>, vector<16xf32>,
      %get3A_2488 = arith.constant 240 : index
      %get3A_2489 = tpu.vector_load %arg10[%get3A_2488] {strides = array<i32>} : memref<320xf32, #tpu.memory_space<vmem>>, vector<16xf32>,
      %get3A_2490 = arith.constant 240 : index
      %get3A_2491 = tpu.vector_load %arg9[%get3A_2490] {strides = array<i32>} : memref<320xf32, #tpu.memory_space<vmem>>, vector<16xf32>,
      %mul3A_2492 = arith.mulf %mul3A_2439, %get3A_2491 : vector<16xf32>
      %add3A_2493 = arith.addf %get3A_2489, %mul3A_2492 : vector<16xf32>
      %get3A_2494 = arith.constant 320 : i32
      %get3A_2495 = tpu.memref_slice %arg7[%get3A_2494] : memref<2400xf32, #tpu.memory_space<vmem>> -> memref<1056xf32, #tpu.memory_space<vmem>>
      %get3A_2496 = arith.constant 1008 : index
      %get3A_2497 = tpu.vector_load %get3A_2495[%get3A_2496] {strides = array<i32>} : memref<1056xf32, #tpu.memory_space<vmem>>, vector<16xf32>,
      %add3A_2498 = arith.addf %add3A_2493, %get3A_2497 : vector<16xf32>
      %max3A_2499 = arith.constant 0.000000e+00 : f32
      %max3A_2500 = vector.broadcast %max3A_2499 : f32 to vector<16xf32>
      %max3A_2501 = arith.maximumf %add3A_2498, %max3A_2500 : vector<16xf32>
      %swap3A_2502 = arith.constant 240 : index
      %swap3A_2503 = tpu.vector_load %arg8[%swap3A_2502] {strides = array<i32>} : memref<320xf32, #tpu.memory_space<vmem>>, vector<16xf32>,
      tpu.vector_store %arg8[%swap3A_2502], %max3A_2501 {strides = array<i32>} : memref<320xf32, #tpu.memory_space<vmem>>, vector<16xf32>,
      %get3A_2504 = arith.constant 304 : index
      %get3A_2505 = tpu.vector_load %arg10[%get3A_2504] {strides = array<i32>} : memref<320xf32, #tpu.memory_space<vmem>>, vector<16xf32>,
      %get3A_2506 = arith.constant 304 : index
      %get3A_2507 = tpu.vector_load %arg9[%get3A_2506] {strides = array<i32>} : memref<320xf32, #tpu.memory_space<vmem>>, vector<16xf32>,
      %mul3A_2508 = arith.mulf %mul3A_2439, %get3A_2507 : vector<16xf32>
      %add3A_2509 = arith.addf %get3A_2505, %mul3A_2508 : vector<16xf32>
      %get3A_2510 = arith.constant 320 : i32
      %get3A_2511 = tpu.memref_slice %arg7[%get3A_2510] : memref<2400xf32, #tpu.memory_space<vmem>> -> memref<1056xf32, #tpu.memory_space<vmem>>
      %get3A_2512 = arith.constant 1024 : index
      %get3A_2513 = tpu.vector_load %get3A_2511[%get3A_2512] {strides = array<i32>} : memref<1056xf32, #tpu.memory_space<vmem>>, vector<16xf32>,
      %add3A_2514 = arith.addf %add3A_2509, %get3A_2513 : vector<16xf32>
      %max3A_2515 = arith.constant 0.000000e+00 : f32
      %max3A_2516 = vector.broadcast %max3A_2515 : f32 to vector<16xf32>
      %max3A_2517 = arith.maximumf %add3A_2514, %max3A_2516 : vector<16xf32>
      %swap3A_2518 = arith.constant 304 : index
      %swap3A_2519 = tpu.vector_load %arg8[%swap3A_2518] {strides = array<i32>} : memref<320xf32, #tpu.memory_space<vmem>>, vector<16xf32>,
      tpu.vector_store %arg8[%swap3A_2518], %max3A_2517 {strides = array<i32>} : memref<320xf32, #tpu.memory_space<vmem>>, vector<16xf32>,
      %get3A_2520 = arith.constant 320 : i32
      %get3A_2521 = tpu.memref_slice %arg7[%get3A_2520] : memref<2400xf32, #tpu.memory_space<vmem>> -> memref<1056xf32, #tpu.memory_space<vmem>>
      %get3A_2522 = arith.constant 800 : index
      %get3A_2523 = tpu.vector_load %get3A_2521[%get3A_2522] {strides = array<i32>} : memref<1056xf32, #tpu.memory_space<vmem>>, vector<16xf32>,
      %get3A_2524 = arith.constant 320 : i32
      %get3A_2525 = tpu.memref_slice %arg7[%get3A_2524] : memref<2400xf32, #tpu.memory_space<vmem>> -> memref<1056xf32, #tpu.memory_space<vmem>>
      %get3A_2526 = arith.constant 816 : index
      %get3A_2527 = tpu.vector_load %get3A_2525[%get3A_2526] {strides = array<i32>} : memref<1056xf32, #tpu.memory_space<vmem>>, vector<16xf32>,
      %get3A_2528 = arith.constant 320 : i32
      %get3A_2529 = tpu.memref_slice %arg7[%get3A_2528] : memref<2400xf32, #tpu.memory_space<vmem>> -> memref<1056xf32, #tpu.memory_space<vmem>>
      %get3A_2530 = arith.constant 832 : index
      %get3A_2531 = tpu.vector_load %get3A_2529[%get3A_2530] {strides = array<i32>} : memref<1056xf32, #tpu.memory_space<vmem>>, vector<16xf32>,
      %get3A_2532 = arith.constant 320 : i32
      %get3A_2533 = tpu.memref_slice %arg7[%get3A_2532] : memref<2400xf32, #tpu.memory_space<vmem>> -> memref<1056xf32, #tpu.memory_space<vmem>>
      %get3A_2534 = arith.constant 848 : index
      %get3A_2535 = tpu.vector_load %get3A_2533[%get3A_2534] {strides = array<i32>} : memref<1056xf32, #tpu.memory_space<vmem>>, vector<16xf32>,
      %get3A_2536 = arith.constant 320 : i32
      %get3A_2537 = tpu.memref_slice %arg7[%get3A_2536] : memref<2400xf32, #tpu.memory_space<vmem>> -> memref<1056xf32, #tpu.memory_space<vmem>>
      %get3A_2538 = arith.constant 864 : index
      %get3A_2539 = tpu.vector_load %get3A_2537[%get3A_2538] {strides = array<i32>} : memref<1056xf32, #tpu.memory_space<vmem>>, vector<16xf32>,
      %get3A_2540 = arith.constant 320 : i32
      %get3A_2541 = tpu.memref_slice %arg7[%get3A_2540] : memref<2400xf32, #tpu.memory_space<vmem>> -> memref<1056xf32, #tpu.memory_space<vmem>>
      %get3A_2542 = arith.constant 1040 : index
      %get3A_2543 = tpu.vector_load %get3A_2541[%get3A_2542] {strides = array<i32>} : memref<1056xf32, #tpu.memory_space<vmem>>, vector<16xf32>,
      %get3A_2544 = arith.constant 0 : index
      %get3A_2545 = tpu.vector_load %arg8[%get3A_2544] {strides = array<i32>} : memref<320xf32, #tpu.memory_space<vmem>>, vector<16xf32>,
      %bitcast3A_2546 = vector.bitcast %get3A_2545 : vector<16xf32> to vector<16xi32>
      %add3A_2547 = arith.constant 32767 : i32
      %add3A_2548 = vector.broadcast %add3A_2547 : i32 to vector<16xi32>
      %add3A_2549 = arith.addi %bitcast3A_2546, %add3A_2548 : vector<16xi32>
      %shift_right_arithmetic3A_2550 = arith.constant 16 : i32
      %shift_right_arithmetic3A_2551 = vector.broadcast %shift_right_arithmetic3A_2550 : i32 to vector<16xi32>
      %shift_right_arithmetic3A_2552 = arith.shrsi %bitcast3A_2546, %shift_right_arithmetic3A_2551 : vector<16xi32>
      %and3A_2553 = arith.constant 1 : i32
      %and3A_2554 = vector.broadcast %and3A_2553 : i32 to vector<16xi32>
      %and3A_2555 = arith.andi %shift_right_arithmetic3A_2552, %and3A_2554 : vector<16xi32>
      %add3A_2556 = arith.addi %add3A_2549, %and3A_2555 : vector<16xi32>
      %and3A_2557 = arith.constant -65536 : i32
      %and3A_2558 = vector.broadcast %and3A_2557 : i32 to vector<16xi32>
      %and3A_2559 = arith.andi %add3A_2556, %and3A_2558 : vector<16xi32>
      %bitcast3A_2560 = vector.bitcast %and3A_2559 : vector<16xi32> to vector<16xf32>
      %mul3A_2561 = arith.mulf %get3A_2523, %bitcast3A_2560 : vector<16xf32>
      %add3A_2562 = arith.addf %get3A_2543, %mul3A_2561 : vector<16xf32>
      %get3A_2563 = arith.constant 64 : index
      %get3A_2564 = tpu.vector_load %arg8[%get3A_2563] {strides = array<i32>} : memref<320xf32, #tpu.memory_space<vmem>>, vector<16xf32>,
      %bitcast3A_2565 = vector.bitcast %get3A_2564 : vector<16xf32> to vector<16xi32>
      %add3A_2566 = arith.constant 32767 : i32
      %add3A_2567 = vector.broadcast %add3A_2566 : i32 to vector<16xi32>
      %add3A_2568 = arith.addi %bitcast3A_2565, %add3A_2567 : vector<16xi32>
      %shift_right_arithmetic3A_2569 = arith.constant 16 : i32
      %shift_right_arithmetic3A_2570 = vector.broadcast %shift_right_arithmetic3A_2569 : i32 to vector<16xi32>
      %shift_right_arithmetic3A_2571 = arith.shrsi %bitcast3A_2565, %shift_right_arithmetic3A_2570 : vector<16xi32>
      %and3A_2572 = arith.constant 1 : i32
      %and3A_2573 = vector.broadcast %and3A_2572 : i32 to vector<16xi32>
      %and3A_2574 = arith.andi %shift_right_arithmetic3A_2571, %and3A_2573 : vector<16xi32>
      %add3A_2575 = arith.addi %add3A_2568, %and3A_2574 : vector<16xi32>
      %and3A_2576 = arith.constant -65536 : i32
      %and3A_2577 = vector.broadcast %and3A_2576 : i32 to vector<16xi32>
      %and3A_2578 = arith.andi %add3A_2575, %and3A_2577 : vector<16xi32>
      %bitcast3A_2579 = vector.bitcast %and3A_2578 : vector<16xi32> to vector<16xf32>
      %mul3A_2580 = arith.mulf %get3A_2527, %bitcast3A_2579 : vector<16xf32>
      %add3A_2581 = arith.addf %add3A_2562, %mul3A_2580 : vector<16xf32>
      %get3A_2582 = arith.constant 128 : index
      %get3A_2583 = tpu.vector_load %arg8[%get3A_2582] {strides = array<i32>} : memref<320xf32, #tpu.memory_space<vmem>>, vector<16xf32>,
      %bitcast3A_2584 = vector.bitcast %get3A_2583 : vector<16xf32> to vector<16xi32>
      %add3A_2585 = arith.constant 32767 : i32
      %add3A_2586 = vector.broadcast %add3A_2585 : i32 to vector<16xi32>
      %add3A_2587 = arith.addi %bitcast3A_2584, %add3A_2586 : vector<16xi32>
      %shift_right_arithmetic3A_2588 = arith.constant 16 : i32
      %shift_right_arithmetic3A_2589 = vector.broadcast %shift_right_arithmetic3A_2588 : i32 to vector<16xi32>
      %shift_right_arithmetic3A_2590 = arith.shrsi %bitcast3A_2584, %shift_right_arithmetic3A_2589 : vector<16xi32>
      %and3A_2591 = arith.constant 1 : i32
      %and3A_2592 = vector.broadcast %and3A_2591 : i32 to vector<16xi32>
      %and3A_2593 = arith.andi %shift_right_arithmetic3A_2590, %and3A_2592 : vector<16xi32>
      %add3A_2594 = arith.addi %add3A_2587, %and3A_2593 : vector<16xi32>
      %and3A_2595 = arith.constant -65536 : i32
      %and3A_2596 = vector.broadcast %and3A_2595 : i32 to vector<16xi32>
      %and3A_2597 = arith.andi %add3A_2594, %and3A_2596 : vector<16xi32>
      %bitcast3A_2598 = vector.bitcast %and3A_2597 : vector<16xi32> to vector<16xf32>
      %mul3A_2599 = arith.mulf %get3A_2531, %bitcast3A_2598 : vector<16xf32>
      %add3A_2600 = arith.addf %add3A_2581, %mul3A_2599 : vector<16xf32>
      %get3A_2601 = arith.constant 192 : index
      %get3A_2602 = tpu.vector_load %arg8[%get3A_2601] {strides = array<i32>} : memref<320xf32, #tpu.memory_space<vmem>>, vector<16xf32>,
      %bitcast3A_2603 = vector.bitcast %get3A_2602 : vector<16xf32> to vector<16xi32>
      %add3A_2604 = arith.constant 32767 : i32
      %add3A_2605 = vector.broadcast %add3A_2604 : i32 to vector<16xi32>
      %add3A_2606 = arith.addi %bitcast3A_2603, %add3A_2605 : vector<16xi32>
      %shift_right_arithmetic3A_2607 = arith.constant 16 : i32
      %shift_right_arithmetic3A_2608 = vector.broadcast %shift_right_arithmetic3A_2607 : i32 to vector<16xi32>
      %shift_right_arithmetic3A_2609 = arith.shrsi %bitcast3A_2603, %shift_right_arithmetic3A_2608 : vector<16xi32>
      %and3A_2610 = arith.constant 1 : i32
      %and3A_2611 = vector.broadcast %and3A_2610 : i32 to vector<16xi32>
      %and3A_2612 = arith.andi %shift_right_arithmetic3A_2609, %and3A_2611 : vector<16xi32>
      %add3A_2613 = arith.addi %add3A_2606, %and3A_2612 : vector<16xi32>
      %and3A_2614 = arith.constant -65536 : i32
      %and3A_2615 = vector.broadcast %and3A_2614 : i32 to vector<16xi32>
      %and3A_2616 = arith.andi %add3A_2613, %and3A_2615 : vector<16xi32>
      %bitcast3A_2617 = vector.bitcast %and3A_2616 : vector<16xi32> to vector<16xf32>
      %mul3A_2618 = arith.mulf %get3A_2535, %bitcast3A_2617 : vector<16xf32>
      %add3A_2619 = arith.addf %add3A_2600, %mul3A_2618 : vector<16xf32>
      %get3A_2620 = arith.constant 256 : index
      %get3A_2621 = tpu.vector_load %arg8[%get3A_2620] {strides = array<i32>} : memref<320xf32, #tpu.memory_space<vmem>>, vector<16xf32>,
      %bitcast3A_2622 = vector.bitcast %get3A_2621 : vector<16xf32> to vector<16xi32>
      %add3A_2623 = arith.constant 32767 : i32
      %add3A_2624 = vector.broadcast %add3A_2623 : i32 to vector<16xi32>
      %add3A_2625 = arith.addi %bitcast3A_2622, %add3A_2624 : vector<16xi32>
      %shift_right_arithmetic3A_2626 = arith.constant 16 : i32
      %shift_right_arithmetic3A_2627 = vector.broadcast %shift_right_arithmetic3A_2626 : i32 to vector<16xi32>
      %shift_right_arithmetic3A_2628 = arith.shrsi %bitcast3A_2622, %shift_right_arithmetic3A_2627 : vector<16xi32>
      %and3A_2629 = arith.constant 1 : i32
      %and3A_2630 = vector.broadcast %and3A_2629 : i32 to vector<16xi32>
      %and3A_2631 = arith.andi %shift_right_arithmetic3A_2628, %and3A_2630 : vector<16xi32>
      %add3A_2632 = arith.addi %add3A_2625, %and3A_2631 : vector<16xi32>
      %and3A_2633 = arith.constant -65536 : i32
      %and3A_2634 = vector.broadcast %and3A_2633 : i32 to vector<16xi32>
      %and3A_2635 = arith.andi %add3A_2632, %and3A_2634 : vector<16xi32>
      %bitcast3A_2636 = vector.bitcast %and3A_2635 : vector<16xi32> to vector<16xf32>
      %mul3A_2637 = arith.mulf %get3A_2539, %bitcast3A_2636 : vector<16xf32>
      %add3A_2638 = arith.addf %add3A_2619, %mul3A_2637 : vector<16xf32>
      %swap3A_2639 = arith.constant 0 : index
      %swap3A_2640 = tpu.vector_load %arg14[%swap3A_2639] {strides = array<i32>} : memref<64xf32, #tpu.memory_space<vmem>>, vector<16xf32>,
      tpu.vector_store %arg14[%swap3A_2639], %add3A_2638 {strides = array<i32>} : memref<64xf32, #tpu.memory_space<vmem>>, vector<16xf32>,
      %get3A_2641 = arith.constant 16 : index
      %get3A_2642 = tpu.vector_load %arg8[%get3A_2641] {strides = array<i32>} : memref<320xf32, #tpu.memory_space<vmem>>, vector<16xf32>,
      %bitcast3A_2643 = vector.bitcast %get3A_2642 : vector<16xf32> to vector<16xi32>
      %add3A_2644 = arith.constant 32767 : i32
      %add3A_2645 = vector.broadcast %add3A_2644 : i32 to vector<16xi32>
      %add3A_2646 = arith.addi %bitcast3A_2643, %add3A_2645 : vector<16xi32>
      %shift_right_arithmetic3A_2647 = arith.constant 16 : i32
      %shift_right_arithmetic3A_2648 = vector.broadcast %shift_right_arithmetic3A_2647 : i32 to vector<16xi32>
      %shift_right_arithmetic3A_2649 = arith.shrsi %bitcast3A_2643, %shift_right_arithmetic3A_2648 : vector<16xi32>
      %and3A_2650 = arith.constant 1 : i32
      %and3A_2651 = vector.broadcast %and3A_2650 : i32 to vector<16xi32>
      %and3A_2652 = arith.andi %shift_right_arithmetic3A_2649, %and3A_2651 : vector<16xi32>
      %add3A_2653 = arith.addi %add3A_2646, %and3A_2652 : vector<16xi32>
      %and3A_2654 = arith.constant -65536 : i32
      %and3A_2655 = vector.broadcast %and3A_2654 : i32 to vector<16xi32>
      %and3A_2656 = arith.andi %add3A_2653, %and3A_2655 : vector<16xi32>
      %bitcast3A_2657 = vector.bitcast %and3A_2656 : vector<16xi32> to vector<16xf32>
      %mul3A_2658 = arith.mulf %get3A_2523, %bitcast3A_2657 : vector<16xf32>
      %add3A_2659 = arith.addf %get3A_2543, %mul3A_2658 : vector<16xf32>
      %get3A_2660 = arith.constant 80 : index
      %get3A_2661 = tpu.vector_load %arg8[%get3A_2660] {strides = array<i32>} : memref<320xf32, #tpu.memory_space<vmem>>, vector<16xf32>,
      %bitcast3A_2662 = vector.bitcast %get3A_2661 : vector<16xf32> to vector<16xi32>
      %add3A_2663 = arith.constant 32767 : i32
      %add3A_2664 = vector.broadcast %add3A_2663 : i32 to vector<16xi32>
      %add3A_2665 = arith.addi %bitcast3A_2662, %add3A_2664 : vector<16xi32>
      %shift_right_arithmetic3A_2666 = arith.constant 16 : i32
      %shift_right_arithmetic3A_2667 = vector.broadcast %shift_right_arithmetic3A_2666 : i32 to vector<16xi32>
      %shift_right_arithmetic3A_2668 = arith.shrsi %bitcast3A_2662, %shift_right_arithmetic3A_2667 : vector<16xi32>
      %and3A_2669 = arith.constant 1 : i32
      %and3A_2670 = vector.broadcast %and3A_2669 : i32 to vector<16xi32>
      %and3A_2671 = arith.andi %shift_right_arithmetic3A_2668, %and3A_2670 : vector<16xi32>
      %add3A_2672 = arith.addi %add3A_2665, %and3A_2671 : vector<16xi32>
      %and3A_2673 = arith.constant -65536 : i32
      %and3A_2674 = vector.broadcast %and3A_2673 : i32 to vector<16xi32>
      %and3A_2675 = arith.andi %add3A_2672, %and3A_2674 : vector<16xi32>
      %bitcast3A_2676 = vector.bitcast %and3A_2675 : vector<16xi32> to vector<16xf32>
      %mul3A_2677 = arith.mulf %get3A_2527, %bitcast3A_2676 : vector<16xf32>
      %add3A_2678 = arith.addf %add3A_2659, %mul3A_2677 : vector<16xf32>
      %get3A_2679 = arith.constant 144 : index
      %get3A_2680 = tpu.vector_load %arg8[%get3A_2679] {strides = array<i32>} : memref<320xf32, #tpu.memory_space<vmem>>, vector<16xf32>,
      %bitcast3A_2681 = vector.bitcast %get3A_2680 : vector<16xf32> to vector<16xi32>
      %add3A_2682 = arith.constant 32767 : i32
      %add3A_2683 = vector.broadcast %add3A_2682 : i32 to vector<16xi32>
      %add3A_2684 = arith.addi %bitcast3A_2681, %add3A_2683 : vector<16xi32>
      %shift_right_arithmetic3A_2685 = arith.constant 16 : i32
      %shift_right_arithmetic3A_2686 = vector.broadcast %shift_right_arithmetic3A_2685 : i32 to vector<16xi32>
      %shift_right_arithmetic3A_2687 = arith.shrsi %bitcast3A_2681, %shift_right_arithmetic3A_2686 : vector<16xi32>
      %and3A_2688 = arith.constant 1 : i32
      %and3A_2689 = vector.broadcast %and3A_2688 : i32 to vector<16xi32>
      %and3A_2690 = arith.andi %shift_right_arithmetic3A_2687, %and3A_2689 : vector<16xi32>
      %add3A_2691 = arith.addi %add3A_2684, %and3A_2690 : vector<16xi32>
      %and3A_2692 = arith.constant -65536 : i32
      %and3A_2693 = vector.broadcast %and3A_2692 : i32 to vector<16xi32>
      %and3A_2694 = arith.andi %add3A_2691, %and3A_2693 : vector<16xi32>
      %bitcast3A_2695 = vector.bitcast %and3A_2694 : vector<16xi32> to vector<16xf32>
      %mul3A_2696 = arith.mulf %get3A_2531, %bitcast3A_2695 : vector<16xf32>
      %add3A_2697 = arith.addf %add3A_2678, %mul3A_2696 : vector<16xf32>
      %get3A_2698 = arith.constant 208 : index
      %get3A_2699 = tpu.vector_load %arg8[%get3A_2698] {strides = array<i32>} : memref<320xf32, #tpu.memory_space<vmem>>, vector<16xf32>,
      %bitcast3A_2700 = vector.bitcast %get3A_2699 : vector<16xf32> to vector<16xi32>
      %add3A_2701 = arith.constant 32767 : i32
      %add3A_2702 = vector.broadcast %add3A_2701 : i32 to vector<16xi32>
      %add3A_2703 = arith.addi %bitcast3A_2700, %add3A_2702 : vector<16xi32>
      %shift_right_arithmetic3A_2704 = arith.constant 16 : i32
      %shift_right_arithmetic3A_2705 = vector.broadcast %shift_right_arithmetic3A_2704 : i32 to vector<16xi32>
      %shift_right_arithmetic3A_2706 = arith.shrsi %bitcast3A_2700, %shift_right_arithmetic3A_2705 : vector<16xi32>
      %and3A_2707 = arith.constant 1 : i32
      %and3A_2708 = vector.broadcast %and3A_2707 : i32 to vector<16xi32>
      %and3A_2709 = arith.andi %shift_right_arithmetic3A_2706, %and3A_2708 : vector<16xi32>
      %add3A_2710 = arith.addi %add3A_2703, %and3A_2709 : vector<16xi32>
      %and3A_2711 = arith.constant -65536 : i32
      %and3A_2712 = vector.broadcast %and3A_2711 : i32 to vector<16xi32>
      %and3A_2713 = arith.andi %add3A_2710, %and3A_2712 : vector<16xi32>
      %bitcast3A_2714 = vector.bitcast %and3A_2713 : vector<16xi32> to vector<16xf32>
      %mul3A_2715 = arith.mulf %get3A_2535, %bitcast3A_2714 : vector<16xf32>
      %add3A_2716 = arith.addf %add3A_2697, %mul3A_2715 : vector<16xf32>
      %get3A_2717 = arith.constant 272 : index
      %get3A_2718 = tpu.vector_load %arg8[%get3A_2717] {strides = array<i32>} : memref<320xf32, #tpu.memory_space<vmem>>, vector<16xf32>,
      %bitcast3A_2719 = vector.bitcast %get3A_2718 : vector<16xf32> to vector<16xi32>
      %add3A_2720 = arith.constant 32767 : i32
      %add3A_2721 = vector.broadcast %add3A_2720 : i32 to vector<16xi32>
      %add3A_2722 = arith.addi %bitcast3A_2719, %add3A_2721 : vector<16xi32>
      %shift_right_arithmetic3A_2723 = arith.constant 16 : i32
      %shift_right_arithmetic3A_2724 = vector.broadcast %shift_right_arithmetic3A_2723 : i32 to vector<16xi32>
      %shift_right_arithmetic3A_2725 = arith.shrsi %bitcast3A_2719, %shift_right_arithmetic3A_2724 : vector<16xi32>
      %and3A_2726 = arith.constant 1 : i32
      %and3A_2727 = vector.broadcast %and3A_2726 : i32 to vector<16xi32>
      %and3A_2728 = arith.andi %shift_right_arithmetic3A_2725, %and3A_2727 : vector<16xi32>
      %add3A_2729 = arith.addi %add3A_2722, %and3A_2728 : vector<16xi32>
      %and3A_2730 = arith.constant -65536 : i32
      %and3A_2731 = vector.broadcast %and3A_2730 : i32 to vector<16xi32>
      %and3A_2732 = arith.andi %add3A_2729, %and3A_2731 : vector<16xi32>
      %bitcast3A_2733 = vector.bitcast %and3A_2732 : vector<16xi32> to vector<16xf32>
      %mul3A_2734 = arith.mulf %get3A_2539, %bitcast3A_2733 : vector<16xf32>
      %add3A_2735 = arith.addf %add3A_2716, %mul3A_2734 : vector<16xf32>
      %swap3A_2736 = arith.constant 16 : index
      %swap3A_2737 = tpu.vector_load %arg14[%swap3A_2736] {strides = array<i32>} : memref<64xf32, #tpu.memory_space<vmem>>, vector<16xf32>,
      tpu.vector_store %arg14[%swap3A_2736], %add3A_2735 {strides = array<i32>} : memref<64xf32, #tpu.memory_space<vmem>>, vector<16xf32>,
      %get3A_2738 = arith.constant 32 : index
      %get3A_2739 = tpu.vector_load %arg8[%get3A_2738] {strides = array<i32>} : memref<320xf32, #tpu.memory_space<vmem>>, vector<16xf32>,
      %bitcast3A_2740 = vector.bitcast %get3A_2739 : vector<16xf32> to vector<16xi32>
      %add3A_2741 = arith.constant 32767 : i32
      %add3A_2742 = vector.broadcast %add3A_2741 : i32 to vector<16xi32>
      %add3A_2743 = arith.addi %bitcast3A_2740, %add3A_2742 : vector<16xi32>
      %shift_right_arithmetic3A_2744 = arith.constant 16 : i32
      %shift_right_arithmetic3A_2745 = vector.broadcast %shift_right_arithmetic3A_2744 : i32 to vector<16xi32>
      %shift_right_arithmetic3A_2746 = arith.shrsi %bitcast3A_2740, %shift_right_arithmetic3A_2745 : vector<16xi32>
      %and3A_2747 = arith.constant 1 : i32
      %and3A_2748 = vector.broadcast %and3A_2747 : i32 to vector<16xi32>
      %and3A_2749 = arith.andi %shift_right_arithmetic3A_2746, %and3A_2748 : vector<16xi32>
      %add3A_2750 = arith.addi %add3A_2743, %and3A_2749 : vector<16xi32>
      %and3A_2751 = arith.constant -65536 : i32
      %and3A_2752 = vector.broadcast %and3A_2751 : i32 to vector<16xi32>
      %and3A_2753 = arith.andi %add3A_2750, %and3A_2752 : vector<16xi32>
      %bitcast3A_2754 = vector.bitcast %and3A_2753 : vector<16xi32> to vector<16xf32>
      %mul3A_2755 = arith.mulf %get3A_2523, %bitcast3A_2754 : vector<16xf32>
      %add3A_2756 = arith.addf %get3A_2543, %mul3A_2755 : vector<16xf32>
      %get3A_2757 = arith.constant 96 : index
      %get3A_2758 = tpu.vector_load %arg8[%get3A_2757] {strides = array<i32>} : memref<320xf32, #tpu.memory_space<vmem>>, vector<16xf32>,
      %bitcast3A_2759 = vector.bitcast %get3A_2758 : vector<16xf32> to vector<16xi32>
      %add3A_2760 = arith.constant 32767 : i32
      %add3A_2761 = vector.broadcast %add3A_2760 : i32 to vector<16xi32>
      %add3A_2762 = arith.addi %bitcast3A_2759, %add3A_2761 : vector<16xi32>
      %shift_right_arithmetic3A_2763 = arith.constant 16 : i32
      %shift_right_arithmetic3A_2764 = vector.broadcast %shift_right_arithmetic3A_2763 : i32 to vector<16xi32>
      %shift_right_arithmetic3A_2765 = arith.shrsi %bitcast3A_2759, %shift_right_arithmetic3A_2764 : vector<16xi32>
      %and3A_2766 = arith.constant 1 : i32
      %and3A_2767 = vector.broadcast %and3A_2766 : i32 to vector<16xi32>
      %and3A_2768 = arith.andi %shift_right_arithmetic3A_2765, %and3A_2767 : vector<16xi32>
      %add3A_2769 = arith.addi %add3A_2762, %and3A_2768 : vector<16xi32>
      %and3A_2770 = arith.constant -65536 : i32
      %and3A_2771 = vector.broadcast %and3A_2770 : i32 to vector<16xi32>
      %and3A_2772 = arith.andi %add3A_2769, %and3A_2771 : vector<16xi32>
      %bitcast3A_2773 = vector.bitcast %and3A_2772 : vector<16xi32> to vector<16xf32>
      %mul3A_2774 = arith.mulf %get3A_2527, %bitcast3A_2773 : vector<16xf32>
      %add3A_2775 = arith.addf %add3A_2756, %mul3A_2774 : vector<16xf32>
      %get3A_2776 = arith.constant 160 : index
      %get3A_2777 = tpu.vector_load %arg8[%get3A_2776] {strides = array<i32>} : memref<320xf32, #tpu.memory_space<vmem>>, vector<16xf32>,
      %bitcast3A_2778 = vector.bitcast %get3A_2777 : vector<16xf32> to vector<16xi32>
      %add3A_2779 = arith.constant 32767 : i32
      %add3A_2780 = vector.broadcast %add3A_2779 : i32 to vector<16xi32>
      %add3A_2781 = arith.addi %bitcast3A_2778, %add3A_2780 : vector<16xi32>
      %shift_right_arithmetic3A_2782 = arith.constant 16 : i32
      %shift_right_arithmetic3A_2783 = vector.broadcast %shift_right_arithmetic3A_2782 : i32 to vector<16xi32>
      %shift_right_arithmetic3A_2784 = arith.shrsi %bitcast3A_2778, %shift_right_arithmetic3A_2783 : vector<16xi32>
      %and3A_2785 = arith.constant 1 : i32
      %and3A_2786 = vector.broadcast %and3A_2785 : i32 to vector<16xi32>
      %and3A_2787 = arith.andi %shift_right_arithmetic3A_2784, %and3A_2786 : vector<16xi32>
      %add3A_2788 = arith.addi %add3A_2781, %and3A_2787 : vector<16xi32>
      %and3A_2789 = arith.constant -65536 : i32
      %and3A_2790 = vector.broadcast %and3A_2789 : i32 to vector<16xi32>
      %and3A_2791 = arith.andi %add3A_2788, %and3A_2790 : vector<16xi32>
      %bitcast3A_2792 = vector.bitcast %and3A_2791 : vector<16xi32> to vector<16xf32>
      %mul3A_2793 = arith.mulf %get3A_2531, %bitcast3A_2792 : vector<16xf32>
      %add3A_2794 = arith.addf %add3A_2775, %mul3A_2793 : vector<16xf32>
      %get3A_2795 = arith.constant 224 : index
      %get3A_2796 = tpu.vector_load %arg8[%get3A_2795] {strides = array<i32>} : memref<320xf32, #tpu.memory_space<vmem>>, vector<16xf32>,
      %bitcast3A_2797 = vector.bitcast %get3A_2796 : vector<16xf32> to vector<16xi32>
      %add3A_2798 = arith.constant 32767 : i32
      %add3A_2799 = vector.broadcast %add3A_2798 : i32 to vector<16xi32>
      %add3A_2800 = arith.addi %bitcast3A_2797, %add3A_2799 : vector<16xi32>
      %shift_right_arithmetic3A_2801 = arith.constant 16 : i32
      %shift_right_arithmetic3A_2802 = vector.broadcast %shift_right_arithmetic3A_2801 : i32 to vector<16xi32>
      %shift_right_arithmetic3A_2803 = arith.shrsi %bitcast3A_2797, %shift_right_arithmetic3A_2802 : vector<16xi32>
      %and3A_2804 = arith.constant 1 : i32
      %and3A_2805 = vector.broadcast %and3A_2804 : i32 to vector<16xi32>
      %and3A_2806 = arith.andi %shift_right_arithmetic3A_2803, %and3A_2805 : vector<16xi32>
      %add3A_2807 = arith.addi %add3A_2800, %and3A_2806 : vector<16xi32>
      %and3A_2808 = arith.constant -65536 : i32
      %and3A_2809 = vector.broadcast %and3A_2808 : i32 to vector<16xi32>
      %and3A_2810 = arith.andi %add3A_2807, %and3A_2809 : vector<16xi32>
      %bitcast3A_2811 = vector.bitcast %and3A_2810 : vector<16xi32> to vector<16xf32>
      %mul3A_2812 = arith.mulf %get3A_2535, %bitcast3A_2811 : vector<16xf32>
      %add3A_2813 = arith.addf %add3A_2794, %mul3A_2812 : vector<16xf32>
      %get3A_2814 = arith.constant 288 : index
      %get3A_2815 = tpu.vector_load %arg8[%get3A_2814] {strides = array<i32>} : memref<320xf32, #tpu.memory_space<vmem>>, vector<16xf32>,
      %bitcast3A_2816 = vector.bitcast %get3A_2815 : vector<16xf32> to vector<16xi32>
      %add3A_2817 = arith.constant 32767 : i32
      %add3A_2818 = vector.broadcast %add3A_2817 : i32 to vector<16xi32>
      %add3A_2819 = arith.addi %bitcast3A_2816, %add3A_2818 : vector<16xi32>
      %shift_right_arithmetic3A_2820 = arith.constant 16 : i32
      %shift_right_arithmetic3A_2821 = vector.broadcast %shift_right_arithmetic3A_2820 : i32 to vector<16xi32>
      %shift_right_arithmetic3A_2822 = arith.shrsi %bitcast3A_2816, %shift_right_arithmetic3A_2821 : vector<16xi32>
      %and3A_2823 = arith.constant 1 : i32
      %and3A_2824 = vector.broadcast %and3A_2823 : i32 to vector<16xi32>
      %and3A_2825 = arith.andi %shift_right_arithmetic3A_2822, %and3A_2824 : vector<16xi32>
      %add3A_2826 = arith.addi %add3A_2819, %and3A_2825 : vector<16xi32>
      %and3A_2827 = arith.constant -65536 : i32
      %and3A_2828 = vector.broadcast %and3A_2827 : i32 to vector<16xi32>
      %and3A_2829 = arith.andi %add3A_2826, %and3A_2828 : vector<16xi32>
      %bitcast3A_2830 = vector.bitcast %and3A_2829 : vector<16xi32> to vector<16xf32>
      %mul3A_2831 = arith.mulf %get3A_2539, %bitcast3A_2830 : vector<16xf32>
      %add3A_2832 = arith.addf %add3A_2813, %mul3A_2831 : vector<16xf32>
      %swap3A_2833 = arith.constant 32 : index
      %swap3A_2834 = tpu.vector_load %arg14[%swap3A_2833] {strides = array<i32>} : memref<64xf32, #tpu.memory_space<vmem>>, vector<16xf32>,
      tpu.vector_store %arg14[%swap3A_2833], %add3A_2832 {strides = array<i32>} : memref<64xf32, #tpu.memory_space<vmem>>, vector<16xf32>,
      %get3A_2835 = arith.constant 48 : index
      %get3A_2836 = tpu.vector_load %arg8[%get3A_2835] {strides = array<i32>} : memref<320xf32, #tpu.memory_space<vmem>>, vector<16xf32>,
      %bitcast3A_2837 = vector.bitcast %get3A_2836 : vector<16xf32> to vector<16xi32>
      %add3A_2838 = arith.constant 32767 : i32
      %add3A_2839 = vector.broadcast %add3A_2838 : i32 to vector<16xi32>
      %add3A_2840 = arith.addi %bitcast3A_2837, %add3A_2839 : vector<16xi32>
      %shift_right_arithmetic3A_2841 = arith.constant 16 : i32
      %shift_right_arithmetic3A_2842 = vector.broadcast %shift_right_arithmetic3A_2841 : i32 to vector<16xi32>
      %shift_right_arithmetic3A_2843 = arith.shrsi %bitcast3A_2837, %shift_right_arithmetic3A_2842 : vector<16xi32>
      %and3A_2844 = arith.constant 1 : i32
      %and3A_2845 = vector.broadcast %and3A_2844 : i32 to vector<16xi32>
      %and3A_2846 = arith.andi %shift_right_arithmetic3A_2843, %and3A_2845 : vector<16xi32>
      %add3A_2847 = arith.addi %add3A_2840, %and3A_2846 : vector<16xi32>
      %and3A_2848 = arith.constant -65536 : i32
      %and3A_2849 = vector.broadcast %and3A_2848 : i32 to vector<16xi32>
      %and3A_2850 = arith.andi %add3A_2847, %and3A_2849 : vector<16xi32>
      %bitcast3A_2851 = vector.bitcast %and3A_2850 : vector<16xi32> to vector<16xf32>
      %mul3A_2852 = arith.mulf %get3A_2523, %bitcast3A_2851 : vector<16xf32>
      %add3A_2853 = arith.addf %get3A_2543, %mul3A_2852 : vector<16xf32>
      %get3A_2854 = arith.constant 112 : index
      %get3A_2855 = tpu.vector_load %arg8[%get3A_2854] {strides = array<i32>} : memref<320xf32, #tpu.memory_space<vmem>>, vector<16xf32>,
      %bitcast3A_2856 = vector.bitcast %get3A_2855 : vector<16xf32> to vector<16xi32>
      %add3A_2857 = arith.constant 32767 : i32
      %add3A_2858 = vector.broadcast %add3A_2857 : i32 to vector<16xi32>
      %add3A_2859 = arith.addi %bitcast3A_2856, %add3A_2858 : vector<16xi32>
      %shift_right_arithmetic3A_2860 = arith.constant 16 : i32
      %shift_right_arithmetic3A_2861 = vector.broadcast %shift_right_arithmetic3A_2860 : i32 to vector<16xi32>
      %shift_right_arithmetic3A_2862 = arith.shrsi %bitcast3A_2856, %shift_right_arithmetic3A_2861 : vector<16xi32>
      %and3A_2863 = arith.constant 1 : i32
      %and3A_2864 = vector.broadcast %and3A_2863 : i32 to vector<16xi32>
      %and3A_2865 = arith.andi %shift_right_arithmetic3A_2862, %and3A_2864 : vector<16xi32>
      %add3A_2866 = arith.addi %add3A_2859, %and3A_2865 : vector<16xi32>
      %and3A_2867 = arith.constant -65536 : i32
      %and3A_2868 = vector.broadcast %and3A_2867 : i32 to vector<16xi32>
      %and3A_2869 = arith.andi %add3A_2866, %and3A_2868 : vector<16xi32>
      %bitcast3A_2870 = vector.bitcast %and3A_2869 : vector<16xi32> to vector<16xf32>
      %mul3A_2871 = arith.mulf %get3A_2527, %bitcast3A_2870 : vector<16xf32>
      %add3A_2872 = arith.addf %add3A_2853, %mul3A_2871 : vector<16xf32>
      %get3A_2873 = arith.constant 176 : index
      %get3A_2874 = tpu.vector_load %arg8[%get3A_2873] {strides = array<i32>} : memref<320xf32, #tpu.memory_space<vmem>>, vector<16xf32>,
      %bitcast3A_2875 = vector.bitcast %get3A_2874 : vector<16xf32> to vector<16xi32>
      %add3A_2876 = arith.constant 32767 : i32
      %add3A_2877 = vector.broadcast %add3A_2876 : i32 to vector<16xi32>
      %add3A_2878 = arith.addi %bitcast3A_2875, %add3A_2877 : vector<16xi32>
      %shift_right_arithmetic3A_2879 = arith.constant 16 : i32
      %shift_right_arithmetic3A_2880 = vector.broadcast %shift_right_arithmetic3A_2879 : i32 to vector<16xi32>
      %shift_right_arithmetic3A_2881 = arith.shrsi %bitcast3A_2875, %shift_right_arithmetic3A_2880 : vector<16xi32>
      %and3A_2882 = arith.constant 1 : i32
      %and3A_2883 = vector.broadcast %and3A_2882 : i32 to vector<16xi32>
      %and3A_2884 = arith.andi %shift_right_arithmetic3A_2881, %and3A_2883 : vector<16xi32>
      %add3A_2885 = arith.addi %add3A_2878, %and3A_2884 : vector<16xi32>
      %and3A_2886 = arith.constant -65536 : i32
      %and3A_2887 = vector.broadcast %and3A_2886 : i32 to vector<16xi32>
      %and3A_2888 = arith.andi %add3A_2885, %and3A_2887 : vector<16xi32>
      %bitcast3A_2889 = vector.bitcast %and3A_2888 : vector<16xi32> to vector<16xf32>
      %mul3A_2890 = arith.mulf %get3A_2531, %bitcast3A_2889 : vector<16xf32>
      %add3A_2891 = arith.addf %add3A_2872, %mul3A_2890 : vector<16xf32>
      %get3A_2892 = arith.constant 240 : index
      %get3A_2893 = tpu.vector_load %arg8[%get3A_2892] {strides = array<i32>} : memref<320xf32, #tpu.memory_space<vmem>>, vector<16xf32>,
      %bitcast3A_2894 = vector.bitcast %get3A_2893 : vector<16xf32> to vector<16xi32>
      %add3A_2895 = arith.constant 32767 : i32
      %add3A_2896 = vector.broadcast %add3A_2895 : i32 to vector<16xi32>
      %add3A_2897 = arith.addi %bitcast3A_2894, %add3A_2896 : vector<16xi32>
      %shift_right_arithmetic3A_2898 = arith.constant 16 : i32
      %shift_right_arithmetic3A_2899 = vector.broadcast %shift_right_arithmetic3A_2898 : i32 to vector<16xi32>
      %shift_right_arithmetic3A_2900 = arith.shrsi %bitcast3A_2894, %shift_right_arithmetic3A_2899 : vector<16xi32>
      %and3A_2901 = arith.constant 1 : i32
      %and3A_2902 = vector.broadcast %and3A_2901 : i32 to vector<16xi32>
      %and3A_2903 = arith.andi %shift_right_arithmetic3A_2900, %and3A_2902 : vector<16xi32>
      %add3A_2904 = arith.addi %add3A_2897, %and3A_2903 : vector<16xi32>
      %and3A_2905 = arith.constant -65536 : i32
      %and3A_2906 = vector.broadcast %and3A_2905 : i32 to vector<16xi32>
      %and3A_2907 = arith.andi %add3A_2904, %and3A_2906 : vector<16xi32>
      %bitcast3A_2908 = vector.bitcast %and3A_2907 : vector<16xi32> to vector<16xf32>
      %mul3A_2909 = arith.mulf %get3A_2535, %bitcast3A_2908 : vector<16xf32>
      %add3A_2910 = arith.addf %add3A_2891, %mul3A_2909 : vector<16xf32>
      %get3A_2911 = arith.constant 304 : index
      %get3A_2912 = tpu.vector_load %arg8[%get3A_2911] {strides = array<i32>} : memref<320xf32, #tpu.memory_space<vmem>>, vector<16xf32>,
      %bitcast3A_2913 = vector.bitcast %get3A_2912 : vector<16xf32> to vector<16xi32>
      %add3A_2914 = arith.constant 32767 : i32
      %add3A_2915 = vector.broadcast %add3A_2914 : i32 to vector<16xi32>
      %add3A_2916 = arith.addi %bitcast3A_2913, %add3A_2915 : vector<16xi32>
      %shift_right_arithmetic3A_2917 = arith.constant 16 : i32
      %shift_right_arithmetic3A_2918 = vector.broadcast %shift_right_arithmetic3A_2917 : i32 to vector<16xi32>
      %shift_right_arithmetic3A_2919 = arith.shrsi %bitcast3A_2913, %shift_right_arithmetic3A_2918 : vector<16xi32>
      %and3A_2920 = arith.constant 1 : i32
      %and3A_2921 = vector.broadcast %and3A_2920 : i32 to vector<16xi32>
      %and3A_2922 = arith.andi %shift_right_arithmetic3A_2919, %and3A_2921 : vector<16xi32>
      %add3A_2923 = arith.addi %add3A_2916, %and3A_2922 : vector<16xi32>
      %and3A_2924 = arith.constant -65536 : i32
      %and3A_2925 = vector.broadcast %and3A_2924 : i32 to vector<16xi32>
      %and3A_2926 = arith.andi %add3A_2923, %and3A_2925 : vector<16xi32>
      %bitcast3A_2927 = vector.bitcast %and3A_2926 : vector<16xi32> to vector<16xf32>
      %mul3A_2928 = arith.mulf %get3A_2539, %bitcast3A_2927 : vector<16xf32>
      %add3A_2929 = arith.addf %add3A_2910, %mul3A_2928 : vector<16xf32>
      %swap3A_2930 = arith.constant 48 : index
      %swap3A_2931 = tpu.vector_load %arg14[%swap3A_2930] {strides = array<i32>} : memref<64xf32, #tpu.memory_space<vmem>>, vector<16xf32>,
      tpu.vector_store %arg14[%swap3A_2930], %add3A_2929 {strides = array<i32>} : memref<64xf32, #tpu.memory_space<vmem>>, vector<16xf32>,
      "tpu.region"() ({
        %run_scoped3A = tpu.sem_alloc : memref<!tpu.dma_semaphore, #tpu.memory_space<semaphore_mem>>
        %dma_start3A_2932 = arith.constant 0 : i32
        %dma_start3A_2933 = tpu.memref_slice %arg14[%dma_start3A_2932] : memref<64xf32, #tpu.memory_space<vmem>> -> memref<50xf32, #tpu.memory_space<vmem>>
        %dma_start3A_2934 = arith.constant 0 : i32
        %dma_start3A_2935 = tpu.memref_slice %arg14[%dma_start3A_2934] : memref<64xf32, #tpu.memory_space<vmem>> -> memref<50xf32, #tpu.memory_space<vmem>>
        tpu.enqueue_dma source(%dma_start3A_2935 : memref<50xf32, #tpu.memory_space<vmem>>) target(%arg4 : memref<50xf32, #tpu.memory_space<hbm>>) target_semaphore(%run_scoped3A : memref<!tpu.dma_semaphore, #tpu.memory_space<semaphore_mem>>)
        %dma_wait3A_2936 = arith.constant 0 : i32
        %dma_wait3A_2937 = tpu.memref_slice %arg14[%dma_wait3A_2936] : memref<64xf32, #tpu.memory_space<vmem>> -> memref<50xf32, #tpu.memory_space<vmem>>
        %dma_wait3A_2938 = arith.constant 0 : i32
        %dma_wait3A_2939 = tpu.memref_slice %arg14[%dma_wait3A_2938] : memref<64xf32, #tpu.memory_space<vmem>> -> memref<50xf32, #tpu.memory_space<vmem>>
        tpu.wait_dma2 semaphore(%run_scoped3A : memref<!tpu.dma_semaphore, #tpu.memory_space<semaphore_mem>>) src(%dma_wait3A_2939 : memref<50xf32, #tpu.memory_space<vmem>>) dst(%arg4 : memref<50xf32, #tpu.memory_space<hbm>>)
        tpu.yield
      }) : () -> ()
    } else {
    }
    return
  }
}

</mosaic_0001>

<sc_bundles>
// kernel: _run.3.cloned.1.call-start
scs
__scs_entry_jumppad:
0x0: {  	(pc) =	sbr.rel $0x88, $3  }
0x1: {  	(tag) =	ssettag $0x0;
	lr =	simm.s32 $0x1  }
0x2: {  	[smem:$0x3F9F] =	sst lr;
	_ =	strace $0xD0000000  }
0x3: {  	_ = 	snop  }
0x4: {  	_ = 	snop  }
0x5: {  	_ = 	snop  }
0x6: {  	_ = 	snop  }
0x7: {  	_ = 	snop  }
__scs_overlays_trampoline_lowered:
0x8: {  	[smem:$0x3FAE] =	sst s0  }
0x9: {  	[smem:$0x3FAF] =	sst s1  }
0xa: {  	[smem:$0x3FB0] =	sst s2  }
0xb: {  	[smem:$0x3FB1] =	sst s3  }
0xc: {  	[smem:$0x3FB2] =	sst s4  }
0xd: {  	[smem:$0x3FB3] =	sst s5  }
0xe: {  	[smem:$0x3FB4] =	sst s6  }
0xf: {  	[smem:$0x3FB5] =	sst s7  }
0x10: {  	[smem:$0x3FB6] =	sst s8  }
0x11: {  	[smem:$0x3FB7] =	sst s9;
	s0 =	simm.s32 @!p0 $0x0  }
0x12: {  	s1 =	sld [smem:$0x3F9D];
	s0 =	simm.s32 @p0 $0x1  }
0x13: {  	[smem:$0x3FB8] =	sst s0;
	s0 =	simm.s32 @!p1 $0x0  }
0x14: {  	s2 =	sld [smem:$0x3F9C];
	s0 =	simm.s32 @p1 $0x1  }
0x15: {  	[smem:$0x3FB9] =	sst s0;
	s0 =	simm.s32 @!p2 $0x0  }
0x16: {  	s3 =	sld [smem:$0x3FDB];
	s0 =	simm.s32 @p2 $0x1  }
0x17: {  	s4 =	simm.s32 $0x1BF5;
	[smem:$0x3FBB] =	sst s0  }
0x18: {  	s0 =	sld [smem:$0x3F9E];
	_ =	swait.ge [sflag:s4], $0x0  }
0x19: {  	s7 =	sld [smem:$0x3F9F]  }
0x1a: {  	s8 =	sadd.s32 $0xFFFFE003, lr  }
0x1b: {  	s9 =	sadd.s32 $0xFFFFFEF7, lr;
	s5 =	simm.s32 $0xFFFFFFFF;
	p2 =	slt.u32 s8, $0xFFFFF086  }
0x1c: {  	p1 =	slt.u32 s9, $0xF7A;
	s5 =	simm.s32 @!p2 $0x0  }
0x1d: {  	s5 =	simm.s32 @p1 $0x1;
	p0 =	seq.s32 s7, s2  }
0x1e: {  	s7 =	smul.u32 @!p0 $0xF7A, s2;
	p2 =	seq.s32 @!p0 s5, $0x0  }
0x1f: {  	s9 =	smul.u32 $0xF7A, s1;
	s8 =	simm.s32 @!p0 $0x1BF5;
	p2 =	por !p2, p0  }
0x20: {  	[sflag:s8] =	ssyncset.s32 @!p0 $0xFFFFF086;
	s6 =	sadd.s32 @!p0 s3, s7;
	s7 =	simm.s32 @!p0 $0x108  }
0x21: {  	s3 =	sadd.s32 s3, s9;
	s6 =	sadd.s32 @!p0 $0x88, s6;
	s7 =	simm.s32 @p2 $0x1082  }
0x22: {  	[simem:s7], [sflag:s8] =	dma.local @!p0 [hbm:s6], $0xF7A  }
0x23: {  	s9 =	sor.u32 $0xD0000000, s2;
	s6 =	simm.s32 $0x108;
	_ =	swait.ge @!p0 [sflag:s8], $0x0  }
0x24: {  	s3 =	sadd.s32 $0x88, s3;
	s6 =	simm.s32 @!p1 $0x1082;
	[sflag:s4] =	ssyncset.s32 $0xFFFFF086  }
0x25: {  	[simem:s6], [sflag:s4] =	dma.local [hbm:s3], $0xF7A  }
0x26: {  	[smem:$0x3F9F] =	sst s1;
	(tag) =	ssettag s2;
	_ =	strace s9  }
0x27: {  	s1 =	sld [smem:$0x3FAF]  }
0x28: {  	s2 =	sld [smem:$0x3FB0]  }
0x29: {  	s4 =	sld [smem:$0x3FB2]  }
0x2a: {  	p0 =	seq.s32 s5, $0x0;
	s5 =	sld [smem:$0x3FB3]  }
0x2b: {  	s6 =	sld [smem:$0x3FB4]  }
0x2c: {  	s7 =	sld [smem:$0x3FB5]  }
0x2d: {  	s3 =	simm.s32 $0x108;
	s8 =	sld [smem:$0x3FB6]  }
0x2e: {  	s3 =	simm.s32 @!p0 $0x1082;
	s9 =	sld [smem:$0x3FB7]  }
0x2f: {  	lr =	sadd.s32 s0, s3;
	s0 =	sld [smem:$0x3FAE]  }
0x30: {  	s3 =	sld [smem:$0x3FB1]  }
0x31: {  	[smem:$0x3FBA] =	sst s10  }
0x32: {  	s10 =	sld [smem:$0x3FB8];
	_ =	sdelay $0x3  }
0x33: {  	p0 =	seq.s32 s10, $0x1;
	s10 =	sld [smem:$0x3FBA];
	_ =	sdelay $0x3  }
0x34: {  	[smem:$0x3FBA] =	sst s10  }
0x35: {  	s10 =	sld [smem:$0x3FB9];
	_ =	sdelay $0x3  }
0x36: {  	p1 =	seq.s32 s10, $0x1;
	s10 =	sld [smem:$0x3FBA];
	_ =	sdelay $0x3  }
0x37: {  	[smem:$0x3FBA] =	sst s10  }
0x38: {  	s10 =	sld [smem:$0x3FBB]  }
0x39: {  	_ = 	snop;
	(pc) =	sbr.ind lr, $3  }
0x3a: {  	_ = 	snop  }
0x3b: {  	_ = 	snop  }
0x3c: {  	p2 =	seq.s32 s10, $0x1;
	s10 =	sld [smem:$0x3FBA]  }
0x3d: {  	_ =	shalt  }
0x3e: {  	_ =	shalt  }
0x3f: {  	_ =	shalt  }
0x40: {  	_ =	shalt  }
0x41: {  	_ =	shalt  }
0x42: {  	_ =	shalt  }
0x43: {  	_ =	shalt  }
0x44: {  	_ =	shalt  }
0x45: {  	_ =	shalt  }
0x46: {  	_ =	shalt  }
0x47: {  	_ =	shalt  }
0x48: {  	_ =	shalt  }
0x49: {  	_ =	shalt  }
0x4a: {  	_ =	shalt  }
0x4b: {  	_ =	shalt  }
0x4c: {  	_ =	shalt  }
0x4d: {  	_ =	shalt  }
0x4e: {  	_ =	shalt  }
0x4f: {  	_ =	shalt  }
0x50: {  	_ =	shalt  }
0x51: {  	_ =	shalt  }
0x52: {  	_ =	shalt  }
0x53: {  	_ =	shalt  }
0x54: {  	_ =	shalt  }
0x55: {  	_ =	shalt  }
0x56: {  	_ =	shalt  }
0x57: {  	_ =	shalt  }
0x58: {  	_ =	shalt  }
0x59: {  	_ =	shalt  }
0x5a: {  	_ =	shalt  }
0x5b: {  	_ =	shalt  }
0x5c: {  	_ =	shalt  }
0x5d: {  	_ =	shalt  }
0x5e: {  	_ =	shalt  }
0x5f: {  	_ =	shalt  }
0x60: {  	_ =	shalt  }
0x61: {  	_ =	shalt  }
0x62: {  	_ =	shalt  }
0x63: {  	_ =	shalt  }
0x64: {  	_ =	shalt  }
0x65: {  	_ =	shalt  }
0x66: {  	_ =	shalt  }
0x67: {  	_ =	shalt  }
0x68: {  	_ =	shalt  }
0x69: {  	_ =	shalt  }
0x6a: {  	_ =	shalt  }
0x6b: {  	_ =	shalt  }
0x6c: {  	_ =	shalt  }
0x6d: {  	_ =	shalt  }
0x6e: {  	_ =	shalt  }
0x6f: {  	_ =	shalt  }
0x70: {  	_ =	shalt  }
0x71: {  	_ =	shalt  }
0x72: {  	_ =	shalt  }
0x73: {  	_ =	shalt  }
0x74: {  	_ =	shalt  }
0x75: {  	_ =	shalt  }
0x76: {  	_ =	shalt  }
0x77: {  	_ =	shalt  }
0x78: {  	_ =	shalt  }
0x79: {  	_ =	shalt  }
0x7a: {  	_ =	shalt  }
0x7b: {  	_ =	shalt  }
0x7c: {  	_ =	shalt  }
0x7d: {  	_ =	shalt  }
0x7e: {  	_ =	shalt  }
0x7f: {  	_ =	shalt  }
0x80: {  	_ =	shalt  }
0x81: {  	_ =	shalt  }
0x82: {  	_ =	shalt  }
0x83: {  	_ =	shalt  }
0x84: {  	_ =	shalt  }
0x85: {  	_ =	shalt  }
0x86: {  	_ =	shalt  }
0x87: {  	_ =	shalt  }
.Lfunc_end0:
.L_simem_size_0:
called_computation_lowered:
.L_overlay_start_0:
0x88: {  	s0 =	sld [smem:$0x3FD9]  }
0x89: {  	s1 =	sld [smem:$0x3FFE];
	_ =	sdelay $0x3  }
0x8a: {  	s0 =	sadd.s32 s1, s0  }
0x8b: {  	[smem:$0x3FC6] =	sst s0  }
0x8c: {  	_ = 	snop  }
0x8d: {  	s0 =	sld [smem:$0x3FC9]  }
0x8e: {  	s17 =	sld [smem:$0x3FC8]  }
0x8f: {  	s2 =	sld [smem:$0x3FD0];
	(tm) =	ssettm $0x1  }
0x90: {  	s3 =	sld [smem:$0x3FFB];
	_ =	sdelay $0x3  }
0x91: {  	_ =	strace s3  }
0x92: {  	s3 =	sld [smem:$0x3FFC];
	_ =	sdelay $0x3  }
0x93: {  	_ =	strace s3  }
0x94: {  	s3 =	sld [smem:$0x3FFD];
	_ =	sdelay $0x3  }
0x95: {  	_ =	strace s3  }
0x96: {  	_ =	strace $0x8FFFFFFF  }
0x97: {  	s18 =	sld [smem:$0x3FDB];
	_ =	sdelay $0x1  }
0x98: {  	s4 =	simm.s32 $_scs_section_size  }
0x99: {  	s5 =	simm.s32 $_size__tile_overlayer_lowered;
	s6 =	simm.s32 $_tile_overlayer_lowered  }
0x9a: {  	s21 =	simm.s32 $0x1BFF;
	s20 =	sshll.u32 s6, $0x1;
	s3 =	sadd.s32 s4, s18  }
0x9b: {  	s7 =	simm.s32 $0x0;
	s19 =	sshll.u32 s5, $0x1;
	s5 =	sadd.s32 s20, s3  }
0x9c: {  	[timem:s7], [sflag:s21] =	dma.local [hbm:s5], s19  }
0x9d: {  	_ =	swait.ge [sflag:s21], s19  }
0x9e: {  	s4 =	ssub.s32 $0x0, s19;
	[sflag:s21] =	ssyncset.done $0x0  }
0x9f: {  	[sflag:s21] =	ssyncadd.s32 s4;
	_ =	sdelay $0x1  }
0xa0: {  	s22 =	simm.s32 $0x1B8B  }
0xa1: {  	_ =	swait.ge [sflag:s22], $0x1  }
0xa2: {  	[sflag:s22] =	ssyncset.done $0x0  }
0xa3: {  	s23 =	simm.s32 $0x1B8E;
	[sflag:s22] =	ssyncadd.s32 $0xFFFFFFFF  }
0xa4: {  	s24 =	simm.s32 $execute0_lowered;
	[smem:$0x3FD2] =	sst s23  }
0xa5: {  	s4 =	sshll.u32 s24, $0x1;
	_ =	strace $0x80000046;
	[dreg:$0x1] =	wrdreg $0xFFFFFFFF  }
0xa6: {  	s25 =	simm.s32 $_size_execute0_lowered;
	s3 =	sadd.s32 s3, s4;
	[dreg:$0x0] =	wrdreg $0x0  }
0xa7: {  	s4 =	sshll.u32 s25, $0x1;
	[dreg:$0x2] =	wrdreg s3  }
0xa8: {  	[dreg:$0x3] =	wrdreg s4  }
0xa9: {  	[dreg:$0x4] =	wrdreg $0xC0  }
0xaa: {  	_ =	task [dreg:s7], $0x5FFFF  }
0xab: {  	[dreg:$0x1] =	wrdreg $0xFFFFFFFF  }
0xac: {  	[dreg:$0x0] =	wrdreg $0x60  }
0xad: {  	[dreg:$0x2] =	wrdreg s0  }
0xae: {  	[dreg:$0x3] =	wrdreg s17  }
0xaf: {  	[dreg:$0x4] =	wrdreg s2  }
0xb0: {  	[dreg:$0x5] =	wrdreg $0x9  }
0xb1: {  	_ =	task.clear_ibuf [dreg:s7], $0x6FFFF;
	_ =	strace $0x90000046  }
0xb2: {  	s26 =	simm.s32 $0x9;
	_ =	strace $0x80000048  }
0xb3: {  	_ =	swait.ge [sflag:s26], $0x1  }
0xb4: {  	[sflag:s26] =	ssyncadd.s32 $0xFFFFFFFF  }
0xb5: {  	_ =	strace $0x90000048  }
0xb6: {  	_ =	sfence  }
0xb7: {  	s28 =	sld [smem:$0x0];
	_ =	sdelay $0x1  }
0xb8: {  	s29 =	srdreg.scid  }
0xb9: {  	s30 =	sshll.u32 s29, $0xD;
	s31 =	sshrl.u32 s29, $0x2  }
0xba: {  	s1 =	sand.u32 $0x1, s29;
	s2 =	sand.u32 $0x4000, s30;
	s0 =	sadd.s32 s31, s28  }
0xbb: {  	s1 =	sor.u32 s2, s1;
	s0 =	sshll.u32 s0, $0x11  }
0xbc: {  	s0 =	sor.u32 s0, s1  }
0xbd: {  	s0 =	sadd.s32 $0x8F2B, s0  }
0xbe: {  	[sflag:s0] =	ssyncadd.remote.s32 $0x1  }
0xbf: {  	_ =	sfence.sel $0xFFFF  }
0xc0: {  	[dreg:$0x0] =	wrdreg $0xFFFFFFFF;
	(pc) =	sbr.abs _section_cstart, $3  }
0xc1: {  	[dreg:$0x1] =	wrdreg $0xFFFFFFFF  }
0xc2: {  	_ =	task.clear_ibuf [dreg:s7], $0x2FFFF;
	_ =	strace $0x9FFFFFFF  }
0xc3: {  	(tm) =	ssettm $0x7FFFFFFF  }
tec
execute0_lowered:
.L_overlay_start_1:
0x0: {  	(tag) =	ssettag $0x1  }
0x1: {  	s3 =	rddreg [dreg:$0x0]  }
0x2: {  	s2 =	rddreg [dreg:$0x1]  }
0x3: {  	s1 =	rddreg [dreg:$0x2];
	s4 =	simm.s32 $0x0  }
0x4: {  	s5 =	stileid.u32;
	[smem:$0x7FF] =	sst s4  }
0x5: {  	s0 =	rddreg [dreg:$0x3];
	p0 =	sne.s32 s5, $0x0;
	_ =	strace $0x80000047  }
0x6: {  	_ =	sfence.sel @p0 $0x180000  }
0x7: {  	[bflag:$0x0] =	sbarrier.arrive @p0 $0xFFFF  }
0x8: {  	_ =	strace @p0 $0x90000047  }
0x9: {  	[bflag:$0x2] =	sbarrier.arrive @p0 $0xFFFF  }
0xa: {  	_ =	shalt @p0  }
.LBB2_1:
0xb: {  	s5 =	simm.s32 $0x80;
	s6 =	simm.s32 $0x100  }
0xc: {  	[tilespmem:s4], [sflag:$0x1] =	stream.strided.gather [hbm4b:s3+s5], $0x380, s6, s5, $0x38;
	[tilespmem:$0x1A00] =	vst v63  }
0xd: {  	s29 =	sadd.s32 $0x10, s3;
	s7 =	simm.s32 $0x380  }
0xe: {  	[tilespmem:s7], [sflag:$0x1] =	stream.strided.gather [hbm4b:s29+s5], $0x380, s6, s5, $0x38;
	[tilespmem:$0x1A00] =	vst v63  }
0xf: {  	s30 =	simm.s32 $0x700;
	s31 =	simm.s32 $0x1  }
0x10: {  	[tilespmem:s30], [sflag:$0x1] =	stream.linear.gather [hbm4b:s2+s4], $0x980, $0x38;
	[tilespmem:$0x1A00] =	vst v63  }
0x11: {  	_ =	swait.ge [sflag:s31], $0x380  }
0x12: {  	[sflag:s31] =	ssyncset.done $0x0  }
0x13: {  	[sflag:s31] =	ssyncadd.s32 $0xFFFFFC80  }
0x14: {  	_ =	swait.ge [sflag:s31], $0x380  }
0x15: {  	[sflag:s31] =	ssyncset.done $0x0  }
0x16: {  	[sflag:s31] =	ssyncadd.s32 $0xFFFFFC80  }
0x17: {  	_ =	swait.ge [sflag:s31], $0x980  }
0x18: {  	[sflag:s31] =	ssyncset.done $0x0  }
0x19: {  	v0 =	vimm.f32 $1.000000000e+00;
	[sflag:s31] =	ssyncadd.s32 $0xFFFFF680  }
0x1a: {  	[tilespmem:$0x1880] =	vst v0  }
0x1b: {  	[tilespmem:$0x1890] =	vst v0  }
0x1c: {  	[tilespmem:$0x18A0] =	vst v0  }
0x1d: {  	[tilespmem:$0x18B0] =	vst v0  }
0x1e: {  	v1 =	vld [tilespmem:s7+$0x0]  }
0x1f: {  	s3 =	simm.s32 $0x390  }
0x20: {  	s2 =	simm.s32 $0x1880;
	s4 =	simm.s32 $0x10;
	v2 =	vld [tilespmem:s3+$0x0]  }
.LBB2_2:
0x21: {  	s4 =	sadd.s32 $0x10, s4  }
0x22: {  	p0 =	slt.u32 s4, $0x310  }
.Ltmp0:
0x23: {  	_ = 	snop;
	(pc) =	sbr.rel @p0 .LBB2_2-.Ltmp0, $3  }
0x24: {  	_ =	sdelay $0x1  }
0x25: {  	s3 =	sadd.s32 $0x10, s3;
	[tilespmem:v1+s2+$0x0] =	vst.idx.add.f32.msk $0xffff, v0;
	v1 =	vmov v2  }
0x26: {  	v2 =	vld [tilespmem:s3+$0x0]  }
0x27: {  	_ =	sdelay $0x6  }
0x28: {  	[tilespmem:v1+s2+$0x0] =	vst.idx.add.f32.msk $0xffff, v0  }
0x29: {  	[tilespmem:v2+s2+$0x0] =	vst.idx.add.f32.msk $0xffff, v0  }
0x2a: {  	v0 =	vld [tilespmem:$0x1880];
	_ =	sdelay $0x4  }
0x2b: {  	v0 =	vtrunc.f32 v0  }
0x2c: {  	v1 =	vld [tilespmem:$0x1890];
	v0 =	vcvt.f32.s32 v0;
	_ =	sdelay $0x4  }
0x2d: {  	s26 =	simm.s32 $0xC60;
	v1 =	vtrunc.f32 v1  }
0x2e: {  	v1 =	vcvt.f32.s32 v1;
	v0 =	vld.idx.msk [tilespmem:v0+s26+$0x0], $0xffff  }
0x2f: {  	v2 =	vld [tilespmem:$0x18A0];
	_ =	sdelay $0x3  }
0x30: {  	[tilespmem:$0x1900] =	vst v0  }
0x31: {  	v0 =	vld.idx.msk [tilespmem:v1+s26+$0x0], $0xffff;
	v1 =	vtrunc.f32 v2  }
0x32: {  	v2 =	vld [tilespmem:$0x18B0];
	v1 =	vcvt.f32.s32 v1;
	_ =	sdelay $0x4  }
0x33: {  	[tilespmem:$0x1910] =	vst v0;
	v0 =	vtrunc.f32 v2  }
0x34: {  	v0 =	vcvt.f32.s32 v0;
	v1 =	vld.idx.msk [tilespmem:v1+s26+$0x0], $0xffff;
	_ =	sdelay $0x4  }
0x35: {  	[tilespmem:$0x1920] =	vst v1  }
0x36: {  	v0 =	vld.idx.msk [tilespmem:v0+s26+$0x0], $0xffff;
	_ =	sdelay $0x4  }
0x37: {  	s28 =	simm.s32 $0x0;
	[tilespmem:$0x1930] =	vst v0  }
0x38: {  	s3 =	simm.s32 $0x380;
	v0 =	vld [tilespmem:s28+$0x0]  }
0x39: {  	v1 =	vld [tilespmem:s3+$0x0];
	_ =	sdelay $0x3  }
0x3a: {  	s29 =	simm.s32 $0x10  }
0x3b: {  	s30 =	simm.s32 $0x390;
	v3 =	vld [tilespmem:s29+$0x0]  }
0x3c: {  	s2 =	simm.s32 $0x1900;
	v4 =	vld [tilespmem:s30+$0x0]  }
0x3d: {  	v0 =	vld.idx.msk [tilespmem:v0+s2+$0x0], $0xffff  }
0x3e: {  	v5 =	vld.idx.msk [tilespmem:v1+s2+$0x0], $0xffff;
	_ =	sdelay $0x1  }
0x3f: {  	s31 =	simm.s32 $0x20  }
0x40: {  	s4 =	simm.s32 $0x3A0;
	v2 =	vld [tilespmem:s31+$0x0]  }
0x41: {  	v1 =	vld [tilespmem:s4+$0x0]  }
0x42: {  	v5 =	vmul.f32 v5, v0;
	v0 =	vld.idx.msk [tilespmem:v3+s2+$0x0], $0xffff  }
0x43: {  	v3 =	vld.idx.msk [tilespmem:v4+s2+$0x0], $0xffff;
	_ =	sdelay $0x1  }
0x44: {  	s3 =	simm.s32 $0x1500  }
0x45: {  	s5 =	simm.s32 $0x20;
	s6 =	simm.s32 $0x30;
	[tilespmem:s3+$0x0] =	vst v5  }
.LBB2_4:
0x46: {  	v4 =	vld [tilespmem:s6+$0x0];
	s4 =	sadd.s32 $0x10, s4  }
0x47: {  	v6 =	vmul.f32 v3, v0;
	s5 =	sadd.s32 $0x10, s5;
	v5 =	vld [tilespmem:s4+$0x0]  }
0x48: {  	s3 =	sadd.s32 $0x10, s3;
	p0 =	slt.u32 s5, $0x310;
	v0 =	vld.idx.msk [tilespmem:v2+s2+$0x0], $0xffff  }
.Ltmp1:
0x49: {  	v3 =	vld.idx.msk [tilespmem:v1+s2+$0x0], $0xffff;
	[tilespmem:s3+$0x0] =	vst v6;
	(pc) =	sbr.rel @p0 .LBB2_4-.Ltmp1, $4  }
0x4a: {  	_ = 	snop  }
0x4b: {  	v2 =	vmov v4  }
0x4c: {  	v1 =	vmov v5  }
0x4d: {  	s6 =	sadd.s32 $0x10, s6  }
0x4e: {  	_ =	sdelay $0x3  }
0x4f: {  	v2 =	vld.idx.msk [tilespmem:v2+s2+$0x0], $0xffff  }
0x50: {  	v1 =	vld.idx.msk [tilespmem:v1+s2+$0x0], $0xffff;
	_ =	sdelay $0x3  }
0x51: {  	v0 =	vmul.f32 v3, v0  }
0x52: {  	s21 =	sadd.s32 $0x10, s3;
	v1 =	vmul.f32 v1, v2  }
0x53: {  	s2 =	sadd.s32 $0x10, s21;
	[tilespmem:s21+$0x0] =	vst v0  }
0x54: {  	[tilespmem:s2+$0x0] =	vst v1  }
0x55: {  	v4 =	vld [tilespmem:$0x700]  }
0x56: {  	v9 =	vld [tilespmem:$0x740]  }
0x57: {  	v10 =	vld [tilespmem:$0x780]  }
0x58: {  	v15 =	vld [tilespmem:$0x7C0]  }
0x59: {  	v14 =	vld [tilespmem:$0x800]  }
0x5a: {  	v0 =	vld [tilespmem:$0x840]  }
0x5b: {  	v1 =	vld [tilespmem:$0x890]  }
0x5c: {  	v2 =	vld [tilespmem:$0x8E0]  }
0x5d: {  	v3 =	vld [tilespmem:$0x930]  }
0x5e: {  	v18 =	vld [tilespmem:$0x980]  }
0x5f: {  	v5 =	vld [tilespmem:$0x850]  }
0x60: {  	v7 =	vld [tilespmem:$0x8A0]  }
0x61: {  	v19 =	vld [tilespmem:$0x8F0]  }
0x62: {  	v20 =	vld [tilespmem:$0x940]  }
0x63: {  	v21 =	vld [tilespmem:$0x990]  }
0x64: {  	v22 =	vld [tilespmem:$0x860]  }
0x65: {  	v23 =	vld [tilespmem:$0x8B0]  }
0x66: {  	v24 =	vld [tilespmem:$0x900]  }
0x67: {  	v25 =	vld [tilespmem:$0x950]  }
0x68: {  	v26 =	vld [tilespmem:$0x9A0]  }
0x69: {  	v27 =	vld [tilespmem:$0x870]  }
0x6a: {  	v28 =	vld [tilespmem:$0x8C0]  }
0x6b: {  	v29 =	vld [tilespmem:$0x910]  }
0x6c: {  	v30 =	vld [tilespmem:$0x960]  }
0x6d: {  	v31 =	vld [tilespmem:$0x9B0]  }
0x6e: {  	v32 =	vld [tilespmem:$0x880]  }
0x6f: {  	v33 =	vld [tilespmem:$0x8D0]  }
0x70: {  	v34 =	vld [tilespmem:$0x920]  }
0x71: {  	v35 =	vld [tilespmem:$0x970]  }
0x72: {  	v36 =	vld [tilespmem:$0x9C0]  }
0x73: {  	v16 =	vld [tilespmem:$0x710]  }
0x74: {  	v13 =	vld [tilespmem:$0x750]  }
0x75: {  	v11 =	vld [tilespmem:$0x790]  }
0x76: {  	v8 =	vld [tilespmem:$0x7D0]  }
0x77: {  	v6 =	vld [tilespmem:$0x810]  }
0x78: {  	v37 =	vld [tilespmem:$0x840]  }
0x79: {  	v38 =	vld [tilespmem:$0x890]  }
0x7a: {  	v39 =	vld [tilespmem:$0x8E0]  }
0x7b: {  	v40 =	vld [tilespmem:$0x930]  }
0x7c: {  	v41 =	vld [tilespmem:$0x980]  }
0x7d: {  	v42 =	vld [tilespmem:$0x850]  }
0x7e: {  	v43 =	vld [tilespmem:$0x8A0]  }
0x7f: {  	v44 =	vld [tilespmem:$0x8F0]  }
0x80: {  	v45 =	vld [tilespmem:$0x940]  }
0x81: {  	v46 =	vld [tilespmem:$0x990]  }
0x82: {  	v47 =	vld [tilespmem:$0x860]  }
0x83: {  	v48 =	vld [tilespmem:$0x8B0]  }
0x84: {  	v49 =	vld [tilespmem:$0x900]  }
0x85: {  	v50 =	vld [tilespmem:$0x950]  }
0x86: {  	v51 =	vld [tilespmem:$0x9A0]  }
0x87: {  	v52 =	vld [tilespmem:$0x870]  }
0x88: {  	v53 =	vld [tilespmem:$0x8C0]  }
0x89: {  	v54 =	vld [tilespmem:$0x910]  }
0x8a: {  	v55 =	vld [tilespmem:$0x960]  }
0x8b: {  	v12 =	vld [tilespmem:$0x9B0]  }
0x8c: {  	v56 =	vld [tilespmem:$0x880]  }
0x8d: {  	v57 =	vld [tilespmem:$0x8D0]  }
0x8e: {  	v58 =	vld [tilespmem:$0x920];
	v0 =	vmul.f32 v0, v4  }
0x8f: {  	v59 =	vld [tilespmem:$0x970];
	v1 =	vmul.f32 v1, v9;
	v5 =	vmul.f32 v5, v4  }
0x90: {  	v17 =	vld [tilespmem:$0x9C0];
	v19 =	vmul.f32 v19, v10;
	v22 =	vmul.f32 v22, v4  }
0x91: {  	v18 =	vmul.f32 v18, v14;
	v62 =	vmul.f32 v28, v9;
	v28 =	vld [tilespmem:$0x8E0];
	v0 =	vadd.f32 $0.0e+00, v0  }
0x92: {  	v20 =	vmul.f32 v20, v15;
	v61 =	vmul.f32 v24, v10;
	v24 =	vld [tilespmem:$0x850]  }
0x93: {  	v63 =	vmul.f32 v25, v15;
	v25 =	vld [tilespmem:$0x8B0];
	v0 =	vadd.f32 v1, v0;
	v1 =	vmul.f32 v2, v10  }
0x94: {  	v23 =	vmul.f32 v23, v9;
	v2 =	vadd.f32 $0.0e+00, v5;
	v5 =	vmul.f32 v7, v9;
	v7 =	vld [tilespmem:$0x720]  }
0x95: {  	v21 =	vmul.f32 v21, v14;
	v0 =	vadd.f32 v1, v0;
	v1 =	vmul.f32 v3, v15;
	v3 =	vld [tilespmem:$0x7A0]  }
0x96: {  	v39 =	vmul.f32 v39, v11;
	v40 =	vmul.f32 v40, v8;
	v2 =	vadd.f32 v5, v2;
	v5 =	vld [tilespmem:$0x760]  }
0x97: {  	v22 =	vadd.f32 $0.0e+00, v22;
	v9 =	vmul.f32 v33, v9;
	v33 =	vld [tilespmem:$0x770];
	v60 =	vadd.f32 v1, v0  }
0x98: {  	v43 =	vmul.f32 v43, v13;
	v12 =	vmul.f32 v12, v6;
	v19 =	vadd.f32 v19, v2;
	v1 =	vld [tilespmem:$0x7E0]  }
0x99: {  	v0 =	vld [tilespmem:$0x820];
	v2 =	vadd.f32 v18, v60;
	v18 =	vmul.f32 v27, v4;
	v60 =	vadd.f32 v23, v22  }
0x9a: {  	v17 =	vmul.f32 v17, v6;
	v27 =	vld [tilespmem:$0x840];
	v19 =	vadd.f32 v20, v19;
	v28 =	vmul.f32 v28, v3  }
0x9b: {  	v23 =	vld [tilespmem:$0x890];
	v25 =	vmul.f32 v25, v5;
	v18 =	vadd.f32 $0.0e+00, v18;
	v20 =	vadd.f32 v61, v60  }
0x9c: {  	v22 =	vld [tilespmem:$0x860];
	v60 =	vmul.f32 v32, v4;
	v4 =	vadd.f32 v21, v19;
	v19 =	vmul.f32 v29, v10  }
0x9d: {  	v32 =	vld [tilespmem:$0x930];
	v10 =	vmul.f32 v34, v10;
	v18 =	vadd.f32 v62, v18;
	v62 =	vmul.f32 v37, v16  }
0x9e: {  	v21 =	vld [tilespmem:$0x980];
	v20 =	vadd.f32 v63, v20;
	v63 =	vmul.f32 v26, v14;
	v37 =	vmul.f32 v38, v13  }
0x9f: {  	v29 =	vld [tilespmem:$0x8A0];
	v61 =	vadd.f32 $0.0e+00, v60;
	v60 =	vmul.f32 v48, v13;
	v48 =	vmul.f32 v52, v16  }
0xa0: {  	v34 =	vld [tilespmem:$0x900];
	v27 =	vmul.f32 v27, v7;
	v23 =	vmul.f32 v23, v5  }
0xa1: {  	v26 =	vld [tilespmem:$0x8F0];
	v18 =	vadd.f32 v19, v18;
	v19 =	vmul.f32 v30, v15;
	v9 =	vadd.f32 v9, v61  }
0xa2: {  	v52 =	vld [tilespmem:$0x880];
	v15 =	vmul.f32 v35, v15;
	v61 =	vmul.f32 v41, v6;
	v27 =	vadd.f32 $0.0e+00, v27  }
0xa3: {  	v30 =	vld [tilespmem:$0x940];
	v21 =	vmul.f32 v21, v0;
	v18 =	vadd.f32 v19, v18;
	v19 =	vadd.f32 $0.0e+00, v62  }
0xa4: {  	v35 =	vld [tilespmem:$0x910];
	v38 =	vadd.f32 v10, v9;
	v9 =	vmul.f32 v31, v14;
	v14 =	vmul.f32 v36, v14  }
0xa5: {  	v41 =	vld [tilespmem:$0x960];
	v10 =	vadd.f32 v63, v20;
	v62 =	vmul.f32 v44, v11;
	v44 =	vmul.f32 v49, v11  }
0xa6: {  	v36 =	vld [tilespmem:$0x950];
	v49 =	vadd.f32 $0.0e+00, v48;
	v48 =	vmul.f32 v34, v3;
	v23 =	vadd.f32 v23, v27  }
0xa7: {  	v31 =	vld [tilespmem:$0x990];
	v19 =	vadd.f32 v37, v19;
	v9 =	vadd.f32 v9, v18;
	v18 =	vmul.f32 v42, v16  }
0xa8: {  	v63 =	vld [tilespmem:$0x870];
	v15 =	vadd.f32 v15, v38;
	v42 =	vmul.f32 v47, v16;
	v16 =	vmul.f32 v56, v16  }
0xa9: {  	v27 =	vld [tilespmem:$0x7F0];
	v56 =	vmul.f32 v54, v11;
	v19 =	vadd.f32 v39, v19;
	v18 =	vadd.f32 $0.0e+00, v18  }
0xaa: {  	v37 =	vld [tilespmem:$0x9A0];
	v11 =	vmul.f32 v58, v11;
	v58 =	vadd.f32 v28, v23;
	v47 =	vadd.f32 $0.0e+00, v42  }
0xab: {  	v38 =	vld [tilespmem:$0x920];
	v54 =	vmul.f32 v36, v1;
	v19 =	vadd.f32 v40, v19;
	v18 =	vadd.f32 v43, v18  }
0xac: {  	v42 =	vld [tilespmem:$0x9B0];
	v20 =	vadd.f32 v60, v47;
	v47 =	vmul.f32 v50, v8;
	v50 =	vmul.f32 v53, v13  }
0xad: {  	v15 =	vadd.f32 v14, v15;
	[tilespmem:$0x12C0] =	vst v9;
	v9 =	vld [tilespmem:$0x8C0];
	v53 =	vmul.f32 v51, v6;
	v13 =	vmul.f32 v57, v13  }
0xae: {  	v40 =	vld [tilespmem:$0x8C0];
	v14 =	vadd.f32 v61, v19;
	v18 =	vadd.f32 v62, v18;
	v19 =	vmul.f32 v45, v8  }
0xaf: {  	v16 =	vadd.f32 $0.0e+00, v16;
	v57 =	vmul.f32 v55, v8;
	v60 =	vmul.f32 v30, v1;
	v51 =	vld [tilespmem:$0x8A0]  }
0xb0: {  	v55 =	vld [tilespmem:$0x940];
	v20 =	vadd.f32 v44, v20;
	v18 =	vadd.f32 v19, v18;
	v19 =	vmul.f32 v46, v6  }
0xb1: {  	v45 =	vld [tilespmem:$0x8D0];
	v13 =	vadd.f32 v13, v16;
	v8 =	vmul.f32 v59, v8;
	v59 =	vmul.f32 v32, v1  }
0xb2: {  	v62 =	vmul.f32 v63, v7;
	v63 =	vld [tilespmem:$0x930];
	v18 =	vadd.f32 v19, v18;
	v19 =	vadd.f32 v50, v49  }
0xb3: {  	[tilespmem:$0x1300] =	vst v15;
	v15 =	vld [tilespmem:$0x8D0];
	v20 =	vadd.f32 v47, v20;
	v11 =	vadd.f32 v11, v13;
	v13 =	vmul.f32 v24, v7  }
0xb4: {  	v16 =	vld [tilespmem:$0x970];
	v9 =	vmul.f32 v9, v33;
	v23 =	vadd.f32 $0.0e+00, v62;
	v19 =	vadd.f32 v56, v19  }
0xb5: {  	v44 =	vld [tilespmem:$0x9C0];
	v46 =	vmul.f32 v31, v0;
	v8 =	vadd.f32 v8, v11;
	v11 =	vadd.f32 $0.0e+00, v13  }
0xb6: {  	v61 =	vld [tilespmem:$0x8E0];
	v13 =	vmul.f32 v29, v5;
	v49 =	vmul.f32 v40, v5;
	v19 =	vadd.f32 v57, v19  }
0xb7: {  	[tilespmem:$0x1240] =	vst v4;
	v24 =	vld [tilespmem:$0x730];
	v20 =	vadd.f32 v53, v20;
	v5 =	vmul.f32 v45, v5;
	v4 =	vmul.f32 v63, v27  }
0xb8: {  	v11 =	vadd.f32 v13, v11;
	v13 =	vmul.f32 v26, v3;
	v12 =	vadd.f32 v12, v19;
	v19 =	vld [tilespmem:$0x840]  }
0xb9: {  	v29 =	vld [tilespmem:$0x7B0];
	v8 =	vadd.f32 v17, v8;
	v17 =	vmul.f32 v22, v7;
	v22 =	vadd.f32 v59, v58  }
0xba: {  	v7 =	vmul.f32 v52, v7;
	v52 =	vmul.f32 v35, v3;
	v11 =	vadd.f32 v13, v11;
	v13 =	vld [tilespmem:$0x890]  }
0xbb: {  	v50 =	vld [tilespmem:$0x850];
	v23 =	vadd.f32 v49, v23;
	v56 =	vmul.f32 v41, v1;
	v3 =	vmul.f32 v38, v3  }
0xbc: {  	v6 =	vld [tilespmem:$0x830];
	v1 =	vmul.f32 v16, v1;
	v17 =	vadd.f32 $0.0e+00, v17;
	v21 =	vadd.f32 v21, v22  }
0xbd: {  	v47 =	vld [tilespmem:$0x980];
	v7 =	vadd.f32 $0.0e+00, v7;
	v23 =	vadd.f32 v52, v23;
	v19 =	vmul.f32 v19, v24  }
0xbe: {  	v62 =	vld [tilespmem:$0x9A0];
	v16 =	vmul.f32 v61, v29;
	v11 =	vadd.f32 v60, v11;
	v17 =	vadd.f32 v25, v17  }
0xbf: {  	v5 =	vadd.f32 v5, v7;
	v7 =	vld [tilespmem:$0x860];
	v13 =	vmul.f32 v13, v33;
	v19 =	vadd.f32 $0.0e+00, v19  }
0xc0: {  	v53 =	vld [tilespmem:$0x8F0];
	v61 =	vmul.f32 v50, v24;
	v23 =	vadd.f32 v56, v23;
	v17 =	vadd.f32 v48, v17  }
0xc1: {  	v63 =	vld [tilespmem:$0x880];
	v59 =	vmul.f32 v37, v0;
	v3 =	vadd.f32 v3, v5;
	v13 =	vadd.f32 v13, v19  }
0xc2: {  	[tilespmem:$0x1280] =	vst v10;
	v58 =	vld [tilespmem:$0x8B0];
	v60 =	vmul.f32 v42, v0;
	v10 =	vadd.f32 $0.0e+00, v61;
	v17 =	vadd.f32 v54, v17  }
0xc3: {  	v0 =	vmul.f32 v44, v0;
	v1 =	vadd.f32 v1, v3;
	v3 =	vadd.f32 v16, v13;
	v13 =	vld [tilespmem:$0x870]  }
0xc4: {  	v11 =	vadd.f32 v46, v11;
	v5 =	vld [tilespmem:$0x900];
	v7 =	vmul.f32 v7, v24;
	v16 =	vmul.f32 v51, v33  }
0xc5: {  	[tilespmem:$0x1200] =	vst v2;
	v57 =	vld [tilespmem:$0x990];
	v2 =	vadd.f32 v59, v17;
	v3 =	vadd.f32 v4, v3;
	v4 =	vmul.f32 v47, v6  }
0xc6: {  	[tilespmem:$0x1210] =	vst v14;
	v14 =	vld [tilespmem:$0x910];
	v0 =	vadd.f32 v0, v1;
	v1 =	vadd.f32 v16, v10;
	v10 =	vmul.f32 v53, v29  }
0xc7: {  	v19 =	vld [tilespmem:$0x950];
	v3 =	vadd.f32 v4, v3;
	v4 =	vadd.f32 $0.0e+00, v7;
	v7 =	vmul.f32 v58, v33  }
0xc8: {  	[tilespmem:$0x1250] =	vst v18;
	v16 =	vld [tilespmem:$0x920];
	v1 =	vadd.f32 v10, v1;
	v10 =	vmul.f32 v55, v27;
	v13 =	vmul.f32 v13, v24  }
0xc9: {  	v18 =	vld [tilespmem:$0x960];
	[tilespmem:$0x12D0] =	vst v12;
	v5 =	vmul.f32 v5, v29;
	v4 =	vadd.f32 v7, v4;
	v7 =	vmul.f32 v63, v24  }
0xca: {  	v12 =	vld [tilespmem:$0x970];
	[tilespmem:$0x1260] =	vst v11;
	v11 =	vmul.f32 v57, v6;
	v1 =	vadd.f32 v10, v1;
	v10 =	vadd.f32 $0.0e+00, v13  }
0xcb: {  	[tilespmem:$0x1310] =	vst v8;
	v8 =	vld [tilespmem:$0x9B0];
	v4 =	vadd.f32 v5, v4;
	v5 =	vmul.f32 v15, v33;
	v7 =	vadd.f32 $0.0e+00, v7  }
0xcc: {  	[tilespmem:$0x1290] =	vst v20;
	v13 =	vmul.f32 v19, v27;
	v9 =	vadd.f32 v9, v10;
	v10 =	vmul.f32 v14, v29;
	v14 =	vld [tilespmem:$0x9C0]  }
0xcd: {  	[tilespmem:$0x1220] =	vst v21;
	v17 =	vadd.f32 v60, v23;
	v5 =	vadd.f32 v5, v7;
	v7 =	vmul.f32 v16, v29  }
0xce: {  	[tilespmem:$0x12A0] =	vst v2;
	v2 =	vadd.f32 v13, v4;
	v4 =	vadd.f32 v10, v9;
	v9 =	vmul.f32 v18, v27  }
0xcf: {  	[tilespmem:$0x12E0] =	vst v17;
	v10 =	vmul.f32 v62, v6;
	v5 =	vadd.f32 v7, v5;
	v7 =	vmul.f32 v12, v27  }
0xd0: {  	[tilespmem:$0x1320] =	vst v0;
	v0 =	vadd.f32 v11, v1;
	v1 =	vadd.f32 v9, v4;
	v4 =	vmul.f32 v8, v6  }
0xd1: {  	[tilespmem:$0x1230] =	vst v3;
	v2 =	vadd.f32 v10, v2;
	v3 =	vadd.f32 v7, v5;
	v5 =	vmul.f32 v14, v6  }
0xd2: {  	[tilespmem:$0x1270] =	vst v0;
	v0 =	vadd.f32 v4, v1  }
0xd3: {  	[tilespmem:$0x12B0] =	vst v2;
	v1 =	vadd.f32 v5, v3  }
0xd4: {  	[tilespmem:$0x12F0] =	vst v0  }
0xd5: {  	v0 =	vimm.f32 $0.0e+00;
	[tilespmem:$0x1330] =	vst v1  }
0xd6: {  	[tilespmem:$0x1380] =	vst v0  }
0xd7: {  	[tilespmem:$0x1390] =	vst v0  }
0xd8: {  	[tilespmem:$0x13A0] =	vst v0  }
0xd9: {  	[tilespmem:$0x13B0] =	vst v0  }
0xda: {  	[tilespmem:$0x13C0] =	vst v0  }
0xdb: {  	[tilespmem:$0x13D0] =	vst v0  }
0xdc: {  	[tilespmem:$0x13E0] =	vst v0  }
0xdd: {  	[tilespmem:$0x13F0] =	vst v0  }
0xde: {  	[tilespmem:$0x1400] =	vst v0  }
0xdf: {  	[tilespmem:$0x1410] =	vst v0  }
0xe0: {  	[tilespmem:$0x1420] =	vst v0  }
0xe1: {  	[tilespmem:$0x1430] =	vst v0  }
0xe2: {  	[tilespmem:$0x1440] =	vst v0  }
0xe3: {  	[tilespmem:$0x1450] =	vst v0  }
0xe4: {  	[tilespmem:$0x1460] =	vst v0  }
0xe5: {  	[tilespmem:$0x1470] =	vst v0  }
0xe6: {  	[tilespmem:$0x1480] =	vst v0  }
0xe7: {  	[tilespmem:$0x1490] =	vst v0  }
0xe8: {  	[tilespmem:$0x14A0] =	vst v0  }
0xe9: {  	s22 =	simm.s32 $0x0;
	[tilespmem:$0x14B0] =	vst v0  }
0xea: {  	v7 =	vld [tilespmem:s22+$0x0];
	_ =	sdelay $0x4  }
0xeb: {  	s23 =	simm.s32 $0x1500  }
0xec: {  	s4 =	simm.s32 $0x380;
	v0 =	vld [tilespmem:s23+$0x0]  }
0xed: {  	s3 =	simm.s32 $0x1200;
	v11 =	vld [tilespmem:s4+$0x0]  }
0xee: {  	s24 =	simm.s32 $0x10;
	v1 =	vld.idx.msk [tilespmem:v7+s3+$0x0], $0xffff  }
0xef: {  	v3 =	vld [tilespmem:s24+$0x0];
	_ =	sdelay $0x1  }
0xf0: {  	v2 =	vadd.s32 $0x40, v7;
	_ =	sdelay $0x1  }
0xf1: {  	s28 =	simm.s32 $0x20;
	v1 =	vmul.f32 v1, v0  }
0xf2: {  	s2 =	simm.s32 $0x1380;
	v5 =	vld [tilespmem:s28+$0x0]  }
0xf3: {  	[tilespmem:v11+s2+$0x0] =	vst.idx.add.f32.msk $0xffff, v1  }
0xf4: {  	v4 =	vld.idx.msk [tilespmem:v2+s3+$0x0], $0xffff  }
0xf5: {  	s26 =	simm.s32 $0x390;
	v8 =	vld.idx.msk [tilespmem:v3+s3+$0x0], $0xffff  }
0xf6: {  	s25 =	simm.s32 $0x1510;
	v6 =	vadd.s32 $0x40, v11;
	v2 =	vld [tilespmem:s26+$0x0]  }
0xf7: {  	v9 =	vadd.s32 $0x80, v7;
	v1 =	vld [tilespmem:s25+$0x0];
	_ =	sdelay $0x1  }
0xf8: {  	v4 =	vmul.f32 v4, v0  }
0xf9: {  	v10 =	vadd.s32 $0x40, v3  }
0xfa: {  	[tilespmem:v6+s2+$0x0] =	vst.idx.add.f32.msk $0xffff, v4  }
0xfb: {  	v4 =	vmul.f32 v8, v1;
	v9 =	vld.idx.msk [tilespmem:v9+s3+$0x0], $0xffff  }
0xfc: {  	v14 =	vld.idx.msk [tilespmem:v5+s3+$0x0], $0xffff  }
0xfd: {  	v8 =	vadd.s32 $0x80, v11;
	[tilespmem:v2+s2+$0x0] =	vst.idx.add.f32.msk $0xffff, v4  }
0xfe: {  	s30 =	simm.s32 $0x3A0;
	v12 =	vadd.s32 $0xC0, v7;
	v10 =	vld.idx.msk [tilespmem:v10+s3+$0x0], $0xffff  }
0xff: {  	s29 =	simm.s32 $0x1520;
	v6 =	vld [tilespmem:s30+$0x0]  }
0x100: {  	v13 =	vadd.s32 $0x40, v2;
	v4 =	vld [tilespmem:s29+$0x0];
	v9 =	vmul.f32 v9, v0  }
0x101: {  	v15 =	vadd.s32 $0x80, v3  }
0x102: {  	[tilespmem:v8+s2+$0x0] =	vst.idx.add.f32.msk $0xffff, v9  }
0x103: {  	s31 =	simm.s32 $0x30;
	v9 =	vmul.f32 v10, v1;
	v10 =	vld.idx.msk [tilespmem:v12+s3+$0x0], $0xffff  }
0x104: {  	v8 =	vld [tilespmem:s31+$0x0];
	v12 =	vadd.s32 $0x40, v5  }
0x105: {  	v14 =	vmul.f32 v14, v4;
	[tilespmem:v13+s2+$0x0] =	vst.idx.add.f32.msk $0xffff, v9;
	v9 =	vadd.s32 $0xC0, v11  }
0x106: {  	v13 =	vld.idx.msk [tilespmem:v15+s3+$0x0], $0xffff;
	v15 =	vadd.s32 $0x100, v7  }
0x107: {  	s4 =	simm.s32 $0x1530;
	[tilespmem:v6+s2+$0x0] =	vst.idx.add.f32.msk $0xffff, v14  }
0x108: {  	v16 =	vadd.s32 $0x80, v2;
	v7 =	vld [tilespmem:s4+$0x0];
	v10 =	vmul.f32 v10, v0  }
0x109: {  	v12 =	vld.idx.msk [tilespmem:v12+s3+$0x0], $0xffff  }
0x10a: {  	v17 =	vadd.s32 $0xC0, v3;
	[tilespmem:v9+s2+$0x0] =	vst.idx.add.f32.msk $0xffff, v10  }
0x10b: {  	s5 =	simm.s32 $0x3B0;
	v10 =	vld.idx.msk [tilespmem:v15+s3+$0x0], $0xffff;
	v15 =	vmul.f32 v13, v1  }
0x10c: {  	v14 =	vadd.s32 $0x40, v6;
	v9 =	vld [tilespmem:s5+$0x0]  }
0x10d: {  	[tilespmem:v16+s2+$0x0] =	vst.idx.add.f32.msk $0xffff, v15;
	v15 =	vadd.s32 $0x80, v5  }
0x10e: {  	v11 =	vadd.s32 $0x100, v11;
	v13 =	vld.idx.msk [tilespmem:v8+s3+$0x0], $0xffff  }
0x10f: {  	s6 =	simm.s32 $0x30;
	s7 =	simm.s32 $0x40;
	v16 =	vmul.f32 v12, v4;
	v12 =	vld.idx.msk [tilespmem:v17+s3+$0x0], $0xffff  }
.LBB2_6:
0x110: {  	v17 =	vld [tilespmem:s7+$0x0]  }
0x111: {  	v18 =	vadd.s32 $0x40, v8;
	v10 =	vmul.f32 v10, v0;
	v0 =	vmovc v1;
	v1 =	vmov v4;
	[tilespmem:v14+s2+$0x0] =	vst.idx.add.f32.msk $0xffff, v16  }
0x112: {  	v4 =	vmov v7;
	v14 =	vadd.s32 $0xC0, v2;
	v16 =	vmov v9;
	v15 =	vld.idx.msk [tilespmem:v15+s3+$0x0], $0xffff  }
0x113: {  	s6 =	sadd.s32 $0x10, s6;
	s4 =	sadd.s32 $0x10, s4;
	v19 =	vadd.s32 $0x100, v3;
	v3 =	vmovc v5;
	v5 =	vmov v8;
	v13 =	vmul.f32 v13, v4;
	[tilespmem:v11+s2+$0x0] =	vst.idx.add.f32.msk $0xffff, v10  }
0x114: {  	p0 =	slt.u32 s6, $0x310;
	v7 =	vld [tilespmem:s4+$0x0]  }
0x115: {  	[tilespmem:v9+s2+$0x0] =	vst.idx.add.f32.msk $0xffff, v13;
	v9 =	vmul.f32 v12, v0;
	v8 =	vmov v17  }
0x116: {  	v11 =	vadd.s32 $0x80, v6;
	v12 =	vld.idx.msk [tilespmem:v18+s3+$0x0], $0xffff  }
0x117: {  	v17 =	vadd.s32 $0xC0, v3;
	[tilespmem:v14+s2+$0x0] =	vst.idx.add.f32.msk $0xffff, v9  }
.Ltmp2:
0x118: {  	s5 =	sadd.s32 $0x10, s5;
	v10 =	vld.idx.msk [tilespmem:v19+s3+$0x0], $0xffff;
	(pc) =	sbr.rel @p0 .LBB2_6-.Ltmp2, $4  }
0x119: {  	v14 =	vadd.s32 $0x40, v16;
	v18 =	vmul.f32 v15, v1;
	v9 =	vld [tilespmem:s5+$0x0]  }
0x11a: {  	v15 =	vadd.s32 $0x80, v5;
	v13 =	vld.idx.msk [tilespmem:v8+s3+$0x0], $0xffff  }
0x11b: {  	[tilespmem:v11+s2+$0x0] =	vst.idx.add.f32.msk $0xffff, v18;
	v11 =	vadd.s32 $0x100, v2;
	v2 =	vmov v6;
	v6 =	vmov v16  }
0x11c: {  	s7 =	sadd.s32 $0x10, s7;
	v16 =	vmul.f32 v12, v4;
	v12 =	vld.idx.msk [tilespmem:v17+s3+$0x0], $0xffff  }
0x11d: {  	_ = 	snop  }
0x11e: {  	v17 =	vadd.s32 $0x40, v8;
	_ =	sdelay $0x1  }
0x11f: {  	v13 =	vmul.f32 v13, v7;
	_ =	sdelay $0x1  }
0x120: {  	[tilespmem:v9+s2+$0x0] =	vst.idx.add.f32.msk $0xffff, v13  }
0x121: {  	v13 =	vld.idx.msk [tilespmem:v17+s3+$0x0], $0xffff;
	_ =	sdelay $0x1  }
0x122: {  	v17 =	vadd.s32 $0x40, v9  }
0x123: {  	v18 =	vadd.s32 $0x80, v8;
	_ =	sdelay $0x1  }
0x124: {  	[tilespmem:v14+s2+$0x0] =	vst.idx.add.f32.msk $0xffff, v16;
	v13 =	vmul.f32 v13, v7  }
0x125: {  	v14 =	vld.idx.msk [tilespmem:v15+s3+$0x0], $0xffff  }
0x126: {  	[tilespmem:v17+s2+$0x0] =	vst.idx.add.f32.msk $0xffff, v13  }
0x127: {  	v13 =	vadd.s32 $0x80, v6;
	v15 =	vld.idx.msk [tilespmem:v18+s3+$0x0], $0xffff  }
0x128: {  	v16 =	vadd.s32 $0xC0, v5  }
0x129: {  	v17 =	vadd.s32 $0x80, v9  }
0x12a: {  	v14 =	vmul.f32 v14, v4;
	v18 =	vadd.s32 $0xC0, v8;
	_ =	sdelay $0x1  }
0x12b: {  	[tilespmem:v13+s2+$0x0] =	vst.idx.add.f32.msk $0xffff, v14;
	v13 =	vmul.f32 v15, v7  }
0x12c: {  	v14 =	vadd.s32 $0xC0, v2;
	v15 =	vld.idx.msk [tilespmem:v16+s3+$0x0], $0xffff  }
0x12d: {  	v3 =	vadd.s32 $0x100, v3;
	[tilespmem:v17+s2+$0x0] =	vst.idx.add.f32.msk $0xffff, v13  }
0x12e: {  	v13 =	vadd.s32 $0xC0, v6;
	v16 =	vld.idx.msk [tilespmem:v18+s3+$0x0], $0xffff  }
0x12f: {  	v5 =	vadd.s32 $0x100, v5;
	v12 =	vmul.f32 v12, v1  }
0x130: {  	v17 =	vadd.s32 $0xC0, v9  }
0x131: {  	v8 =	vadd.s32 $0x100, v8;
	[tilespmem:v14+s2+$0x0] =	vst.idx.add.f32.msk $0xffff, v12;
	v12 =	vmul.f32 v15, v4  }
0x132: {  	v3 =	vld.idx.msk [tilespmem:v3+s3+$0x0], $0xffff  }
0x133: {  	[tilespmem:v13+s2+$0x0] =	vst.idx.add.f32.msk $0xffff, v12;
	v12 =	vmul.f32 v16, v7  }
0x134: {  	v5 =	vld.idx.msk [tilespmem:v5+s3+$0x0], $0xffff  }
0x135: {  	[tilespmem:v17+s2+$0x0] =	vst.idx.add.f32.msk $0xffff, v12  }
0x136: {  	v2 =	vadd.s32 $0x100, v2;
	v8 =	vld.idx.msk [tilespmem:v8+s3+$0x0], $0xffff  }
0x137: {  	v6 =	vadd.s32 $0x100, v6  }
0x138: {  	v0 =	vmul.f32 v10, v0;
	v9 =	vadd.s32 $0x100, v9  }
0x139: {  	v1 =	vmul.f32 v3, v1  }
0x13a: {  	[tilespmem:v11+s2+$0x0] =	vst.idx.add.f32.msk $0xffff, v0;
	v0 =	vmul.f32 v5, v4  }
0x13b: {  	[tilespmem:v2+s2+$0x0] =	vst.idx.add.f32.msk $0xffff, v1;
	v1 =	vmul.f32 v8, v7  }
0x13c: {  	[tilespmem:v6+s2+$0x0] =	vst.idx.add.f32.msk $0xffff, v0  }
0x13d: {  	[tilespmem:v9+s2+$0x0] =	vst.idx.add.f32.msk $0xffff, v1  }
0x13e: {  	v0 =	vld [tilespmem:$0x1900]  }
0x13f: {  	v1 =	vld [tilespmem:$0x1380]  }
0x140: {  	v2 =	vld [tilespmem:$0x1200]  }
0x141: {  	v3 =	vld [tilespmem:$0xBB0]  }
0x142: {  	v4 =	vld [tilespmem:$0x13C0]  }
0x143: {  	v5 =	vld [tilespmem:$0x1240]  }
0x144: {  	v6 =	vld [tilespmem:$0xBC0]  }
0x145: {  	v7 =	vld [tilespmem:$0x1400]  }
0x146: {  	v8 =	vld [tilespmem:$0x1280]  }
0x147: {  	v9 =	vld [tilespmem:$0xBD0]  }
0x148: {  	v10 =	vld [tilespmem:$0x1440]  }
0x149: {  	v11 =	vld [tilespmem:$0x12C0]  }
0x14a: {  	v12 =	vld [tilespmem:$0xBE0]  }
0x14b: {  	v13 =	vld [tilespmem:$0x1480]  }
0x14c: {  	v14 =	vld [tilespmem:$0x1300]  }
0x14d: {  	v15 =	vld [tilespmem:$0xBF0]  }
0x14e: {  	v16 =	vld [tilespmem:$0x1910]  }
0x14f: {  	v17 =	vld [tilespmem:$0x1390]  }
0x150: {  	v18 =	vld [tilespmem:$0x1210]  }
0x151: {  	v19 =	vld [tilespmem:$0xBB0]  }
0x152: {  	v20 =	vld [tilespmem:$0x13D0]  }
0x153: {  	v21 =	vld [tilespmem:$0x1250]  }
0x154: {  	v22 =	vld [tilespmem:$0xBC0]  }
0x155: {  	v23 =	vld [tilespmem:$0x1410]  }
0x156: {  	v24 =	vld [tilespmem:$0x1290]  }
0x157: {  	v25 =	vld [tilespmem:$0xBD0]  }
0x158: {  	v26 =	vld [tilespmem:$0x1450]  }
0x159: {  	v27 =	vld [tilespmem:$0x12D0]  }
0x15a: {  	v28 =	vld [tilespmem:$0xBE0]  }
0x15b: {  	v29 =	vld [tilespmem:$0x1490]  }
0x15c: {  	v30 =	vld [tilespmem:$0x1310]  }
0x15d: {  	v31 =	vld [tilespmem:$0xBF0]  }
0x15e: {  	v32 =	vld [tilespmem:$0x1920]  }
0x15f: {  	v33 =	vld [tilespmem:$0x13A0]  }
0x160: {  	v34 =	vld [tilespmem:$0x1220]  }
0x161: {  	v35 =	vld [tilespmem:$0xBB0]  }
0x162: {  	v36 =	vld [tilespmem:$0x13E0]  }
0x163: {  	v37 =	vld [tilespmem:$0x1260]  }
0x164: {  	v38 =	vld [tilespmem:$0xBC0]  }
0x165: {  	v39 =	vld [tilespmem:$0x1420]  }
0x166: {  	v40 =	vld [tilespmem:$0x12A0]  }
0x167: {  	v41 =	vld [tilespmem:$0xBD0]  }
0x168: {  	v42 =	vld [tilespmem:$0x1460]  }
0x169: {  	v43 =	vld [tilespmem:$0x12E0]  }
0x16a: {  	v44 =	vld [tilespmem:$0xBE0]  }
0x16b: {  	v45 =	vld [tilespmem:$0x14A0]  }
0x16c: {  	v46 =	vld [tilespmem:$0x1320]  }
0x16d: {  	v47 =	vld [tilespmem:$0xBF0]  }
0x16e: {  	v48 =	vld [tilespmem:$0x1930]  }
0x16f: {  	v49 =	vld [tilespmem:$0x13B0]  }
0x170: {  	v50 =	vld [tilespmem:$0x1230]  }
0x171: {  	v51 =	vld [tilespmem:$0xBB0]  }
0x172: {  	v52 =	vld [tilespmem:$0x13F0];
	v0 =	vmul.f32 v0, v0  }
0x173: {  	v53 =	vld [tilespmem:$0x1270]  }
0x174: {  	v58 =	vld [tilespmem:$0x12F0];
	v2 =	vmul.f32 v2, v0  }
0x175: {  	v54 =	vld [tilespmem:$0xBC0];
	v5 =	vmul.f32 v5, v0  }
0x176: {  	v55 =	vld [tilespmem:$0x1430];
	v1 =	vadd.f32 v2, v1;
	v2 =	vmul.f32 v8, v0  }
0x177: {  	v56 =	vld [tilespmem:$0x12B0];
	v48 =	vmul.f32 v48, v48;
	v4 =	vadd.f32 v5, v4;
	v5 =	vmul.f32 v11, v0  }
0x178: {  	v57 =	vld [tilespmem:$0xBD0];
	v0 =	vmul.f32 v14, v0;
	v1 =	vadd.f32 v1, v3;
	v2 =	vadd.f32 v2, v7  }
0x179: {  	v61 =	vmul.f32 v58, v48;
	v3 =	vadd.f32 v4, v6;
	v4 =	vadd.f32 v5, v10;
	v6 =	vld [tilespmem:$0x1330]  }
0x17a: {  	v59 =	vld [tilespmem:$0xA40];
	v0 =	vadd.f32 v0, v13;
	v2 =	vadd.f32 v2, v9;
	v1 =	vmax.f32 v1, $0.0e+00  }
0x17b: {  	v63 =	vld [tilespmem:$0xA00];
	v9 =	vmul.f32 v32, v32;
	[tilespmem:$0x1080] =	vst v1;
	v1 =	vmax.f32 v3, $0.0e+00;
	v3 =	vadd.f32 v4, v12  }
0x17c: {  	v5 =	vld [tilespmem:$0x14B0];
	v0 =	vadd.f32 v0, v15;
	[tilespmem:$0x10C0] =	vst v1;
	v1 =	vmax.f32 v2, $0.0e+00;
	v2 =	vmul.f32 v16, v16  }
0x17d: {  	v58 =	vld [tilespmem:$0xA20];
	v11 =	vmul.f32 v34, v9;
	v12 =	vmul.f32 v37, v9;
	[tilespmem:$0x1100] =	vst v1;
	v1 =	vmax.f32 v3, $0.0e+00  }
0x17e: {  	v8 =	vld [tilespmem:$0x1470];
	v0 =	vmax.f32 v0, $0.0e+00;
	v6 =	vmul.f32 v6, v48;
	[tilespmem:$0x1140] =	vst v1;
	v1 =	vmul.f32 v18, v2  }
0x17f: {  	v7 =	vld [tilespmem:$0xBE0];
	[tilespmem:$0x1180] =	vst v0;
	v0 =	vmul.f32 v21, v2;
	v3 =	vmul.f32 v24, v2  }
0x180: {  	v10 =	vld [tilespmem:$0xBF0];
	v4 =	vmul.f32 v27, v2;
	v11 =	vadd.f32 v11, v33;
	v12 =	vadd.f32 v12, v36  }
0x181: {  	v13 =	vld [tilespmem:$0x1080];
	v2 =	vmul.f32 v30, v2;
	v5 =	vadd.f32 v6, v5;
	v1 =	vadd.f32 v1, v17  }
0x182: {  	v37 =	vld [tilespmem:$0xAE0];
	v0 =	vadd.f32 v0, v20;
	v3 =	vadd.f32 v3, v23  }
0x183: {  	v43 =	vmul.f32 v43, v9;
	v14 =	vld [tilespmem:$0x10C0];
	v4 =	vadd.f32 v4, v26;
	v2 =	vadd.f32 v2, v29  }
0x184: {  	v15 =	vld [tilespmem:$0x1100];
	v11 =	vadd.f32 v11, v35;
	v12 =	vadd.f32 v12, v38  }
0x185: {  	v40 =	vmul.f32 v40, v9;
	v18 =	vld [tilespmem:$0x9D0];
	v26 =	vadd.f32 v43, v42;
	v1 =	vadd.f32 v1, v19  }
0x186: {  	v21 =	vld [tilespmem:$0xAC0];
	v0 =	vadd.f32 v0, v22;
	v3 =	vadd.f32 v3, v25  }
0x187: {  	v24 =	vld [tilespmem:$0x9E0];
	v4 =	vadd.f32 v4, v28;
	v22 =	vadd.f32 v40, v39  }
0x188: {  	v27 =	vld [tilespmem:$0xA80];
	v6 =	vshrl.u32 v13, $0x10;
	v2 =	vadd.f32 v2, v31;
	v26 =	vadd.f32 v26, v44  }
0x189: {  	v30 =	vld [tilespmem:$0xB20];
	v28 =	vmax.f32 v1, $0.0e+00;
	v31 =	vmax.f32 v3, $0.0e+00;
	v3 =	vmul.f32 v46, v9  }
0x18a: {  	v33 =	vld [tilespmem:$0x9F0];
	v1 =	vadd.f32 v22, v41;
	v34 =	vmax.f32 v2, $0.0e+00;
	v2 =	vmul.f32 v50, v48  }
0x18b: {  	v36 =	vld [tilespmem:$0xA90];
	v32 =	vmax.f32 v4, $0.0e+00;
	v4 =	vmul.f32 v53, v48;
	v3 =	vadd.f32 v3, v45  }
0x18c: {  	v16 =	vld [tilespmem:$0x1140];
	v9 =	vmax.f32 v12, $0.0e+00;
	v12 =	vmul.f32 v56, v48;
	v2 =	vadd.f32 v2, v49  }
0x18d: {  	v17 =	vld [tilespmem:$0x1180];
	v11 =	vmax.f32 v11, $0.0e+00;
	v60 =	vadd.f32 v3, v47;
	v3 =	vadd.f32 v4, v52  }
0x18e: {  	v20 =	vld [tilespmem:$0xA70];
	v6 =	vand.u32 $0x1, v6;
	v62 =	vadd.f32 v2, v51;
	v2 =	vadd.f32 v12, v55  }
0x18f: {  	v23 =	vld [tilespmem:$0xB10];
	v0 =	vmax.f32 v0, $0.0e+00;
	v12 =	vmax.f32 v1, $0.0e+00;
	v1 =	vadd.f32 v61, v8  }
0x190: {  	v35 =	vld [tilespmem:$0xAC0];
	v26 =	vmax.f32 v26, $0.0e+00;
	v4 =	vadd.f32 v3, v54;
	v3 =	vadd.f32 v2, v57  }
0x191: {  	v42 =	vld [tilespmem:$0xA00];
	v2 =	vadd.f32 v1, v7;
	v7 =	vshrl.u32 v14, $0x10;
	v1 =	vadd.f32 v5, v10  }
0x192: {  	v19 =	vld [tilespmem:$0xA20];
	[tilespmem:$0x1190] =	vst v34;
	v5 =	vadd.s32 v6, v13;
	v10 =	vshrl.u32 v15, $0x10;
	v34 =	vmax.f32 v60, $0.0e+00  }
0x193: {  	v25 =	vld [tilespmem:$0xA30];
	v6 =	vand.u32 $0x1, v7;
	v5 =	vadd.s32 $0x7FFF, v5;
	v10 =	vand.u32 $0x1, v10  }
0x194: {  	v40 =	vld [tilespmem:$0xB30];
	v6 =	vadd.s32 v6, v14;
	v5 =	vand.u32 $0xFFFF0000, v5;
	v10 =	vadd.s32 v10, v15  }
0x195: {  	v50 =	vld [tilespmem:$0xAB0];
	v15 =	vshrl.u32 v16, $0x10;
	v3 =	vmax.f32 v3, $0.0e+00;
	v1 =	vmax.f32 v1, $0.0e+00  }
0x196: {  	v8 =	vld [tilespmem:$0xA50];
	v6 =	vadd.s32 $0x7FFF, v6;
	v18 =	vmul.f32 v5, v18;
	v10 =	vadd.s32 $0x7FFF, v10  }
0x197: {  	v13 =	vld [tilespmem:$0xA10];
	v15 =	vand.u32 $0x1, v15;
	v56 =	vmul.f32 v5, v33;
	v29 =	vmul.f32 v5, v63  }
0x198: {  	v22 =	vld [tilespmem:$0xAD0];
	v6 =	vand.u32 $0xFFFF0000, v6;
	v15 =	vadd.s32 v15, v16;
	v52 =	vand.u32 $0xFFFF0000, v10  }
0x199: {  	[tilespmem:$0x10A0] =	vst v11;
	v51 =	vld [tilespmem:$0xB00];
	v10 =	vshrl.u32 v17, $0x10;
	v16 =	vadd.f32 $0.0e+00, v18;
	v18 =	vmul.f32 v6, v19  }
0x19a: {  	v48 =	vld [tilespmem:$0xAA0];
	[tilespmem:$0x10D0] =	vst v0;
	v0 =	vadd.s32 $0x7FFF, v15;
	v10 =	vand.u32 $0x1, v10;
	v27 =	vmul.f32 v52, v27  }
0x19b: {  	v43 =	vld [tilespmem:$0x10A0];
	[tilespmem:$0x1090] =	vst v28;
	v8 =	vmul.f32 v6, v8;
	v28 =	vmul.f32 v52, v50;
	v54 =	vand.u32 $0xFFFF0000, v0  }
0x19c: {  	v7 =	vld [tilespmem:$0xB40];
	v0 =	vadd.s32 v10, v17;
	v10 =	vmul.f32 v5, v24;
	v5 =	vmul.f32 v5, v13  }
0x19d: {  	[tilespmem:$0x1110] =	vst v31;
	v19 =	vld [tilespmem:$0xB50];
	v16 =	vadd.f32 v18, v16;
	v18 =	vmul.f32 v52, v20;
	v22 =	vmul.f32 v54, v22  }
0x19e: {  	v17 =	vld [tilespmem:$0x1110];
	v0 =	vadd.s32 $0x7FFF, v0;
	v61 =	vmul.f32 v54, v37;
	v46 =	vmul.f32 v54, v51  }
0x19f: {  	v31 =	vld [tilespmem:$0xB30];
	v55 =	vand.u32 $0xFFFF0000, v0;
	v0 =	vadd.f32 $0.0e+00, v10;
	v10 =	vmul.f32 v6, v25  }
0x1a0: {  	v14 =	vld [tilespmem:$0xA60];
	v5 =	vadd.f32 $0.0e+00, v5;
	v16 =	vadd.f32 v18, v16;
	v18 =	vmul.f32 v54, v21  }
0x1a1: {  	v49 =	vld [tilespmem:$0xAF0];
	v30 =	vmul.f32 v55, v30;
	v7 =	vmul.f32 v55, v7;
	v10 =	vadd.f32 v10, v0  }
0x1a2: {  	v25 =	vld [tilespmem:$0x1190];
	v19 =	vmul.f32 v55, v19;
	v16 =	vadd.f32 v18, v16;
	v18 =	vmul.f32 v55, v23  }
0x1a3: {  	v53 =	vld [tilespmem:$0x10D0];
	v50 =	vshrl.u32 v17, $0x10;
	v27 =	vadd.f32 v27, v10;
	v10 =	vmax.f32 v62, $0.0e+00  }
0x1a4: {  	v47 =	vld [tilespmem:$0xA40];
	v0 =	vadd.f32 v18, v16;
	v16 =	vadd.f32 $0.0e+00, v56;
	v18 =	vmul.f32 v6, v59  }
0x1a5: {  	v15 =	vld [tilespmem:$0x1090];
	v62 =	vmul.f32 v55, v40;
	v20 =	vand.u32 $0x1, v50;
	v6 =	vmul.f32 v6, v14  }
0x1a6: {  	v59 =	vld [tilespmem:$0xA70];
	v17 =	vadd.s32 v20, v17;
	v16 =	vadd.f32 v18, v16;
	v18 =	vmul.f32 v52, v36  }
0x1a7: {  	v57 =	vld [tilespmem:$0x9D0];
	v55 =	vshrl.u32 v25, $0x10;
	v22 =	vadd.f32 v22, v27;
	v5 =	vadd.f32 v6, v5  }
0x1a8: {  	v14 =	vld [tilespmem:$0xA80];
	v17 =	vadd.s32 $0x7FFF, v17;
	v16 =	vadd.f32 v18, v16;
	v18 =	vadd.f32 $0.0e+00, v29  }
0x1a9: {  	v60 =	vld [tilespmem:$0xA30];
	v17 =	vand.u32 $0xFFFF0000, v17;
	v6 =	vadd.f32 v30, v22;
	v45 =	vadd.f32 v28, v5  }
0x1aa: {  	v13 =	vld [tilespmem:$0x9E0];
	v8 =	vadd.f32 v8, v18;
	v18 =	vmul.f32 v52, v48;
	v48 =	vshrl.u32 v15, $0x10  }
0x1ab: {  	[tilespmem:$0x1150] =	vst v32;
	v63 =	vld [tilespmem:$0x9F0];
	v23 =	vmul.f32 v17, v59;
	v16 =	vadd.f32 v61, v16;
	v22 =	vand.u32 $0x1, v48  }
0x1ac: {  	v21 =	vld [tilespmem:$0x1150];
	v8 =	vadd.f32 v18, v8;
	v18 =	vmul.f32 v54, v49;
	v15 =	vadd.s32 v22, v15  }
0x1ad: {  	[tilespmem:$0x1120] =	vst v12;
	v24 =	vld [tilespmem:$0xAE0];
	v12 =	vmul.f32 v17, v14;
	v5 =	vadd.f32 v62, v16;
	v15 =	vadd.s32 $0x7FFF, v15  }
0x1ae: {  	v37 =	vld [tilespmem:$0xAD0];
	v8 =	vadd.f32 v18, v8;
	v18 =	vadd.f32 v46, v45;
	v15 =	vand.u32 $0xFFFF0000, v15  }
0x1af: {  	v51 =	vld [tilespmem:$0xA50];
	v49 =	vshrl.u32 v53, $0x10;
	v32 =	vmul.f32 v15, v57;
	v13 =	vmul.f32 v15, v13  }
0x1b0: {  	v40 =	vld [tilespmem:$0xB40];
	v8 =	vadd.f32 v7, v8;
	v7 =	vadd.f32 v19, v18;
	v18 =	vand.u32 $0x1, v49  }
0x1b1: {  	v50 =	vld [tilespmem:$0xA70];
	v63 =	vmul.f32 v15, v63;
	v18 =	vadd.s32 v18, v53;
	v53 =	vshrl.u32 v21, $0x10  }
0x1b2: {  	v56 =	vld [tilespmem:$0xA10];
	v32 =	vadd.f32 $0.0e+00, v32;
	v18 =	vadd.s32 $0x7FFF, v18;
	v20 =	vand.u32 $0x1, v53  }
0x1b3: {  	v36 =	vld [tilespmem:$0xB10];
	v13 =	vadd.f32 $0.0e+00, v13;
	v18 =	vand.u32 $0xFFFF0000, v18;
	v20 =	vadd.s32 v20, v21  }
0x1b4: {  	v29 =	vld [tilespmem:$0xB20];
	v21 =	vand.u32 $0x1, v55;
	v33 =	vmul.f32 v18, v58;
	v20 =	vadd.s32 $0x7FFF, v20  }
0x1b5: {  	v16 =	vld [tilespmem:$0xA90];
	v21 =	vadd.s32 v21, v25;
	v60 =	vmul.f32 v18, v60;
	v14 =	vmul.f32 v18, v47  }
0x1b6: {  	v19 =	vld [tilespmem:$0xA00];
	v20 =	vand.u32 $0xFFFF0000, v20;
	v11 =	vadd.s32 $0x7FFF, v21;
	v32 =	vadd.f32 v33, v32  }
0x1b7: {  	v52 =	vld [tilespmem:$0xAA0];
	v62 =	vmul.f32 v20, v35;
	v44 =	vand.u32 $0xFFFF0000, v11;
	v11 =	vadd.f32 v60, v13  }
0x1b8: {  	[tilespmem:$0x10E0] =	vst v9;
	v57 =	vld [tilespmem:$0xA60];
	v13 =	vadd.f32 $0.0e+00, v63;
	v24 =	vmul.f32 v20, v24;
	v47 =	vmul.f32 v44, v36  }
0x1b9: {  	[tilespmem:$0x1160] =	vst v26;
	v45 =	vld [tilespmem:$0x10E0];
	v29 =	vmul.f32 v44, v29;
	v9 =	vadd.f32 v23, v32;
	v11 =	vadd.f32 v12, v11  }
0x1ba: {  	v48 =	vld [tilespmem:$0x1160];
	v12 =	vmul.f32 v20, v37;
	v13 =	vadd.f32 v14, v13;
	v14 =	vmul.f32 v17, v16  }
0x1bb: {  	v58 =	vld [tilespmem:$0xAB0];
	v53 =	vmul.f32 v44, v31;
	v16 =	vmul.f32 v15, v19;
	v9 =	vadd.f32 v62, v9  }
0x1bc: {  	v54 =	vld [tilespmem:$0xAF0];
	v11 =	vadd.f32 v12, v11;
	v12 =	vmul.f32 v15, v56;
	v13 =	vadd.f32 v14, v13  }
0x1bd: {  	v59 =	vld [tilespmem:$0xB00];
	v14 =	vadd.f32 $0.0e+00, v16;
	v16 =	vmul.f32 v18, v51;
	v18 =	vmul.f32 v18, v57  }
0x1be: {  	v27 =	vld [tilespmem:$0xAD0];
	v56 =	vshrl.u32 v43, $0x10;
	v57 =	vshrl.u32 v45, $0x10;
	v12 =	vadd.f32 $0.0e+00, v12  }
0x1bf: {  	v61 =	vld [tilespmem:$0xB50];
	v62 =	vshrl.u32 v48, $0x10;
	v14 =	vadd.f32 v16, v14;
	v16 =	vmul.f32 v17, v52  }
0x1c0: {  	v46 =	vld [tilespmem:$0x1120];
	v23 =	vand.u32 $0x1, v62;
	v17 =	vmul.f32 v17, v58;
	v18 =	vadd.f32 v18, v12  }
0x1c1: {  	v49 =	vld [tilespmem:$0xA20];
	v13 =	vadd.f32 v24, v13;
	v14 =	vadd.f32 v16, v14;
	v16 =	vmul.f32 v20, v54  }
0x1c2: {  	v55 =	vld [tilespmem:$0xA30];
	v12 =	vadd.f32 v29, v11;
	v17 =	vadd.f32 v17, v18;
	v18 =	vmul.f32 v20, v59  }
0x1c3: {  	v60 =	vld [tilespmem:$0xA40];
	v23 =	vadd.s32 v23, v48;
	v11 =	vadd.f32 v53, v13;
	v13 =	vadd.f32 v16, v14  }
0x1c4: {  	v15 =	vld [tilespmem:$0x9D0];
	v14 =	vmul.f32 v44, v40;
	v17 =	vadd.f32 v18, v17;
	v18 =	vmul.f32 v44, v61  }
0x1c5: {  	[tilespmem:$0x11A0] =	vst v34;
	v51 =	vld [tilespmem:$0xAC0];
	v25 =	vand.u32 $0x1, v56;
	v9 =	vadd.f32 v47, v9;
	v23 =	vadd.s32 $0x7FFF, v23  }
0x1c6: {  	v19 =	vld [tilespmem:$0x11A0];
	v14 =	vadd.f32 v14, v13;
	v13 =	vadd.f32 v18, v17;
	v17 =	vadd.s32 v25, v43  }
0x1c7: {  	v54 =	vld [tilespmem:$0x9E0];
	v23 =	vand.u32 $0xFFFF0000, v23;
	v18 =	vand.u32 $0x1, v57;
	v17 =	vadd.s32 $0x7FFF, v17  }
0x1c8: {  	v63 =	vld [tilespmem:$0xAE0];
	v59 =	vshrl.u32 v46, $0x10;
	v18 =	vadd.s32 v18, v45;
	v17 =	vand.u32 $0xFFFF0000, v17  }
0x1c9: {  	v35 =	vld [tilespmem:$0xB30];
	v21 =	vand.u32 $0x1, v59;
	v18 =	vadd.s32 $0x7FFF, v18;
	v15 =	vmul.f32 v17, v15  }
0x1ca: {  	v52 =	vld [tilespmem:$0xB10];
	v48 =	vmul.f32 v23, v51;
	v21 =	vadd.s32 v21, v46;
	v18 =	vand.u32 $0xFFFF0000, v18  }
0x1cb: {  	v16 =	vld [tilespmem:$0xA80];
	v21 =	vadd.s32 $0x7FFF, v21;
	v22 =	vmul.f32 v18, v49;
	v15 =	vadd.f32 $0.0e+00, v15  }
0x1cc: {  	v58 =	vld [tilespmem:$0x9F0];
	v21 =	vand.u32 $0xFFFF0000, v21;
	v43 =	vshrl.u32 v19, $0x10;
	v31 =	vmul.f32 v17, v54  }
0x1cd: {  	v32 =	vld [tilespmem:$0xB20];
	v36 =	vand.u32 $0x1, v43;
	v45 =	vmul.f32 v21, v50;
	v15 =	vadd.f32 v22, v15  }
0x1ce: {  	v47 =	vld [tilespmem:$0xAF0];
	v19 =	vadd.s32 v36, v19;
	v20 =	vmul.f32 v18, v55;
	v31 =	vadd.f32 $0.0e+00, v31  }
0x1cf: {  	v27 =	vmul.f32 v23, v27;
	v61 =	vld [tilespmem:$0xA90];
	v19 =	vadd.s32 $0x7FFF, v19;
	v15 =	vadd.f32 v45, v15  }
0x1d0: {  	v44 =	vld [tilespmem:$0xA50];
	v16 =	vmul.f32 v21, v16;
	v19 =	vand.u32 $0xFFFF0000, v19;
	v20 =	vadd.f32 v20, v31  }
0x1d1: {  	v50 =	vld [tilespmem:$0xA10];
	v51 =	vmul.f32 v19, v52;
	v52 =	vmul.f32 v17, v58;
	v15 =	vadd.f32 v48, v15  }
0x1d2: {  	[tilespmem:$0x10B0] =	vst v10;
	v46 =	vld [tilespmem:$0xAA0];
	v54 =	vmax.f32 v4, $0.0e+00;
	v56 =	vmul.f32 v18, v60;
	v10 =	vadd.f32 v16, v20  }
0x1d3: {  	[tilespmem:$0x11B0] =	vst v1;
	v53 =	vld [tilespmem:$0xA60];
	v16 =	vmul.f32 v17, v42;
	v4 =	vadd.f32 v51, v15;
	v15 =	vadd.f32 $0.0e+00, v52  }
0x1d4: {  	v2 =	vmax.f32 v2, $0.0e+00;
	[tilespmem:$0x1130] =	vst v3;
	v62 =	vmul.f32 v23, v63;
	v63 =	vld [tilespmem:$0x11B0];
	v3 =	vmul.f32 v21, v61  }
0x1d5: {  	v55 =	vld [tilespmem:$0xAB0];
	v60 =	vmul.f32 v18, v44;
	v16 =	vadd.f32 $0.0e+00, v16;
	v15 =	vadd.f32 v56, v15  }
0x1d6: {  	[tilespmem:$0x1170] =	vst v2;
	v49 =	vld [tilespmem:$0xB40];
	v2 =	vadd.f32 v27, v10;
	v10 =	vmul.f32 v17, v50  }
0x1d7: {  	v59 =	vld [tilespmem:$0x10B0];
	v1 =	vadd.f32 v3, v15;
	v3 =	vadd.f32 v60, v16;
	v15 =	vmul.f32 v21, v46  }
0x1d8: {  	v57 =	vld [tilespmem:$0xB00];
	v18 =	vmul.f32 v18, v53;
	v10 =	vadd.f32 $0.0e+00, v10  }
0x1d9: {  	v38 =	vld [tilespmem:$0xA70];
	[tilespmem:$0x10F0] =	vst v54;
	v3 =	vadd.f32 v15, v3;
	v15 =	vmul.f32 v23, v47  }
0x1da: {  	v61 =	vld [tilespmem:$0x10F0];
	v10 =	vadd.f32 v18, v10;
	v18 =	vmul.f32 v21, v55  }
0x1db: {  	v33 =	vmul.f32 v19, v32;
	v17 =	vld [tilespmem:$0x1130];
	v3 =	vadd.f32 v15, v3;
	v15 =	vmul.f32 v19, v49  }
0x1dc: {  	v39 =	vld [tilespmem:$0xAC0];
	v37 =	vmul.f32 v19, v35;
	v51 =	vshrl.u32 v63, $0x10;
	v10 =	vadd.f32 v18, v10  }
0x1dd: {  	v34 =	vld [tilespmem:$0x9D0];
	v18 =	vmul.f32 v23, v57;
	v3 =	vadd.f32 v15, v3;
	v15 =	vshrl.u32 v59, $0x10  }
0x1de: {  	v2 =	vadd.f32 v33, v2;
	v33 =	vand.u32 $0x1, v51;
	v16 =	vld [tilespmem:$0x1170];
	v15 =	vand.u32 $0x1, v15  }
0x1df: {  	v36 =	vld [tilespmem:$0xA20];
	v10 =	vadd.f32 v18, v10;
	v18 =	vshrl.u32 v61, $0x10;
	v15 =	vadd.s32 v15, v59  }
0x1e0: {  	v41 =	vld [tilespmem:$0x9E0];
	v43 =	vshrl.u32 v17, $0x10;
	v18 =	vand.u32 $0x1, v18;
	v15 =	vadd.s32 $0x7FFF, v15  }
0x1e1: {  	v40 =	vld [tilespmem:$0xB10];
	v22 =	vand.u32 $0x1, v43;
	v18 =	vadd.s32 v18, v61;
	v15 =	vand.u32 $0xFFFF0000, v15  }
0x1e2: {  	v58 =	vld [tilespmem:$0xB50];
	v17 =	vadd.s32 v22, v17;
	v18 =	vadd.s32 $0x7FFF, v18;
	v29 =	vmul.f32 v15, v34  }
0x1e3: {  	v44 =	vld [tilespmem:$0xA80];
	v17 =	vadd.s32 $0x7FFF, v17;
	v46 =	vshrl.u32 v16, $0x10;
	v18 =	vand.u32 $0xFFFF0000, v18  }
0x1e4: {  	v42 =	vld [tilespmem:$0xA30];
	v22 =	vand.u32 $0x1, v46;
	v21 =	vmul.f32 v18, v36;
	v49 =	vadd.f32 $0.0e+00, v29  }
0x1e5: {  	v48 =	vld [tilespmem:$0x9F0];
	v1 =	vadd.f32 v62, v1;
	v17 =	vand.u32 $0xFFFF0000, v17;
	v16 =	vadd.s32 v22, v16  }
0x1e6: {  	[tilespmem:$0x1200] =	vst v0;
	v50 =	vld [tilespmem:$0xA40];
	v53 =	vmul.f32 v17, v38;
	v16 =	vadd.s32 $0x7FFF, v16;
	v21 =	vadd.f32 v21, v49  }
0x1e7: {  	[tilespmem:$0x1240] =	vst v6;
	v19 =	vmul.f32 v19, v58;
	v58 =	vld [tilespmem:$0xA00];
	v0 =	vand.u32 $0xFFFF0000, v16;
	v16 =	vadd.s32 v33, v63  }
0x1e8: {  	[tilespmem:$0x1280] =	vst v5;
	v59 =	vld [tilespmem:$0xA10];
	v6 =	vadd.s32 $0x7FFF, v16;
	v57 =	vmul.f32 v0, v39;
	v16 =	vadd.f32 v53, v21  }
0x1e9: {  	[tilespmem:$0x1300] =	vst v7;
	v52 =	vld [tilespmem:$0xA90];
	v7 =	vadd.f32 v19, v10;
	v55 =	vmul.f32 v15, v41;
	v5 =	vand.u32 $0xFFFF0000, v6  }
0x1ea: {  	[tilespmem:$0x12C0] =	vst v8;
	v45 =	vld [tilespmem:$0xAD0];
	v60 =	vmul.f32 v15, v48;
	v8 =	vadd.f32 v57, v16;
	v16 =	vmul.f32 v5, v40  }
0x1eb: {  	[tilespmem:$0x1210] =	vst v9;
	v10 =	vmul.f32 v17, v44;
	v19 =	vld [tilespmem:$0xA60];
	v20 =	vmul.f32 v18, v42;
	v6 =	vadd.f32 $0.0e+00, v55  }
0x1ec: {  	[tilespmem:$0x1250] =	vst v12;
	v54 =	vld [tilespmem:$0xAE0];
	v9 =	vadd.f32 $0.0e+00, v60;
	v8 =	vadd.f32 v16, v8;
	v16 =	vmul.f32 v18, v50  }
0x1ed: {  	[tilespmem:$0x1290] =	vst v11;
	v47 =	vld [tilespmem:$0xB20];
	v12 =	vmul.f32 v15, v58;
	v15 =	vmul.f32 v15, v59;
	v6 =	vadd.f32 v20, v6  }
0x1ee: {  	[tilespmem:$0x12D0] =	vst v14;
	v56 =	vld [tilespmem:$0xB30];
	v1 =	vadd.f32 v37, v1;
	v11 =	vmul.f32 v17, v52;
	v9 =	vadd.f32 v16, v9  }
0x1ef: {  	[tilespmem:$0x1310] =	vst v13;
	v15 =	vadd.f32 $0.0e+00, v15;
	v6 =	vadd.f32 v10, v6  }
0x1f0: {  	[tilespmem:$0x1220] =	vst v4;
	v10 =	vmul.f32 v0, v45;
	v9 =	vadd.f32 v11, v9;
	v11 =	vmul.f32 v18, v19  }
0x1f1: {  	[tilespmem:$0x1260] =	vst v2;
	v4 =	vmul.f32 v0, v54  }
0x1f2: {  	[tilespmem:$0x12A0] =	vst v1;
	v6 =	vadd.f32 v10, v6;
	v2 =	vadd.f32 v11, v15;
	v15 =	vmul.f32 v5, v47  }
0x1f3: {  	[tilespmem:$0x12E0] =	vst v3;
	v3 =	vmul.f32 v5, v56;
	v1 =	vadd.f32 v4, v9  }
0x1f4: {  	[tilespmem:$0x1320] =	vst v7;
	v6 =	vadd.f32 v15, v6  }
0x1f5: {  	[tilespmem:$0x1230] =	vst v8;
	v1 =	vadd.f32 v3, v1  }
0x1f6: {  	[tilespmem:$0x1270] =	vst v6  }
0x1f7: {  	[tilespmem:$0x12B0] =	vst v1;
	v1 =	vimm.f32 $0.0e+00  }
0x1f8: {  	[tilespmem:$0x1380] =	vst v1  }
0x1f9: {  	[tilespmem:$0x1390] =	vst v1  }
0x1fa: {  	[tilespmem:$0x13A0] =	vst v1  }
0x1fb: {  	[tilespmem:$0x13B0] =	vst v1  }
0x1fc: {  	[tilespmem:$0x13C0] =	vst v1  }
0x1fd: {  	v61 =	vld [tilespmem:$0xA50];
	[tilespmem:$0x13D0] =	vst v1  }
0x1fe: {  	[tilespmem:$0x13E0] =	vst v1  }
0x1ff: {  	v62 =	vld [tilespmem:$0xAA0];
	[tilespmem:$0x13F0] =	vst v1  }
0x200: {  	v63 =	vld [tilespmem:$0xAB0];
	[tilespmem:$0x1400] =	vst v1  }
0x201: {  	v16 =	vld [tilespmem:$0xAF0];
	[tilespmem:$0x1410] =	vst v1  }
0x202: {  	v14 =	vld [tilespmem:$0xB00];
	v10 =	vadd.f32 $0.0e+00, v12;
	v12 =	vmul.f32 v18, v61;
	[tilespmem:$0x1420] =	vst v1  }
0x203: {  	v13 =	vld [tilespmem:$0xB40];
	[tilespmem:$0x1430] =	vst v1  }
0x204: {  	v10 =	vadd.f32 v12, v10;
	v12 =	vmul.f32 v17, v62;
	v18 =	vld [tilespmem:$0xB50];
	[tilespmem:$0x1440] =	vst v1  }
0x205: {  	v11 =	vmul.f32 v17, v63;
	[tilespmem:$0x1450] =	vst v1  }
0x206: {  	v4 =	vadd.f32 v12, v10;
	v9 =	vmul.f32 v0, v16;
	[tilespmem:$0x1460] =	vst v1  }
0x207: {  	v0 =	vmul.f32 v0, v14;
	v2 =	vadd.f32 v11, v2;
	[tilespmem:$0x1470] =	vst v1  }
0x208: {  	v7 =	vmul.f32 v5, v13;
	v4 =	vadd.f32 v9, v4;
	[tilespmem:$0x1480] =	vst v1  }
0x209: {  	v0 =	vadd.f32 v0, v2;
	v2 =	vmul.f32 v5, v18;
	[tilespmem:$0x1490] =	vst v1  }
0x20a: {  	v3 =	vadd.f32 v7, v4;
	[tilespmem:$0x14A0] =	vst v1  }
0x20b: {  	[tilespmem:$0x14B0] =	vst v1;
	v0 =	vadd.f32 v2, v0  }
0x20c: {  	[tilespmem:$0x12F0] =	vst v3  }
0x20d: {  	s22 =	simm.s32 $0x0;
	[tilespmem:$0x1330] =	vst v0  }
0x20e: {  	v7 =	vld [tilespmem:s22+$0x0];
	_ =	sdelay $0x4  }
0x20f: {  	s23 =	simm.s32 $0x1500  }
0x210: {  	s4 =	simm.s32 $0x380;
	v0 =	vld [tilespmem:s23+$0x0]  }
0x211: {  	s3 =	simm.s32 $0x1200;
	v11 =	vld [tilespmem:s4+$0x0]  }
0x212: {  	s24 =	simm.s32 $0x10;
	v1 =	vld.idx.msk [tilespmem:v7+s3+$0x0], $0xffff  }
0x213: {  	v3 =	vld [tilespmem:s24+$0x0];
	_ =	sdelay $0x1  }
0x214: {  	v2 =	vadd.s32 $0x40, v7;
	_ =	sdelay $0x1  }
0x215: {  	s28 =	simm.s32 $0x20;
	v1 =	vmul.f32 v1, v0  }
0x216: {  	s2 =	simm.s32 $0x1380;
	v5 =	vld [tilespmem:s28+$0x0]  }
0x217: {  	[tilespmem:v11+s2+$0x0] =	vst.idx.add.f32.msk $0xffff, v1  }
0x218: {  	v4 =	vld.idx.msk [tilespmem:v2+s3+$0x0], $0xffff  }
0x219: {  	s26 =	simm.s32 $0x390;
	v8 =	vld.idx.msk [tilespmem:v3+s3+$0x0], $0xffff  }
0x21a: {  	s25 =	simm.s32 $0x1510;
	v6 =	vadd.s32 $0x40, v11;
	v2 =	vld [tilespmem:s26+$0x0]  }
0x21b: {  	v9 =	vadd.s32 $0x80, v7;
	v1 =	vld [tilespmem:s25+$0x0];
	_ =	sdelay $0x1  }
0x21c: {  	v4 =	vmul.f32 v4, v0  }
0x21d: {  	v10 =	vadd.s32 $0x40, v3  }
0x21e: {  	[tilespmem:v6+s2+$0x0] =	vst.idx.add.f32.msk $0xffff, v4  }
0x21f: {  	v4 =	vmul.f32 v8, v1;
	v9 =	vld.idx.msk [tilespmem:v9+s3+$0x0], $0xffff  }
0x220: {  	v14 =	vld.idx.msk [tilespmem:v5+s3+$0x0], $0xffff  }
0x221: {  	v8 =	vadd.s32 $0x80, v11;
	[tilespmem:v2+s2+$0x0] =	vst.idx.add.f32.msk $0xffff, v4  }
0x222: {  	s30 =	simm.s32 $0x3A0;
	v12 =	vadd.s32 $0xC0, v7;
	v10 =	vld.idx.msk [tilespmem:v10+s3+$0x0], $0xffff  }
0x223: {  	s29 =	simm.s32 $0x1520;
	v6 =	vld [tilespmem:s30+$0x0]  }
0x224: {  	v13 =	vadd.s32 $0x40, v2;
	v4 =	vld [tilespmem:s29+$0x0];
	v9 =	vmul.f32 v9, v0  }
0x225: {  	v15 =	vadd.s32 $0x80, v3  }
0x226: {  	[tilespmem:v8+s2+$0x0] =	vst.idx.add.f32.msk $0xffff, v9  }
0x227: {  	s31 =	simm.s32 $0x30;
	v9 =	vmul.f32 v10, v1;
	v10 =	vld.idx.msk [tilespmem:v12+s3+$0x0], $0xffff  }
0x228: {  	v8 =	vld [tilespmem:s31+$0x0];
	v12 =	vadd.s32 $0x40, v5  }
0x229: {  	v14 =	vmul.f32 v14, v4;
	[tilespmem:v13+s2+$0x0] =	vst.idx.add.f32.msk $0xffff, v9;
	v9 =	vadd.s32 $0xC0, v11  }
0x22a: {  	v13 =	vld.idx.msk [tilespmem:v15+s3+$0x0], $0xffff;
	v15 =	vadd.s32 $0x100, v7  }
0x22b: {  	s4 =	simm.s32 $0x1530;
	[tilespmem:v6+s2+$0x0] =	vst.idx.add.f32.msk $0xffff, v14  }
0x22c: {  	v16 =	vadd.s32 $0x80, v2;
	v7 =	vld [tilespmem:s4+$0x0];
	v10 =	vmul.f32 v10, v0  }
0x22d: {  	v12 =	vld.idx.msk [tilespmem:v12+s3+$0x0], $0xffff  }
0x22e: {  	v17 =	vadd.s32 $0xC0, v3;
	[tilespmem:v9+s2+$0x0] =	vst.idx.add.f32.msk $0xffff, v10  }
0x22f: {  	s5 =	simm.s32 $0x3B0;
	v10 =	vld.idx.msk [tilespmem:v15+s3+$0x0], $0xffff;
	v15 =	vmul.f32 v13, v1  }
0x230: {  	v14 =	vadd.s32 $0x40, v6;
	v9 =	vld [tilespmem:s5+$0x0]  }
0x231: {  	[tilespmem:v16+s2+$0x0] =	vst.idx.add.f32.msk $0xffff, v15;
	v15 =	vadd.s32 $0x80, v5  }
0x232: {  	v11 =	vadd.s32 $0x100, v11;
	v13 =	vld.idx.msk [tilespmem:v8+s3+$0x0], $0xffff  }
0x233: {  	s6 =	simm.s32 $0x30;
	s7 =	simm.s32 $0x40;
	v16 =	vmul.f32 v12, v4;
	v12 =	vld.idx.msk [tilespmem:v17+s3+$0x0], $0xffff  }
.LBB2_8:
0x234: {  	v17 =	vld [tilespmem:s7+$0x0]  }
0x235: {  	v18 =	vadd.s32 $0x40, v8;
	v10 =	vmul.f32 v10, v0;
	v0 =	vmovc v1;
	v1 =	vmov v4;
	[tilespmem:v14+s2+$0x0] =	vst.idx.add.f32.msk $0xffff, v16  }
0x236: {  	v4 =	vmov v7;
	v14 =	vadd.s32 $0xC0, v2;
	v16 =	vmov v9;
	v15 =	vld.idx.msk [tilespmem:v15+s3+$0x0], $0xffff  }
0x237: {  	s6 =	sadd.s32 $0x10, s6;
	s4 =	sadd.s32 $0x10, s4;
	v19 =	vadd.s32 $0x100, v3;
	v3 =	vmovc v5;
	v5 =	vmov v8;
	v13 =	vmul.f32 v13, v4;
	[tilespmem:v11+s2+$0x0] =	vst.idx.add.f32.msk $0xffff, v10  }
0x238: {  	p0 =	slt.u32 s6, $0x310;
	v7 =	vld [tilespmem:s4+$0x0]  }
0x239: {  	[tilespmem:v9+s2+$0x0] =	vst.idx.add.f32.msk $0xffff, v13;
	v9 =	vmul.f32 v12, v0;
	v8 =	vmov v17  }
0x23a: {  	v11 =	vadd.s32 $0x80, v6;
	v12 =	vld.idx.msk [tilespmem:v18+s3+$0x0], $0xffff  }
0x23b: {  	v17 =	vadd.s32 $0xC0, v3;
	[tilespmem:v14+s2+$0x0] =	vst.idx.add.f32.msk $0xffff, v9  }
.Ltmp3:
0x23c: {  	s5 =	sadd.s32 $0x10, s5;
	v10 =	vld.idx.msk [tilespmem:v19+s3+$0x0], $0xffff;
	(pc) =	sbr.rel @p0 .LBB2_8-.Ltmp3, $4  }
0x23d: {  	v14 =	vadd.s32 $0x40, v16;
	v18 =	vmul.f32 v15, v1;
	v9 =	vld [tilespmem:s5+$0x0]  }
0x23e: {  	v15 =	vadd.s32 $0x80, v5;
	v13 =	vld.idx.msk [tilespmem:v8+s3+$0x0], $0xffff  }
0x23f: {  	[tilespmem:v11+s2+$0x0] =	vst.idx.add.f32.msk $0xffff, v18;
	v11 =	vadd.s32 $0x100, v2;
	v2 =	vmov v6;
	v6 =	vmov v16  }
0x240: {  	s7 =	sadd.s32 $0x10, s7;
	v16 =	vmul.f32 v12, v4;
	v12 =	vld.idx.msk [tilespmem:v17+s3+$0x0], $0xffff  }
0x241: {  	_ = 	snop  }
0x242: {  	v17 =	vadd.s32 $0x40, v8;
	_ =	sdelay $0x1  }
0x243: {  	v13 =	vmul.f32 v13, v7;
	_ =	sdelay $0x1  }
0x244: {  	[tilespmem:v9+s2+$0x0] =	vst.idx.add.f32.msk $0xffff, v13  }
0x245: {  	v13 =	vld.idx.msk [tilespmem:v17+s3+$0x0], $0xffff;
	_ =	sdelay $0x1  }
0x246: {  	v33 =	vadd.s32 $0x40, v9  }
0x247: {  	v18 =	vadd.s32 $0x80, v8;
	_ =	sdelay $0x1  }
0x248: {  	[tilespmem:v14+s2+$0x0] =	vst.idx.add.f32.msk $0xffff, v16;
	v13 =	vmul.f32 v13, v7  }
0x249: {  	v14 =	vld.idx.msk [tilespmem:v15+s3+$0x0], $0xffff  }
0x24a: {  	[tilespmem:v33+s2+$0x0] =	vst.idx.add.f32.msk $0xffff, v13  }
0x24b: {  	v34 =	vadd.s32 $0x80, v6;
	v35 =	vld.idx.msk [tilespmem:v18+s3+$0x0], $0xffff  }
0x24c: {  	v36 =	vadd.s32 $0xC0, v5  }
0x24d: {  	v37 =	vadd.s32 $0x80, v9  }
0x24e: {  	v38 =	vadd.s32 $0xC0, v8;
	v14 =	vmul.f32 v14, v4;
	_ =	sdelay $0x1  }
0x24f: {  	[tilespmem:v34+s2+$0x0] =	vst.idx.add.f32.msk $0xffff, v14;
	v39 =	vmul.f32 v35, v7  }
0x250: {  	v40 =	vadd.s32 $0xC0, v2;
	v41 =	vld.idx.msk [tilespmem:v36+s3+$0x0], $0xffff  }
0x251: {  	v3 =	vadd.s32 $0x100, v3;
	[tilespmem:v37+s2+$0x0] =	vst.idx.add.f32.msk $0xffff, v39  }
0x252: {  	v42 =	vadd.s32 $0xC0, v6;
	v43 =	vld.idx.msk [tilespmem:v38+s3+$0x0], $0xffff  }
0x253: {  	v44 =	vadd.s32 $0x100, v5;
	v12 =	vmul.f32 v12, v1  }
0x254: {  	v45 =	vadd.s32 $0xC0, v9  }
0x255: {  	v47 =	vadd.s32 $0x100, v8;
	[tilespmem:v40+s2+$0x0] =	vst.idx.add.f32.msk $0xffff, v12;
	v46 =	vmul.f32 v41, v4  }
0x256: {  	v3 =	vld.idx.msk [tilespmem:v3+s3+$0x0], $0xffff  }
0x257: {  	[tilespmem:v42+s2+$0x0] =	vst.idx.add.f32.msk $0xffff, v46;
	v48 =	vmul.f32 v43, v7  }
0x258: {  	v5 =	vld.idx.msk [tilespmem:v44+s3+$0x0], $0xffff  }
0x259: {  	[tilespmem:v45+s2+$0x0] =	vst.idx.add.f32.msk $0xffff, v48  }
0x25a: {  	v49 =	vadd.s32 $0x100, v2;
	v8 =	vld.idx.msk [tilespmem:v47+s3+$0x0], $0xffff  }
0x25b: {  	v50 =	vadd.s32 $0x100, v6  }
0x25c: {  	v0 =	vmul.f32 v10, v0;
	v51 =	vadd.s32 $0x100, v9  }
0x25d: {  	v52 =	vmul.f32 v3, v1  }
0x25e: {  	[tilespmem:v11+s2+$0x0] =	vst.idx.add.f32.msk $0xffff, v0;
	v53 =	vmul.f32 v5, v4  }
0x25f: {  	[tilespmem:v49+s2+$0x0] =	vst.idx.add.f32.msk $0xffff, v52;
	v54 =	vmul.f32 v8, v7  }
0x260: {  	[tilespmem:v50+s2+$0x0] =	vst.idx.add.f32.msk $0xffff, v53  }
0x261: {  	[tilespmem:v51+s2+$0x0] =	vst.idx.add.f32.msk $0xffff, v54  }
0x262: {  	v0 =	vld [tilespmem:$0x1900]  }
0x263: {  	v1 =	vld [tilespmem:$0x1380]  }
0x264: {  	v2 =	vld [tilespmem:$0x1200]  }
0x265: {  	v55 =	vld [tilespmem:$0xC00]  }
0x266: {  	v56 =	vld [tilespmem:$0x13C0]  }
0x267: {  	v57 =	vld [tilespmem:$0x1240]  }
0x268: {  	v6 =	vld [tilespmem:$0xC10]  }
0x269: {  	v58 =	vld [tilespmem:$0x1400]  }
0x26a: {  	v59 =	vld [tilespmem:$0x1280]  }
0x26b: {  	v9 =	vld [tilespmem:$0xC20]  }
0x26c: {  	v60 =	vld [tilespmem:$0x1440]  }
0x26d: {  	v11 =	vld [tilespmem:$0x12C0]  }
0x26e: {  	v12 =	vld [tilespmem:$0xC30]  }
0x26f: {  	v13 =	vld [tilespmem:$0x1480]  }
0x270: {  	v14 =	vld [tilespmem:$0x1300]  }
0x271: {  	v61 =	vld [tilespmem:$0xC40]  }
0x272: {  	v62 =	vld [tilespmem:$0x1910]  }
0x273: {  	v17 =	vld [tilespmem:$0x1390]  }
0x274: {  	v63 =	vld [tilespmem:$0x1210]  }
0x275: {  	v19 =	vld [tilespmem:$0xC00]  }
0x276: {  	v20 =	vld [tilespmem:$0x13D0]  }
0x277: {  	v21 =	vld [tilespmem:$0x1250]  }
0x278: {  	v22 =	vld [tilespmem:$0xC10]  }
0x279: {  	v23 =	vld [tilespmem:$0x1410]  }
0x27a: {  	v24 =	vld [tilespmem:$0x1290]  }
0x27b: {  	v25 =	vld [tilespmem:$0xC20]  }
0x27c: {  	v26 =	vld [tilespmem:$0x1450]  }
0x27d: {  	v27 =	vld [tilespmem:$0x12D0]  }
0x27e: {  	v28 =	vld [tilespmem:$0xC30]  }
0x27f: {  	v29 =	vld [tilespmem:$0x1490]  }
0x280: {  	v30 =	vld [tilespmem:$0x1310]  }
0x281: {  	v31 =	vld [tilespmem:$0xC40]  }
0x282: {  	v32 =	vld [tilespmem:$0x1920]  }
0x283: {  	v33 =	vld [tilespmem:$0x13A0]  }
0x284: {  	v34 =	vld [tilespmem:$0x1220]  }
0x285: {  	v35 =	vld [tilespmem:$0xC00]  }
0x286: {  	v36 =	vld [tilespmem:$0x13E0]  }
0x287: {  	v37 =	vld [tilespmem:$0x1260]  }
0x288: {  	v38 =	vld [tilespmem:$0xC10]  }
0x289: {  	v39 =	vld [tilespmem:$0x1420]  }
0x28a: {  	v40 =	vld [tilespmem:$0xC20]  }
0x28b: {  	v46 =	vld [tilespmem:$0x1460]  }
0x28c: {  	v48 =	vld [tilespmem:$0x12E0]  }
0x28d: {  	v50 =	vld [tilespmem:$0xC30]  }
0x28e: {  	v52 =	vld [tilespmem:$0x14A0];
	v0 =	vmul.f32 v0, v0  }
0x28f: {  	v54 =	vld [tilespmem:$0x1320];
	v47 =	vmul.f32 v62, v62  }
0x290: {  	v41 =	vld [tilespmem:$0x12B0];
	v2 =	vmul.f32 v2, v0;
	v5 =	vmul.f32 v57, v0  }
0x291: {  	v62 =	vld [tilespmem:$0x1230];
	v44 =	vmul.f32 v59, v0;
	v45 =	vmul.f32 v11, v0  }
0x292: {  	v0 =	vmul.f32 v14, v0;
	v51 =	vmul.f32 v63, v47;
	v63 =	vld [tilespmem:$0xC00]  }
0x293: {  	v59 =	vmul.f32 v27, v47;
	v1 =	vadd.f32 v2, v1;
	v2 =	vld [tilespmem:$0x12A0];
	v4 =	vadd.f32 v5, v56  }
0x294: {  	v57 =	vmul.f32 v32, v32;
	v3 =	vadd.f32 v44, v58;
	v49 =	vadd.f32 v45, v60;
	v58 =	vld [tilespmem:$0x1930]  }
0x295: {  	v53 =	vmul.f32 v21, v47;
	v0 =	vadd.f32 v0, v13;
	v60 =	vld [tilespmem:$0x13B0];
	v18 =	vadd.f32 v59, v26  }
0x296: {  	v32 =	vmul.f32 v37, v57;
	v37 =	vld [tilespmem:$0xC10];
	v1 =	vadd.f32 v1, v55;
	v4 =	vadd.f32 v4, v6  }
0x297: {  	v56 =	vmul.f32 v24, v47;
	v44 =	vld [tilespmem:$0xC20];
	v3 =	vadd.f32 v3, v9;
	v7 =	vadd.f32 v49, v12  }
0x298: {  	v5 =	vmul.f32 v30, v47;
	v47 =	vld [tilespmem:$0x1470];
	v0 =	vadd.f32 v0, v61;
	v6 =	vadd.f32 v51, v17  }
0x299: {  	v14 =	vmul.f32 v48, v57;
	v55 =	vld [tilespmem:$0xC40];
	v9 =	vadd.f32 v53, v20;
	v15 =	vadd.f32 v56, v23  }
0x29a: {  	v61 =	vmul.f32 v34, v57;
	v5 =	vadd.f32 v5, v29;
	v18 =	vadd.f32 v18, v28;
	v34 =	vld [tilespmem:$0x1270]  }
0x29b: {  	v23 =	vadd.f32 v32, v36;
	v45 =	vadd.f32 v14, v46;
	v51 =	vld [tilespmem:$0x12F0]  }
0x29c: {  	v12 =	vmul.f32 v54, v57;
	v54 =	vld [tilespmem:$0x1330];
	v6 =	vadd.f32 v6, v19;
	v9 =	vadd.f32 v9, v22  }
0x29d: {  	v32 =	vld [tilespmem:$0x14B0];
	v15 =	vadd.f32 v15, v25;
	v20 =	vadd.f32 v61, v33  }
0x29e: {  	v33 =	vld [tilespmem:$0x13F0];
	v5 =	vadd.f32 v5, v31;
	v1 =	vmax.f32 v1, $0.0e+00;
	v4 =	vmax.f32 v4, $0.0e+00  }
0x29f: {  	v3 =	vmax.f32 v3, $0.0e+00;
	v23 =	vadd.f32 v23, v38;
	v10 =	vadd.f32 v12, v52;
	v52 =	vld [tilespmem:$0xC30]  }
0x2a0: {  	v7 =	vmax.f32 v7, $0.0e+00;
	v42 =	vmax.f32 v0, $0.0e+00;
	v49 =	vmax.f32 v18, $0.0e+00;
	v0 =	vld [tilespmem:$0xB60];
	[tilespmem:$0x1080] =	vst v1  }
0x2a1: {  	v2 =	vmul.f32 v2, v57;
	v46 =	vmul.f32 v58, v58;
	v1 =	vadd.f32 v45, v50;
	[tilespmem:$0x10C0] =	vst v4;
	v48 =	vld [tilespmem:$0x1080]  }
0x2a2: {  	[tilespmem:$0x1100] =	vst v3;
	v20 =	vadd.f32 v20, v35;
	v6 =	vmax.f32 v6, $0.0e+00;
	v9 =	vmax.f32 v9, $0.0e+00;
	v57 =	vld [tilespmem:$0x10C0]  }
0x2a3: {  	[tilespmem:$0x1180] =	vst v42;
	v15 =	vmax.f32 v15, $0.0e+00;
	v5 =	vmax.f32 v5, $0.0e+00;
	v21 =	vmax.f32 v23, $0.0e+00;
	v61 =	vld [tilespmem:$0x1100]  }
0x2a4: {  	v42 =	vld [tilespmem:$0x1180];
	v2 =	vadd.f32 v2, v39;
	v50 =	vmul.f32 v62, v46;
	v19 =	vmax.f32 v1, $0.0e+00  }
0x2a5: {  	v39 =	vld [tilespmem:$0x1430];
	v55 =	vadd.f32 v10, v55;
	v56 =	vmul.f32 v34, v46;
	v59 =	vmul.f32 v41, v46  }
0x2a6: {  	[tilespmem:$0x1150] =	vst v49;
	v18 =	vmul.f32 v51, v46;
	v1 =	vld [tilespmem:$0xC50];
	v20 =	vmax.f32 v20, $0.0e+00;
	v43 =	vadd.f32 v2, v40  }
0x2a7: {  	[tilespmem:$0x1140] =	vst v7;
	v51 =	vld [tilespmem:$0x1150];
	v53 =	vadd.f32 v50, v60;
	v4 =	vadd.f32 v56, v33;
	v7 =	vmax.f32 v55, $0.0e+00  }
0x2a8: {  	v14 =	vadd.f32 v18, v47;
	v33 =	vmul.f32 v54, v46;
	v2 =	vld [tilespmem:$0xB80];
	v23 =	vmax.f32 v43, $0.0e+00  }
0x2a9: {  	v58 =	vadd.f32 v53, v63;
	v60 =	vshrl.u32 v48, $0x10;
	v62 =	vadd.f32 v4, v37;
	v63 =	vld [tilespmem:$0x1140]  }
0x2aa: {  	[tilespmem:$0x1090] =	vst v6;
	v4 =	vld [tilespmem:$0xB70];
	v31 =	vshrl.u32 v57, $0x10;
	v12 =	vadd.f32 v14, v52;
	v34 =	vshrl.u32 v61, $0x10  }
0x2ab: {  	v37 =	vld [tilespmem:$0x1090];
	v6 =	vadd.f32 v33, v32;
	v50 =	vshrl.u32 v42, $0x10;
	v22 =	vand.u32 $0x1, v60  }
0x2ac: {  	[tilespmem:$0x1190] =	vst v5;
	v3 =	vadd.f32 v59, v39;
	v8 =	vand.u32 $0x1, v34;
	v39 =	vld [tilespmem:$0xC40];
	v54 =	vshrl.u32 v51, $0x10  }
0x2ad: {  	[tilespmem:$0x1110] =	vst v15;
	v59 =	vld [tilespmem:$0x1190];
	v16 =	vadd.s32 v22, v48;
	v8 =	vadd.s32 v8, v61;
	v40 =	vmax.f32 v58, $0.0e+00  }
0x2ae: {  	[tilespmem:$0x10A0] =	vst v20;
	v48 =	vld [tilespmem:$0x1110];
	v49 =	vmax.f32 v62, $0.0e+00;
	v12 =	vmax.f32 v12, $0.0e+00;
	v16 =	vadd.s32 $0x7FFF, v16  }
0x2af: {  	[tilespmem:$0x10E0] =	vst v21;
	v58 =	vld [tilespmem:$0x10A0];
	v28 =	vadd.f32 v3, v44;
	v3 =	vand.u32 $0x1, v31;
	v8 =	vadd.s32 $0x7FFF, v8  }
0x2b0: {  	[tilespmem:$0x1120] =	vst v23;
	v62 =	vld [tilespmem:$0x10E0];
	v30 =	vand.u32 $0xFFFF0000, v16;
	v3 =	vadd.s32 v3, v57;
	v8 =	vand.u32 $0xFFFF0000, v8  }
0x2b1: {  	[tilespmem:$0x10D0] =	vst v9;
	v23 =	vld [tilespmem:$0x1120];
	v57 =	vand.u32 $0x1, v54;
	v16 =	vmul.f32 v30, v0;
	v36 =	vadd.s32 $0x7FFF, v3  }
0x2b2: {  	v44 =	vld [tilespmem:$0x10D0];
	v38 =	vshrl.u32 v63, $0x10;
	v8 =	vmul.f32 v8, v2;
	v45 =	vshrl.u32 v37, $0x10  }
0x2b3: {  	[tilespmem:$0x10B0] =	vst v40;
	v11 =	vand.u32 $0xFFFF0000, v36;
	v24 =	vand.u32 $0x1, v38;
	v47 =	vand.u32 $0x1, v45  }
0x2b4: {  	v32 =	vld [tilespmem:$0x10B0];
	v6 =	vadd.f32 v6, v39;
	v25 =	vshrl.u32 v59, $0x10;
	v35 =	vadd.f32 v16, v1  }
0x2b5: {  	[tilespmem:$0x10F0] =	vst v49;
	v3 =	vld [tilespmem:$0xB90];
	v11 =	vmul.f32 v11, v4;
	v41 =	vadd.s32 v24, v63;
	v53 =	vshrl.u32 v48, $0x10  }
0x2b6: {  	v33 =	vld [tilespmem:$0x10F0];
	v63 =	vmax.f32 v28, $0.0e+00;
	v24 =	vshrl.u32 v58, $0x10;
	v26 =	vshrl.u32 v62, $0x10  }
0x2b7: {  	v31 =	vshrl.u32 v23, $0x10;
	v43 =	vadd.s32 $0x7FFF, v41;
	v52 =	vshrl.u32 v44, $0x10  }
0x2b8: {  	[tilespmem:$0x1170] =	vst v12;
	v6 =	vmax.f32 v6, $0.0e+00;
	v27 =	vand.u32 $0x1, v26;
	v10 =	vadd.f32 v11, v35  }
0x2b9: {  	v45 =	vld [tilespmem:$0x1170];
	v11 =	vand.u32 $0xFFFF0000, v43;
	v17 =	vand.u32 $0x1, v52;
	v30 =	vadd.s32 v27, v62  }
0x2ba: {  	[tilespmem:$0x1160] =	vst v19;
	v40 =	vshrl.u32 v32, $0x10;
	v46 =	vmul.f32 v11, v3;
	v11 =	vadd.s32 v47, v37  }
0x2bb: {  	v28 =	vld [tilespmem:$0x1160];
	v13 =	vadd.s32 v17, v44;
	v17 =	vand.u32 $0x1, v53;
	v44 =	vshrl.u32 v33, $0x10  }
0x2bc: {  	v8 =	vadd.f32 v8, v10;
	v11 =	vadd.s32 $0x7FFF, v11;
	v10 =	vand.u32 $0x1, v50  }
0x2bd: {  	v13 =	vadd.s32 $0x7FFF, v13;
	v14 =	vadd.s32 v17, v48;
	v12 =	vand.u32 $0x1, v44  }
0x2be: {  	[tilespmem:$0x11A0] =	vst v7;
	v52 =	vshrl.u32 v45, $0x10;
	v11 =	vand.u32 $0xFFFF0000, v11;
	v10 =	vadd.s32 v10, v42  }
0x2bf: {  	v39 =	vld [tilespmem:$0x11A0];
	v13 =	vand.u32 $0xFFFF0000, v13;
	v56 =	vadd.s32 $0x7FFF, v14;
	v14 =	vadd.s32 v57, v51  }
0x2c0: {  	v18 =	vld [tilespmem:$0xBA0];
	[tilespmem:$0x1130] =	vst v63;
	v36 =	vshrl.u32 v28, $0x10;
	v42 =	vand.u32 $0x1, v40;
	v12 =	vadd.s32 v12, v33  }
0x2c1: {  	v43 =	vld [tilespmem:$0x1130];
	v54 =	vand.u32 $0x1, v52;
	v8 =	vadd.f32 v46, v8;
	v11 =	vmul.f32 v11, v0  }
0x2c2: {  	v10 =	vadd.s32 $0x7FFF, v10;
	v55 =	vmul.f32 v13, v4;
	v13 =	vand.u32 $0xFFFF0000, v56  }
0x2c3: {  	v61 =	vadd.s32 $0x7FFF, v14;
	v14 =	vand.u32 $0x1, v31;
	v38 =	vand.u32 $0x1, v36  }
0x2c4: {  	[tilespmem:$0x11B0] =	vst v6;
	v46 =	vshrl.u32 v39, $0x10;
	v47 =	vadd.s32 $0x7FFF, v12;
	v10 =	vand.u32 $0xFFFF0000, v10  }
0x2c5: {  	v48 =	vld [tilespmem:$0x11B0];
	v60 =	vmul.f32 v13, v2;
	v13 =	vand.u32 $0xFFFF0000, v61;
	v6 =	vand.u32 $0x1, v46  }
0x2c6: {  	v49 =	vshrl.u32 v43, $0x10;
	v11 =	vadd.f32 v11, v1;
	v10 =	vmul.f32 v10, v18  }
0x2c7: {  	v22 =	vmul.f32 v13, v3;
	v13 =	vadd.s32 v14, v23;
	v6 =	vadd.s32 v6, v39  }
0x2c8: {  	v51 =	vand.u32 $0x1, v49;
	v13 =	vadd.s32 $0x7FFF, v13;
	v6 =	vadd.s32 $0x7FFF, v6  }
0x2c9: {  	v5 =	vadd.f32 v55, v11;
	v8 =	vadd.f32 v10, v8;
	v10 =	vand.u32 $0x1, v24  }
0x2ca: {  	v11 =	vand.u32 $0x1, v25;
	v35 =	vand.u32 $0xFFFF0000, v13;
	v55 =	vshrl.u32 v48, $0x10  }
0x2cb: {  	v6 =	vand.u32 $0xFFFF0000, v6;
	v10 =	vadd.s32 v10, v58;
	v11 =	vadd.s32 v11, v59  }
0x2cc: {  	v37 =	vmul.f32 v35, v2;
	v57 =	vand.u32 $0x1, v55;
	v10 =	vadd.s32 $0x7FFF, v10  }
0x2cd: {  	v5 =	vadd.f32 v60, v5;
	v11 =	vadd.s32 $0x7FFF, v11;
	v29 =	vand.u32 $0xFFFF0000, v10  }
0x2ce: {  	v10 =	vadd.s32 $0x7FFF, v30;
	v34 =	vand.u32 $0xFFFF0000, v11;
	v11 =	vadd.s32 v38, v28  }
0x2cf: {  	v9 =	vmul.f32 v29, v0;
	v41 =	vadd.s32 $0x7FFF, v11;
	v11 =	vadd.s32 v42, v32  }
0x2d0: {  	v5 =	vadd.f32 v22, v5;
	v10 =	vand.u32 $0xFFFF0000, v10;
	v11 =	vadd.s32 $0x7FFF, v11  }
0x2d1: {  	v10 =	vmul.f32 v10, v4;
	v9 =	vadd.f32 v9, v1;
	v11 =	vand.u32 $0xFFFF0000, v11  }
0x2d2: {  	v7 =	vmul.f32 v34, v18;
	v0 =	vmul.f32 v11, v0;
	v11 =	vand.u32 $0xFFFF0000, v47  }
0x2d3: {  	v9 =	vadd.f32 v10, v9;
	v50 =	vmul.f32 v11, v4;
	v4 =	vadd.s32 v51, v43  }
0x2d4: {  	v10 =	vand.u32 $0xFFFF0000, v41;
	v0 =	vadd.f32 v0, v1;
	v53 =	vadd.s32 $0x7FFF, v4  }
0x2d5: {  	v10 =	vmul.f32 v10, v3;
	v4 =	vadd.s32 v54, v45;
	v1 =	vand.u32 $0xFFFF0000, v53  }
0x2d6: {  	v56 =	vadd.s32 $0x7FFF, v4;
	v0 =	vadd.f32 v50, v0;
	v1 =	vmul.f32 v1, v2  }
0x2d7: {  	v9 =	vadd.f32 v37, v9;
	v4 =	vadd.s32 v57, v48;
	v2 =	vand.u32 $0xFFFF0000, v56  }
0x2d8: {  	v59 =	vadd.s32 $0x7FFF, v4;
	v58 =	vmul.f32 v2, v3;
	v0 =	vadd.f32 v1, v0  }
0x2d9: {  	v61 =	vmul.f32 v6, v18;
	v60 =	vadd.f32 v10, v9;
	v2 =	vand.u32 $0xFFFF0000, v59  }
0x2da: {  	v5 =	vadd.f32 v7, v5;
	v62 =	vmul.f32 v2, v18;
	v0 =	vadd.f32 v58, v0  }
0x2db: {  	[tilespmem:$0x1980] =	vst v8;
	v63 =	vadd.f32 v61, v60  }
0x2dc: {  	[tilespmem:$0x1990] =	vst v5;
	v0 =	vadd.f32 v62, v0  }
0x2dd: {  	[tilespmem:$0x19A0] =	vst v63  }
0x2de: {  	s29 =	simm.s32 $0x0;
	s30 =	simm.s32 $0x1980;
	s31 =	simm.s32 $0x2;
	[tilespmem:$0x19B0] =	vst v0  }
0x2df: {  	[hbm4b:s1+s29] =	stream.linear.scatter [tilespmem:s30], [sflag:$0x2], $0x32, $0x38;
	[tilespmem:$0x1A00] =	vst v63  }
0x2e0: {  	_ =	swait.ge [sflag:s31], $0x32  }
0x2e1: {  	[sflag:s31] =	ssyncset.done $0x0  }
0x2e2: {  	[sflag:s31] =	ssyncadd.s32 $0xFFFFFFCE  }
0x2e3: {  	_ =	sfence.sel $0x180000  }
0x2e4: {  	[bflag:$0x0] =	sbarrier.arrive $0xFFFF  }
0x2e5: {  	_ =	strace $0x90000047  }
0x2e6: {  	s0 =	sadd.s32 $0x100000, s0;
	[bflag:$0x2] =	sbarrier.arrive $0xFFFF  }
0x2e7: {  	[sflag:s0] =	ssyncadd.tile.s32 $0x1;
	_ =	shalt  }
.Lfunc_end2:
_tile_overlayer_lowered:
.L_overlay_start_2:
0x2e8: {  	(tag) =	ssettag $0x2  }
0x2e9: {  	s0 =	rddreg [dreg:$0x0];
	s2 =	stileid.u32  }
0x2ea: {  	s1 =	rddreg [dreg:$0x1];
	p0 =	sne.s32 s2, $0x0  }
0x2eb: {  	s3 =	rddreg [dreg:$0x2];
	[bflag:$0x3] =	sbarrier.arrive $0xFFFF;
	s2 =	simm.s32 @!p0 $0x1C02  }
0x2ec: {  	[timem:s3], [sflag:s2] =	dma.local @!p0 [hbm:s0], s1  }
0x2ed: {  	s0 =	simm.s32 @!p0 $0x2  }
0x2ee: {  	_ =	swait.ge @!p0 [sflag:s0], s1  }
0x2ef: {  	s1 =	ssub.s32 @!p0 $0x0, s1;
	[sflag:s0] =	ssyncset.done @!p0 $0x0  }
0x2f0: {  	[sflag:s0] =	ssyncadd.s32 @!p0 s1  }
0x2f1: {  	[bflag:$0x3] =	sbarrier.arrive $0xFFFF  }
0x2f2: {  	_ =	shalt  }

</sc_bundles>
